<compile_context>
chip_gen: v7x
topology: tpu7x:2x2x1
jax: 0.10.2.dev20260603
libtpu: 0.0.44.dev20260713+nightly
codegen_flags: <defaults>
</compile_context>

<pallas_src>
import functools

import jax
import jax.numpy as jnp
from jax import lax
from jax.experimental import pallas as pl
from jax.experimental.pallas import tpu as pltpu
from jax.experimental.pallas import tpu_sc as plsc

_B = 32
_H = 512
_W = 512
_SC_B = 10
_TC_B = _B - _SC_B
_NW = 32
_RPW = _SC_B * _H // _NW
_CH = 32
_NCHUNK = _RPW // _CH
_LANES = 16
_THRES = 3.0
_ERR_BIT = 0x10001

_mesh = plsc.VectorSubcoreMesh(core_axis_name="c", subcore_axis_name="s")


@functools.partial(
    pl.kernel,
    mesh=_mesh,
    out_type=jax.ShapeDtypeStruct((_NW, _LANES), jnp.int32),
    scratch_types=[
        pltpu.VMEM((_CH, _W), jnp.float32),
        pltpu.VMEM((_CH, _W), jnp.float32),
        pltpu.VMEM((_CH, _W), jnp.float32),
        pltpu.VMEM((_CH, _W), jnp.float32),
        pltpu.VMEM((_LANES,), jnp.int32),
        pltpu.SemaphoreType.DMA,
        pltpu.SemaphoreType.DMA,
        pltpu.SemaphoreType.DMA,
        pltpu.SemaphoreType.DMA,
    ],
)
def _sc_partial(o_hbm, t_hbm, out_hbm, ob0, ob1, tb0, tb1, res_buf,
                so0, so1, st0, st1):
    wid = lax.axis_index("s") * 2 + lax.axis_index("c")
    g0 = wid * _RPW
    obufs, tbufs = (ob0, ob1), (tb0, tb1)
    osems, tsems = (so0, so1), (st0, st1)

    def dmas(slot, chunk):
        g = g0 + chunk * _CH
        b = g // _H
        r0 = g % _H
        return (
            pltpu.make_async_copy(o_hbm.at[b, pl.ds(r0, _CH), :],
                                  obufs[slot], osems[slot]),
            pltpu.make_async_copy(t_hbm.at[b, pl.ds(r0, _CH), :],
                                  tbufs[slot], tsems[slot]),
        )

    for d in dmas(0, 0):
        d.start()

    acc = jnp.zeros((_LANES,), jnp.int32)
    for i in range(_NCHUNK):
        s = i & 1
        if i + 1 < _NCHUNK:
            for d in dmas(1 - s, i + 1):
                d.start()
        for d in dmas(s, i):
            d.wait()
        o_buf, t_buf = obufs[s], tbufs[s]

        def row_body(r, acc, o_buf=o_buf, t_buf=t_buf):
            def col_body(c, a):
                incs = []
                for g in range(8):
                    sl = pl.ds(pl.multiple_of(c + g * _LANES, _LANES),
                               _LANES)
                    o = o_buf[r, sl]
                    t = t_buf[r, sl]
                    m = jnp.minimum(t, o) > 0.0
                    big = jnp.abs(t - o) > _THRES
                    incs.append(jnp.where(m, jnp.where(big, _ERR_BIT, 1), 0))
                while len(incs) > 1:
                    incs = [x + y for x, y in zip(incs[::2], incs[1::2])]
                return a + incs[0]

            return plsc.parallel_loop(0, _W, step=8 * _LANES, unroll=2,
                                      carry=acc)(col_body)

        acc = lax.fori_loop(0, _CH, row_body, acc)

    res_buf[...] = acc
    pltpu.sync_copy(res_buf, out_hbm.at[wid])


_TC_BLK = 2
_TC_STEPS = _TC_B // _TC_BLK


def _tc_partial_body(o_ref, t_ref, out_ref, acc_ref):
    i = pl.program_id(0)

    @pl.when(i == 0)
    def _():
        acc_ref[...] = jnp.zeros_like(acc_ref)

    o3 = o_ref[...].reshape(_TC_BLK * _H // 8, 8, _W)
    t3 = t_ref[...].reshape(_TC_BLK * _H // 8, 8, _W)
    a0 = acc_ref[...]
    a1 = jnp.zeros_like(a0)
    for r in range(_TC_BLK * _H // 8):
        o = o3[r]
        t = t3[r]
        m = jnp.minimum(t, o) > 0.0
        big = jnp.abs(t - o) > _THRES
        inc = jnp.where(m, jnp.where(big, _ERR_BIT, 1), 0)
        if r & 1:
            a1 = a1 + inc
        else:
            a0 = a0 + inc
    acc_ref[...] = a0 + a1

    @pl.when(i == pl.num_programs(0) - 1)
    def _():
        p = acc_ref[...]
        out_ref[0, 0] = jnp.sum((p & 0xFFFF).astype(jnp.float32))
        out_ref[0, 1] = jnp.sum((p >> 16).astype(jnp.float32))


_tc_partial = pl.pallas_call(
    _tc_partial_body,
    grid=(_TC_STEPS,),
    in_specs=[
        pl.BlockSpec((_TC_BLK, _H, _W), lambda i: (_SC_B // _TC_BLK + i, 0, 0)),
        pl.BlockSpec((_TC_BLK, _H, _W), lambda i: (_SC_B // _TC_BLK + i, 0, 0)),
    ],
    out_specs=pl.BlockSpec((1, 2), lambda i: (0, 0),
                           memory_space=pltpu.SMEM),
    out_shape=jax.ShapeDtypeStruct((1, 2), jnp.float32),
    scratch_shapes=[
        pltpu.VMEM((8, _W), jnp.int32),
    ],
)


def _finalize_body(p_ref, tc_ref, o_ref):
    p = p_ref[...]
    valid = jnp.sum((p & 0xFFFF).astype(jnp.float32)) + tc_ref[0, 0]
    err = jnp.sum((p >> 16).astype(jnp.float32)) + tc_ref[0, 1]
    o_ref[0, 0] = err / valid


_finalize = pl.pallas_call(
    _finalize_body,
    in_specs=[
        pl.BlockSpec(memory_space=pltpu.VMEM),
        pl.BlockSpec(memory_space=pltpu.SMEM),
    ],
    out_shape=jax.ShapeDtypeStruct((1, 1), jnp.float32),
    out_specs=pl.BlockSpec(memory_space=pltpu.SMEM),
)


def kernel(outputs, target):
    sc_parts = _sc_partial(outputs, target)
    tc_parts = _tc_partial(outputs, target)
    return _finalize(sc_parts, tc_parts)[0, 0]

# --- scband reference (transcript-rebuilt; emitter-appended) ---
"""Pipeline reference for scband-thres-metric-69415261438404 (READ-ONLY COPY).

The authoritative reference and input builder live on the scoring server;
editing this copy changes nothing except your own understanding.
"""

import jax, jax.numpy as jnp
import numpy as np

def setup_inputs(seed: int = 0) -> dict:
    key = jax.random.key(seed)
    k1, k2 = jax.random.split(key)
    outputs = jax.random.normal(k1, (32, 512, 512), dtype=jnp.float32)
    target = jax.random.normal(k2, (32, 512, 512), dtype=jnp.float32)
    return {"outputs": outputs, "target": target}

def reference(outputs, target):
    # mask of valid pixels: both target and outputs positive
    mask_tar = target > 0
    mask_out = outputs > 0
    mask = mask_tar & mask_out
    thres = 3.0
    # torch: outputs, target = outputs[mask], target[mask]; E = |target - outputs|;
    # mean((E > thres).float()) over the masked (data-dependent) subset.
    # Equivalent fixed-shape formulation: sum of err flags within mask / count of mask.
    E = jnp.abs(target - outputs)
    err_mask = (E > thres) & mask
    num_valid = jnp.sum(mask.astype(jnp.float32))
    return jnp.sum(err_mask.astype(jnp.float32)) / num_valid

if __name__ == "__main__":
    import jax
    _d = setup_inputs()
    print(jax.jit(kernel)(*tuple(_d.values())))

</pallas_src>

<mosaic_0001>
#map = affine_map<(d0, d1) -> (0, 0, 0)>
#map1 = affine_map<(d0, d1) -> (0, 0)>
module attributes {stable_mosaic.version = 14 : i64} {
  func.func @_sc_partial(%arg0: i32, %arg1: i32, %arg2: memref<32x512x512xf32, #tpu.memory_space<hbm>>, %arg3: memref<32x512x512xf32, #tpu.memory_space<hbm>>, %arg4: memref<32x16xi32, #tpu.memory_space<hbm>>, %arg5: memref<32x512xf32, #tpu.memory_space<vmem>>, %arg6: memref<32x512xf32, #tpu.memory_space<vmem>>, %arg7: memref<32x512xf32, #tpu.memory_space<vmem>>, %arg8: memref<32x512xf32, #tpu.memory_space<vmem>>, %arg9: memref<16xi32, #tpu.memory_space<vmem>>, %arg10: memref<!tpu.dma_semaphore, #tpu.memory_space<semaphore_mem>>, %arg11: memref<!tpu.dma_semaphore, #tpu.memory_space<semaphore_mem>>, %arg12: memref<!tpu.dma_semaphore, #tpu.memory_space<semaphore_mem>>, %arg13: memref<!tpu.dma_semaphore, #tpu.memory_space<semaphore_mem>>) attributes {dimension_semantics = [#tpu.dimension_semantics<core_parallel>, #tpu.dimension_semantics<subcore_parallel>], iteration_bounds = array<i64: 2, 16>, scalar_prefetch = 0 : i64, scratch_operands = 9 : i64, tpu.core_type = #tpu.core_type<sc_vector_subcore>, window_params = [{transform_indices = #map}, {transform_indices = #map}, {transform_indices = #map1}]} {
    %mul3A = arith.constant 2 : i32
    %mul3A_0 = arith.muli %arg1, %mul3A : i32
    %add3A = arith.addi %mul3A_0, %arg0 : i32
    %mul3A_1 = arith.constant 160 : i32
    %mul3A_2 = arith.muli %add3A, %mul3A_1 : i32
    %add3A_3 = arith.constant 0 : i32
    %add3A_4 = arith.addi %mul3A_2, %add3A_3 : i32
    %jit3A = arith.constant 512 : i32
    %div3A = arith.divsi %add3A_4, %jit3A : i32
    %sign3A = arith.constant 0 : i32
    %sign3A_5 = arith.cmpi sgt, %add3A_4, %sign3A : i32
    %sign3A_6 = arith.extui %sign3A_5 : i1 to i32
    %sign3A_7 = arith.constant 0 : i32
    %sign3A_8 = arith.cmpi slt, %add3A_4, %sign3A_7 : i32
    %sign3A_9 = arith.extui %sign3A_8 : i1 to i32
    %sign3A_10 = arith.subi %sign3A_6, %sign3A_9 : i32
    %sign3A_11 = arith.constant 0 : i32
    %sign3A_12 = arith.cmpi sgt, %jit3A, %sign3A_11 : i32
    %sign3A_13 = arith.extui %sign3A_12 : i1 to i32
    %sign3A_14 = arith.constant 0 : i32
    %sign3A_15 = arith.cmpi slt, %jit3A, %sign3A_14 : i32
    %sign3A_16 = arith.extui %sign3A_15 : i1 to i32
    %sign3A_17 = arith.subi %sign3A_13, %sign3A_16 : i32
    %ne3A = arith.cmpi ne, %sign3A_10, %sign3A_17 : i32
    %rem3A = arith.remsi %add3A_4, %jit3A : i32
    %ne3A_18 = arith.constant 0 : i32
    %ne3A_19 = arith.cmpi ne, %rem3A, %ne3A_18 : i32
    %and3A = arith.andi %ne3A, %ne3A_19 : i1
    %sub3A = arith.constant 1 : i32
    %sub3A_20 = arith.subi %div3A, %sub3A : i32
    %select_n3A = arith.select %and3A, %sub3A_20, %div3A : i32
    %jit3A_21 = arith.constant 512 : i32
    %eq3A = arith.constant 0 : i32
    %eq3A_22 = arith.cmpi eq, %jit3A_21, %eq3A : i32
    %jit3A_23 = arith.constant 1 : i32
    %select_n3A_24 = arith.select %eq3A_22, %jit3A_23, %jit3A_21 : i32
    %rem3A_25 = arith.remsi %add3A_4, %select_n3A_24 : i32
    %ne3A_26 = arith.constant 0 : i32
    %ne3A_27 = arith.cmpi ne, %rem3A_25, %ne3A_26 : i32
    %lt3A = arith.constant 0 : i32
    %lt3A_28 = arith.cmpi slt, %rem3A_25, %lt3A : i32
    %lt3A_29 = arith.constant 0 : i32
    %lt3A_30 = arith.cmpi slt, %select_n3A_24, %lt3A_29 : i32
    %ne3A_31 = arith.xori %lt3A_28, %lt3A_30 : i1
    %and3A_32 = arith.andi %ne3A_31, %ne3A_27 : i1
    %add3A_33 = arith.addi %rem3A_25, %select_n3A_24 : i32
    %select_n3A_34 = arith.select %and3A_32, %add3A_33, %rem3A_25 : i32
    %dma_start3A = arith.constant 0 : i32
    %dma_start3A_35 = tpu.memref_slice %arg2[%select_n3A, %select_n3A_34, %dma_start3A] : memref<32x512x512xf32, #tpu.memory_space<hbm>> -> memref<1x32x512xf32, #tpu.memory_space<hbm>>
    %dma_start3A_36 = tpu.memref_squeeze %dma_start3A_35 : memref<1x32x512xf32, #tpu.memory_space<hbm>> -> memref<32x512xf32, #tpu.memory_space<hbm>>
    %dma_start3A_37 = arith.constant 0 : i32
    %dma_start3A_38 = tpu.memref_slice %arg2[%select_n3A, %select_n3A_34, %dma_start3A_37] : memref<32x512x512xf32, #tpu.memory_space<hbm>> -> memref<1x32x512xf32, #tpu.memory_space<hbm>>
    %dma_start3A_39 = tpu.memref_squeeze %dma_start3A_38 : memref<1x32x512xf32, #tpu.memory_space<hbm>> -> memref<32x512xf32, #tpu.memory_space<hbm>>
    tpu.enqueue_dma source(%dma_start3A_39 : memref<32x512xf32, #tpu.memory_space<hbm>>) target(%arg5 : memref<32x512xf32, #tpu.memory_space<vmem>>) target_semaphore(%arg10 : memref<!tpu.dma_semaphore, #tpu.memory_space<semaphore_mem>>)
    %dma_start3A_40 = arith.constant 0 : i32
    %dma_start3A_41 = tpu.memref_slice %arg3[%select_n3A, %select_n3A_34, %dma_start3A_40] : memref<32x512x512xf32, #tpu.memory_space<hbm>> -> memref<1x32x512xf32, #tpu.memory_space<hbm>>
    %dma_start3A_42 = tpu.memref_squeeze %dma_start3A_41 : memref<1x32x512xf32, #tpu.memory_space<hbm>> -> memref<32x512xf32, #tpu.memory_space<hbm>>
    %dma_start3A_43 = arith.constant 0 : i32
    %dma_start3A_44 = tpu.memref_slice %arg3[%select_n3A, %select_n3A_34, %dma_start3A_43] : memref<32x512x512xf32, #tpu.memory_space<hbm>> -> memref<1x32x512xf32, #tpu.memory_space<hbm>>
    %dma_start3A_45 = tpu.memref_squeeze %dma_start3A_44 : memref<1x32x512xf32, #tpu.memory_space<hbm>> -> memref<32x512xf32, #tpu.memory_space<hbm>>
    tpu.enqueue_dma source(%dma_start3A_45 : memref<32x512xf32, #tpu.memory_space<hbm>>) target(%arg7 : memref<32x512xf32, #tpu.memory_space<vmem>>) target_semaphore(%arg12 : memref<!tpu.dma_semaphore, #tpu.memory_space<semaphore_mem>>)
    %broadcast_in_dim3A = arith.constant 0 : i32
    %broadcast_in_dim3A_46 = vector.broadcast %broadcast_in_dim3A : i32 to vector<16xi32>
    %add3A_47 = arith.constant 32 : i32
    %add3A_48 = arith.addi %mul3A_2, %add3A_47 : i32
    %jit3A_49 = arith.constant 512 : i32
    %div3A_50 = arith.divsi %add3A_48, %jit3A_49 : i32
    %sign3A_51 = arith.constant 0 : i32
    %sign3A_52 = arith.cmpi sgt, %add3A_48, %sign3A_51 : i32
    %sign3A_53 = arith.extui %sign3A_52 : i1 to i32
    %sign3A_54 = arith.constant 0 : i32
    %sign3A_55 = arith.cmpi slt, %add3A_48, %sign3A_54 : i32
    %sign3A_56 = arith.extui %sign3A_55 : i1 to i32
    %sign3A_57 = arith.subi %sign3A_53, %sign3A_56 : i32
    %sign3A_58 = arith.constant 0 : i32
    %sign3A_59 = arith.cmpi sgt, %jit3A_49, %sign3A_58 : i32
    %sign3A_60 = arith.extui %sign3A_59 : i1 to i32
    %sign3A_61 = arith.constant 0 : i32
    %sign3A_62 = arith.cmpi slt, %jit3A_49, %sign3A_61 : i32
    %sign3A_63 = arith.extui %sign3A_62 : i1 to i32
    %sign3A_64 = arith.subi %sign3A_60, %sign3A_63 : i32
    %ne3A_65 = arith.cmpi ne, %sign3A_57, %sign3A_64 : i32
    %rem3A_66 = arith.remsi %add3A_48, %jit3A_49 : i32
    %ne3A_67 = arith.constant 0 : i32
    %ne3A_68 = arith.cmpi ne, %rem3A_66, %ne3A_67 : i32
    %and3A_69 = arith.andi %ne3A_65, %ne3A_68 : i1
    %sub3A_70 = arith.constant 1 : i32
    %sub3A_71 = arith.subi %div3A_50, %sub3A_70 : i32
    %select_n3A_72 = arith.select %and3A_69, %sub3A_71, %div3A_50 : i32
    %jit3A_73 = arith.constant 512 : i32
    %eq3A_74 = arith.constant 0 : i32
    %eq3A_75 = arith.cmpi eq, %jit3A_73, %eq3A_74 : i32
    %jit3A_76 = arith.constant 1 : i32
    %select_n3A_77 = arith.select %eq3A_75, %jit3A_76, %jit3A_73 : i32
    %rem3A_78 = arith.remsi %add3A_48, %select_n3A_77 : i32
    %ne3A_79 = arith.constant 0 : i32
    %ne3A_80 = arith.cmpi ne, %rem3A_78, %ne3A_79 : i32
    %lt3A_81 = arith.constant 0 : i32
    %lt3A_82 = arith.cmpi slt, %rem3A_78, %lt3A_81 : i32
    %lt3A_83 = arith.constant 0 : i32
    %lt3A_84 = arith.cmpi slt, %select_n3A_77, %lt3A_83 : i32
    %ne3A_85 = arith.xori %lt3A_82, %lt3A_84 : i1
    %and3A_86 = arith.andi %ne3A_85, %ne3A_80 : i1
    %add3A_87 = arith.addi %rem3A_78, %select_n3A_77 : i32
    %select_n3A_88 = arith.select %and3A_86, %add3A_87, %rem3A_78 : i32
    %dma_start3A_89 = arith.constant 0 : i32
    %dma_start3A_90 = tpu.memref_slice %arg2[%select_n3A_72, %select_n3A_88, %dma_start3A_89] : memref<32x512x512xf32, #tpu.memory_space<hbm>> -> memref<1x32x512xf32, #tpu.memory_space<hbm>>
    %dma_start3A_91 = tpu.memref_squeeze %dma_start3A_90 : memref<1x32x512xf32, #tpu.memory_space<hbm>> -> memref<32x512xf32, #tpu.memory_space<hbm>>
    %dma_start3A_92 = arith.constant 0 : i32
    %dma_start3A_93 = tpu.memref_slice %arg2[%select_n3A_72, %select_n3A_88, %dma_start3A_92] : memref<32x512x512xf32, #tpu.memory_space<hbm>> -> memref<1x32x512xf32, #tpu.memory_space<hbm>>
    %dma_start3A_94 = tpu.memref_squeeze %dma_start3A_93 : memref<1x32x512xf32, #tpu.memory_space<hbm>> -> memref<32x512xf32, #tpu.memory_space<hbm>>
    tpu.enqueue_dma source(%dma_start3A_94 : memref<32x512xf32, #tpu.memory_space<hbm>>) target(%arg6 : memref<32x512xf32, #tpu.memory_space<vmem>>) target_semaphore(%arg11 : memref<!tpu.dma_semaphore, #tpu.memory_space<semaphore_mem>>)
    %dma_start3A_95 = arith.constant 0 : i32
    %dma_start3A_96 = tpu.memref_slice %arg3[%select_n3A_72, %select_n3A_88, %dma_start3A_95] : memref<32x512x512xf32, #tpu.memory_space<hbm>> -> memref<1x32x512xf32, #tpu.memory_space<hbm>>
    %dma_start3A_97 = tpu.memref_squeeze %dma_start3A_96 : memref<1x32x512xf32, #tpu.memory_space<hbm>> -> memref<32x512xf32, #tpu.memory_space<hbm>>
    %dma_start3A_98 = arith.constant 0 : i32
    %dma_start3A_99 = tpu.memref_slice %arg3[%select_n3A_72, %select_n3A_88, %dma_start3A_98] : memref<32x512x512xf32, #tpu.memory_space<hbm>> -> memref<1x32x512xf32, #tpu.memory_space<hbm>>
    %dma_start3A_100 = tpu.memref_squeeze %dma_start3A_99 : memref<1x32x512xf32, #tpu.memory_space<hbm>> -> memref<32x512xf32, #tpu.memory_space<hbm>>
    tpu.enqueue_dma source(%dma_start3A_100 : memref<32x512xf32, #tpu.memory_space<hbm>>) target(%arg8 : memref<32x512xf32, #tpu.memory_space<vmem>>) target_semaphore(%arg13 : memref<!tpu.dma_semaphore, #tpu.memory_space<semaphore_mem>>)
    %add3A_101 = arith.constant 0 : i32
    %add3A_102 = arith.addi %mul3A_2, %add3A_101 : i32
    %jit3A_103 = arith.constant 512 : i32
    %div3A_104 = arith.divsi %add3A_102, %jit3A_103 : i32
    %sign3A_105 = arith.constant 0 : i32
    %sign3A_106 = arith.cmpi sgt, %add3A_102, %sign3A_105 : i32
    %sign3A_107 = arith.extui %sign3A_106 : i1 to i32
    %sign3A_108 = arith.constant 0 : i32
    %sign3A_109 = arith.cmpi slt, %add3A_102, %sign3A_108 : i32
    %sign3A_110 = arith.extui %sign3A_109 : i1 to i32
    %sign3A_111 = arith.subi %sign3A_107, %sign3A_110 : i32
    %sign3A_112 = arith.constant 0 : i32
    %sign3A_113 = arith.cmpi sgt, %jit3A_103, %sign3A_112 : i32
    %sign3A_114 = arith.extui %sign3A_113 : i1 to i32
    %sign3A_115 = arith.constant 0 : i32
    %sign3A_116 = arith.cmpi slt, %jit3A_103, %sign3A_115 : i32
    %sign3A_117 = arith.extui %sign3A_116 : i1 to i32
    %sign3A_118 = arith.subi %sign3A_114, %sign3A_117 : i32
    %ne3A_119 = arith.cmpi ne, %sign3A_111, %sign3A_118 : i32
    %rem3A_120 = arith.remsi %add3A_102, %jit3A_103 : i32
    %ne3A_121 = arith.constant 0 : i32
    %ne3A_122 = arith.cmpi ne, %rem3A_120, %ne3A_121 : i32
    %and3A_123 = arith.andi %ne3A_119, %ne3A_122 : i1
    %sub3A_124 = arith.constant 1 : i32
    %sub3A_125 = arith.subi %div3A_104, %sub3A_124 : i32
    %select_n3A_126 = arith.select %and3A_123, %sub3A_125, %div3A_104 : i32
    %jit3A_127 = arith.constant 512 : i32
    %eq3A_128 = arith.constant 0 : i32
    %eq3A_129 = arith.cmpi eq, %jit3A_127, %eq3A_128 : i32
    %jit3A_130 = arith.constant 1 : i32
    %select_n3A_131 = arith.select %eq3A_129, %jit3A_130, %jit3A_127 : i32
    %rem3A_132 = arith.remsi %add3A_102, %select_n3A_131 : i32
    %ne3A_133 = arith.constant 0 : i32
    %ne3A_134 = arith.cmpi ne, %rem3A_132, %ne3A_133 : i32
    %lt3A_135 = arith.constant 0 : i32
    %lt3A_136 = arith.cmpi slt, %rem3A_132, %lt3A_135 : i32
    %lt3A_137 = arith.constant 0 : i32
    %lt3A_138 = arith.cmpi slt, %select_n3A_131, %lt3A_137 : i32
    %ne3A_139 = arith.xori %lt3A_136, %lt3A_138 : i1
    %and3A_140 = arith.andi %ne3A_139, %ne3A_134 : i1
    %add3A_141 = arith.addi %rem3A_132, %select_n3A_131 : i32
    %select_n3A_142 = arith.select %and3A_140, %add3A_141, %rem3A_132 : i32
    %dma_wait3A = arith.constant 0 : i32
    %dma_wait3A_143 = tpu.memref_slice %arg2[%select_n3A_126, %select_n3A_142, %dma_wait3A] : memref<32x512x512xf32, #tpu.memory_space<hbm>> -> memref<1x32x512xf32, #tpu.memory_space<hbm>>
    %dma_wait3A_144 = tpu.memref_squeeze %dma_wait3A_143 : memref<1x32x512xf32, #tpu.memory_space<hbm>> -> memref<32x512xf32, #tpu.memory_space<hbm>>
    %dma_wait3A_145 = arith.constant 0 : i32
    %dma_wait3A_146 = tpu.memref_slice %arg2[%select_n3A_126, %select_n3A_142, %dma_wait3A_145] : memref<32x512x512xf32, #tpu.memory_space<hbm>> -> memref<1x32x512xf32, #tpu.memory_space<hbm>>
    %dma_wait3A_147 = tpu.memref_squeeze %dma_wait3A_146 : memref<1x32x512xf32, #tpu.memory_space<hbm>> -> memref<32x512xf32, #tpu.memory_space<hbm>>
    tpu.wait_dma2 semaphore(%arg10 : memref<!tpu.dma_semaphore, #tpu.memory_space<semaphore_mem>>) src(%dma_wait3A_147 : memref<32x512xf32, #tpu.memory_space<hbm>>) dst(%arg5 : memref<32x512xf32, #tpu.memory_space<vmem>>)
    %dma_wait3A_148 = arith.constant 0 : i32
    %dma_wait3A_149 = tpu.memref_slice %arg3[%select_n3A_126, %select_n3A_142, %dma_wait3A_148] : memref<32x512x512xf32, #tpu.memory_space<hbm>> -> memref<1x32x512xf32, #tpu.memory_space<hbm>>
    %dma_wait3A_150 = tpu.memref_squeeze %dma_wait3A_149 : memref<1x32x512xf32, #tpu.memory_space<hbm>> -> memref<32x512xf32, #tpu.memory_space<hbm>>
    %dma_wait3A_151 = arith.constant 0 : i32
    %dma_wait3A_152 = tpu.memref_slice %arg3[%select_n3A_126, %select_n3A_142, %dma_wait3A_151] : memref<32x512x512xf32, #tpu.memory_space<hbm>> -> memref<1x32x512xf32, #tpu.memory_space<hbm>>
    %dma_wait3A_153 = tpu.memref_squeeze %dma_wait3A_152 : memref<1x32x512xf32, #tpu.memory_space<hbm>> -> memref<32x512xf32, #tpu.memory_space<hbm>>
    tpu.wait_dma2 semaphore(%arg12 : memref<!tpu.dma_semaphore, #tpu.memory_space<semaphore_mem>>) src(%dma_wait3A_153 : memref<32x512xf32, #tpu.memory_space<hbm>>) dst(%arg7 : memref<32x512xf32, #tpu.memory_space<vmem>>)
    %scan3A = arith.constant 0 : i32
    %scan3A_154 = arith.constant 32 : i32
    %scan3A_155 = arith.addi %scan3A, %scan3A_154 : i32
    %scan3A_156 = arith.constant 1 : i32
    %scan3A_157 = scf.for %scan3A_564 = %scan3A to %scan3A_155 step %scan3A_156 iter_args(%scan3A_565 = %broadcast_in_dim3A_46) -> (vector<16xi32>)  : i32 {
      %parallel_loop3A = arith.constant 0 : i32
      %parallel_loop3A_566 = arith.constant 512 : i32
      %parallel_loop3A_567 = arith.constant 128 : i32
      %parallel_loop3A_568 = scf.for %parallel_loop3A_569 = %parallel_loop3A to %parallel_loop3A_566 step %parallel_loop3A_567 iter_args(%parallel_loop3A_570 = %scan3A_565) -> (vector<16xi32>)  : i32 {
        %parallel_loop3A_571 = arith.constant 0 : i32
        %parallel_loop3A_572 = arith.addi %parallel_loop3A_569, %parallel_loop3A_571 : i32
        %parallel_loop3A_573 = tpu.assume_multiple %parallel_loop3A_572, 16 : i32
        %parallel_loop3A_574 = arith.index_cast %scan3A_564 : i32 to index
        %parallel_loop3A_575 = arith.index_cast %parallel_loop3A_573 : i32 to index
        %parallel_loop3A_576 = tpu.vector_load %arg5[%parallel_loop3A_574, %parallel_loop3A_575] {strides = array<i32>} : memref<32x512xf32, #tpu.memory_space<vmem>>, vector<1x16xf32>,
        %parallel_loop3A_577 = vector.shape_cast %parallel_loop3A_576 : vector<1x16xf32> to vector<16xf32>
        %parallel_loop3A_578 = arith.index_cast %scan3A_564 : i32 to index
        %parallel_loop3A_579 = arith.index_cast %parallel_loop3A_573 : i32 to index
        %parallel_loop3A_580 = tpu.vector_load %arg7[%parallel_loop3A_578, %parallel_loop3A_579] {strides = array<i32>} : memref<32x512xf32, #tpu.memory_space<vmem>>, vector<1x16xf32>,
        %parallel_loop3A_581 = vector.shape_cast %parallel_loop3A_580 : vector<1x16xf32> to vector<16xf32>
        %parallel_loop3A_582 = arith.minimumf %parallel_loop3A_581, %parallel_loop3A_577 : vector<16xf32>
        %parallel_loop3A_583 = arith.constant 0.000000e+00 : f32
        %parallel_loop3A_584 = vector.broadcast %parallel_loop3A_583 : f32 to vector<16xf32>
        %parallel_loop3A_585 = arith.cmpf ogt, %parallel_loop3A_582, %parallel_loop3A_584 : vector<16xf32>
        %parallel_loop3A_586 = arith.subf %parallel_loop3A_581, %parallel_loop3A_577 : vector<16xf32>
        %parallel_loop3A_587 = math.absf %parallel_loop3A_586 : vector<16xf32>
        %parallel_loop3A_588 = arith.constant 3.000000e+00 : f32
        %parallel_loop3A_589 = vector.broadcast %parallel_loop3A_588 : f32 to vector<16xf32>
        %parallel_loop3A_590 = arith.cmpf ogt, %parallel_loop3A_587, %parallel_loop3A_589 : vector<16xf32>
        %parallel_loop3A_591 = arith.constant 65537 : i32
        %parallel_loop3A_592 = arith.constant 1 : i32
        %parallel_loop3A_593 = vector.broadcast %parallel_loop3A_591 : i32 to vector<16xi32>
        %parallel_loop3A_594 = vector.broadcast %parallel_loop3A_592 : i32 to vector<16xi32>
        %parallel_loop3A_595 = arith.select %parallel_loop3A_590, %parallel_loop3A_593, %parallel_loop3A_594 : vector<16xi1>, vector<16xi32>
        %parallel_loop3A_596 = arith.constant 0 : i32
        %parallel_loop3A_597 = vector.broadcast %parallel_loop3A_596 : i32 to vector<16xi32>
        %parallel_loop3A_598 = arith.select %parallel_loop3A_585, %parallel_loop3A_595, %parallel_loop3A_597 : vector<16xi1>, vector<16xi32>
        %parallel_loop3A_599 = arith.constant 16 : i32
        %parallel_loop3A_600 = arith.addi %parallel_loop3A_569, %parallel_loop3A_599 : i32
        %parallel_loop3A_601 = tpu.assume_multiple %parallel_loop3A_600, 16 : i32
        %parallel_loop3A_602 = arith.index_cast %scan3A_564 : i32 to index
        %parallel_loop3A_603 = arith.index_cast %parallel_loop3A_601 : i32 to index
        %parallel_loop3A_604 = tpu.vector_load %arg5[%parallel_loop3A_602, %parallel_loop3A_603] {strides = array<i32>} : memref<32x512xf32, #tpu.memory_space<vmem>>, vector<1x16xf32>,
        %parallel_loop3A_605 = vector.shape_cast %parallel_loop3A_604 : vector<1x16xf32> to vector<16xf32>
        %parallel_loop3A_606 = arith.index_cast %scan3A_564 : i32 to index
        %parallel_loop3A_607 = arith.index_cast %parallel_loop3A_601 : i32 to index
        %parallel_loop3A_608 = tpu.vector_load %arg7[%parallel_loop3A_606, %parallel_loop3A_607] {strides = array<i32>} : memref<32x512xf32, #tpu.memory_space<vmem>>, vector<1x16xf32>,
        %parallel_loop3A_609 = vector.shape_cast %parallel_loop3A_608 : vector<1x16xf32> to vector<16xf32>
        %parallel_loop3A_610 = arith.minimumf %parallel_loop3A_609, %parallel_loop3A_605 : vector<16xf32>
        %parallel_loop3A_611 = arith.constant 0.000000e+00 : f32
        %parallel_loop3A_612 = vector.broadcast %parallel_loop3A_611 : f32 to vector<16xf32>
        %parallel_loop3A_613 = arith.cmpf ogt, %parallel_loop3A_610, %parallel_loop3A_612 : vector<16xf32>
        %parallel_loop3A_614 = arith.subf %parallel_loop3A_609, %parallel_loop3A_605 : vector<16xf32>
        %parallel_loop3A_615 = math.absf %parallel_loop3A_614 : vector<16xf32>
        %parallel_loop3A_616 = arith.constant 3.000000e+00 : f32
        %parallel_loop3A_617 = vector.broadcast %parallel_loop3A_616 : f32 to vector<16xf32>
        %parallel_loop3A_618 = arith.cmpf ogt, %parallel_loop3A_615, %parallel_loop3A_617 : vector<16xf32>
        %parallel_loop3A_619 = arith.constant 65537 : i32
        %parallel_loop3A_620 = arith.constant 1 : i32
        %parallel_loop3A_621 = vector.broadcast %parallel_loop3A_619 : i32 to vector<16xi32>
        %parallel_loop3A_622 = vector.broadcast %parallel_loop3A_620 : i32 to vector<16xi32>
        %parallel_loop3A_623 = arith.select %parallel_loop3A_618, %parallel_loop3A_621, %parallel_loop3A_622 : vector<16xi1>, vector<16xi32>
        %parallel_loop3A_624 = arith.constant 0 : i32
        %parallel_loop3A_625 = vector.broadcast %parallel_loop3A_624 : i32 to vector<16xi32>
        %parallel_loop3A_626 = arith.select %parallel_loop3A_613, %parallel_loop3A_623, %parallel_loop3A_625 : vector<16xi1>, vector<16xi32>
        %parallel_loop3A_627 = arith.constant 32 : i32
        %parallel_loop3A_628 = arith.addi %parallel_loop3A_569, %parallel_loop3A_627 : i32
        %parallel_loop3A_629 = tpu.assume_multiple %parallel_loop3A_628, 16 : i32
        %parallel_loop3A_630 = arith.index_cast %scan3A_564 : i32 to index
        %parallel_loop3A_631 = arith.index_cast %parallel_loop3A_629 : i32 to index
        %parallel_loop3A_632 = tpu.vector_load %arg5[%parallel_loop3A_630, %parallel_loop3A_631] {strides = array<i32>} : memref<32x512xf32, #tpu.memory_space<vmem>>, vector<1x16xf32>,
        %parallel_loop3A_633 = vector.shape_cast %parallel_loop3A_632 : vector<1x16xf32> to vector<16xf32>
        %parallel_loop3A_634 = arith.index_cast %scan3A_564 : i32 to index
        %parallel_loop3A_635 = arith.index_cast %parallel_loop3A_629 : i32 to index
        %parallel_loop3A_636 = tpu.vector_load %arg7[%parallel_loop3A_634, %parallel_loop3A_635] {strides = array<i32>} : memref<32x512xf32, #tpu.memory_space<vmem>>, vector<1x16xf32>,
        %parallel_loop3A_637 = vector.shape_cast %parallel_loop3A_636 : vector<1x16xf32> to vector<16xf32>
        %parallel_loop3A_638 = arith.minimumf %parallel_loop3A_637, %parallel_loop3A_633 : vector<16xf32>
        %parallel_loop3A_639 = arith.constant 0.000000e+00 : f32
        %parallel_loop3A_640 = vector.broadcast %parallel_loop3A_639 : f32 to vector<16xf32>
        %parallel_loop3A_641 = arith.cmpf ogt, %parallel_loop3A_638, %parallel_loop3A_640 : vector<16xf32>
        %parallel_loop3A_642 = arith.subf %parallel_loop3A_637, %parallel_loop3A_633 : vector<16xf32>
        %parallel_loop3A_643 = math.absf %parallel_loop3A_642 : vector<16xf32>
        %parallel_loop3A_644 = arith.constant 3.000000e+00 : f32
        %parallel_loop3A_645 = vector.broadcast %parallel_loop3A_644 : f32 to vector<16xf32>
        %parallel_loop3A_646 = arith.cmpf ogt, %parallel_loop3A_643, %parallel_loop3A_645 : vector<16xf32>
        %parallel_loop3A_647 = arith.constant 65537 : i32
        %parallel_loop3A_648 = arith.constant 1 : i32
        %parallel_loop3A_649 = vector.broadcast %parallel_loop3A_647 : i32 to vector<16xi32>
        %parallel_loop3A_650 = vector.broadcast %parallel_loop3A_648 : i32 to vector<16xi32>
        %parallel_loop3A_651 = arith.select %parallel_loop3A_646, %parallel_loop3A_649, %parallel_loop3A_650 : vector<16xi1>, vector<16xi32>
        %parallel_loop3A_652 = arith.constant 0 : i32
        %parallel_loop3A_653 = vector.broadcast %parallel_loop3A_652 : i32 to vector<16xi32>
        %parallel_loop3A_654 = arith.select %parallel_loop3A_641, %parallel_loop3A_651, %parallel_loop3A_653 : vector<16xi1>, vector<16xi32>
        %parallel_loop3A_655 = arith.constant 48 : i32
        %parallel_loop3A_656 = arith.addi %parallel_loop3A_569, %parallel_loop3A_655 : i32
        %parallel_loop3A_657 = tpu.assume_multiple %parallel_loop3A_656, 16 : i32
        %parallel_loop3A_658 = arith.index_cast %scan3A_564 : i32 to index
        %parallel_loop3A_659 = arith.index_cast %parallel_loop3A_657 : i32 to index
        %parallel_loop3A_660 = tpu.vector_load %arg5[%parallel_loop3A_658, %parallel_loop3A_659] {strides = array<i32>} : memref<32x512xf32, #tpu.memory_space<vmem>>, vector<1x16xf32>,
        %parallel_loop3A_661 = vector.shape_cast %parallel_loop3A_660 : vector<1x16xf32> to vector<16xf32>
        %parallel_loop3A_662 = arith.index_cast %scan3A_564 : i32 to index
        %parallel_loop3A_663 = arith.index_cast %parallel_loop3A_657 : i32 to index
        %parallel_loop3A_664 = tpu.vector_load %arg7[%parallel_loop3A_662, %parallel_loop3A_663] {strides = array<i32>} : memref<32x512xf32, #tpu.memory_space<vmem>>, vector<1x16xf32>,
        %parallel_loop3A_665 = vector.shape_cast %parallel_loop3A_664 : vector<1x16xf32> to vector<16xf32>
        %parallel_loop3A_666 = arith.minimumf %parallel_loop3A_665, %parallel_loop3A_661 : vector<16xf32>
        %parallel_loop3A_667 = arith.constant 0.000000e+00 : f32
        %parallel_loop3A_668 = vector.broadcast %parallel_loop3A_667 : f32 to vector<16xf32>
        %parallel_loop3A_669 = arith.cmpf ogt, %parallel_loop3A_666, %parallel_loop3A_668 : vector<16xf32>
        %parallel_loop3A_670 = arith.subf %parallel_loop3A_665, %parallel_loop3A_661 : vector<16xf32>
        %parallel_loop3A_671 = math.absf %parallel_loop3A_670 : vector<16xf32>
        %parallel_loop3A_672 = arith.constant 3.000000e+00 : f32
        %parallel_loop3A_673 = vector.broadcast %parallel_loop3A_672 : f32 to vector<16xf32>
        %parallel_loop3A_674 = arith.cmpf ogt, %parallel_loop3A_671, %parallel_loop3A_673 : vector<16xf32>
        %parallel_loop3A_675 = arith.constant 65537 : i32
        %parallel_loop3A_676 = arith.constant 1 : i32
        %parallel_loop3A_677 = vector.broadcast %parallel_loop3A_675 : i32 to vector<16xi32>
        %parallel_loop3A_678 = vector.broadcast %parallel_loop3A_676 : i32 to vector<16xi32>
        %parallel_loop3A_679 = arith.select %parallel_loop3A_674, %parallel_loop3A_677, %parallel_loop3A_678 : vector<16xi1>, vector<16xi32>
        %parallel_loop3A_680 = arith.constant 0 : i32
        %parallel_loop3A_681 = vector.broadcast %parallel_loop3A_680 : i32 to vector<16xi32>
        %parallel_loop3A_682 = arith.select %parallel_loop3A_669, %parallel_loop3A_679, %parallel_loop3A_681 : vector<16xi1>, vector<16xi32>
        %parallel_loop3A_683 = arith.constant 64 : i32
        %parallel_loop3A_684 = arith.addi %parallel_loop3A_569, %parallel_loop3A_683 : i32
        %parallel_loop3A_685 = tpu.assume_multiple %parallel_loop3A_684, 16 : i32
        %parallel_loop3A_686 = arith.index_cast %scan3A_564 : i32 to index
        %parallel_loop3A_687 = arith.index_cast %parallel_loop3A_685 : i32 to index
        %parallel_loop3A_688 = tpu.vector_load %arg5[%parallel_loop3A_686, %parallel_loop3A_687] {strides = array<i32>} : memref<32x512xf32, #tpu.memory_space<vmem>>, vector<1x16xf32>,
        %parallel_loop3A_689 = vector.shape_cast %parallel_loop3A_688 : vector<1x16xf32> to vector<16xf32>
        %parallel_loop3A_690 = arith.index_cast %scan3A_564 : i32 to index
        %parallel_loop3A_691 = arith.index_cast %parallel_loop3A_685 : i32 to index
        %parallel_loop3A_692 = tpu.vector_load %arg7[%parallel_loop3A_690, %parallel_loop3A_691] {strides = array<i32>} : memref<32x512xf32, #tpu.memory_space<vmem>>, vector<1x16xf32>,
        %parallel_loop3A_693 = vector.shape_cast %parallel_loop3A_692 : vector<1x16xf32> to vector<16xf32>
        %parallel_loop3A_694 = arith.minimumf %parallel_loop3A_693, %parallel_loop3A_689 : vector<16xf32>
        %parallel_loop3A_695 = arith.constant 0.000000e+00 : f32
        %parallel_loop3A_696 = vector.broadcast %parallel_loop3A_695 : f32 to vector<16xf32>
        %parallel_loop3A_697 = arith.cmpf ogt, %parallel_loop3A_694, %parallel_loop3A_696 : vector<16xf32>
        %parallel_loop3A_698 = arith.subf %parallel_loop3A_693, %parallel_loop3A_689 : vector<16xf32>
        %parallel_loop3A_699 = math.absf %parallel_loop3A_698 : vector<16xf32>
        %parallel_loop3A_700 = arith.constant 3.000000e+00 : f32
        %parallel_loop3A_701 = vector.broadcast %parallel_loop3A_700 : f32 to vector<16xf32>
        %parallel_loop3A_702 = arith.cmpf ogt, %parallel_loop3A_699, %parallel_loop3A_701 : vector<16xf32>
        %parallel_loop3A_703 = arith.constant 65537 : i32
        %parallel_loop3A_704 = arith.constant 1 : i32
        %parallel_loop3A_705 = vector.broadcast %parallel_loop3A_703 : i32 to vector<16xi32>
        %parallel_loop3A_706 = vector.broadcast %parallel_loop3A_704 : i32 to vector<16xi32>
        %parallel_loop3A_707 = arith.select %parallel_loop3A_702, %parallel_loop3A_705, %parallel_loop3A_706 : vector<16xi1>, vector<16xi32>
        %parallel_loop3A_708 = arith.constant 0 : i32
        %parallel_loop3A_709 = vector.broadcast %parallel_loop3A_708 : i32 to vector<16xi32>
        %parallel_loop3A_710 = arith.select %parallel_loop3A_697, %parallel_loop3A_707, %parallel_loop3A_709 : vector<16xi1>, vector<16xi32>
        %parallel_loop3A_711 = arith.constant 80 : i32
        %parallel_loop3A_712 = arith.addi %parallel_loop3A_569, %parallel_loop3A_711 : i32
        %parallel_loop3A_713 = tpu.assume_multiple %parallel_loop3A_712, 16 : i32
        %parallel_loop3A_714 = arith.index_cast %scan3A_564 : i32 to index
        %parallel_loop3A_715 = arith.index_cast %parallel_loop3A_713 : i32 to index
        %parallel_loop3A_716 = tpu.vector_load %arg5[%parallel_loop3A_714, %parallel_loop3A_715] {strides = array<i32>} : memref<32x512xf32, #tpu.memory_space<vmem>>, vector<1x16xf32>,
        %parallel_loop3A_717 = vector.shape_cast %parallel_loop3A_716 : vector<1x16xf32> to vector<16xf32>
        %parallel_loop3A_718 = arith.index_cast %scan3A_564 : i32 to index
        %parallel_loop3A_719 = arith.index_cast %parallel_loop3A_713 : i32 to index
        %parallel_loop3A_720 = tpu.vector_load %arg7[%parallel_loop3A_718, %parallel_loop3A_719] {strides = array<i32>} : memref<32x512xf32, #tpu.memory_space<vmem>>, vector<1x16xf32>,
        %parallel_loop3A_721 = vector.shape_cast %parallel_loop3A_720 : vector<1x16xf32> to vector<16xf32>
        %parallel_loop3A_722 = arith.minimumf %parallel_loop3A_721, %parallel_loop3A_717 : vector<16xf32>
        %parallel_loop3A_723 = arith.constant 0.000000e+00 : f32
        %parallel_loop3A_724 = vector.broadcast %parallel_loop3A_723 : f32 to vector<16xf32>
        %parallel_loop3A_725 = arith.cmpf ogt, %parallel_loop3A_722, %parallel_loop3A_724 : vector<16xf32>
        %parallel_loop3A_726 = arith.subf %parallel_loop3A_721, %parallel_loop3A_717 : vector<16xf32>
        %parallel_loop3A_727 = math.absf %parallel_loop3A_726 : vector<16xf32>
        %parallel_loop3A_728 = arith.constant 3.000000e+00 : f32
        %parallel_loop3A_729 = vector.broadcast %parallel_loop3A_728 : f32 to vector<16xf32>
        %parallel_loop3A_730 = arith.cmpf ogt, %parallel_loop3A_727, %parallel_loop3A_729 : vector<16xf32>
        %parallel_loop3A_731 = arith.constant 65537 : i32
        %parallel_loop3A_732 = arith.constant 1 : i32
        %parallel_loop3A_733 = vector.broadcast %parallel_loop3A_731 : i32 to vector<16xi32>
        %parallel_loop3A_734 = vector.broadcast %parallel_loop3A_732 : i32 to vector<16xi32>
        %parallel_loop3A_735 = arith.select %parallel_loop3A_730, %parallel_loop3A_733, %parallel_loop3A_734 : vector<16xi1>, vector<16xi32>
        %parallel_loop3A_736 = arith.constant 0 : i32
        %parallel_loop3A_737 = vector.broadcast %parallel_loop3A_736 : i32 to vector<16xi32>
        %parallel_loop3A_738 = arith.select %parallel_loop3A_725, %parallel_loop3A_735, %parallel_loop3A_737 : vector<16xi1>, vector<16xi32>
        %parallel_loop3A_739 = arith.constant 96 : i32
        %parallel_loop3A_740 = arith.addi %parallel_loop3A_569, %parallel_loop3A_739 : i32
        %parallel_loop3A_741 = tpu.assume_multiple %parallel_loop3A_740, 16 : i32
        %parallel_loop3A_742 = arith.index_cast %scan3A_564 : i32 to index
        %parallel_loop3A_743 = arith.index_cast %parallel_loop3A_741 : i32 to index
        %parallel_loop3A_744 = tpu.vector_load %arg5[%parallel_loop3A_742, %parallel_loop3A_743] {strides = array<i32>} : memref<32x512xf32, #tpu.memory_space<vmem>>, vector<1x16xf32>,
        %parallel_loop3A_745 = vector.shape_cast %parallel_loop3A_744 : vector<1x16xf32> to vector<16xf32>
        %parallel_loop3A_746 = arith.index_cast %scan3A_564 : i32 to index
        %parallel_loop3A_747 = arith.index_cast %parallel_loop3A_741 : i32 to index
        %parallel_loop3A_748 = tpu.vector_load %arg7[%parallel_loop3A_746, %parallel_loop3A_747] {strides = array<i32>} : memref<32x512xf32, #tpu.memory_space<vmem>>, vector<1x16xf32>,
        %parallel_loop3A_749 = vector.shape_cast %parallel_loop3A_748 : vector<1x16xf32> to vector<16xf32>
        %parallel_loop3A_750 = arith.minimumf %parallel_loop3A_749, %parallel_loop3A_745 : vector<16xf32>
        %parallel_loop3A_751 = arith.constant 0.000000e+00 : f32
        %parallel_loop3A_752 = vector.broadcast %parallel_loop3A_751 : f32 to vector<16xf32>
        %parallel_loop3A_753 = arith.cmpf ogt, %parallel_loop3A_750, %parallel_loop3A_752 : vector<16xf32>
        %parallel_loop3A_754 = arith.subf %parallel_loop3A_749, %parallel_loop3A_745 : vector<16xf32>
        %parallel_loop3A_755 = math.absf %parallel_loop3A_754 : vector<16xf32>
        %parallel_loop3A_756 = arith.constant 3.000000e+00 : f32
        %parallel_loop3A_757 = vector.broadcast %parallel_loop3A_756 : f32 to vector<16xf32>
        %parallel_loop3A_758 = arith.cmpf ogt, %parallel_loop3A_755, %parallel_loop3A_757 : vector<16xf32>
        %parallel_loop3A_759 = arith.constant 65537 : i32
        %parallel_loop3A_760 = arith.constant 1 : i32
        %parallel_loop3A_761 = vector.broadcast %parallel_loop3A_759 : i32 to vector<16xi32>
        %parallel_loop3A_762 = vector.broadcast %parallel_loop3A_760 : i32 to vector<16xi32>
        %parallel_loop3A_763 = arith.select %parallel_loop3A_758, %parallel_loop3A_761, %parallel_loop3A_762 : vector<16xi1>, vector<16xi32>
        %parallel_loop3A_764 = arith.constant 0 : i32
        %parallel_loop3A_765 = vector.broadcast %parallel_loop3A_764 : i32 to vector<16xi32>
        %parallel_loop3A_766 = arith.select %parallel_loop3A_753, %parallel_loop3A_763, %parallel_loop3A_765 : vector<16xi1>, vector<16xi32>
        %parallel_loop3A_767 = arith.constant 112 : i32
        %parallel_loop3A_768 = arith.addi %parallel_loop3A_569, %parallel_loop3A_767 : i32
        %parallel_loop3A_769 = tpu.assume_multiple %parallel_loop3A_768, 16 : i32
        %parallel_loop3A_770 = arith.index_cast %scan3A_564 : i32 to index
        %parallel_loop3A_771 = arith.index_cast %parallel_loop3A_769 : i32 to index
        %parallel_loop3A_772 = tpu.vector_load %arg5[%parallel_loop3A_770, %parallel_loop3A_771] {strides = array<i32>} : memref<32x512xf32, #tpu.memory_space<vmem>>, vector<1x16xf32>,
        %parallel_loop3A_773 = vector.shape_cast %parallel_loop3A_772 : vector<1x16xf32> to vector<16xf32>
        %parallel_loop3A_774 = arith.index_cast %scan3A_564 : i32 to index
        %parallel_loop3A_775 = arith.index_cast %parallel_loop3A_769 : i32 to index
        %parallel_loop3A_776 = tpu.vector_load %arg7[%parallel_loop3A_774, %parallel_loop3A_775] {strides = array<i32>} : memref<32x512xf32, #tpu.memory_space<vmem>>, vector<1x16xf32>,
        %parallel_loop3A_777 = vector.shape_cast %parallel_loop3A_776 : vector<1x16xf32> to vector<16xf32>
        %parallel_loop3A_778 = arith.minimumf %parallel_loop3A_777, %parallel_loop3A_773 : vector<16xf32>
        %parallel_loop3A_779 = arith.constant 0.000000e+00 : f32
        %parallel_loop3A_780 = vector.broadcast %parallel_loop3A_779 : f32 to vector<16xf32>
        %parallel_loop3A_781 = arith.cmpf ogt, %parallel_loop3A_778, %parallel_loop3A_780 : vector<16xf32>
        %parallel_loop3A_782 = arith.subf %parallel_loop3A_777, %parallel_loop3A_773 : vector<16xf32>
        %parallel_loop3A_783 = math.absf %parallel_loop3A_782 : vector<16xf32>
        %parallel_loop3A_784 = arith.constant 3.000000e+00 : f32
        %parallel_loop3A_785 = vector.broadcast %parallel_loop3A_784 : f32 to vector<16xf32>
        %parallel_loop3A_786 = arith.cmpf ogt, %parallel_loop3A_783, %parallel_loop3A_785 : vector<16xf32>
        %parallel_loop3A_787 = arith.constant 65537 : i32
        %parallel_loop3A_788 = arith.constant 1 : i32
        %parallel_loop3A_789 = vector.broadcast %parallel_loop3A_787 : i32 to vector<16xi32>
        %parallel_loop3A_790 = vector.broadcast %parallel_loop3A_788 : i32 to vector<16xi32>
        %parallel_loop3A_791 = arith.select %parallel_loop3A_786, %parallel_loop3A_789, %parallel_loop3A_790 : vector<16xi1>, vector<16xi32>
        %parallel_loop3A_792 = arith.constant 0 : i32
        %parallel_loop3A_793 = vector.broadcast %parallel_loop3A_792 : i32 to vector<16xi32>
        %parallel_loop3A_794 = arith.select %parallel_loop3A_781, %parallel_loop3A_791, %parallel_loop3A_793 : vector<16xi1>, vector<16xi32>
        %parallel_loop3A_795 = arith.addi %parallel_loop3A_598, %parallel_loop3A_626 : vector<16xi32>
        %parallel_loop3A_796 = arith.addi %parallel_loop3A_654, %parallel_loop3A_682 : vector<16xi32>
        %parallel_loop3A_797 = arith.addi %parallel_loop3A_710, %parallel_loop3A_738 : vector<16xi32>
        %parallel_loop3A_798 = arith.addi %parallel_loop3A_766, %parallel_loop3A_794 : vector<16xi32>
        %parallel_loop3A_799 = arith.addi %parallel_loop3A_795, %parallel_loop3A_796 : vector<16xi32>
        %parallel_loop3A_800 = arith.addi %parallel_loop3A_797, %parallel_loop3A_798 : vector<16xi32>
        %parallel_loop3A_801 = arith.addi %parallel_loop3A_799, %parallel_loop3A_800 : vector<16xi32>
        %parallel_loop3A_802 = arith.addi %parallel_loop3A_570, %parallel_loop3A_801 : vector<16xi32>
        scf.yield %parallel_loop3A_802 : vector<16xi32>
      } {sc.loop_unroll_factor = 2 : i64, sc.parallel_access}
      scf.yield %parallel_loop3A_568 : vector<16xi32>
    }
    %scan3A_158 = arith.constant 32 : i32
    %add3A_159 = arith.constant 64 : i32
    %add3A_160 = arith.addi %mul3A_2, %add3A_159 : i32
    %jit3A_161 = arith.constant 512 : i32
    %div3A_162 = arith.divsi %add3A_160, %jit3A_161 : i32
    %sign3A_163 = arith.constant 0 : i32
    %sign3A_164 = arith.cmpi sgt, %add3A_160, %sign3A_163 : i32
    %sign3A_165 = arith.extui %sign3A_164 : i1 to i32
    %sign3A_166 = arith.constant 0 : i32
    %sign3A_167 = arith.cmpi slt, %add3A_160, %sign3A_166 : i32
    %sign3A_168 = arith.extui %sign3A_167 : i1 to i32
    %sign3A_169 = arith.subi %sign3A_165, %sign3A_168 : i32
    %sign3A_170 = arith.constant 0 : i32
    %sign3A_171 = arith.cmpi sgt, %jit3A_161, %sign3A_170 : i32
    %sign3A_172 = arith.extui %sign3A_171 : i1 to i32
    %sign3A_173 = arith.constant 0 : i32
    %sign3A_174 = arith.cmpi slt, %jit3A_161, %sign3A_173 : i32
    %sign3A_175 = arith.extui %sign3A_174 : i1 to i32
    %sign3A_176 = arith.subi %sign3A_172, %sign3A_175 : i32
    %ne3A_177 = arith.cmpi ne, %sign3A_169, %sign3A_176 : i32
    %rem3A_178 = arith.remsi %add3A_160, %jit3A_161 : i32
    %ne3A_179 = arith.constant 0 : i32
    %ne3A_180 = arith.cmpi ne, %rem3A_178, %ne3A_179 : i32
    %and3A_181 = arith.andi %ne3A_177, %ne3A_180 : i1
    %sub3A_182 = arith.constant 1 : i32
    %sub3A_183 = arith.subi %div3A_162, %sub3A_182 : i32
    %select_n3A_184 = arith.select %and3A_181, %sub3A_183, %div3A_162 : i32
    %jit3A_185 = arith.constant 512 : i32
    %eq3A_186 = arith.constant 0 : i32
    %eq3A_187 = arith.cmpi eq, %jit3A_185, %eq3A_186 : i32
    %jit3A_188 = arith.constant 1 : i32
    %select_n3A_189 = arith.select %eq3A_187, %jit3A_188, %jit3A_185 : i32
    %rem3A_190 = arith.remsi %add3A_160, %select_n3A_189 : i32
    %ne3A_191 = arith.constant 0 : i32
    %ne3A_192 = arith.cmpi ne, %rem3A_190, %ne3A_191 : i32
    %lt3A_193 = arith.constant 0 : i32
    %lt3A_194 = arith.cmpi slt, %rem3A_190, %lt3A_193 : i32
    %lt3A_195 = arith.constant 0 : i32
    %lt3A_196 = arith.cmpi slt, %select_n3A_189, %lt3A_195 : i32
    %ne3A_197 = arith.xori %lt3A_194, %lt3A_196 : i1
    %and3A_198 = arith.andi %ne3A_197, %ne3A_192 : i1
    %add3A_199 = arith.addi %rem3A_190, %select_n3A_189 : i32
    %select_n3A_200 = arith.select %and3A_198, %add3A_199, %rem3A_190 : i32
    %dma_start3A_201 = arith.constant 0 : i32
    %dma_start3A_202 = tpu.memref_slice %arg2[%select_n3A_184, %select_n3A_200, %dma_start3A_201] : memref<32x512x512xf32, #tpu.memory_space<hbm>> -> memref<1x32x512xf32, #tpu.memory_space<hbm>>
    %dma_start3A_203 = tpu.memref_squeeze %dma_start3A_202 : memref<1x32x512xf32, #tpu.memory_space<hbm>> -> memref<32x512xf32, #tpu.memory_space<hbm>>
    %dma_start3A_204 = arith.constant 0 : i32
    %dma_start3A_205 = tpu.memref_slice %arg2[%select_n3A_184, %select_n3A_200, %dma_start3A_204] : memref<32x512x512xf32, #tpu.memory_space<hbm>> -> memref<1x32x512xf32, #tpu.memory_space<hbm>>
    %dma_start3A_206 = tpu.memref_squeeze %dma_start3A_205 : memref<1x32x512xf32, #tpu.memory_space<hbm>> -> memref<32x512xf32, #tpu.memory_space<hbm>>
    tpu.enqueue_dma source(%dma_start3A_206 : memref<32x512xf32, #tpu.memory_space<hbm>>) target(%arg5 : memref<32x512xf32, #tpu.memory_space<vmem>>) target_semaphore(%arg10 : memref<!tpu.dma_semaphore, #tpu.memory_space<semaphore_mem>>)
    %dma_start3A_207 = arith.constant 0 : i32
    %dma_start3A_208 = tpu.memref_slice %arg3[%select_n3A_184, %select_n3A_200, %dma_start3A_207] : memref<32x512x512xf32, #tpu.memory_space<hbm>> -> memref<1x32x512xf32, #tpu.memory_space<hbm>>
    %dma_start3A_209 = tpu.memref_squeeze %dma_start3A_208 : memref<1x32x512xf32, #tpu.memory_space<hbm>> -> memref<32x512xf32, #tpu.memory_space<hbm>>
    %dma_start3A_210 = arith.constant 0 : i32
    %dma_start3A_211 = tpu.memref_slice %arg3[%select_n3A_184, %select_n3A_200, %dma_start3A_210] : memref<32x512x512xf32, #tpu.memory_space<hbm>> -> memref<1x32x512xf32, #tpu.memory_space<hbm>>
    %dma_start3A_212 = tpu.memref_squeeze %dma_start3A_211 : memref<1x32x512xf32, #tpu.memory_space<hbm>> -> memref<32x512xf32, #tpu.memory_space<hbm>>
    tpu.enqueue_dma source(%dma_start3A_212 : memref<32x512xf32, #tpu.memory_space<hbm>>) target(%arg7 : memref<32x512xf32, #tpu.memory_space<vmem>>) target_semaphore(%arg12 : memref<!tpu.dma_semaphore, #tpu.memory_space<semaphore_mem>>)
    %add3A_213 = arith.constant 32 : i32
    %add3A_214 = arith.addi %mul3A_2, %add3A_213 : i32
    %jit3A_215 = arith.constant 512 : i32
    %div3A_216 = arith.divsi %add3A_214, %jit3A_215 : i32
    %sign3A_217 = arith.constant 0 : i32
    %sign3A_218 = arith.cmpi sgt, %add3A_214, %sign3A_217 : i32
    %sign3A_219 = arith.extui %sign3A_218 : i1 to i32
    %sign3A_220 = arith.constant 0 : i32
    %sign3A_221 = arith.cmpi slt, %add3A_214, %sign3A_220 : i32
    %sign3A_222 = arith.extui %sign3A_221 : i1 to i32
    %sign3A_223 = arith.subi %sign3A_219, %sign3A_222 : i32
    %sign3A_224 = arith.constant 0 : i32
    %sign3A_225 = arith.cmpi sgt, %jit3A_215, %sign3A_224 : i32
    %sign3A_226 = arith.extui %sign3A_225 : i1 to i32
    %sign3A_227 = arith.constant 0 : i32
    %sign3A_228 = arith.cmpi slt, %jit3A_215, %sign3A_227 : i32
    %sign3A_229 = arith.extui %sign3A_228 : i1 to i32
    %sign3A_230 = arith.subi %sign3A_226, %sign3A_229 : i32
    %ne3A_231 = arith.cmpi ne, %sign3A_223, %sign3A_230 : i32
    %rem3A_232 = arith.remsi %add3A_214, %jit3A_215 : i32
    %ne3A_233 = arith.constant 0 : i32
    %ne3A_234 = arith.cmpi ne, %rem3A_232, %ne3A_233 : i32
    %and3A_235 = arith.andi %ne3A_231, %ne3A_234 : i1
    %sub3A_236 = arith.constant 1 : i32
    %sub3A_237 = arith.subi %div3A_216, %sub3A_236 : i32
    %select_n3A_238 = arith.select %and3A_235, %sub3A_237, %div3A_216 : i32
    %jit3A_239 = arith.constant 512 : i32
    %eq3A_240 = arith.constant 0 : i32
    %eq3A_241 = arith.cmpi eq, %jit3A_239, %eq3A_240 : i32
    %jit3A_242 = arith.constant 1 : i32
    %select_n3A_243 = arith.select %eq3A_241, %jit3A_242, %jit3A_239 : i32
    %rem3A_244 = arith.remsi %add3A_214, %select_n3A_243 : i32
    %ne3A_245 = arith.constant 0 : i32
    %ne3A_246 = arith.cmpi ne, %rem3A_244, %ne3A_245 : i32
    %lt3A_247 = arith.constant 0 : i32
    %lt3A_248 = arith.cmpi slt, %rem3A_244, %lt3A_247 : i32
    %lt3A_249 = arith.constant 0 : i32
    %lt3A_250 = arith.cmpi slt, %select_n3A_243, %lt3A_249 : i32
    %ne3A_251 = arith.xori %lt3A_248, %lt3A_250 : i1
    %and3A_252 = arith.andi %ne3A_251, %ne3A_246 : i1
    %add3A_253 = arith.addi %rem3A_244, %select_n3A_243 : i32
    %select_n3A_254 = arith.select %and3A_252, %add3A_253, %rem3A_244 : i32
    %dma_wait3A_255 = arith.constant 0 : i32
    %dma_wait3A_256 = tpu.memref_slice %arg2[%select_n3A_238, %select_n3A_254, %dma_wait3A_255] : memref<32x512x512xf32, #tpu.memory_space<hbm>> -> memref<1x32x512xf32, #tpu.memory_space<hbm>>
    %dma_wait3A_257 = tpu.memref_squeeze %dma_wait3A_256 : memref<1x32x512xf32, #tpu.memory_space<hbm>> -> memref<32x512xf32, #tpu.memory_space<hbm>>
    %dma_wait3A_258 = arith.constant 0 : i32
    %dma_wait3A_259 = tpu.memref_slice %arg2[%select_n3A_238, %select_n3A_254, %dma_wait3A_258] : memref<32x512x512xf32, #tpu.memory_space<hbm>> -> memref<1x32x512xf32, #tpu.memory_space<hbm>>
    %dma_wait3A_260 = tpu.memref_squeeze %dma_wait3A_259 : memref<1x32x512xf32, #tpu.memory_space<hbm>> -> memref<32x512xf32, #tpu.memory_space<hbm>>
    tpu.wait_dma2 semaphore(%arg11 : memref<!tpu.dma_semaphore, #tpu.memory_space<semaphore_mem>>) src(%dma_wait3A_260 : memref<32x512xf32, #tpu.memory_space<hbm>>) dst(%arg6 : memref<32x512xf32, #tpu.memory_space<vmem>>)
    %dma_wait3A_261 = arith.constant 0 : i32
    %dma_wait3A_262 = tpu.memref_slice %arg3[%select_n3A_238, %select_n3A_254, %dma_wait3A_261] : memref<32x512x512xf32, #tpu.memory_space<hbm>> -> memref<1x32x512xf32, #tpu.memory_space<hbm>>
    %dma_wait3A_263 = tpu.memref_squeeze %dma_wait3A_262 : memref<1x32x512xf32, #tpu.memory_space<hbm>> -> memref<32x512xf32, #tpu.memory_space<hbm>>
    %dma_wait3A_264 = arith.constant 0 : i32
    %dma_wait3A_265 = tpu.memref_slice %arg3[%select_n3A_238, %select_n3A_254, %dma_wait3A_264] : memref<32x512x512xf32, #tpu.memory_space<hbm>> -> memref<1x32x512xf32, #tpu.memory_space<hbm>>
    %dma_wait3A_266 = tpu.memref_squeeze %dma_wait3A_265 : memref<1x32x512xf32, #tpu.memory_space<hbm>> -> memref<32x512xf32, #tpu.memory_space<hbm>>
    tpu.wait_dma2 semaphore(%arg13 : memref<!tpu.dma_semaphore, #tpu.memory_space<semaphore_mem>>) src(%dma_wait3A_266 : memref<32x512xf32, #tpu.memory_space<hbm>>) dst(%arg8 : memref<32x512xf32, #tpu.memory_space<vmem>>)
    %scan3A_267 = arith.constant 0 : i32
    %scan3A_268 = arith.constant 32 : i32
    %scan3A_269 = arith.addi %scan3A_267, %scan3A_268 : i32
    %scan3A_270 = arith.constant 1 : i32
    %scan3A_271 = scf.for %scan3A_564 = %scan3A_267 to %scan3A_269 step %scan3A_270 iter_args(%scan3A_565 = %scan3A_157) -> (vector<16xi32>)  : i32 {
      %parallel_loop3A = arith.constant 0 : i32
      %parallel_loop3A_566 = arith.constant 512 : i32
      %parallel_loop3A_567 = arith.constant 128 : i32
      %parallel_loop3A_568 = scf.for %parallel_loop3A_569 = %parallel_loop3A to %parallel_loop3A_566 step %parallel_loop3A_567 iter_args(%parallel_loop3A_570 = %scan3A_565) -> (vector<16xi32>)  : i32 {
        %parallel_loop3A_571 = arith.constant 0 : i32
        %parallel_loop3A_572 = arith.addi %parallel_loop3A_569, %parallel_loop3A_571 : i32
        %parallel_loop3A_573 = tpu.assume_multiple %parallel_loop3A_572, 16 : i32
        %parallel_loop3A_574 = arith.index_cast %scan3A_564 : i32 to index
        %parallel_loop3A_575 = arith.index_cast %parallel_loop3A_573 : i32 to index
        %parallel_loop3A_576 = tpu.vector_load %arg6[%parallel_loop3A_574, %parallel_loop3A_575] {strides = array<i32>} : memref<32x512xf32, #tpu.memory_space<vmem>>, vector<1x16xf32>,
        %parallel_loop3A_577 = vector.shape_cast %parallel_loop3A_576 : vector<1x16xf32> to vector<16xf32>
        %parallel_loop3A_578 = arith.index_cast %scan3A_564 : i32 to index
        %parallel_loop3A_579 = arith.index_cast %parallel_loop3A_573 : i32 to index
        %parallel_loop3A_580 = tpu.vector_load %arg8[%parallel_loop3A_578, %parallel_loop3A_579] {strides = array<i32>} : memref<32x512xf32, #tpu.memory_space<vmem>>, vector<1x16xf32>,
        %parallel_loop3A_581 = vector.shape_cast %parallel_loop3A_580 : vector<1x16xf32> to vector<16xf32>
        %parallel_loop3A_582 = arith.minimumf %parallel_loop3A_581, %parallel_loop3A_577 : vector<16xf32>
        %parallel_loop3A_583 = arith.constant 0.000000e+00 : f32
        %parallel_loop3A_584 = vector.broadcast %parallel_loop3A_583 : f32 to vector<16xf32>
        %parallel_loop3A_585 = arith.cmpf ogt, %parallel_loop3A_582, %parallel_loop3A_584 : vector<16xf32>
        %parallel_loop3A_586 = arith.subf %parallel_loop3A_581, %parallel_loop3A_577 : vector<16xf32>
        %parallel_loop3A_587 = math.absf %parallel_loop3A_586 : vector<16xf32>
        %parallel_loop3A_588 = arith.constant 3.000000e+00 : f32
        %parallel_loop3A_589 = vector.broadcast %parallel_loop3A_588 : f32 to vector<16xf32>
        %parallel_loop3A_590 = arith.cmpf ogt, %parallel_loop3A_587, %parallel_loop3A_589 : vector<16xf32>
        %parallel_loop3A_591 = arith.constant 65537 : i32
        %parallel_loop3A_592 = arith.constant 1 : i32
        %parallel_loop3A_593 = vector.broadcast %parallel_loop3A_591 : i32 to vector<16xi32>
        %parallel_loop3A_594 = vector.broadcast %parallel_loop3A_592 : i32 to vector<16xi32>
        %parallel_loop3A_595 = arith.select %parallel_loop3A_590, %parallel_loop3A_593, %parallel_loop3A_594 : vector<16xi1>, vector<16xi32>
        %parallel_loop3A_596 = arith.constant 0 : i32
        %parallel_loop3A_597 = vector.broadcast %parallel_loop3A_596 : i32 to vector<16xi32>
        %parallel_loop3A_598 = arith.select %parallel_loop3A_585, %parallel_loop3A_595, %parallel_loop3A_597 : vector<16xi1>, vector<16xi32>
        %parallel_loop3A_599 = arith.constant 16 : i32
        %parallel_loop3A_600 = arith.addi %parallel_loop3A_569, %parallel_loop3A_599 : i32
        %parallel_loop3A_601 = tpu.assume_multiple %parallel_loop3A_600, 16 : i32
        %parallel_loop3A_602 = arith.index_cast %scan3A_564 : i32 to index
        %parallel_loop3A_603 = arith.index_cast %parallel_loop3A_601 : i32 to index
        %parallel_loop3A_604 = tpu.vector_load %arg6[%parallel_loop3A_602, %parallel_loop3A_603] {strides = array<i32>} : memref<32x512xf32, #tpu.memory_space<vmem>>, vector<1x16xf32>,
        %parallel_loop3A_605 = vector.shape_cast %parallel_loop3A_604 : vector<1x16xf32> to vector<16xf32>
        %parallel_loop3A_606 = arith.index_cast %scan3A_564 : i32 to index
        %parallel_loop3A_607 = arith.index_cast %parallel_loop3A_601 : i32 to index
        %parallel_loop3A_608 = tpu.vector_load %arg8[%parallel_loop3A_606, %parallel_loop3A_607] {strides = array<i32>} : memref<32x512xf32, #tpu.memory_space<vmem>>, vector<1x16xf32>,
        %parallel_loop3A_609 = vector.shape_cast %parallel_loop3A_608 : vector<1x16xf32> to vector<16xf32>
        %parallel_loop3A_610 = arith.minimumf %parallel_loop3A_609, %parallel_loop3A_605 : vector<16xf32>
        %parallel_loop3A_611 = arith.constant 0.000000e+00 : f32
        %parallel_loop3A_612 = vector.broadcast %parallel_loop3A_611 : f32 to vector<16xf32>
        %parallel_loop3A_613 = arith.cmpf ogt, %parallel_loop3A_610, %parallel_loop3A_612 : vector<16xf32>
        %parallel_loop3A_614 = arith.subf %parallel_loop3A_609, %parallel_loop3A_605 : vector<16xf32>
        %parallel_loop3A_615 = math.absf %parallel_loop3A_614 : vector<16xf32>
        %parallel_loop3A_616 = arith.constant 3.000000e+00 : f32
        %parallel_loop3A_617 = vector.broadcast %parallel_loop3A_616 : f32 to vector<16xf32>
        %parallel_loop3A_618 = arith.cmpf ogt, %parallel_loop3A_615, %parallel_loop3A_617 : vector<16xf32>
        %parallel_loop3A_619 = arith.constant 65537 : i32
        %parallel_loop3A_620 = arith.constant 1 : i32
        %parallel_loop3A_621 = vector.broadcast %parallel_loop3A_619 : i32 to vector<16xi32>
        %parallel_loop3A_622 = vector.broadcast %parallel_loop3A_620 : i32 to vector<16xi32>
        %parallel_loop3A_623 = arith.select %parallel_loop3A_618, %parallel_loop3A_621, %parallel_loop3A_622 : vector<16xi1>, vector<16xi32>
        %parallel_loop3A_624 = arith.constant 0 : i32
        %parallel_loop3A_625 = vector.broadcast %parallel_loop3A_624 : i32 to vector<16xi32>
        %parallel_loop3A_626 = arith.select %parallel_loop3A_613, %parallel_loop3A_623, %parallel_loop3A_625 : vector<16xi1>, vector<16xi32>
        %parallel_loop3A_627 = arith.constant 32 : i32
        %parallel_loop3A_628 = arith.addi %parallel_loop3A_569, %parallel_loop3A_627 : i32
        %parallel_loop3A_629 = tpu.assume_multiple %parallel_loop3A_628, 16 : i32
        %parallel_loop3A_630 = arith.index_cast %scan3A_564 : i32 to index
        %parallel_loop3A_631 = arith.index_cast %parallel_loop3A_629 : i32 to index
        %parallel_loop3A_632 = tpu.vector_load %arg6[%parallel_loop3A_630, %parallel_loop3A_631] {strides = array<i32>} : memref<32x512xf32, #tpu.memory_space<vmem>>, vector<1x16xf32>,
        %parallel_loop3A_633 = vector.shape_cast %parallel_loop3A_632 : vector<1x16xf32> to vector<16xf32>
        %parallel_loop3A_634 = arith.index_cast %scan3A_564 : i32 to index
        %parallel_loop3A_635 = arith.index_cast %parallel_loop3A_629 : i32 to index
        %parallel_loop3A_636 = tpu.vector_load %arg8[%parallel_loop3A_634, %parallel_loop3A_635] {strides = array<i32>} : memref<32x512xf32, #tpu.memory_space<vmem>>, vector<1x16xf32>,
        %parallel_loop3A_637 = vector.shape_cast %parallel_loop3A_636 : vector<1x16xf32> to vector<16xf32>
        %parallel_loop3A_638 = arith.minimumf %parallel_loop3A_637, %parallel_loop3A_633 : vector<16xf32>
        %parallel_loop3A_639 = arith.constant 0.000000e+00 : f32
        %parallel_loop3A_640 = vector.broadcast %parallel_loop3A_639 : f32 to vector<16xf32>
        %parallel_loop3A_641 = arith.cmpf ogt, %parallel_loop3A_638, %parallel_loop3A_640 : vector<16xf32>
        %parallel_loop3A_642 = arith.subf %parallel_loop3A_637, %parallel_loop3A_633 : vector<16xf32>
        %parallel_loop3A_643 = math.absf %parallel_loop3A_642 : vector<16xf32>
        %parallel_loop3A_644 = arith.constant 3.000000e+00 : f32
        %parallel_loop3A_645 = vector.broadcast %parallel_loop3A_644 : f32 to vector<16xf32>
        %parallel_loop3A_646 = arith.cmpf ogt, %parallel_loop3A_643, %parallel_loop3A_645 : vector<16xf32>
        %parallel_loop3A_647 = arith.constant 65537 : i32
        %parallel_loop3A_648 = arith.constant 1 : i32
        %parallel_loop3A_649 = vector.broadcast %parallel_loop3A_647 : i32 to vector<16xi32>
        %parallel_loop3A_650 = vector.broadcast %parallel_loop3A_648 : i32 to vector<16xi32>
        %parallel_loop3A_651 = arith.select %parallel_loop3A_646, %parallel_loop3A_649, %parallel_loop3A_650 : vector<16xi1>, vector<16xi32>
        %parallel_loop3A_652 = arith.constant 0 : i32
        %parallel_loop3A_653 = vector.broadcast %parallel_loop3A_652 : i32 to vector<16xi32>
        %parallel_loop3A_654 = arith.select %parallel_loop3A_641, %parallel_loop3A_651, %parallel_loop3A_653 : vector<16xi1>, vector<16xi32>
        %parallel_loop3A_655 = arith.constant 48 : i32
        %parallel_loop3A_656 = arith.addi %parallel_loop3A_569, %parallel_loop3A_655 : i32
        %parallel_loop3A_657 = tpu.assume_multiple %parallel_loop3A_656, 16 : i32
        %parallel_loop3A_658 = arith.index_cast %scan3A_564 : i32 to index
        %parallel_loop3A_659 = arith.index_cast %parallel_loop3A_657 : i32 to index
        %parallel_loop3A_660 = tpu.vector_load %arg6[%parallel_loop3A_658, %parallel_loop3A_659] {strides = array<i32>} : memref<32x512xf32, #tpu.memory_space<vmem>>, vector<1x16xf32>,
        %parallel_loop3A_661 = vector.shape_cast %parallel_loop3A_660 : vector<1x16xf32> to vector<16xf32>
        %parallel_loop3A_662 = arith.index_cast %scan3A_564 : i32 to index
        %parallel_loop3A_663 = arith.index_cast %parallel_loop3A_657 : i32 to index
        %parallel_loop3A_664 = tpu.vector_load %arg8[%parallel_loop3A_662, %parallel_loop3A_663] {strides = array<i32>} : memref<32x512xf32, #tpu.memory_space<vmem>>, vector<1x16xf32>,
        %parallel_loop3A_665 = vector.shape_cast %parallel_loop3A_664 : vector<1x16xf32> to vector<16xf32>
        %parallel_loop3A_666 = arith.minimumf %parallel_loop3A_665, %parallel_loop3A_661 : vector<16xf32>
        %parallel_loop3A_667 = arith.constant 0.000000e+00 : f32
        %parallel_loop3A_668 = vector.broadcast %parallel_loop3A_667 : f32 to vector<16xf32>
        %parallel_loop3A_669 = arith.cmpf ogt, %parallel_loop3A_666, %parallel_loop3A_668 : vector<16xf32>
        %parallel_loop3A_670 = arith.subf %parallel_loop3A_665, %parallel_loop3A_661 : vector<16xf32>
        %parallel_loop3A_671 = math.absf %parallel_loop3A_670 : vector<16xf32>
        %parallel_loop3A_672 = arith.constant 3.000000e+00 : f32
        %parallel_loop3A_673 = vector.broadcast %parallel_loop3A_672 : f32 to vector<16xf32>
        %parallel_loop3A_674 = arith.cmpf ogt, %parallel_loop3A_671, %parallel_loop3A_673 : vector<16xf32>
        %parallel_loop3A_675 = arith.constant 65537 : i32
        %parallel_loop3A_676 = arith.constant 1 : i32
        %parallel_loop3A_677 = vector.broadcast %parallel_loop3A_675 : i32 to vector<16xi32>
        %parallel_loop3A_678 = vector.broadcast %parallel_loop3A_676 : i32 to vector<16xi32>
        %parallel_loop3A_679 = arith.select %parallel_loop3A_674, %parallel_loop3A_677, %parallel_loop3A_678 : vector<16xi1>, vector<16xi32>
        %parallel_loop3A_680 = arith.constant 0 : i32
        %parallel_loop3A_681 = vector.broadcast %parallel_loop3A_680 : i32 to vector<16xi32>
        %parallel_loop3A_682 = arith.select %parallel_loop3A_669, %parallel_loop3A_679, %parallel_loop3A_681 : vector<16xi1>, vector<16xi32>
        %parallel_loop3A_683 = arith.constant 64 : i32
        %parallel_loop3A_684 = arith.addi %parallel_loop3A_569, %parallel_loop3A_683 : i32
        %parallel_loop3A_685 = tpu.assume_multiple %parallel_loop3A_684, 16 : i32
        %parallel_loop3A_686 = arith.index_cast %scan3A_564 : i32 to index
        %parallel_loop3A_687 = arith.index_cast %parallel_loop3A_685 : i32 to index
        %parallel_loop3A_688 = tpu.vector_load %arg6[%parallel_loop3A_686, %parallel_loop3A_687] {strides = array<i32>} : memref<32x512xf32, #tpu.memory_space<vmem>>, vector<1x16xf32>,
        %parallel_loop3A_689 = vector.shape_cast %parallel_loop3A_688 : vector<1x16xf32> to vector<16xf32>
        %parallel_loop3A_690 = arith.index_cast %scan3A_564 : i32 to index
        %parallel_loop3A_691 = arith.index_cast %parallel_loop3A_685 : i32 to index
        %parallel_loop3A_692 = tpu.vector_load %arg8[%parallel_loop3A_690, %parallel_loop3A_691] {strides = array<i32>} : memref<32x512xf32, #tpu.memory_space<vmem>>, vector<1x16xf32>,
        %parallel_loop3A_693 = vector.shape_cast %parallel_loop3A_692 : vector<1x16xf32> to vector<16xf32>
        %parallel_loop3A_694 = arith.minimumf %parallel_loop3A_693, %parallel_loop3A_689 : vector<16xf32>
        %parallel_loop3A_695 = arith.constant 0.000000e+00 : f32
        %parallel_loop3A_696 = vector.broadcast %parallel_loop3A_695 : f32 to vector<16xf32>
        %parallel_loop3A_697 = arith.cmpf ogt, %parallel_loop3A_694, %parallel_loop3A_696 : vector<16xf32>
        %parallel_loop3A_698 = arith.subf %parallel_loop3A_693, %parallel_loop3A_689 : vector<16xf32>
        %parallel_loop3A_699 = math.absf %parallel_loop3A_698 : vector<16xf32>
        %parallel_loop3A_700 = arith.constant 3.000000e+00 : f32
        %parallel_loop3A_701 = vector.broadcast %parallel_loop3A_700 : f32 to vector<16xf32>
        %parallel_loop3A_702 = arith.cmpf ogt, %parallel_loop3A_699, %parallel_loop3A_701 : vector<16xf32>
        %parallel_loop3A_703 = arith.constant 65537 : i32
        %parallel_loop3A_704 = arith.constant 1 : i32
        %parallel_loop3A_705 = vector.broadcast %parallel_loop3A_703 : i32 to vector<16xi32>
        %parallel_loop3A_706 = vector.broadcast %parallel_loop3A_704 : i32 to vector<16xi32>
        %parallel_loop3A_707 = arith.select %parallel_loop3A_702, %parallel_loop3A_705, %parallel_loop3A_706 : vector<16xi1>, vector<16xi32>
        %parallel_loop3A_708 = arith.constant 0 : i32
        %parallel_loop3A_709 = vector.broadcast %parallel_loop3A_708 : i32 to vector<16xi32>
        %parallel_loop3A_710 = arith.select %parallel_loop3A_697, %parallel_loop3A_707, %parallel_loop3A_709 : vector<16xi1>, vector<16xi32>
        %parallel_loop3A_711 = arith.constant 80 : i32
        %parallel_loop3A_712 = arith.addi %parallel_loop3A_569, %parallel_loop3A_711 : i32
        %parallel_loop3A_713 = tpu.assume_multiple %parallel_loop3A_712, 16 : i32
        %parallel_loop3A_714 = arith.index_cast %scan3A_564 : i32 to index
        %parallel_loop3A_715 = arith.index_cast %parallel_loop3A_713 : i32 to index
        %parallel_loop3A_716 = tpu.vector_load %arg6[%parallel_loop3A_714, %parallel_loop3A_715] {strides = array<i32>} : memref<32x512xf32, #tpu.memory_space<vmem>>, vector<1x16xf32>,
        %parallel_loop3A_717 = vector.shape_cast %parallel_loop3A_716 : vector<1x16xf32> to vector<16xf32>
        %parallel_loop3A_718 = arith.index_cast %scan3A_564 : i32 to index
        %parallel_loop3A_719 = arith.index_cast %parallel_loop3A_713 : i32 to index
        %parallel_loop3A_720 = tpu.vector_load %arg8[%parallel_loop3A_718, %parallel_loop3A_719] {strides = array<i32>} : memref<32x512xf32, #tpu.memory_space<vmem>>, vector<1x16xf32>,
        %parallel_loop3A_721 = vector.shape_cast %parallel_loop3A_720 : vector<1x16xf32> to vector<16xf32>
        %parallel_loop3A_722 = arith.minimumf %parallel_loop3A_721, %parallel_loop3A_717 : vector<16xf32>
        %parallel_loop3A_723 = arith.constant 0.000000e+00 : f32
        %parallel_loop3A_724 = vector.broadcast %parallel_loop3A_723 : f32 to vector<16xf32>
        %parallel_loop3A_725 = arith.cmpf ogt, %parallel_loop3A_722, %parallel_loop3A_724 : vector<16xf32>
        %parallel_loop3A_726 = arith.subf %parallel_loop3A_721, %parallel_loop3A_717 : vector<16xf32>
        %parallel_loop3A_727 = math.absf %parallel_loop3A_726 : vector<16xf32>
        %parallel_loop3A_728 = arith.constant 3.000000e+00 : f32
        %parallel_loop3A_729 = vector.broadcast %parallel_loop3A_728 : f32 to vector<16xf32>
        %parallel_loop3A_730 = arith.cmpf ogt, %parallel_loop3A_727, %parallel_loop3A_729 : vector<16xf32>
        %parallel_loop3A_731 = arith.constant 65537 : i32
        %parallel_loop3A_732 = arith.constant 1 : i32
        %parallel_loop3A_733 = vector.broadcast %parallel_loop3A_731 : i32 to vector<16xi32>
        %parallel_loop3A_734 = vector.broadcast %parallel_loop3A_732 : i32 to vector<16xi32>
        %parallel_loop3A_735 = arith.select %parallel_loop3A_730, %parallel_loop3A_733, %parallel_loop3A_734 : vector<16xi1>, vector<16xi32>
        %parallel_loop3A_736 = arith.constant 0 : i32
        %parallel_loop3A_737 = vector.broadcast %parallel_loop3A_736 : i32 to vector<16xi32>
        %parallel_loop3A_738 = arith.select %parallel_loop3A_725, %parallel_loop3A_735, %parallel_loop3A_737 : vector<16xi1>, vector<16xi32>
        %parallel_loop3A_739 = arith.constant 96 : i32
        %parallel_loop3A_740 = arith.addi %parallel_loop3A_569, %parallel_loop3A_739 : i32
        %parallel_loop3A_741 = tpu.assume_multiple %parallel_loop3A_740, 16 : i32
        %parallel_loop3A_742 = arith.index_cast %scan3A_564 : i32 to index
        %parallel_loop3A_743 = arith.index_cast %parallel_loop3A_741 : i32 to index
        %parallel_loop3A_744 = tpu.vector_load %arg6[%parallel_loop3A_742, %parallel_loop3A_743] {strides = array<i32>} : memref<32x512xf32, #tpu.memory_space<vmem>>, vector<1x16xf32>,
        %parallel_loop3A_745 = vector.shape_cast %parallel_loop3A_744 : vector<1x16xf32> to vector<16xf32>
        %parallel_loop3A_746 = arith.index_cast %scan3A_564 : i32 to index
        %parallel_loop3A_747 = arith.index_cast %parallel_loop3A_741 : i32 to index
        %parallel_loop3A_748 = tpu.vector_load %arg8[%parallel_loop3A_746, %parallel_loop3A_747] {strides = array<i32>} : memref<32x512xf32, #tpu.memory_space<vmem>>, vector<1x16xf32>,
        %parallel_loop3A_749 = vector.shape_cast %parallel_loop3A_748 : vector<1x16xf32> to vector<16xf32>
        %parallel_loop3A_750 = arith.minimumf %parallel_loop3A_749, %parallel_loop3A_745 : vector<16xf32>
        %parallel_loop3A_751 = arith.constant 0.000000e+00 : f32
        %parallel_loop3A_752 = vector.broadcast %parallel_loop3A_751 : f32 to vector<16xf32>
        %parallel_loop3A_753 = arith.cmpf ogt, %parallel_loop3A_750, %parallel_loop3A_752 : vector<16xf32>
        %parallel_loop3A_754 = arith.subf %parallel_loop3A_749, %parallel_loop3A_745 : vector<16xf32>
        %parallel_loop3A_755 = math.absf %parallel_loop3A_754 : vector<16xf32>
        %parallel_loop3A_756 = arith.constant 3.000000e+00 : f32
        %parallel_loop3A_757 = vector.broadcast %parallel_loop3A_756 : f32 to vector<16xf32>
        %parallel_loop3A_758 = arith.cmpf ogt, %parallel_loop3A_755, %parallel_loop3A_757 : vector<16xf32>
        %parallel_loop3A_759 = arith.constant 65537 : i32
        %parallel_loop3A_760 = arith.constant 1 : i32
        %parallel_loop3A_761 = vector.broadcast %parallel_loop3A_759 : i32 to vector<16xi32>
        %parallel_loop3A_762 = vector.broadcast %parallel_loop3A_760 : i32 to vector<16xi32>
        %parallel_loop3A_763 = arith.select %parallel_loop3A_758, %parallel_loop3A_761, %parallel_loop3A_762 : vector<16xi1>, vector<16xi32>
        %parallel_loop3A_764 = arith.constant 0 : i32
        %parallel_loop3A_765 = vector.broadcast %parallel_loop3A_764 : i32 to vector<16xi32>
        %parallel_loop3A_766 = arith.select %parallel_loop3A_753, %parallel_loop3A_763, %parallel_loop3A_765 : vector<16xi1>, vector<16xi32>
        %parallel_loop3A_767 = arith.constant 112 : i32
        %parallel_loop3A_768 = arith.addi %parallel_loop3A_569, %parallel_loop3A_767 : i32
        %parallel_loop3A_769 = tpu.assume_multiple %parallel_loop3A_768, 16 : i32
        %parallel_loop3A_770 = arith.index_cast %scan3A_564 : i32 to index
        %parallel_loop3A_771 = arith.index_cast %parallel_loop3A_769 : i32 to index
        %parallel_loop3A_772 = tpu.vector_load %arg6[%parallel_loop3A_770, %parallel_loop3A_771] {strides = array<i32>} : memref<32x512xf32, #tpu.memory_space<vmem>>, vector<1x16xf32>,
        %parallel_loop3A_773 = vector.shape_cast %parallel_loop3A_772 : vector<1x16xf32> to vector<16xf32>
        %parallel_loop3A_774 = arith.index_cast %scan3A_564 : i32 to index
        %parallel_loop3A_775 = arith.index_cast %parallel_loop3A_769 : i32 to index
        %parallel_loop3A_776 = tpu.vector_load %arg8[%parallel_loop3A_774, %parallel_loop3A_775] {strides = array<i32>} : memref<32x512xf32, #tpu.memory_space<vmem>>, vector<1x16xf32>,
        %parallel_loop3A_777 = vector.shape_cast %parallel_loop3A_776 : vector<1x16xf32> to vector<16xf32>
        %parallel_loop3A_778 = arith.minimumf %parallel_loop3A_777, %parallel_loop3A_773 : vector<16xf32>
        %parallel_loop3A_779 = arith.constant 0.000000e+00 : f32
        %parallel_loop3A_780 = vector.broadcast %parallel_loop3A_779 : f32 to vector<16xf32>
        %parallel_loop3A_781 = arith.cmpf ogt, %parallel_loop3A_778, %parallel_loop3A_780 : vector<16xf32>
        %parallel_loop3A_782 = arith.subf %parallel_loop3A_777, %parallel_loop3A_773 : vector<16xf32>
        %parallel_loop3A_783 = math.absf %parallel_loop3A_782 : vector<16xf32>
        %parallel_loop3A_784 = arith.constant 3.000000e+00 : f32
        %parallel_loop3A_785 = vector.broadcast %parallel_loop3A_784 : f32 to vector<16xf32>
        %parallel_loop3A_786 = arith.cmpf ogt, %parallel_loop3A_783, %parallel_loop3A_785 : vector<16xf32>
        %parallel_loop3A_787 = arith.constant 65537 : i32
        %parallel_loop3A_788 = arith.constant 1 : i32
        %parallel_loop3A_789 = vector.broadcast %parallel_loop3A_787 : i32 to vector<16xi32>
        %parallel_loop3A_790 = vector.broadcast %parallel_loop3A_788 : i32 to vector<16xi32>
        %parallel_loop3A_791 = arith.select %parallel_loop3A_786, %parallel_loop3A_789, %parallel_loop3A_790 : vector<16xi1>, vector<16xi32>
        %parallel_loop3A_792 = arith.constant 0 : i32
        %parallel_loop3A_793 = vector.broadcast %parallel_loop3A_792 : i32 to vector<16xi32>
        %parallel_loop3A_794 = arith.select %parallel_loop3A_781, %parallel_loop3A_791, %parallel_loop3A_793 : vector<16xi1>, vector<16xi32>
        %parallel_loop3A_795 = arith.addi %parallel_loop3A_598, %parallel_loop3A_626 : vector<16xi32>
        %parallel_loop3A_796 = arith.addi %parallel_loop3A_654, %parallel_loop3A_682 : vector<16xi32>
        %parallel_loop3A_797 = arith.addi %parallel_loop3A_710, %parallel_loop3A_738 : vector<16xi32>
        %parallel_loop3A_798 = arith.addi %parallel_loop3A_766, %parallel_loop3A_794 : vector<16xi32>
        %parallel_loop3A_799 = arith.addi %parallel_loop3A_795, %parallel_loop3A_796 : vector<16xi32>
        %parallel_loop3A_800 = arith.addi %parallel_loop3A_797, %parallel_loop3A_798 : vector<16xi32>
        %parallel_loop3A_801 = arith.addi %parallel_loop3A_799, %parallel_loop3A_800 : vector<16xi32>
        %parallel_loop3A_802 = arith.addi %parallel_loop3A_570, %parallel_loop3A_801 : vector<16xi32>
        scf.yield %parallel_loop3A_802 : vector<16xi32>
      } {sc.loop_unroll_factor = 2 : i64, sc.parallel_access}
      scf.yield %parallel_loop3A_568 : vector<16xi32>
    }
    %scan3A_272 = arith.constant 32 : i32
    %add3A_273 = arith.constant 96 : i32
    %add3A_274 = arith.addi %mul3A_2, %add3A_273 : i32
    %jit3A_275 = arith.constant 512 : i32
    %div3A_276 = arith.divsi %add3A_274, %jit3A_275 : i32
    %sign3A_277 = arith.constant 0 : i32
    %sign3A_278 = arith.cmpi sgt, %add3A_274, %sign3A_277 : i32
    %sign3A_279 = arith.extui %sign3A_278 : i1 to i32
    %sign3A_280 = arith.constant 0 : i32
    %sign3A_281 = arith.cmpi slt, %add3A_274, %sign3A_280 : i32
    %sign3A_282 = arith.extui %sign3A_281 : i1 to i32
    %sign3A_283 = arith.subi %sign3A_279, %sign3A_282 : i32
    %sign3A_284 = arith.constant 0 : i32
    %sign3A_285 = arith.cmpi sgt, %jit3A_275, %sign3A_284 : i32
    %sign3A_286 = arith.extui %sign3A_285 : i1 to i32
    %sign3A_287 = arith.constant 0 : i32
    %sign3A_288 = arith.cmpi slt, %jit3A_275, %sign3A_287 : i32
    %sign3A_289 = arith.extui %sign3A_288 : i1 to i32
    %sign3A_290 = arith.subi %sign3A_286, %sign3A_289 : i32
    %ne3A_291 = arith.cmpi ne, %sign3A_283, %sign3A_290 : i32
    %rem3A_292 = arith.remsi %add3A_274, %jit3A_275 : i32
    %ne3A_293 = arith.constant 0 : i32
    %ne3A_294 = arith.cmpi ne, %rem3A_292, %ne3A_293 : i32
    %and3A_295 = arith.andi %ne3A_291, %ne3A_294 : i1
    %sub3A_296 = arith.constant 1 : i32
    %sub3A_297 = arith.subi %div3A_276, %sub3A_296 : i32
    %select_n3A_298 = arith.select %and3A_295, %sub3A_297, %div3A_276 : i32
    %jit3A_299 = arith.constant 512 : i32
    %eq3A_300 = arith.constant 0 : i32
    %eq3A_301 = arith.cmpi eq, %jit3A_299, %eq3A_300 : i32
    %jit3A_302 = arith.constant 1 : i32
    %select_n3A_303 = arith.select %eq3A_301, %jit3A_302, %jit3A_299 : i32
    %rem3A_304 = arith.remsi %add3A_274, %select_n3A_303 : i32
    %ne3A_305 = arith.constant 0 : i32
    %ne3A_306 = arith.cmpi ne, %rem3A_304, %ne3A_305 : i32
    %lt3A_307 = arith.constant 0 : i32
    %lt3A_308 = arith.cmpi slt, %rem3A_304, %lt3A_307 : i32
    %lt3A_309 = arith.constant 0 : i32
    %lt3A_310 = arith.cmpi slt, %select_n3A_303, %lt3A_309 : i32
    %ne3A_311 = arith.xori %lt3A_308, %lt3A_310 : i1
    %and3A_312 = arith.andi %ne3A_311, %ne3A_306 : i1
    %add3A_313 = arith.addi %rem3A_304, %select_n3A_303 : i32
    %select_n3A_314 = arith.select %and3A_312, %add3A_313, %rem3A_304 : i32
    %dma_start3A_315 = arith.constant 0 : i32
    %dma_start3A_316 = tpu.memref_slice %arg2[%select_n3A_298, %select_n3A_314, %dma_start3A_315] : memref<32x512x512xf32, #tpu.memory_space<hbm>> -> memref<1x32x512xf32, #tpu.memory_space<hbm>>
    %dma_start3A_317 = tpu.memref_squeeze %dma_start3A_316 : memref<1x32x512xf32, #tpu.memory_space<hbm>> -> memref<32x512xf32, #tpu.memory_space<hbm>>
    %dma_start3A_318 = arith.constant 0 : i32
    %dma_start3A_319 = tpu.memref_slice %arg2[%select_n3A_298, %select_n3A_314, %dma_start3A_318] : memref<32x512x512xf32, #tpu.memory_space<hbm>> -> memref<1x32x512xf32, #tpu.memory_space<hbm>>
    %dma_start3A_320 = tpu.memref_squeeze %dma_start3A_319 : memref<1x32x512xf32, #tpu.memory_space<hbm>> -> memref<32x512xf32, #tpu.memory_space<hbm>>
    tpu.enqueue_dma source(%dma_start3A_320 : memref<32x512xf32, #tpu.memory_space<hbm>>) target(%arg6 : memref<32x512xf32, #tpu.memory_space<vmem>>) target_semaphore(%arg11 : memref<!tpu.dma_semaphore, #tpu.memory_space<semaphore_mem>>)
    %dma_start3A_321 = arith.constant 0 : i32
    %dma_start3A_322 = tpu.memref_slice %arg3[%select_n3A_298, %select_n3A_314, %dma_start3A_321] : memref<32x512x512xf32, #tpu.memory_space<hbm>> -> memref<1x32x512xf32, #tpu.memory_space<hbm>>
    %dma_start3A_323 = tpu.memref_squeeze %dma_start3A_322 : memref<1x32x512xf32, #tpu.memory_space<hbm>> -> memref<32x512xf32, #tpu.memory_space<hbm>>
    %dma_start3A_324 = arith.constant 0 : i32
    %dma_start3A_325 = tpu.memref_slice %arg3[%select_n3A_298, %select_n3A_314, %dma_start3A_324] : memref<32x512x512xf32, #tpu.memory_space<hbm>> -> memref<1x32x512xf32, #tpu.memory_space<hbm>>
    %dma_start3A_326 = tpu.memref_squeeze %dma_start3A_325 : memref<1x32x512xf32, #tpu.memory_space<hbm>> -> memref<32x512xf32, #tpu.memory_space<hbm>>
    tpu.enqueue_dma source(%dma_start3A_326 : memref<32x512xf32, #tpu.memory_space<hbm>>) target(%arg8 : memref<32x512xf32, #tpu.memory_space<vmem>>) target_semaphore(%arg13 : memref<!tpu.dma_semaphore, #tpu.memory_space<semaphore_mem>>)
    %add3A_327 = arith.constant 64 : i32
    %add3A_328 = arith.addi %mul3A_2, %add3A_327 : i32
    %jit3A_329 = arith.constant 512 : i32
    %div3A_330 = arith.divsi %add3A_328, %jit3A_329 : i32
    %sign3A_331 = arith.constant 0 : i32
    %sign3A_332 = arith.cmpi sgt, %add3A_328, %sign3A_331 : i32
    %sign3A_333 = arith.extui %sign3A_332 : i1 to i32
    %sign3A_334 = arith.constant 0 : i32
    %sign3A_335 = arith.cmpi slt, %add3A_328, %sign3A_334 : i32
    %sign3A_336 = arith.extui %sign3A_335 : i1 to i32
    %sign3A_337 = arith.subi %sign3A_333, %sign3A_336 : i32
    %sign3A_338 = arith.constant 0 : i32
    %sign3A_339 = arith.cmpi sgt, %jit3A_329, %sign3A_338 : i32
    %sign3A_340 = arith.extui %sign3A_339 : i1 to i32
    %sign3A_341 = arith.constant 0 : i32
    %sign3A_342 = arith.cmpi slt, %jit3A_329, %sign3A_341 : i32
    %sign3A_343 = arith.extui %sign3A_342 : i1 to i32
    %sign3A_344 = arith.subi %sign3A_340, %sign3A_343 : i32
    %ne3A_345 = arith.cmpi ne, %sign3A_337, %sign3A_344 : i32
    %rem3A_346 = arith.remsi %add3A_328, %jit3A_329 : i32
    %ne3A_347 = arith.constant 0 : i32
    %ne3A_348 = arith.cmpi ne, %rem3A_346, %ne3A_347 : i32
    %and3A_349 = arith.andi %ne3A_345, %ne3A_348 : i1
    %sub3A_350 = arith.constant 1 : i32
    %sub3A_351 = arith.subi %div3A_330, %sub3A_350 : i32
    %select_n3A_352 = arith.select %and3A_349, %sub3A_351, %div3A_330 : i32
    %jit3A_353 = arith.constant 512 : i32
    %eq3A_354 = arith.constant 0 : i32
    %eq3A_355 = arith.cmpi eq, %jit3A_353, %eq3A_354 : i32
    %jit3A_356 = arith.constant 1 : i32
    %select_n3A_357 = arith.select %eq3A_355, %jit3A_356, %jit3A_353 : i32
    %rem3A_358 = arith.remsi %add3A_328, %select_n3A_357 : i32
    %ne3A_359 = arith.constant 0 : i32
    %ne3A_360 = arith.cmpi ne, %rem3A_358, %ne3A_359 : i32
    %lt3A_361 = arith.constant 0 : i32
    %lt3A_362 = arith.cmpi slt, %rem3A_358, %lt3A_361 : i32
    %lt3A_363 = arith.constant 0 : i32
    %lt3A_364 = arith.cmpi slt, %select_n3A_357, %lt3A_363 : i32
    %ne3A_365 = arith.xori %lt3A_362, %lt3A_364 : i1
    %and3A_366 = arith.andi %ne3A_365, %ne3A_360 : i1
    %add3A_367 = arith.addi %rem3A_358, %select_n3A_357 : i32
    %select_n3A_368 = arith.select %and3A_366, %add3A_367, %rem3A_358 : i32
    %dma_wait3A_369 = arith.constant 0 : i32
    %dma_wait3A_370 = tpu.memref_slice %arg2[%select_n3A_352, %select_n3A_368, %dma_wait3A_369] : memref<32x512x512xf32, #tpu.memory_space<hbm>> -> memref<1x32x512xf32, #tpu.memory_space<hbm>>
    %dma_wait3A_371 = tpu.memref_squeeze %dma_wait3A_370 : memref<1x32x512xf32, #tpu.memory_space<hbm>> -> memref<32x512xf32, #tpu.memory_space<hbm>>
    %dma_wait3A_372 = arith.constant 0 : i32
    %dma_wait3A_373 = tpu.memref_slice %arg2[%select_n3A_352, %select_n3A_368, %dma_wait3A_372] : memref<32x512x512xf32, #tpu.memory_space<hbm>> -> memref<1x32x512xf32, #tpu.memory_space<hbm>>
    %dma_wait3A_374 = tpu.memref_squeeze %dma_wait3A_373 : memref<1x32x512xf32, #tpu.memory_space<hbm>> -> memref<32x512xf32, #tpu.memory_space<hbm>>
    tpu.wait_dma2 semaphore(%arg10 : memref<!tpu.dma_semaphore, #tpu.memory_space<semaphore_mem>>) src(%dma_wait3A_374 : memref<32x512xf32, #tpu.memory_space<hbm>>) dst(%arg5 : memref<32x512xf32, #tpu.memory_space<vmem>>)
    %dma_wait3A_375 = arith.constant 0 : i32
    %dma_wait3A_376 = tpu.memref_slice %arg3[%select_n3A_352, %select_n3A_368, %dma_wait3A_375] : memref<32x512x512xf32, #tpu.memory_space<hbm>> -> memref<1x32x512xf32, #tpu.memory_space<hbm>>
    %dma_wait3A_377 = tpu.memref_squeeze %dma_wait3A_376 : memref<1x32x512xf32, #tpu.memory_space<hbm>> -> memref<32x512xf32, #tpu.memory_space<hbm>>
    %dma_wait3A_378 = arith.constant 0 : i32
    %dma_wait3A_379 = tpu.memref_slice %arg3[%select_n3A_352, %select_n3A_368, %dma_wait3A_378] : memref<32x512x512xf32, #tpu.memory_space<hbm>> -> memref<1x32x512xf32, #tpu.memory_space<hbm>>
    %dma_wait3A_380 = tpu.memref_squeeze %dma_wait3A_379 : memref<1x32x512xf32, #tpu.memory_space<hbm>> -> memref<32x512xf32, #tpu.memory_space<hbm>>
    tpu.wait_dma2 semaphore(%arg12 : memref<!tpu.dma_semaphore, #tpu.memory_space<semaphore_mem>>) src(%dma_wait3A_380 : memref<32x512xf32, #tpu.memory_space<hbm>>) dst(%arg7 : memref<32x512xf32, #tpu.memory_space<vmem>>)
    %scan3A_381 = arith.constant 0 : i32
    %scan3A_382 = arith.constant 32 : i32
    %scan3A_383 = arith.addi %scan3A_381, %scan3A_382 : i32
    %scan3A_384 = arith.constant 1 : i32
    %scan3A_385 = scf.for %scan3A_564 = %scan3A_381 to %scan3A_383 step %scan3A_384 iter_args(%scan3A_565 = %scan3A_271) -> (vector<16xi32>)  : i32 {
      %parallel_loop3A = arith.constant 0 : i32
      %parallel_loop3A_566 = arith.constant 512 : i32
      %parallel_loop3A_567 = arith.constant 128 : i32
      %parallel_loop3A_568 = scf.for %parallel_loop3A_569 = %parallel_loop3A to %parallel_loop3A_566 step %parallel_loop3A_567 iter_args(%parallel_loop3A_570 = %scan3A_565) -> (vector<16xi32>)  : i32 {
        %parallel_loop3A_571 = arith.constant 0 : i32
        %parallel_loop3A_572 = arith.addi %parallel_loop3A_569, %parallel_loop3A_571 : i32
        %parallel_loop3A_573 = tpu.assume_multiple %parallel_loop3A_572, 16 : i32
        %parallel_loop3A_574 = arith.index_cast %scan3A_564 : i32 to index
        %parallel_loop3A_575 = arith.index_cast %parallel_loop3A_573 : i32 to index
        %parallel_loop3A_576 = tpu.vector_load %arg5[%parallel_loop3A_574, %parallel_loop3A_575] {strides = array<i32>} : memref<32x512xf32, #tpu.memory_space<vmem>>, vector<1x16xf32>,
        %parallel_loop3A_577 = vector.shape_cast %parallel_loop3A_576 : vector<1x16xf32> to vector<16xf32>
        %parallel_loop3A_578 = arith.index_cast %scan3A_564 : i32 to index
        %parallel_loop3A_579 = arith.index_cast %parallel_loop3A_573 : i32 to index
        %parallel_loop3A_580 = tpu.vector_load %arg7[%parallel_loop3A_578, %parallel_loop3A_579] {strides = array<i32>} : memref<32x512xf32, #tpu.memory_space<vmem>>, vector<1x16xf32>,
        %parallel_loop3A_581 = vector.shape_cast %parallel_loop3A_580 : vector<1x16xf32> to vector<16xf32>
        %parallel_loop3A_582 = arith.minimumf %parallel_loop3A_581, %parallel_loop3A_577 : vector<16xf32>
        %parallel_loop3A_583 = arith.constant 0.000000e+00 : f32
        %parallel_loop3A_584 = vector.broadcast %parallel_loop3A_583 : f32 to vector<16xf32>
        %parallel_loop3A_585 = arith.cmpf ogt, %parallel_loop3A_582, %parallel_loop3A_584 : vector<16xf32>
        %parallel_loop3A_586 = arith.subf %parallel_loop3A_581, %parallel_loop3A_577 : vector<16xf32>
        %parallel_loop3A_587 = math.absf %parallel_loop3A_586 : vector<16xf32>
        %parallel_loop3A_588 = arith.constant 3.000000e+00 : f32
        %parallel_loop3A_589 = vector.broadcast %parallel_loop3A_588 : f32 to vector<16xf32>
        %parallel_loop3A_590 = arith.cmpf ogt, %parallel_loop3A_587, %parallel_loop3A_589 : vector<16xf32>
        %parallel_loop3A_591 = arith.constant 65537 : i32
        %parallel_loop3A_592 = arith.constant 1 : i32
        %parallel_loop3A_593 = vector.broadcast %parallel_loop3A_591 : i32 to vector<16xi32>
        %parallel_loop3A_594 = vector.broadcast %parallel_loop3A_592 : i32 to vector<16xi32>
        %parallel_loop3A_595 = arith.select %parallel_loop3A_590, %parallel_loop3A_593, %parallel_loop3A_594 : vector<16xi1>, vector<16xi32>
        %parallel_loop3A_596 = arith.constant 0 : i32
        %parallel_loop3A_597 = vector.broadcast %parallel_loop3A_596 : i32 to vector<16xi32>
        %parallel_loop3A_598 = arith.select %parallel_loop3A_585, %parallel_loop3A_595, %parallel_loop3A_597 : vector<16xi1>, vector<16xi32>
        %parallel_loop3A_599 = arith.constant 16 : i32
        %parallel_loop3A_600 = arith.addi %parallel_loop3A_569, %parallel_loop3A_599 : i32
        %parallel_loop3A_601 = tpu.assume_multiple %parallel_loop3A_600, 16 : i32
        %parallel_loop3A_602 = arith.index_cast %scan3A_564 : i32 to index
        %parallel_loop3A_603 = arith.index_cast %parallel_loop3A_601 : i32 to index
        %parallel_loop3A_604 = tpu.vector_load %arg5[%parallel_loop3A_602, %parallel_loop3A_603] {strides = array<i32>} : memref<32x512xf32, #tpu.memory_space<vmem>>, vector<1x16xf32>,
        %parallel_loop3A_605 = vector.shape_cast %parallel_loop3A_604 : vector<1x16xf32> to vector<16xf32>
        %parallel_loop3A_606 = arith.index_cast %scan3A_564 : i32 to index
        %parallel_loop3A_607 = arith.index_cast %parallel_loop3A_601 : i32 to index
        %parallel_loop3A_608 = tpu.vector_load %arg7[%parallel_loop3A_606, %parallel_loop3A_607] {strides = array<i32>} : memref<32x512xf32, #tpu.memory_space<vmem>>, vector<1x16xf32>,
        %parallel_loop3A_609 = vector.shape_cast %parallel_loop3A_608 : vector<1x16xf32> to vector<16xf32>
        %parallel_loop3A_610 = arith.minimumf %parallel_loop3A_609, %parallel_loop3A_605 : vector<16xf32>
        %parallel_loop3A_611 = arith.constant 0.000000e+00 : f32
        %parallel_loop3A_612 = vector.broadcast %parallel_loop3A_611 : f32 to vector<16xf32>
        %parallel_loop3A_613 = arith.cmpf ogt, %parallel_loop3A_610, %parallel_loop3A_612 : vector<16xf32>
        %parallel_loop3A_614 = arith.subf %parallel_loop3A_609, %parallel_loop3A_605 : vector<16xf32>
        %parallel_loop3A_615 = math.absf %parallel_loop3A_614 : vector<16xf32>
        %parallel_loop3A_616 = arith.constant 3.000000e+00 : f32
        %parallel_loop3A_617 = vector.broadcast %parallel_loop3A_616 : f32 to vector<16xf32>
        %parallel_loop3A_618 = arith.cmpf ogt, %parallel_loop3A_615, %parallel_loop3A_617 : vector<16xf32>
        %parallel_loop3A_619 = arith.constant 65537 : i32
        %parallel_loop3A_620 = arith.constant 1 : i32
        %parallel_loop3A_621 = vector.broadcast %parallel_loop3A_619 : i32 to vector<16xi32>
        %parallel_loop3A_622 = vector.broadcast %parallel_loop3A_620 : i32 to vector<16xi32>
        %parallel_loop3A_623 = arith.select %parallel_loop3A_618, %parallel_loop3A_621, %parallel_loop3A_622 : vector<16xi1>, vector<16xi32>
        %parallel_loop3A_624 = arith.constant 0 : i32
        %parallel_loop3A_625 = vector.broadcast %parallel_loop3A_624 : i32 to vector<16xi32>
        %parallel_loop3A_626 = arith.select %parallel_loop3A_613, %parallel_loop3A_623, %parallel_loop3A_625 : vector<16xi1>, vector<16xi32>
        %parallel_loop3A_627 = arith.constant 32 : i32
        %parallel_loop3A_628 = arith.addi %parallel_loop3A_569, %parallel_loop3A_627 : i32
        %parallel_loop3A_629 = tpu.assume_multiple %parallel_loop3A_628, 16 : i32
        %parallel_loop3A_630 = arith.index_cast %scan3A_564 : i32 to index
        %parallel_loop3A_631 = arith.index_cast %parallel_loop3A_629 : i32 to index
        %parallel_loop3A_632 = tpu.vector_load %arg5[%parallel_loop3A_630, %parallel_loop3A_631] {strides = array<i32>} : memref<32x512xf32, #tpu.memory_space<vmem>>, vector<1x16xf32>,
        %parallel_loop3A_633 = vector.shape_cast %parallel_loop3A_632 : vector<1x16xf32> to vector<16xf32>
        %parallel_loop3A_634 = arith.index_cast %scan3A_564 : i32 to index
        %parallel_loop3A_635 = arith.index_cast %parallel_loop3A_629 : i32 to index
        %parallel_loop3A_636 = tpu.vector_load %arg7[%parallel_loop3A_634, %parallel_loop3A_635] {strides = array<i32>} : memref<32x512xf32, #tpu.memory_space<vmem>>, vector<1x16xf32>,
        %parallel_loop3A_637 = vector.shape_cast %parallel_loop3A_636 : vector<1x16xf32> to vector<16xf32>
        %parallel_loop3A_638 = arith.minimumf %parallel_loop3A_637, %parallel_loop3A_633 : vector<16xf32>
        %parallel_loop3A_639 = arith.constant 0.000000e+00 : f32
        %parallel_loop3A_640 = vector.broadcast %parallel_loop3A_639 : f32 to vector<16xf32>
        %parallel_loop3A_641 = arith.cmpf ogt, %parallel_loop3A_638, %parallel_loop3A_640 : vector<16xf32>
        %parallel_loop3A_642 = arith.subf %parallel_loop3A_637, %parallel_loop3A_633 : vector<16xf32>
        %parallel_loop3A_643 = math.absf %parallel_loop3A_642 : vector<16xf32>
        %parallel_loop3A_644 = arith.constant 3.000000e+00 : f32
        %parallel_loop3A_645 = vector.broadcast %parallel_loop3A_644 : f32 to vector<16xf32>
        %parallel_loop3A_646 = arith.cmpf ogt, %parallel_loop3A_643, %parallel_loop3A_645 : vector<16xf32>
        %parallel_loop3A_647 = arith.constant 65537 : i32
        %parallel_loop3A_648 = arith.constant 1 : i32
        %parallel_loop3A_649 = vector.broadcast %parallel_loop3A_647 : i32 to vector<16xi32>
        %parallel_loop3A_650 = vector.broadcast %parallel_loop3A_648 : i32 to vector<16xi32>
        %parallel_loop3A_651 = arith.select %parallel_loop3A_646, %parallel_loop3A_649, %parallel_loop3A_650 : vector<16xi1>, vector<16xi32>
        %parallel_loop3A_652 = arith.constant 0 : i32
        %parallel_loop3A_653 = vector.broadcast %parallel_loop3A_652 : i32 to vector<16xi32>
        %parallel_loop3A_654 = arith.select %parallel_loop3A_641, %parallel_loop3A_651, %parallel_loop3A_653 : vector<16xi1>, vector<16xi32>
        %parallel_loop3A_655 = arith.constant 48 : i32
        %parallel_loop3A_656 = arith.addi %parallel_loop3A_569, %parallel_loop3A_655 : i32
        %parallel_loop3A_657 = tpu.assume_multiple %parallel_loop3A_656, 16 : i32
        %parallel_loop3A_658 = arith.index_cast %scan3A_564 : i32 to index
        %parallel_loop3A_659 = arith.index_cast %parallel_loop3A_657 : i32 to index
        %parallel_loop3A_660 = tpu.vector_load %arg5[%parallel_loop3A_658, %parallel_loop3A_659] {strides = array<i32>} : memref<32x512xf32, #tpu.memory_space<vmem>>, vector<1x16xf32>,
        %parallel_loop3A_661 = vector.shape_cast %parallel_loop3A_660 : vector<1x16xf32> to vector<16xf32>
        %parallel_loop3A_662 = arith.index_cast %scan3A_564 : i32 to index
        %parallel_loop3A_663 = arith.index_cast %parallel_loop3A_657 : i32 to index
        %parallel_loop3A_664 = tpu.vector_load %arg7[%parallel_loop3A_662, %parallel_loop3A_663] {strides = array<i32>} : memref<32x512xf32, #tpu.memory_space<vmem>>, vector<1x16xf32>,
        %parallel_loop3A_665 = vector.shape_cast %parallel_loop3A_664 : vector<1x16xf32> to vector<16xf32>
        %parallel_loop3A_666 = arith.minimumf %parallel_loop3A_665, %parallel_loop3A_661 : vector<16xf32>
        %parallel_loop3A_667 = arith.constant 0.000000e+00 : f32
        %parallel_loop3A_668 = vector.broadcast %parallel_loop3A_667 : f32 to vector<16xf32>
        %parallel_loop3A_669 = arith.cmpf ogt, %parallel_loop3A_666, %parallel_loop3A_668 : vector<16xf32>
        %parallel_loop3A_670 = arith.subf %parallel_loop3A_665, %parallel_loop3A_661 : vector<16xf32>
        %parallel_loop3A_671 = math.absf %parallel_loop3A_670 : vector<16xf32>
        %parallel_loop3A_672 = arith.constant 3.000000e+00 : f32
        %parallel_loop3A_673 = vector.broadcast %parallel_loop3A_672 : f32 to vector<16xf32>
        %parallel_loop3A_674 = arith.cmpf ogt, %parallel_loop3A_671, %parallel_loop3A_673 : vector<16xf32>
        %parallel_loop3A_675 = arith.constant 65537 : i32
        %parallel_loop3A_676 = arith.constant 1 : i32
        %parallel_loop3A_677 = vector.broadcast %parallel_loop3A_675 : i32 to vector<16xi32>
        %parallel_loop3A_678 = vector.broadcast %parallel_loop3A_676 : i32 to vector<16xi32>
        %parallel_loop3A_679 = arith.select %parallel_loop3A_674, %parallel_loop3A_677, %parallel_loop3A_678 : vector<16xi1>, vector<16xi32>
        %parallel_loop3A_680 = arith.constant 0 : i32
        %parallel_loop3A_681 = vector.broadcast %parallel_loop3A_680 : i32 to vector<16xi32>
        %parallel_loop3A_682 = arith.select %parallel_loop3A_669, %parallel_loop3A_679, %parallel_loop3A_681 : vector<16xi1>, vector<16xi32>
        %parallel_loop3A_683 = arith.constant 64 : i32
        %parallel_loop3A_684 = arith.addi %parallel_loop3A_569, %parallel_loop3A_683 : i32
        %parallel_loop3A_685 = tpu.assume_multiple %parallel_loop3A_684, 16 : i32
        %parallel_loop3A_686 = arith.index_cast %scan3A_564 : i32 to index
        %parallel_loop3A_687 = arith.index_cast %parallel_loop3A_685 : i32 to index
        %parallel_loop3A_688 = tpu.vector_load %arg5[%parallel_loop3A_686, %parallel_loop3A_687] {strides = array<i32>} : memref<32x512xf32, #tpu.memory_space<vmem>>, vector<1x16xf32>,
        %parallel_loop3A_689 = vector.shape_cast %parallel_loop3A_688 : vector<1x16xf32> to vector<16xf32>
        %parallel_loop3A_690 = arith.index_cast %scan3A_564 : i32 to index
        %parallel_loop3A_691 = arith.index_cast %parallel_loop3A_685 : i32 to index
        %parallel_loop3A_692 = tpu.vector_load %arg7[%parallel_loop3A_690, %parallel_loop3A_691] {strides = array<i32>} : memref<32x512xf32, #tpu.memory_space<vmem>>, vector<1x16xf32>,
        %parallel_loop3A_693 = vector.shape_cast %parallel_loop3A_692 : vector<1x16xf32> to vector<16xf32>
        %parallel_loop3A_694 = arith.minimumf %parallel_loop3A_693, %parallel_loop3A_689 : vector<16xf32>
        %parallel_loop3A_695 = arith.constant 0.000000e+00 : f32
        %parallel_loop3A_696 = vector.broadcast %parallel_loop3A_695 : f32 to vector<16xf32>
        %parallel_loop3A_697 = arith.cmpf ogt, %parallel_loop3A_694, %parallel_loop3A_696 : vector<16xf32>
        %parallel_loop3A_698 = arith.subf %parallel_loop3A_693, %parallel_loop3A_689 : vector<16xf32>
        %parallel_loop3A_699 = math.absf %parallel_loop3A_698 : vector<16xf32>
        %parallel_loop3A_700 = arith.constant 3.000000e+00 : f32
        %parallel_loop3A_701 = vector.broadcast %parallel_loop3A_700 : f32 to vector<16xf32>
        %parallel_loop3A_702 = arith.cmpf ogt, %parallel_loop3A_699, %parallel_loop3A_701 : vector<16xf32>
        %parallel_loop3A_703 = arith.constant 65537 : i32
        %parallel_loop3A_704 = arith.constant 1 : i32
        %parallel_loop3A_705 = vector.broadcast %parallel_loop3A_703 : i32 to vector<16xi32>
        %parallel_loop3A_706 = vector.broadcast %parallel_loop3A_704 : i32 to vector<16xi32>
        %parallel_loop3A_707 = arith.select %parallel_loop3A_702, %parallel_loop3A_705, %parallel_loop3A_706 : vector<16xi1>, vector<16xi32>
        %parallel_loop3A_708 = arith.constant 0 : i32
        %parallel_loop3A_709 = vector.broadcast %parallel_loop3A_708 : i32 to vector<16xi32>
        %parallel_loop3A_710 = arith.select %parallel_loop3A_697, %parallel_loop3A_707, %parallel_loop3A_709 : vector<16xi1>, vector<16xi32>
        %parallel_loop3A_711 = arith.constant 80 : i32
        %parallel_loop3A_712 = arith.addi %parallel_loop3A_569, %parallel_loop3A_711 : i32
        %parallel_loop3A_713 = tpu.assume_multiple %parallel_loop3A_712, 16 : i32
        %parallel_loop3A_714 = arith.index_cast %scan3A_564 : i32 to index
        %parallel_loop3A_715 = arith.index_cast %parallel_loop3A_713 : i32 to index
        %parallel_loop3A_716 = tpu.vector_load %arg5[%parallel_loop3A_714, %parallel_loop3A_715] {strides = array<i32>} : memref<32x512xf32, #tpu.memory_space<vmem>>, vector<1x16xf32>,
        %parallel_loop3A_717 = vector.shape_cast %parallel_loop3A_716 : vector<1x16xf32> to vector<16xf32>
        %parallel_loop3A_718 = arith.index_cast %scan3A_564 : i32 to index
        %parallel_loop3A_719 = arith.index_cast %parallel_loop3A_713 : i32 to index
        %parallel_loop3A_720 = tpu.vector_load %arg7[%parallel_loop3A_718, %parallel_loop3A_719] {strides = array<i32>} : memref<32x512xf32, #tpu.memory_space<vmem>>, vector<1x16xf32>,
        %parallel_loop3A_721 = vector.shape_cast %parallel_loop3A_720 : vector<1x16xf32> to vector<16xf32>
        %parallel_loop3A_722 = arith.minimumf %parallel_loop3A_721, %parallel_loop3A_717 : vector<16xf32>
        %parallel_loop3A_723 = arith.constant 0.000000e+00 : f32
        %parallel_loop3A_724 = vector.broadcast %parallel_loop3A_723 : f32 to vector<16xf32>
        %parallel_loop3A_725 = arith.cmpf ogt, %parallel_loop3A_722, %parallel_loop3A_724 : vector<16xf32>
        %parallel_loop3A_726 = arith.subf %parallel_loop3A_721, %parallel_loop3A_717 : vector<16xf32>
        %parallel_loop3A_727 = math.absf %parallel_loop3A_726 : vector<16xf32>
        %parallel_loop3A_728 = arith.constant 3.000000e+00 : f32
        %parallel_loop3A_729 = vector.broadcast %parallel_loop3A_728 : f32 to vector<16xf32>
        %parallel_loop3A_730 = arith.cmpf ogt, %parallel_loop3A_727, %parallel_loop3A_729 : vector<16xf32>
        %parallel_loop3A_731 = arith.constant 65537 : i32
        %parallel_loop3A_732 = arith.constant 1 : i32
        %parallel_loop3A_733 = vector.broadcast %parallel_loop3A_731 : i32 to vector<16xi32>
        %parallel_loop3A_734 = vector.broadcast %parallel_loop3A_732 : i32 to vector<16xi32>
        %parallel_loop3A_735 = arith.select %parallel_loop3A_730, %parallel_loop3A_733, %parallel_loop3A_734 : vector<16xi1>, vector<16xi32>
        %parallel_loop3A_736 = arith.constant 0 : i32
        %parallel_loop3A_737 = vector.broadcast %parallel_loop3A_736 : i32 to vector<16xi32>
        %parallel_loop3A_738 = arith.select %parallel_loop3A_725, %parallel_loop3A_735, %parallel_loop3A_737 : vector<16xi1>, vector<16xi32>
        %parallel_loop3A_739 = arith.constant 96 : i32
        %parallel_loop3A_740 = arith.addi %parallel_loop3A_569, %parallel_loop3A_739 : i32
        %parallel_loop3A_741 = tpu.assume_multiple %parallel_loop3A_740, 16 : i32
        %parallel_loop3A_742 = arith.index_cast %scan3A_564 : i32 to index
        %parallel_loop3A_743 = arith.index_cast %parallel_loop3A_741 : i32 to index
        %parallel_loop3A_744 = tpu.vector_load %arg5[%parallel_loop3A_742, %parallel_loop3A_743] {strides = array<i32>} : memref<32x512xf32, #tpu.memory_space<vmem>>, vector<1x16xf32>,
        %parallel_loop3A_745 = vector.shape_cast %parallel_loop3A_744 : vector<1x16xf32> to vector<16xf32>
        %parallel_loop3A_746 = arith.index_cast %scan3A_564 : i32 to index
        %parallel_loop3A_747 = arith.index_cast %parallel_loop3A_741 : i32 to index
        %parallel_loop3A_748 = tpu.vector_load %arg7[%parallel_loop3A_746, %parallel_loop3A_747] {strides = array<i32>} : memref<32x512xf32, #tpu.memory_space<vmem>>, vector<1x16xf32>,
        %parallel_loop3A_749 = vector.shape_cast %parallel_loop3A_748 : vector<1x16xf32> to vector<16xf32>
        %parallel_loop3A_750 = arith.minimumf %parallel_loop3A_749, %parallel_loop3A_745 : vector<16xf32>
        %parallel_loop3A_751 = arith.constant 0.000000e+00 : f32
        %parallel_loop3A_752 = vector.broadcast %parallel_loop3A_751 : f32 to vector<16xf32>
        %parallel_loop3A_753 = arith.cmpf ogt, %parallel_loop3A_750, %parallel_loop3A_752 : vector<16xf32>
        %parallel_loop3A_754 = arith.subf %parallel_loop3A_749, %parallel_loop3A_745 : vector<16xf32>
        %parallel_loop3A_755 = math.absf %parallel_loop3A_754 : vector<16xf32>
        %parallel_loop3A_756 = arith.constant 3.000000e+00 : f32
        %parallel_loop3A_757 = vector.broadcast %parallel_loop3A_756 : f32 to vector<16xf32>
        %parallel_loop3A_758 = arith.cmpf ogt, %parallel_loop3A_755, %parallel_loop3A_757 : vector<16xf32>
        %parallel_loop3A_759 = arith.constant 65537 : i32
        %parallel_loop3A_760 = arith.constant 1 : i32
        %parallel_loop3A_761 = vector.broadcast %parallel_loop3A_759 : i32 to vector<16xi32>
        %parallel_loop3A_762 = vector.broadcast %parallel_loop3A_760 : i32 to vector<16xi32>
        %parallel_loop3A_763 = arith.select %parallel_loop3A_758, %parallel_loop3A_761, %parallel_loop3A_762 : vector<16xi1>, vector<16xi32>
        %parallel_loop3A_764 = arith.constant 0 : i32
        %parallel_loop3A_765 = vector.broadcast %parallel_loop3A_764 : i32 to vector<16xi32>
        %parallel_loop3A_766 = arith.select %parallel_loop3A_753, %parallel_loop3A_763, %parallel_loop3A_765 : vector<16xi1>, vector<16xi32>
        %parallel_loop3A_767 = arith.constant 112 : i32
        %parallel_loop3A_768 = arith.addi %parallel_loop3A_569, %parallel_loop3A_767 : i32
        %parallel_loop3A_769 = tpu.assume_multiple %parallel_loop3A_768, 16 : i32
        %parallel_loop3A_770 = arith.index_cast %scan3A_564 : i32 to index
        %parallel_loop3A_771 = arith.index_cast %parallel_loop3A_769 : i32 to index
        %parallel_loop3A_772 = tpu.vector_load %arg5[%parallel_loop3A_770, %parallel_loop3A_771] {strides = array<i32>} : memref<32x512xf32, #tpu.memory_space<vmem>>, vector<1x16xf32>,
        %parallel_loop3A_773 = vector.shape_cast %parallel_loop3A_772 : vector<1x16xf32> to vector<16xf32>
        %parallel_loop3A_774 = arith.index_cast %scan3A_564 : i32 to index
        %parallel_loop3A_775 = arith.index_cast %parallel_loop3A_769 : i32 to index
        %parallel_loop3A_776 = tpu.vector_load %arg7[%parallel_loop3A_774, %parallel_loop3A_775] {strides = array<i32>} : memref<32x512xf32, #tpu.memory_space<vmem>>, vector<1x16xf32>,
        %parallel_loop3A_777 = vector.shape_cast %parallel_loop3A_776 : vector<1x16xf32> to vector<16xf32>
        %parallel_loop3A_778 = arith.minimumf %parallel_loop3A_777, %parallel_loop3A_773 : vector<16xf32>
        %parallel_loop3A_779 = arith.constant 0.000000e+00 : f32
        %parallel_loop3A_780 = vector.broadcast %parallel_loop3A_779 : f32 to vector<16xf32>
        %parallel_loop3A_781 = arith.cmpf ogt, %parallel_loop3A_778, %parallel_loop3A_780 : vector<16xf32>
        %parallel_loop3A_782 = arith.subf %parallel_loop3A_777, %parallel_loop3A_773 : vector<16xf32>
        %parallel_loop3A_783 = math.absf %parallel_loop3A_782 : vector<16xf32>
        %parallel_loop3A_784 = arith.constant 3.000000e+00 : f32
        %parallel_loop3A_785 = vector.broadcast %parallel_loop3A_784 : f32 to vector<16xf32>
        %parallel_loop3A_786 = arith.cmpf ogt, %parallel_loop3A_783, %parallel_loop3A_785 : vector<16xf32>
        %parallel_loop3A_787 = arith.constant 65537 : i32
        %parallel_loop3A_788 = arith.constant 1 : i32
        %parallel_loop3A_789 = vector.broadcast %parallel_loop3A_787 : i32 to vector<16xi32>
        %parallel_loop3A_790 = vector.broadcast %parallel_loop3A_788 : i32 to vector<16xi32>
        %parallel_loop3A_791 = arith.select %parallel_loop3A_786, %parallel_loop3A_789, %parallel_loop3A_790 : vector<16xi1>, vector<16xi32>
        %parallel_loop3A_792 = arith.constant 0 : i32
        %parallel_loop3A_793 = vector.broadcast %parallel_loop3A_792 : i32 to vector<16xi32>
        %parallel_loop3A_794 = arith.select %parallel_loop3A_781, %parallel_loop3A_791, %parallel_loop3A_793 : vector<16xi1>, vector<16xi32>
        %parallel_loop3A_795 = arith.addi %parallel_loop3A_598, %parallel_loop3A_626 : vector<16xi32>
        %parallel_loop3A_796 = arith.addi %parallel_loop3A_654, %parallel_loop3A_682 : vector<16xi32>
        %parallel_loop3A_797 = arith.addi %parallel_loop3A_710, %parallel_loop3A_738 : vector<16xi32>
        %parallel_loop3A_798 = arith.addi %parallel_loop3A_766, %parallel_loop3A_794 : vector<16xi32>
        %parallel_loop3A_799 = arith.addi %parallel_loop3A_795, %parallel_loop3A_796 : vector<16xi32>
        %parallel_loop3A_800 = arith.addi %parallel_loop3A_797, %parallel_loop3A_798 : vector<16xi32>
        %parallel_loop3A_801 = arith.addi %parallel_loop3A_799, %parallel_loop3A_800 : vector<16xi32>
        %parallel_loop3A_802 = arith.addi %parallel_loop3A_570, %parallel_loop3A_801 : vector<16xi32>
        scf.yield %parallel_loop3A_802 : vector<16xi32>
      } {sc.loop_unroll_factor = 2 : i64, sc.parallel_access}
      scf.yield %parallel_loop3A_568 : vector<16xi32>
    }
    %scan3A_386 = arith.constant 32 : i32
    %add3A_387 = arith.constant 128 : i32
    %add3A_388 = arith.addi %mul3A_2, %add3A_387 : i32
    %jit3A_389 = arith.constant 512 : i32
    %div3A_390 = arith.divsi %add3A_388, %jit3A_389 : i32
    %sign3A_391 = arith.constant 0 : i32
    %sign3A_392 = arith.cmpi sgt, %add3A_388, %sign3A_391 : i32
    %sign3A_393 = arith.extui %sign3A_392 : i1 to i32
    %sign3A_394 = arith.constant 0 : i32
    %sign3A_395 = arith.cmpi slt, %add3A_388, %sign3A_394 : i32
    %sign3A_396 = arith.extui %sign3A_395 : i1 to i32
    %sign3A_397 = arith.subi %sign3A_393, %sign3A_396 : i32
    %sign3A_398 = arith.constant 0 : i32
    %sign3A_399 = arith.cmpi sgt, %jit3A_389, %sign3A_398 : i32
    %sign3A_400 = arith.extui %sign3A_399 : i1 to i32
    %sign3A_401 = arith.constant 0 : i32
    %sign3A_402 = arith.cmpi slt, %jit3A_389, %sign3A_401 : i32
    %sign3A_403 = arith.extui %sign3A_402 : i1 to i32
    %sign3A_404 = arith.subi %sign3A_400, %sign3A_403 : i32
    %ne3A_405 = arith.cmpi ne, %sign3A_397, %sign3A_404 : i32
    %rem3A_406 = arith.remsi %add3A_388, %jit3A_389 : i32
    %ne3A_407 = arith.constant 0 : i32
    %ne3A_408 = arith.cmpi ne, %rem3A_406, %ne3A_407 : i32
    %and3A_409 = arith.andi %ne3A_405, %ne3A_408 : i1
    %sub3A_410 = arith.constant 1 : i32
    %sub3A_411 = arith.subi %div3A_390, %sub3A_410 : i32
    %select_n3A_412 = arith.select %and3A_409, %sub3A_411, %div3A_390 : i32
    %jit3A_413 = arith.constant 512 : i32
    %eq3A_414 = arith.constant 0 : i32
    %eq3A_415 = arith.cmpi eq, %jit3A_413, %eq3A_414 : i32
    %jit3A_416 = arith.constant 1 : i32
    %select_n3A_417 = arith.select %eq3A_415, %jit3A_416, %jit3A_413 : i32
    %rem3A_418 = arith.remsi %add3A_388, %select_n3A_417 : i32
    %ne3A_419 = arith.constant 0 : i32
    %ne3A_420 = arith.cmpi ne, %rem3A_418, %ne3A_419 : i32
    %lt3A_421 = arith.constant 0 : i32
    %lt3A_422 = arith.cmpi slt, %rem3A_418, %lt3A_421 : i32
    %lt3A_423 = arith.constant 0 : i32
    %lt3A_424 = arith.cmpi slt, %select_n3A_417, %lt3A_423 : i32
    %ne3A_425 = arith.xori %lt3A_422, %lt3A_424 : i1
    %and3A_426 = arith.andi %ne3A_425, %ne3A_420 : i1
    %add3A_427 = arith.addi %rem3A_418, %select_n3A_417 : i32
    %select_n3A_428 = arith.select %and3A_426, %add3A_427, %rem3A_418 : i32
    %dma_start3A_429 = arith.constant 0 : i32
    %dma_start3A_430 = tpu.memref_slice %arg2[%select_n3A_412, %select_n3A_428, %dma_start3A_429] : memref<32x512x512xf32, #tpu.memory_space<hbm>> -> memref<1x32x512xf32, #tpu.memory_space<hbm>>
    %dma_start3A_431 = tpu.memref_squeeze %dma_start3A_430 : memref<1x32x512xf32, #tpu.memory_space<hbm>> -> memref<32x512xf32, #tpu.memory_space<hbm>>
    %dma_start3A_432 = arith.constant 0 : i32
    %dma_start3A_433 = tpu.memref_slice %arg2[%select_n3A_412, %select_n3A_428, %dma_start3A_432] : memref<32x512x512xf32, #tpu.memory_space<hbm>> -> memref<1x32x512xf32, #tpu.memory_space<hbm>>
    %dma_start3A_434 = tpu.memref_squeeze %dma_start3A_433 : memref<1x32x512xf32, #tpu.memory_space<hbm>> -> memref<32x512xf32, #tpu.memory_space<hbm>>
    tpu.enqueue_dma source(%dma_start3A_434 : memref<32x512xf32, #tpu.memory_space<hbm>>) target(%arg5 : memref<32x512xf32, #tpu.memory_space<vmem>>) target_semaphore(%arg10 : memref<!tpu.dma_semaphore, #tpu.memory_space<semaphore_mem>>)
    %dma_start3A_435 = arith.constant 0 : i32
    %dma_start3A_436 = tpu.memref_slice %arg3[%select_n3A_412, %select_n3A_428, %dma_start3A_435] : memref<32x512x512xf32, #tpu.memory_space<hbm>> -> memref<1x32x512xf32, #tpu.memory_space<hbm>>
    %dma_start3A_437 = tpu.memref_squeeze %dma_start3A_436 : memref<1x32x512xf32, #tpu.memory_space<hbm>> -> memref<32x512xf32, #tpu.memory_space<hbm>>
    %dma_start3A_438 = arith.constant 0 : i32
    %dma_start3A_439 = tpu.memref_slice %arg3[%select_n3A_412, %select_n3A_428, %dma_start3A_438] : memref<32x512x512xf32, #tpu.memory_space<hbm>> -> memref<1x32x512xf32, #tpu.memory_space<hbm>>
    %dma_start3A_440 = tpu.memref_squeeze %dma_start3A_439 : memref<1x32x512xf32, #tpu.memory_space<hbm>> -> memref<32x512xf32, #tpu.memory_space<hbm>>
    tpu.enqueue_dma source(%dma_start3A_440 : memref<32x512xf32, #tpu.memory_space<hbm>>) target(%arg7 : memref<32x512xf32, #tpu.memory_space<vmem>>) target_semaphore(%arg12 : memref<!tpu.dma_semaphore, #tpu.memory_space<semaphore_mem>>)
    %add3A_441 = arith.constant 96 : i32
    %add3A_442 = arith.addi %mul3A_2, %add3A_441 : i32
    %jit3A_443 = arith.constant 512 : i32
    %div3A_444 = arith.divsi %add3A_442, %jit3A_443 : i32
    %sign3A_445 = arith.constant 0 : i32
    %sign3A_446 = arith.cmpi sgt, %add3A_442, %sign3A_445 : i32
    %sign3A_447 = arith.extui %sign3A_446 : i1 to i32
    %sign3A_448 = arith.constant 0 : i32
    %sign3A_449 = arith.cmpi slt, %add3A_442, %sign3A_448 : i32
    %sign3A_450 = arith.extui %sign3A_449 : i1 to i32
    %sign3A_451 = arith.subi %sign3A_447, %sign3A_450 : i32
    %sign3A_452 = arith.constant 0 : i32
    %sign3A_453 = arith.cmpi sgt, %jit3A_443, %sign3A_452 : i32
    %sign3A_454 = arith.extui %sign3A_453 : i1 to i32
    %sign3A_455 = arith.constant 0 : i32
    %sign3A_456 = arith.cmpi slt, %jit3A_443, %sign3A_455 : i32
    %sign3A_457 = arith.extui %sign3A_456 : i1 to i32
    %sign3A_458 = arith.subi %sign3A_454, %sign3A_457 : i32
    %ne3A_459 = arith.cmpi ne, %sign3A_451, %sign3A_458 : i32
    %rem3A_460 = arith.remsi %add3A_442, %jit3A_443 : i32
    %ne3A_461 = arith.constant 0 : i32
    %ne3A_462 = arith.cmpi ne, %rem3A_460, %ne3A_461 : i32
    %and3A_463 = arith.andi %ne3A_459, %ne3A_462 : i1
    %sub3A_464 = arith.constant 1 : i32
    %sub3A_465 = arith.subi %div3A_444, %sub3A_464 : i32
    %select_n3A_466 = arith.select %and3A_463, %sub3A_465, %div3A_444 : i32
    %jit3A_467 = arith.constant 512 : i32
    %eq3A_468 = arith.constant 0 : i32
    %eq3A_469 = arith.cmpi eq, %jit3A_467, %eq3A_468 : i32
    %jit3A_470 = arith.constant 1 : i32
    %select_n3A_471 = arith.select %eq3A_469, %jit3A_470, %jit3A_467 : i32
    %rem3A_472 = arith.remsi %add3A_442, %select_n3A_471 : i32
    %ne3A_473 = arith.constant 0 : i32
    %ne3A_474 = arith.cmpi ne, %rem3A_472, %ne3A_473 : i32
    %lt3A_475 = arith.constant 0 : i32
    %lt3A_476 = arith.cmpi slt, %rem3A_472, %lt3A_475 : i32
    %lt3A_477 = arith.constant 0 : i32
    %lt3A_478 = arith.cmpi slt, %select_n3A_471, %lt3A_477 : i32
    %ne3A_479 = arith.xori %lt3A_476, %lt3A_478 : i1
    %and3A_480 = arith.andi %ne3A_479, %ne3A_474 : i1
    %add3A_481 = arith.addi %rem3A_472, %select_n3A_471 : i32
    %select_n3A_482 = arith.select %and3A_480, %add3A_481, %rem3A_472 : i32
    %dma_wait3A_483 = arith.constant 0 : i32
    %dma_wait3A_484 = tpu.memref_slice %arg2[%select_n3A_466, %select_n3A_482, %dma_wait3A_483] : memref<32x512x512xf32, #tpu.memory_space<hbm>> -> memref<1x32x512xf32, #tpu.memory_space<hbm>>
    %dma_wait3A_485 = tpu.memref_squeeze %dma_wait3A_484 : memref<1x32x512xf32, #tpu.memory_space<hbm>> -> memref<32x512xf32, #tpu.memory_space<hbm>>
    %dma_wait3A_486 = arith.constant 0 : i32
    %dma_wait3A_487 = tpu.memref_slice %arg2[%select_n3A_466, %select_n3A_482, %dma_wait3A_486] : memref<32x512x512xf32, #tpu.memory_space<hbm>> -> memref<1x32x512xf32, #tpu.memory_space<hbm>>
    %dma_wait3A_488 = tpu.memref_squeeze %dma_wait3A_487 : memref<1x32x512xf32, #tpu.memory_space<hbm>> -> memref<32x512xf32, #tpu.memory_space<hbm>>
    tpu.wait_dma2 semaphore(%arg11 : memref<!tpu.dma_semaphore, #tpu.memory_space<semaphore_mem>>) src(%dma_wait3A_488 : memref<32x512xf32, #tpu.memory_space<hbm>>) dst(%arg6 : memref<32x512xf32, #tpu.memory_space<vmem>>)
    %dma_wait3A_489 = arith.constant 0 : i32
    %dma_wait3A_490 = tpu.memref_slice %arg3[%select_n3A_466, %select_n3A_482, %dma_wait3A_489] : memref<32x512x512xf32, #tpu.memory_space<hbm>> -> memref<1x32x512xf32, #tpu.memory_space<hbm>>
    %dma_wait3A_491 = tpu.memref_squeeze %dma_wait3A_490 : memref<1x32x512xf32, #tpu.memory_space<hbm>> -> memref<32x512xf32, #tpu.memory_space<hbm>>
    %dma_wait3A_492 = arith.constant 0 : i32
    %dma_wait3A_493 = tpu.memref_slice %arg3[%select_n3A_466, %select_n3A_482, %dma_wait3A_492] : memref<32x512x512xf32, #tpu.memory_space<hbm>> -> memref<1x32x512xf32, #tpu.memory_space<hbm>>
    %dma_wait3A_494 = tpu.memref_squeeze %dma_wait3A_493 : memref<1x32x512xf32, #tpu.memory_space<hbm>> -> memref<32x512xf32, #tpu.memory_space<hbm>>
    tpu.wait_dma2 semaphore(%arg13 : memref<!tpu.dma_semaphore, #tpu.memory_space<semaphore_mem>>) src(%dma_wait3A_494 : memref<32x512xf32, #tpu.memory_space<hbm>>) dst(%arg8 : memref<32x512xf32, #tpu.memory_space<vmem>>)
    %scan3A_495 = arith.constant 0 : i32
    %scan3A_496 = arith.constant 32 : i32
    %scan3A_497 = arith.addi %scan3A_495, %scan3A_496 : i32
    %scan3A_498 = arith.constant 1 : i32
    %scan3A_499 = scf.for %scan3A_564 = %scan3A_495 to %scan3A_497 step %scan3A_498 iter_args(%scan3A_565 = %scan3A_385) -> (vector<16xi32>)  : i32 {
      %parallel_loop3A = arith.constant 0 : i32
      %parallel_loop3A_566 = arith.constant 512 : i32
      %parallel_loop3A_567 = arith.constant 128 : i32
      %parallel_loop3A_568 = scf.for %parallel_loop3A_569 = %parallel_loop3A to %parallel_loop3A_566 step %parallel_loop3A_567 iter_args(%parallel_loop3A_570 = %scan3A_565) -> (vector<16xi32>)  : i32 {
        %parallel_loop3A_571 = arith.constant 0 : i32
        %parallel_loop3A_572 = arith.addi %parallel_loop3A_569, %parallel_loop3A_571 : i32
        %parallel_loop3A_573 = tpu.assume_multiple %parallel_loop3A_572, 16 : i32
        %parallel_loop3A_574 = arith.index_cast %scan3A_564 : i32 to index
        %parallel_loop3A_575 = arith.index_cast %parallel_loop3A_573 : i32 to index
        %parallel_loop3A_576 = tpu.vector_load %arg6[%parallel_loop3A_574, %parallel_loop3A_575] {strides = array<i32>} : memref<32x512xf32, #tpu.memory_space<vmem>>, vector<1x16xf32>,
        %parallel_loop3A_577 = vector.shape_cast %parallel_loop3A_576 : vector<1x16xf32> to vector<16xf32>
        %parallel_loop3A_578 = arith.index_cast %scan3A_564 : i32 to index
        %parallel_loop3A_579 = arith.index_cast %parallel_loop3A_573 : i32 to index
        %parallel_loop3A_580 = tpu.vector_load %arg8[%parallel_loop3A_578, %parallel_loop3A_579] {strides = array<i32>} : memref<32x512xf32, #tpu.memory_space<vmem>>, vector<1x16xf32>,
        %parallel_loop3A_581 = vector.shape_cast %parallel_loop3A_580 : vector<1x16xf32> to vector<16xf32>
        %parallel_loop3A_582 = arith.minimumf %parallel_loop3A_581, %parallel_loop3A_577 : vector<16xf32>
        %parallel_loop3A_583 = arith.constant 0.000000e+00 : f32
        %parallel_loop3A_584 = vector.broadcast %parallel_loop3A_583 : f32 to vector<16xf32>
        %parallel_loop3A_585 = arith.cmpf ogt, %parallel_loop3A_582, %parallel_loop3A_584 : vector<16xf32>
        %parallel_loop3A_586 = arith.subf %parallel_loop3A_581, %parallel_loop3A_577 : vector<16xf32>
        %parallel_loop3A_587 = math.absf %parallel_loop3A_586 : vector<16xf32>
        %parallel_loop3A_588 = arith.constant 3.000000e+00 : f32
        %parallel_loop3A_589 = vector.broadcast %parallel_loop3A_588 : f32 to vector<16xf32>
        %parallel_loop3A_590 = arith.cmpf ogt, %parallel_loop3A_587, %parallel_loop3A_589 : vector<16xf32>
        %parallel_loop3A_591 = arith.constant 65537 : i32
        %parallel_loop3A_592 = arith.constant 1 : i32
        %parallel_loop3A_593 = vector.broadcast %parallel_loop3A_591 : i32 to vector<16xi32>
        %parallel_loop3A_594 = vector.broadcast %parallel_loop3A_592 : i32 to vector<16xi32>
        %parallel_loop3A_595 = arith.select %parallel_loop3A_590, %parallel_loop3A_593, %parallel_loop3A_594 : vector<16xi1>, vector<16xi32>
        %parallel_loop3A_596 = arith.constant 0 : i32
        %parallel_loop3A_597 = vector.broadcast %parallel_loop3A_596 : i32 to vector<16xi32>
        %parallel_loop3A_598 = arith.select %parallel_loop3A_585, %parallel_loop3A_595, %parallel_loop3A_597 : vector<16xi1>, vector<16xi32>
        %parallel_loop3A_599 = arith.constant 16 : i32
        %parallel_loop3A_600 = arith.addi %parallel_loop3A_569, %parallel_loop3A_599 : i32
        %parallel_loop3A_601 = tpu.assume_multiple %parallel_loop3A_600, 16 : i32
        %parallel_loop3A_602 = arith.index_cast %scan3A_564 : i32 to index
        %parallel_loop3A_603 = arith.index_cast %parallel_loop3A_601 : i32 to index
        %parallel_loop3A_604 = tpu.vector_load %arg6[%parallel_loop3A_602, %parallel_loop3A_603] {strides = array<i32>} : memref<32x512xf32, #tpu.memory_space<vmem>>, vector<1x16xf32>,
        %parallel_loop3A_605 = vector.shape_cast %parallel_loop3A_604 : vector<1x16xf32> to vector<16xf32>
        %parallel_loop3A_606 = arith.index_cast %scan3A_564 : i32 to index
        %parallel_loop3A_607 = arith.index_cast %parallel_loop3A_601 : i32 to index
        %parallel_loop3A_608 = tpu.vector_load %arg8[%parallel_loop3A_606, %parallel_loop3A_607] {strides = array<i32>} : memref<32x512xf32, #tpu.memory_space<vmem>>, vector<1x16xf32>,
        %parallel_loop3A_609 = vector.shape_cast %parallel_loop3A_608 : vector<1x16xf32> to vector<16xf32>
        %parallel_loop3A_610 = arith.minimumf %parallel_loop3A_609, %parallel_loop3A_605 : vector<16xf32>
        %parallel_loop3A_611 = arith.constant 0.000000e+00 : f32
        %parallel_loop3A_612 = vector.broadcast %parallel_loop3A_611 : f32 to vector<16xf32>
        %parallel_loop3A_613 = arith.cmpf ogt, %parallel_loop3A_610, %parallel_loop3A_612 : vector<16xf32>
        %parallel_loop3A_614 = arith.subf %parallel_loop3A_609, %parallel_loop3A_605 : vector<16xf32>
        %parallel_loop3A_615 = math.absf %parallel_loop3A_614 : vector<16xf32>
        %parallel_loop3A_616 = arith.constant 3.000000e+00 : f32
        %parallel_loop3A_617 = vector.broadcast %parallel_loop3A_616 : f32 to vector<16xf32>
        %parallel_loop3A_618 = arith.cmpf ogt, %parallel_loop3A_615, %parallel_loop3A_617 : vector<16xf32>
        %parallel_loop3A_619 = arith.constant 65537 : i32
        %parallel_loop3A_620 = arith.constant 1 : i32
        %parallel_loop3A_621 = vector.broadcast %parallel_loop3A_619 : i32 to vector<16xi32>
        %parallel_loop3A_622 = vector.broadcast %parallel_loop3A_620 : i32 to vector<16xi32>
        %parallel_loop3A_623 = arith.select %parallel_loop3A_618, %parallel_loop3A_621, %parallel_loop3A_622 : vector<16xi1>, vector<16xi32>
        %parallel_loop3A_624 = arith.constant 0 : i32
        %parallel_loop3A_625 = vector.broadcast %parallel_loop3A_624 : i32 to vector<16xi32>
        %parallel_loop3A_626 = arith.select %parallel_loop3A_613, %parallel_loop3A_623, %parallel_loop3A_625 : vector<16xi1>, vector<16xi32>
        %parallel_loop3A_627 = arith.constant 32 : i32
        %parallel_loop3A_628 = arith.addi %parallel_loop3A_569, %parallel_loop3A_627 : i32
        %parallel_loop3A_629 = tpu.assume_multiple %parallel_loop3A_628, 16 : i32
        %parallel_loop3A_630 = arith.index_cast %scan3A_564 : i32 to index
        %parallel_loop3A_631 = arith.index_cast %parallel_loop3A_629 : i32 to index
        %parallel_loop3A_632 = tpu.vector_load %arg6[%parallel_loop3A_630, %parallel_loop3A_631] {strides = array<i32>} : memref<32x512xf32, #tpu.memory_space<vmem>>, vector<1x16xf32>,
        %parallel_loop3A_633 = vector.shape_cast %parallel_loop3A_632 : vector<1x16xf32> to vector<16xf32>
        %parallel_loop3A_634 = arith.index_cast %scan3A_564 : i32 to index
        %parallel_loop3A_635 = arith.index_cast %parallel_loop3A_629 : i32 to index
        %parallel_loop3A_636 = tpu.vector_load %arg8[%parallel_loop3A_634, %parallel_loop3A_635] {strides = array<i32>} : memref<32x512xf32, #tpu.memory_space<vmem>>, vector<1x16xf32>,
        %parallel_loop3A_637 = vector.shape_cast %parallel_loop3A_636 : vector<1x16xf32> to vector<16xf32>
        %parallel_loop3A_638 = arith.minimumf %parallel_loop3A_637, %parallel_loop3A_633 : vector<16xf32>
        %parallel_loop3A_639 = arith.constant 0.000000e+00 : f32
        %parallel_loop3A_640 = vector.broadcast %parallel_loop3A_639 : f32 to vector<16xf32>
        %parallel_loop3A_641 = arith.cmpf ogt, %parallel_loop3A_638, %parallel_loop3A_640 : vector<16xf32>
        %parallel_loop3A_642 = arith.subf %parallel_loop3A_637, %parallel_loop3A_633 : vector<16xf32>
        %parallel_loop3A_643 = math.absf %parallel_loop3A_642 : vector<16xf32>
        %parallel_loop3A_644 = arith.constant 3.000000e+00 : f32
        %parallel_loop3A_645 = vector.broadcast %parallel_loop3A_644 : f32 to vector<16xf32>
        %parallel_loop3A_646 = arith.cmpf ogt, %parallel_loop3A_643, %parallel_loop3A_645 : vector<16xf32>
        %parallel_loop3A_647 = arith.constant 65537 : i32
        %parallel_loop3A_648 = arith.constant 1 : i32
        %parallel_loop3A_649 = vector.broadcast %parallel_loop3A_647 : i32 to vector<16xi32>
        %parallel_loop3A_650 = vector.broadcast %parallel_loop3A_648 : i32 to vector<16xi32>
        %parallel_loop3A_651 = arith.select %parallel_loop3A_646, %parallel_loop3A_649, %parallel_loop3A_650 : vector<16xi1>, vector<16xi32>
        %parallel_loop3A_652 = arith.constant 0 : i32
        %parallel_loop3A_653 = vector.broadcast %parallel_loop3A_652 : i32 to vector<16xi32>
        %parallel_loop3A_654 = arith.select %parallel_loop3A_641, %parallel_loop3A_651, %parallel_loop3A_653 : vector<16xi1>, vector<16xi32>
        %parallel_loop3A_655 = arith.constant 48 : i32
        %parallel_loop3A_656 = arith.addi %parallel_loop3A_569, %parallel_loop3A_655 : i32
        %parallel_loop3A_657 = tpu.assume_multiple %parallel_loop3A_656, 16 : i32
        %parallel_loop3A_658 = arith.index_cast %scan3A_564 : i32 to index
        %parallel_loop3A_659 = arith.index_cast %parallel_loop3A_657 : i32 to index
        %parallel_loop3A_660 = tpu.vector_load %arg6[%parallel_loop3A_658, %parallel_loop3A_659] {strides = array<i32>} : memref<32x512xf32, #tpu.memory_space<vmem>>, vector<1x16xf32>,
        %parallel_loop3A_661 = vector.shape_cast %parallel_loop3A_660 : vector<1x16xf32> to vector<16xf32>
        %parallel_loop3A_662 = arith.index_cast %scan3A_564 : i32 to index
        %parallel_loop3A_663 = arith.index_cast %parallel_loop3A_657 : i32 to index
        %parallel_loop3A_664 = tpu.vector_load %arg8[%parallel_loop3A_662, %parallel_loop3A_663] {strides = array<i32>} : memref<32x512xf32, #tpu.memory_space<vmem>>, vector<1x16xf32>,
        %parallel_loop3A_665 = vector.shape_cast %parallel_loop3A_664 : vector<1x16xf32> to vector<16xf32>
        %parallel_loop3A_666 = arith.minimumf %parallel_loop3A_665, %parallel_loop3A_661 : vector<16xf32>
        %parallel_loop3A_667 = arith.constant 0.000000e+00 : f32
        %parallel_loop3A_668 = vector.broadcast %parallel_loop3A_667 : f32 to vector<16xf32>
        %parallel_loop3A_669 = arith.cmpf ogt, %parallel_loop3A_666, %parallel_loop3A_668 : vector<16xf32>
        %parallel_loop3A_670 = arith.subf %parallel_loop3A_665, %parallel_loop3A_661 : vector<16xf32>
        %parallel_loop3A_671 = math.absf %parallel_loop3A_670 : vector<16xf32>
        %parallel_loop3A_672 = arith.constant 3.000000e+00 : f32
        %parallel_loop3A_673 = vector.broadcast %parallel_loop3A_672 : f32 to vector<16xf32>
        %parallel_loop3A_674 = arith.cmpf ogt, %parallel_loop3A_671, %parallel_loop3A_673 : vector<16xf32>
        %parallel_loop3A_675 = arith.constant 65537 : i32
        %parallel_loop3A_676 = arith.constant 1 : i32
        %parallel_loop3A_677 = vector.broadcast %parallel_loop3A_675 : i32 to vector<16xi32>
        %parallel_loop3A_678 = vector.broadcast %parallel_loop3A_676 : i32 to vector<16xi32>
        %parallel_loop3A_679 = arith.select %parallel_loop3A_674, %parallel_loop3A_677, %parallel_loop3A_678 : vector<16xi1>, vector<16xi32>
        %parallel_loop3A_680 = arith.constant 0 : i32
        %parallel_loop3A_681 = vector.broadcast %parallel_loop3A_680 : i32 to vector<16xi32>
        %parallel_loop3A_682 = arith.select %parallel_loop3A_669, %parallel_loop3A_679, %parallel_loop3A_681 : vector<16xi1>, vector<16xi32>
        %parallel_loop3A_683 = arith.constant 64 : i32
        %parallel_loop3A_684 = arith.addi %parallel_loop3A_569, %parallel_loop3A_683 : i32
        %parallel_loop3A_685 = tpu.assume_multiple %parallel_loop3A_684, 16 : i32
        %parallel_loop3A_686 = arith.index_cast %scan3A_564 : i32 to index
        %parallel_loop3A_687 = arith.index_cast %parallel_loop3A_685 : i32 to index
        %parallel_loop3A_688 = tpu.vector_load %arg6[%parallel_loop3A_686, %parallel_loop3A_687] {strides = array<i32>} : memref<32x512xf32, #tpu.memory_space<vmem>>, vector<1x16xf32>,
        %parallel_loop3A_689 = vector.shape_cast %parallel_loop3A_688 : vector<1x16xf32> to vector<16xf32>
        %parallel_loop3A_690 = arith.index_cast %scan3A_564 : i32 to index
        %parallel_loop3A_691 = arith.index_cast %parallel_loop3A_685 : i32 to index
        %parallel_loop3A_692 = tpu.vector_load %arg8[%parallel_loop3A_690, %parallel_loop3A_691] {strides = array<i32>} : memref<32x512xf32, #tpu.memory_space<vmem>>, vector<1x16xf32>,
        %parallel_loop3A_693 = vector.shape_cast %parallel_loop3A_692 : vector<1x16xf32> to vector<16xf32>
        %parallel_loop3A_694 = arith.minimumf %parallel_loop3A_693, %parallel_loop3A_689 : vector<16xf32>
        %parallel_loop3A_695 = arith.constant 0.000000e+00 : f32
        %parallel_loop3A_696 = vector.broadcast %parallel_loop3A_695 : f32 to vector<16xf32>
        %parallel_loop3A_697 = arith.cmpf ogt, %parallel_loop3A_694, %parallel_loop3A_696 : vector<16xf32>
        %parallel_loop3A_698 = arith.subf %parallel_loop3A_693, %parallel_loop3A_689 : vector<16xf32>
        %parallel_loop3A_699 = math.absf %parallel_loop3A_698 : vector<16xf32>
        %parallel_loop3A_700 = arith.constant 3.000000e+00 : f32
        %parallel_loop3A_701 = vector.broadcast %parallel_loop3A_700 : f32 to vector<16xf32>
        %parallel_loop3A_702 = arith.cmpf ogt, %parallel_loop3A_699, %parallel_loop3A_701 : vector<16xf32>
        %parallel_loop3A_703 = arith.constant 65537 : i32
        %parallel_loop3A_704 = arith.constant 1 : i32
        %parallel_loop3A_705 = vector.broadcast %parallel_loop3A_703 : i32 to vector<16xi32>
        %parallel_loop3A_706 = vector.broadcast %parallel_loop3A_704 : i32 to vector<16xi32>
        %parallel_loop3A_707 = arith.select %parallel_loop3A_702, %parallel_loop3A_705, %parallel_loop3A_706 : vector<16xi1>, vector<16xi32>
        %parallel_loop3A_708 = arith.constant 0 : i32
        %parallel_loop3A_709 = vector.broadcast %parallel_loop3A_708 : i32 to vector<16xi32>
        %parallel_loop3A_710 = arith.select %parallel_loop3A_697, %parallel_loop3A_707, %parallel_loop3A_709 : vector<16xi1>, vector<16xi32>
        %parallel_loop3A_711 = arith.constant 80 : i32
        %parallel_loop3A_712 = arith.addi %parallel_loop3A_569, %parallel_loop3A_711 : i32
        %parallel_loop3A_713 = tpu.assume_multiple %parallel_loop3A_712, 16 : i32
        %parallel_loop3A_714 = arith.index_cast %scan3A_564 : i32 to index
        %parallel_loop3A_715 = arith.index_cast %parallel_loop3A_713 : i32 to index
        %parallel_loop3A_716 = tpu.vector_load %arg6[%parallel_loop3A_714, %parallel_loop3A_715] {strides = array<i32>} : memref<32x512xf32, #tpu.memory_space<vmem>>, vector<1x16xf32>,
        %parallel_loop3A_717 = vector.shape_cast %parallel_loop3A_716 : vector<1x16xf32> to vector<16xf32>
        %parallel_loop3A_718 = arith.index_cast %scan3A_564 : i32 to index
        %parallel_loop3A_719 = arith.index_cast %parallel_loop3A_713 : i32 to index
        %parallel_loop3A_720 = tpu.vector_load %arg8[%parallel_loop3A_718, %parallel_loop3A_719] {strides = array<i32>} : memref<32x512xf32, #tpu.memory_space<vmem>>, vector<1x16xf32>,
        %parallel_loop3A_721 = vector.shape_cast %parallel_loop3A_720 : vector<1x16xf32> to vector<16xf32>
        %parallel_loop3A_722 = arith.minimumf %parallel_loop3A_721, %parallel_loop3A_717 : vector<16xf32>
        %parallel_loop3A_723 = arith.constant 0.000000e+00 : f32
        %parallel_loop3A_724 = vector.broadcast %parallel_loop3A_723 : f32 to vector<16xf32>
        %parallel_loop3A_725 = arith.cmpf ogt, %parallel_loop3A_722, %parallel_loop3A_724 : vector<16xf32>
        %parallel_loop3A_726 = arith.subf %parallel_loop3A_721, %parallel_loop3A_717 : vector<16xf32>
        %parallel_loop3A_727 = math.absf %parallel_loop3A_726 : vector<16xf32>
        %parallel_loop3A_728 = arith.constant 3.000000e+00 : f32
        %parallel_loop3A_729 = vector.broadcast %parallel_loop3A_728 : f32 to vector<16xf32>
        %parallel_loop3A_730 = arith.cmpf ogt, %parallel_loop3A_727, %parallel_loop3A_729 : vector<16xf32>
        %parallel_loop3A_731 = arith.constant 65537 : i32
        %parallel_loop3A_732 = arith.constant 1 : i32
        %parallel_loop3A_733 = vector.broadcast %parallel_loop3A_731 : i32 to vector<16xi32>
        %parallel_loop3A_734 = vector.broadcast %parallel_loop3A_732 : i32 to vector<16xi32>
        %parallel_loop3A_735 = arith.select %parallel_loop3A_730, %parallel_loop3A_733, %parallel_loop3A_734 : vector<16xi1>, vector<16xi32>
        %parallel_loop3A_736 = arith.constant 0 : i32
        %parallel_loop3A_737 = vector.broadcast %parallel_loop3A_736 : i32 to vector<16xi32>
        %parallel_loop3A_738 = arith.select %parallel_loop3A_725, %parallel_loop3A_735, %parallel_loop3A_737 : vector<16xi1>, vector<16xi32>
        %parallel_loop3A_739 = arith.constant 96 : i32
        %parallel_loop3A_740 = arith.addi %parallel_loop3A_569, %parallel_loop3A_739 : i32
        %parallel_loop3A_741 = tpu.assume_multiple %parallel_loop3A_740, 16 : i32
        %parallel_loop3A_742 = arith.index_cast %scan3A_564 : i32 to index
        %parallel_loop3A_743 = arith.index_cast %parallel_loop3A_741 : i32 to index
        %parallel_loop3A_744 = tpu.vector_load %arg6[%parallel_loop3A_742, %parallel_loop3A_743] {strides = array<i32>} : memref<32x512xf32, #tpu.memory_space<vmem>>, vector<1x16xf32>,
        %parallel_loop3A_745 = vector.shape_cast %parallel_loop3A_744 : vector<1x16xf32> to vector<16xf32>
        %parallel_loop3A_746 = arith.index_cast %scan3A_564 : i32 to index
        %parallel_loop3A_747 = arith.index_cast %parallel_loop3A_741 : i32 to index
        %parallel_loop3A_748 = tpu.vector_load %arg8[%parallel_loop3A_746, %parallel_loop3A_747] {strides = array<i32>} : memref<32x512xf32, #tpu.memory_space<vmem>>, vector<1x16xf32>,
        %parallel_loop3A_749 = vector.shape_cast %parallel_loop3A_748 : vector<1x16xf32> to vector<16xf32>
        %parallel_loop3A_750 = arith.minimumf %parallel_loop3A_749, %parallel_loop3A_745 : vector<16xf32>
        %parallel_loop3A_751 = arith.constant 0.000000e+00 : f32
        %parallel_loop3A_752 = vector.broadcast %parallel_loop3A_751 : f32 to vector<16xf32>
        %parallel_loop3A_753 = arith.cmpf ogt, %parallel_loop3A_750, %parallel_loop3A_752 : vector<16xf32>
        %parallel_loop3A_754 = arith.subf %parallel_loop3A_749, %parallel_loop3A_745 : vector<16xf32>
        %parallel_loop3A_755 = math.absf %parallel_loop3A_754 : vector<16xf32>
        %parallel_loop3A_756 = arith.constant 3.000000e+00 : f32
        %parallel_loop3A_757 = vector.broadcast %parallel_loop3A_756 : f32 to vector<16xf32>
        %parallel_loop3A_758 = arith.cmpf ogt, %parallel_loop3A_755, %parallel_loop3A_757 : vector<16xf32>
        %parallel_loop3A_759 = arith.constant 65537 : i32
        %parallel_loop3A_760 = arith.constant 1 : i32
        %parallel_loop3A_761 = vector.broadcast %parallel_loop3A_759 : i32 to vector<16xi32>
        %parallel_loop3A_762 = vector.broadcast %parallel_loop3A_760 : i32 to vector<16xi32>
        %parallel_loop3A_763 = arith.select %parallel_loop3A_758, %parallel_loop3A_761, %parallel_loop3A_762 : vector<16xi1>, vector<16xi32>
        %parallel_loop3A_764 = arith.constant 0 : i32
        %parallel_loop3A_765 = vector.broadcast %parallel_loop3A_764 : i32 to vector<16xi32>
        %parallel_loop3A_766 = arith.select %parallel_loop3A_753, %parallel_loop3A_763, %parallel_loop3A_765 : vector<16xi1>, vector<16xi32>
        %parallel_loop3A_767 = arith.constant 112 : i32
        %parallel_loop3A_768 = arith.addi %parallel_loop3A_569, %parallel_loop3A_767 : i32
        %parallel_loop3A_769 = tpu.assume_multiple %parallel_loop3A_768, 16 : i32
        %parallel_loop3A_770 = arith.index_cast %scan3A_564 : i32 to index
        %parallel_loop3A_771 = arith.index_cast %parallel_loop3A_769 : i32 to index
        %parallel_loop3A_772 = tpu.vector_load %arg6[%parallel_loop3A_770, %parallel_loop3A_771] {strides = array<i32>} : memref<32x512xf32, #tpu.memory_space<vmem>>, vector<1x16xf32>,
        %parallel_loop3A_773 = vector.shape_cast %parallel_loop3A_772 : vector<1x16xf32> to vector<16xf32>
        %parallel_loop3A_774 = arith.index_cast %scan3A_564 : i32 to index
        %parallel_loop3A_775 = arith.index_cast %parallel_loop3A_769 : i32 to index
        %parallel_loop3A_776 = tpu.vector_load %arg8[%parallel_loop3A_774, %parallel_loop3A_775] {strides = array<i32>} : memref<32x512xf32, #tpu.memory_space<vmem>>, vector<1x16xf32>,
        %parallel_loop3A_777 = vector.shape_cast %parallel_loop3A_776 : vector<1x16xf32> to vector<16xf32>
        %parallel_loop3A_778 = arith.minimumf %parallel_loop3A_777, %parallel_loop3A_773 : vector<16xf32>
        %parallel_loop3A_779 = arith.constant 0.000000e+00 : f32
        %parallel_loop3A_780 = vector.broadcast %parallel_loop3A_779 : f32 to vector<16xf32>
        %parallel_loop3A_781 = arith.cmpf ogt, %parallel_loop3A_778, %parallel_loop3A_780 : vector<16xf32>
        %parallel_loop3A_782 = arith.subf %parallel_loop3A_777, %parallel_loop3A_773 : vector<16xf32>
        %parallel_loop3A_783 = math.absf %parallel_loop3A_782 : vector<16xf32>
        %parallel_loop3A_784 = arith.constant 3.000000e+00 : f32
        %parallel_loop3A_785 = vector.broadcast %parallel_loop3A_784 : f32 to vector<16xf32>
        %parallel_loop3A_786 = arith.cmpf ogt, %parallel_loop3A_783, %parallel_loop3A_785 : vector<16xf32>
        %parallel_loop3A_787 = arith.constant 65537 : i32
        %parallel_loop3A_788 = arith.constant 1 : i32
        %parallel_loop3A_789 = vector.broadcast %parallel_loop3A_787 : i32 to vector<16xi32>
        %parallel_loop3A_790 = vector.broadcast %parallel_loop3A_788 : i32 to vector<16xi32>
        %parallel_loop3A_791 = arith.select %parallel_loop3A_786, %parallel_loop3A_789, %parallel_loop3A_790 : vector<16xi1>, vector<16xi32>
        %parallel_loop3A_792 = arith.constant 0 : i32
        %parallel_loop3A_793 = vector.broadcast %parallel_loop3A_792 : i32 to vector<16xi32>
        %parallel_loop3A_794 = arith.select %parallel_loop3A_781, %parallel_loop3A_791, %parallel_loop3A_793 : vector<16xi1>, vector<16xi32>
        %parallel_loop3A_795 = arith.addi %parallel_loop3A_598, %parallel_loop3A_626 : vector<16xi32>
        %parallel_loop3A_796 = arith.addi %parallel_loop3A_654, %parallel_loop3A_682 : vector<16xi32>
        %parallel_loop3A_797 = arith.addi %parallel_loop3A_710, %parallel_loop3A_738 : vector<16xi32>
        %parallel_loop3A_798 = arith.addi %parallel_loop3A_766, %parallel_loop3A_794 : vector<16xi32>
        %parallel_loop3A_799 = arith.addi %parallel_loop3A_795, %parallel_loop3A_796 : vector<16xi32>
        %parallel_loop3A_800 = arith.addi %parallel_loop3A_797, %parallel_loop3A_798 : vector<16xi32>
        %parallel_loop3A_801 = arith.addi %parallel_loop3A_799, %parallel_loop3A_800 : vector<16xi32>
        %parallel_loop3A_802 = arith.addi %parallel_loop3A_570, %parallel_loop3A_801 : vector<16xi32>
        scf.yield %parallel_loop3A_802 : vector<16xi32>
      } {sc.loop_unroll_factor = 2 : i64, sc.parallel_access}
      scf.yield %parallel_loop3A_568 : vector<16xi32>
    }
    %scan3A_500 = arith.constant 32 : i32
    %add3A_501 = arith.constant 128 : i32
    %add3A_502 = arith.addi %mul3A_2, %add3A_501 : i32
    %jit3A_503 = arith.constant 512 : i32
    %div3A_504 = arith.divsi %add3A_502, %jit3A_503 : i32
    %sign3A_505 = arith.constant 0 : i32
    %sign3A_506 = arith.cmpi sgt, %add3A_502, %sign3A_505 : i32
    %sign3A_507 = arith.extui %sign3A_506 : i1 to i32
    %sign3A_508 = arith.constant 0 : i32
    %sign3A_509 = arith.cmpi slt, %add3A_502, %sign3A_508 : i32
    %sign3A_510 = arith.extui %sign3A_509 : i1 to i32
    %sign3A_511 = arith.subi %sign3A_507, %sign3A_510 : i32
    %sign3A_512 = arith.constant 0 : i32
    %sign3A_513 = arith.cmpi sgt, %jit3A_503, %sign3A_512 : i32
    %sign3A_514 = arith.extui %sign3A_513 : i1 to i32
    %sign3A_515 = arith.constant 0 : i32
    %sign3A_516 = arith.cmpi slt, %jit3A_503, %sign3A_515 : i32
    %sign3A_517 = arith.extui %sign3A_516 : i1 to i32
    %sign3A_518 = arith.subi %sign3A_514, %sign3A_517 : i32
    %ne3A_519 = arith.cmpi ne, %sign3A_511, %sign3A_518 : i32
    %rem3A_520 = arith.remsi %add3A_502, %jit3A_503 : i32
    %ne3A_521 = arith.constant 0 : i32
    %ne3A_522 = arith.cmpi ne, %rem3A_520, %ne3A_521 : i32
    %and3A_523 = arith.andi %ne3A_519, %ne3A_522 : i1
    %sub3A_524 = arith.constant 1 : i32
    %sub3A_525 = arith.subi %div3A_504, %sub3A_524 : i32
    %select_n3A_526 = arith.select %and3A_523, %sub3A_525, %div3A_504 : i32
    %jit3A_527 = arith.constant 512 : i32
    %eq3A_528 = arith.constant 0 : i32
    %eq3A_529 = arith.cmpi eq, %jit3A_527, %eq3A_528 : i32
    %jit3A_530 = arith.constant 1 : i32
    %select_n3A_531 = arith.select %eq3A_529, %jit3A_530, %jit3A_527 : i32
    %rem3A_532 = arith.remsi %add3A_502, %select_n3A_531 : i32
    %ne3A_533 = arith.constant 0 : i32
    %ne3A_534 = arith.cmpi ne, %rem3A_532, %ne3A_533 : i32
    %lt3A_535 = arith.constant 0 : i32
    %lt3A_536 = arith.cmpi slt, %rem3A_532, %lt3A_535 : i32
    %lt3A_537 = arith.constant 0 : i32
    %lt3A_538 = arith.cmpi slt, %select_n3A_531, %lt3A_537 : i32
    %ne3A_539 = arith.xori %lt3A_536, %lt3A_538 : i1
    %and3A_540 = arith.andi %ne3A_539, %ne3A_534 : i1
    %add3A_541 = arith.addi %rem3A_532, %select_n3A_531 : i32
    %select_n3A_542 = arith.select %and3A_540, %add3A_541, %rem3A_532 : i32
    %dma_wait3A_543 = arith.constant 0 : i32
    %dma_wait3A_544 = tpu.memref_slice %arg2[%select_n3A_526, %select_n3A_542, %dma_wait3A_543] : memref<32x512x512xf32, #tpu.memory_space<hbm>> -> memref<1x32x512xf32, #tpu.memory_space<hbm>>
    %dma_wait3A_545 = tpu.memref_squeeze %dma_wait3A_544 : memref<1x32x512xf32, #tpu.memory_space<hbm>> -> memref<32x512xf32, #tpu.memory_space<hbm>>
    %dma_wait3A_546 = arith.constant 0 : i32
    %dma_wait3A_547 = tpu.memref_slice %arg2[%select_n3A_526, %select_n3A_542, %dma_wait3A_546] : memref<32x512x512xf32, #tpu.memory_space<hbm>> -> memref<1x32x512xf32, #tpu.memory_space<hbm>>
    %dma_wait3A_548 = tpu.memref_squeeze %dma_wait3A_547 : memref<1x32x512xf32, #tpu.memory_space<hbm>> -> memref<32x512xf32, #tpu.memory_space<hbm>>
    tpu.wait_dma2 semaphore(%arg10 : memref<!tpu.dma_semaphore, #tpu.memory_space<semaphore_mem>>) src(%dma_wait3A_548 : memref<32x512xf32, #tpu.memory_space<hbm>>) dst(%arg5 : memref<32x512xf32, #tpu.memory_space<vmem>>)
    %dma_wait3A_549 = arith.constant 0 : i32
    %dma_wait3A_550 = tpu.memref_slice %arg3[%select_n3A_526, %select_n3A_542, %dma_wait3A_549] : memref<32x512x512xf32, #tpu.memory_space<hbm>> -> memref<1x32x512xf32, #tpu.memory_space<hbm>>
    %dma_wait3A_551 = tpu.memref_squeeze %dma_wait3A_550 : memref<1x32x512xf32, #tpu.memory_space<hbm>> -> memref<32x512xf32, #tpu.memory_space<hbm>>
    %dma_wait3A_552 = arith.constant 0 : i32
    %dma_wait3A_553 = tpu.memref_slice %arg3[%select_n3A_526, %select_n3A_542, %dma_wait3A_552] : memref<32x512x512xf32, #tpu.memory_space<hbm>> -> memref<1x32x512xf32, #tpu.memory_space<hbm>>
    %dma_wait3A_554 = tpu.memref_squeeze %dma_wait3A_553 : memref<1x32x512xf32, #tpu.memory_space<hbm>> -> memref<32x512xf32, #tpu.memory_space<hbm>>
    tpu.wait_dma2 semaphore(%arg12 : memref<!tpu.dma_semaphore, #tpu.memory_space<semaphore_mem>>) src(%dma_wait3A_554 : memref<32x512xf32, #tpu.memory_space<hbm>>) dst(%arg7 : memref<32x512xf32, #tpu.memory_space<vmem>>)
    %scan3A_555 = arith.constant 0 : i32
    %scan3A_556 = arith.constant 32 : i32
    %scan3A_557 = arith.addi %scan3A_555, %scan3A_556 : i32
    %scan3A_558 = arith.constant 1 : i32
    %scan3A_559 = scf.for %scan3A_564 = %scan3A_555 to %scan3A_557 step %scan3A_558 iter_args(%scan3A_565 = %scan3A_499) -> (vector<16xi32>)  : i32 {
      %parallel_loop3A = arith.constant 0 : i32
      %parallel_loop3A_566 = arith.constant 512 : i32
      %parallel_loop3A_567 = arith.constant 128 : i32
      %parallel_loop3A_568 = scf.for %parallel_loop3A_569 = %parallel_loop3A to %parallel_loop3A_566 step %parallel_loop3A_567 iter_args(%parallel_loop3A_570 = %scan3A_565) -> (vector<16xi32>)  : i32 {
        %parallel_loop3A_571 = arith.constant 0 : i32
        %parallel_loop3A_572 = arith.addi %parallel_loop3A_569, %parallel_loop3A_571 : i32
        %parallel_loop3A_573 = tpu.assume_multiple %parallel_loop3A_572, 16 : i32
        %parallel_loop3A_574 = arith.index_cast %scan3A_564 : i32 to index
        %parallel_loop3A_575 = arith.index_cast %parallel_loop3A_573 : i32 to index
        %parallel_loop3A_576 = tpu.vector_load %arg5[%parallel_loop3A_574, %parallel_loop3A_575] {strides = array<i32>} : memref<32x512xf32, #tpu.memory_space<vmem>>, vector<1x16xf32>,
        %parallel_loop3A_577 = vector.shape_cast %parallel_loop3A_576 : vector<1x16xf32> to vector<16xf32>
        %parallel_loop3A_578 = arith.index_cast %scan3A_564 : i32 to index
        %parallel_loop3A_579 = arith.index_cast %parallel_loop3A_573 : i32 to index
        %parallel_loop3A_580 = tpu.vector_load %arg7[%parallel_loop3A_578, %parallel_loop3A_579] {strides = array<i32>} : memref<32x512xf32, #tpu.memory_space<vmem>>, vector<1x16xf32>,
        %parallel_loop3A_581 = vector.shape_cast %parallel_loop3A_580 : vector<1x16xf32> to vector<16xf32>
        %parallel_loop3A_582 = arith.minimumf %parallel_loop3A_581, %parallel_loop3A_577 : vector<16xf32>
        %parallel_loop3A_583 = arith.constant 0.000000e+00 : f32
        %parallel_loop3A_584 = vector.broadcast %parallel_loop3A_583 : f32 to vector<16xf32>
        %parallel_loop3A_585 = arith.cmpf ogt, %parallel_loop3A_582, %parallel_loop3A_584 : vector<16xf32>
        %parallel_loop3A_586 = arith.subf %parallel_loop3A_581, %parallel_loop3A_577 : vector<16xf32>
        %parallel_loop3A_587 = math.absf %parallel_loop3A_586 : vector<16xf32>
        %parallel_loop3A_588 = arith.constant 3.000000e+00 : f32
        %parallel_loop3A_589 = vector.broadcast %parallel_loop3A_588 : f32 to vector<16xf32>
        %parallel_loop3A_590 = arith.cmpf ogt, %parallel_loop3A_587, %parallel_loop3A_589 : vector<16xf32>
        %parallel_loop3A_591 = arith.constant 65537 : i32
        %parallel_loop3A_592 = arith.constant 1 : i32
        %parallel_loop3A_593 = vector.broadcast %parallel_loop3A_591 : i32 to vector<16xi32>
        %parallel_loop3A_594 = vector.broadcast %parallel_loop3A_592 : i32 to vector<16xi32>
        %parallel_loop3A_595 = arith.select %parallel_loop3A_590, %parallel_loop3A_593, %parallel_loop3A_594 : vector<16xi1>, vector<16xi32>
        %parallel_loop3A_596 = arith.constant 0 : i32
        %parallel_loop3A_597 = vector.broadcast %parallel_loop3A_596 : i32 to vector<16xi32>
        %parallel_loop3A_598 = arith.select %parallel_loop3A_585, %parallel_loop3A_595, %parallel_loop3A_597 : vector<16xi1>, vector<16xi32>
        %parallel_loop3A_599 = arith.constant 16 : i32
        %parallel_loop3A_600 = arith.addi %parallel_loop3A_569, %parallel_loop3A_599 : i32
        %parallel_loop3A_601 = tpu.assume_multiple %parallel_loop3A_600, 16 : i32
        %parallel_loop3A_602 = arith.index_cast %scan3A_564 : i32 to index
        %parallel_loop3A_603 = arith.index_cast %parallel_loop3A_601 : i32 to index
        %parallel_loop3A_604 = tpu.vector_load %arg5[%parallel_loop3A_602, %parallel_loop3A_603] {strides = array<i32>} : memref<32x512xf32, #tpu.memory_space<vmem>>, vector<1x16xf32>,
        %parallel_loop3A_605 = vector.shape_cast %parallel_loop3A_604 : vector<1x16xf32> to vector<16xf32>
        %parallel_loop3A_606 = arith.index_cast %scan3A_564 : i32 to index
        %parallel_loop3A_607 = arith.index_cast %parallel_loop3A_601 : i32 to index
        %parallel_loop3A_608 = tpu.vector_load %arg7[%parallel_loop3A_606, %parallel_loop3A_607] {strides = array<i32>} : memref<32x512xf32, #tpu.memory_space<vmem>>, vector<1x16xf32>,
        %parallel_loop3A_609 = vector.shape_cast %parallel_loop3A_608 : vector<1x16xf32> to vector<16xf32>
        %parallel_loop3A_610 = arith.minimumf %parallel_loop3A_609, %parallel_loop3A_605 : vector<16xf32>
        %parallel_loop3A_611 = arith.constant 0.000000e+00 : f32
        %parallel_loop3A_612 = vector.broadcast %parallel_loop3A_611 : f32 to vector<16xf32>
        %parallel_loop3A_613 = arith.cmpf ogt, %parallel_loop3A_610, %parallel_loop3A_612 : vector<16xf32>
        %parallel_loop3A_614 = arith.subf %parallel_loop3A_609, %parallel_loop3A_605 : vector<16xf32>
        %parallel_loop3A_615 = math.absf %parallel_loop3A_614 : vector<16xf32>
        %parallel_loop3A_616 = arith.constant 3.000000e+00 : f32
        %parallel_loop3A_617 = vector.broadcast %parallel_loop3A_616 : f32 to vector<16xf32>
        %parallel_loop3A_618 = arith.cmpf ogt, %parallel_loop3A_615, %parallel_loop3A_617 : vector<16xf32>
        %parallel_loop3A_619 = arith.constant 65537 : i32
        %parallel_loop3A_620 = arith.constant 1 : i32
        %parallel_loop3A_621 = vector.broadcast %parallel_loop3A_619 : i32 to vector<16xi32>
        %parallel_loop3A_622 = vector.broadcast %parallel_loop3A_620 : i32 to vector<16xi32>
        %parallel_loop3A_623 = arith.select %parallel_loop3A_618, %parallel_loop3A_621, %parallel_loop3A_622 : vector<16xi1>, vector<16xi32>
        %parallel_loop3A_624 = arith.constant 0 : i32
        %parallel_loop3A_625 = vector.broadcast %parallel_loop3A_624 : i32 to vector<16xi32>
        %parallel_loop3A_626 = arith.select %parallel_loop3A_613, %parallel_loop3A_623, %parallel_loop3A_625 : vector<16xi1>, vector<16xi32>
        %parallel_loop3A_627 = arith.constant 32 : i32
        %parallel_loop3A_628 = arith.addi %parallel_loop3A_569, %parallel_loop3A_627 : i32
        %parallel_loop3A_629 = tpu.assume_multiple %parallel_loop3A_628, 16 : i32
        %parallel_loop3A_630 = arith.index_cast %scan3A_564 : i32 to index
        %parallel_loop3A_631 = arith.index_cast %parallel_loop3A_629 : i32 to index
        %parallel_loop3A_632 = tpu.vector_load %arg5[%parallel_loop3A_630, %parallel_loop3A_631] {strides = array<i32>} : memref<32x512xf32, #tpu.memory_space<vmem>>, vector<1x16xf32>,
        %parallel_loop3A_633 = vector.shape_cast %parallel_loop3A_632 : vector<1x16xf32> to vector<16xf32>
        %parallel_loop3A_634 = arith.index_cast %scan3A_564 : i32 to index
        %parallel_loop3A_635 = arith.index_cast %parallel_loop3A_629 : i32 to index
        %parallel_loop3A_636 = tpu.vector_load %arg7[%parallel_loop3A_634, %parallel_loop3A_635] {strides = array<i32>} : memref<32x512xf32, #tpu.memory_space<vmem>>, vector<1x16xf32>,
        %parallel_loop3A_637 = vector.shape_cast %parallel_loop3A_636 : vector<1x16xf32> to vector<16xf32>
        %parallel_loop3A_638 = arith.minimumf %parallel_loop3A_637, %parallel_loop3A_633 : vector<16xf32>
        %parallel_loop3A_639 = arith.constant 0.000000e+00 : f32
        %parallel_loop3A_640 = vector.broadcast %parallel_loop3A_639 : f32 to vector<16xf32>
        %parallel_loop3A_641 = arith.cmpf ogt, %parallel_loop3A_638, %parallel_loop3A_640 : vector<16xf32>
        %parallel_loop3A_642 = arith.subf %parallel_loop3A_637, %parallel_loop3A_633 : vector<16xf32>
        %parallel_loop3A_643 = math.absf %parallel_loop3A_642 : vector<16xf32>
        %parallel_loop3A_644 = arith.constant 3.000000e+00 : f32
        %parallel_loop3A_645 = vector.broadcast %parallel_loop3A_644 : f32 to vector<16xf32>
        %parallel_loop3A_646 = arith.cmpf ogt, %parallel_loop3A_643, %parallel_loop3A_645 : vector<16xf32>
        %parallel_loop3A_647 = arith.constant 65537 : i32
        %parallel_loop3A_648 = arith.constant 1 : i32
        %parallel_loop3A_649 = vector.broadcast %parallel_loop3A_647 : i32 to vector<16xi32>
        %parallel_loop3A_650 = vector.broadcast %parallel_loop3A_648 : i32 to vector<16xi32>
        %parallel_loop3A_651 = arith.select %parallel_loop3A_646, %parallel_loop3A_649, %parallel_loop3A_650 : vector<16xi1>, vector<16xi32>
        %parallel_loop3A_652 = arith.constant 0 : i32
        %parallel_loop3A_653 = vector.broadcast %parallel_loop3A_652 : i32 to vector<16xi32>
        %parallel_loop3A_654 = arith.select %parallel_loop3A_641, %parallel_loop3A_651, %parallel_loop3A_653 : vector<16xi1>, vector<16xi32>
        %parallel_loop3A_655 = arith.constant 48 : i32
        %parallel_loop3A_656 = arith.addi %parallel_loop3A_569, %parallel_loop3A_655 : i32
        %parallel_loop3A_657 = tpu.assume_multiple %parallel_loop3A_656, 16 : i32
        %parallel_loop3A_658 = arith.index_cast %scan3A_564 : i32 to index
        %parallel_loop3A_659 = arith.index_cast %parallel_loop3A_657 : i32 to index
        %parallel_loop3A_660 = tpu.vector_load %arg5[%parallel_loop3A_658, %parallel_loop3A_659] {strides = array<i32>} : memref<32x512xf32, #tpu.memory_space<vmem>>, vector<1x16xf32>,
        %parallel_loop3A_661 = vector.shape_cast %parallel_loop3A_660 : vector<1x16xf32> to vector<16xf32>
        %parallel_loop3A_662 = arith.index_cast %scan3A_564 : i32 to index
        %parallel_loop3A_663 = arith.index_cast %parallel_loop3A_657 : i32 to index
        %parallel_loop3A_664 = tpu.vector_load %arg7[%parallel_loop3A_662, %parallel_loop3A_663] {strides = array<i32>} : memref<32x512xf32, #tpu.memory_space<vmem>>, vector<1x16xf32>,
        %parallel_loop3A_665 = vector.shape_cast %parallel_loop3A_664 : vector<1x16xf32> to vector<16xf32>
        %parallel_loop3A_666 = arith.minimumf %parallel_loop3A_665, %parallel_loop3A_661 : vector<16xf32>
        %parallel_loop3A_667 = arith.constant 0.000000e+00 : f32
        %parallel_loop3A_668 = vector.broadcast %parallel_loop3A_667 : f32 to vector<16xf32>
        %parallel_loop3A_669 = arith.cmpf ogt, %parallel_loop3A_666, %parallel_loop3A_668 : vector<16xf32>
        %parallel_loop3A_670 = arith.subf %parallel_loop3A_665, %parallel_loop3A_661 : vector<16xf32>
        %parallel_loop3A_671 = math.absf %parallel_loop3A_670 : vector<16xf32>
        %parallel_loop3A_672 = arith.constant 3.000000e+00 : f32
        %parallel_loop3A_673 = vector.broadcast %parallel_loop3A_672 : f32 to vector<16xf32>
        %parallel_loop3A_674 = arith.cmpf ogt, %parallel_loop3A_671, %parallel_loop3A_673 : vector<16xf32>
        %parallel_loop3A_675 = arith.constant 65537 : i32
        %parallel_loop3A_676 = arith.constant 1 : i32
        %parallel_loop3A_677 = vector.broadcast %parallel_loop3A_675 : i32 to vector<16xi32>
        %parallel_loop3A_678 = vector.broadcast %parallel_loop3A_676 : i32 to vector<16xi32>
        %parallel_loop3A_679 = arith.select %parallel_loop3A_674, %parallel_loop3A_677, %parallel_loop3A_678 : vector<16xi1>, vector<16xi32>
        %parallel_loop3A_680 = arith.constant 0 : i32
        %parallel_loop3A_681 = vector.broadcast %parallel_loop3A_680 : i32 to vector<16xi32>
        %parallel_loop3A_682 = arith.select %parallel_loop3A_669, %parallel_loop3A_679, %parallel_loop3A_681 : vector<16xi1>, vector<16xi32>
        %parallel_loop3A_683 = arith.constant 64 : i32
        %parallel_loop3A_684 = arith.addi %parallel_loop3A_569, %parallel_loop3A_683 : i32
        %parallel_loop3A_685 = tpu.assume_multiple %parallel_loop3A_684, 16 : i32
        %parallel_loop3A_686 = arith.index_cast %scan3A_564 : i32 to index
        %parallel_loop3A_687 = arith.index_cast %parallel_loop3A_685 : i32 to index
        %parallel_loop3A_688 = tpu.vector_load %arg5[%parallel_loop3A_686, %parallel_loop3A_687] {strides = array<i32>} : memref<32x512xf32, #tpu.memory_space<vmem>>, vector<1x16xf32>,
        %parallel_loop3A_689 = vector.shape_cast %parallel_loop3A_688 : vector<1x16xf32> to vector<16xf32>
        %parallel_loop3A_690 = arith.index_cast %scan3A_564 : i32 to index
        %parallel_loop3A_691 = arith.index_cast %parallel_loop3A_685 : i32 to index
        %parallel_loop3A_692 = tpu.vector_load %arg7[%parallel_loop3A_690, %parallel_loop3A_691] {strides = array<i32>} : memref<32x512xf32, #tpu.memory_space<vmem>>, vector<1x16xf32>,
        %parallel_loop3A_693 = vector.shape_cast %parallel_loop3A_692 : vector<1x16xf32> to vector<16xf32>
        %parallel_loop3A_694 = arith.minimumf %parallel_loop3A_693, %parallel_loop3A_689 : vector<16xf32>
        %parallel_loop3A_695 = arith.constant 0.000000e+00 : f32
        %parallel_loop3A_696 = vector.broadcast %parallel_loop3A_695 : f32 to vector<16xf32>
        %parallel_loop3A_697 = arith.cmpf ogt, %parallel_loop3A_694, %parallel_loop3A_696 : vector<16xf32>
        %parallel_loop3A_698 = arith.subf %parallel_loop3A_693, %parallel_loop3A_689 : vector<16xf32>
        %parallel_loop3A_699 = math.absf %parallel_loop3A_698 : vector<16xf32>
        %parallel_loop3A_700 = arith.constant 3.000000e+00 : f32
        %parallel_loop3A_701 = vector.broadcast %parallel_loop3A_700 : f32 to vector<16xf32>
        %parallel_loop3A_702 = arith.cmpf ogt, %parallel_loop3A_699, %parallel_loop3A_701 : vector<16xf32>
        %parallel_loop3A_703 = arith.constant 65537 : i32
        %parallel_loop3A_704 = arith.constant 1 : i32
        %parallel_loop3A_705 = vector.broadcast %parallel_loop3A_703 : i32 to vector<16xi32>
        %parallel_loop3A_706 = vector.broadcast %parallel_loop3A_704 : i32 to vector<16xi32>
        %parallel_loop3A_707 = arith.select %parallel_loop3A_702, %parallel_loop3A_705, %parallel_loop3A_706 : vector<16xi1>, vector<16xi32>
        %parallel_loop3A_708 = arith.constant 0 : i32
        %parallel_loop3A_709 = vector.broadcast %parallel_loop3A_708 : i32 to vector<16xi32>
        %parallel_loop3A_710 = arith.select %parallel_loop3A_697, %parallel_loop3A_707, %parallel_loop3A_709 : vector<16xi1>, vector<16xi32>
        %parallel_loop3A_711 = arith.constant 80 : i32
        %parallel_loop3A_712 = arith.addi %parallel_loop3A_569, %parallel_loop3A_711 : i32
        %parallel_loop3A_713 = tpu.assume_multiple %parallel_loop3A_712, 16 : i32
        %parallel_loop3A_714 = arith.index_cast %scan3A_564 : i32 to index
        %parallel_loop3A_715 = arith.index_cast %parallel_loop3A_713 : i32 to index
        %parallel_loop3A_716 = tpu.vector_load %arg5[%parallel_loop3A_714, %parallel_loop3A_715] {strides = array<i32>} : memref<32x512xf32, #tpu.memory_space<vmem>>, vector<1x16xf32>,
        %parallel_loop3A_717 = vector.shape_cast %parallel_loop3A_716 : vector<1x16xf32> to vector<16xf32>
        %parallel_loop3A_718 = arith.index_cast %scan3A_564 : i32 to index
        %parallel_loop3A_719 = arith.index_cast %parallel_loop3A_713 : i32 to index
        %parallel_loop3A_720 = tpu.vector_load %arg7[%parallel_loop3A_718, %parallel_loop3A_719] {strides = array<i32>} : memref<32x512xf32, #tpu.memory_space<vmem>>, vector<1x16xf32>,
        %parallel_loop3A_721 = vector.shape_cast %parallel_loop3A_720 : vector<1x16xf32> to vector<16xf32>
        %parallel_loop3A_722 = arith.minimumf %parallel_loop3A_721, %parallel_loop3A_717 : vector<16xf32>
        %parallel_loop3A_723 = arith.constant 0.000000e+00 : f32
        %parallel_loop3A_724 = vector.broadcast %parallel_loop3A_723 : f32 to vector<16xf32>
        %parallel_loop3A_725 = arith.cmpf ogt, %parallel_loop3A_722, %parallel_loop3A_724 : vector<16xf32>
        %parallel_loop3A_726 = arith.subf %parallel_loop3A_721, %parallel_loop3A_717 : vector<16xf32>
        %parallel_loop3A_727 = math.absf %parallel_loop3A_726 : vector<16xf32>
        %parallel_loop3A_728 = arith.constant 3.000000e+00 : f32
        %parallel_loop3A_729 = vector.broadcast %parallel_loop3A_728 : f32 to vector<16xf32>
        %parallel_loop3A_730 = arith.cmpf ogt, %parallel_loop3A_727, %parallel_loop3A_729 : vector<16xf32>
        %parallel_loop3A_731 = arith.constant 65537 : i32
        %parallel_loop3A_732 = arith.constant 1 : i32
        %parallel_loop3A_733 = vector.broadcast %parallel_loop3A_731 : i32 to vector<16xi32>
        %parallel_loop3A_734 = vector.broadcast %parallel_loop3A_732 : i32 to vector<16xi32>
        %parallel_loop3A_735 = arith.select %parallel_loop3A_730, %parallel_loop3A_733, %parallel_loop3A_734 : vector<16xi1>, vector<16xi32>
        %parallel_loop3A_736 = arith.constant 0 : i32
        %parallel_loop3A_737 = vector.broadcast %parallel_loop3A_736 : i32 to vector<16xi32>
        %parallel_loop3A_738 = arith.select %parallel_loop3A_725, %parallel_loop3A_735, %parallel_loop3A_737 : vector<16xi1>, vector<16xi32>
        %parallel_loop3A_739 = arith.constant 96 : i32
        %parallel_loop3A_740 = arith.addi %parallel_loop3A_569, %parallel_loop3A_739 : i32
        %parallel_loop3A_741 = tpu.assume_multiple %parallel_loop3A_740, 16 : i32
        %parallel_loop3A_742 = arith.index_cast %scan3A_564 : i32 to index
        %parallel_loop3A_743 = arith.index_cast %parallel_loop3A_741 : i32 to index
        %parallel_loop3A_744 = tpu.vector_load %arg5[%parallel_loop3A_742, %parallel_loop3A_743] {strides = array<i32>} : memref<32x512xf32, #tpu.memory_space<vmem>>, vector<1x16xf32>,
        %parallel_loop3A_745 = vector.shape_cast %parallel_loop3A_744 : vector<1x16xf32> to vector<16xf32>
        %parallel_loop3A_746 = arith.index_cast %scan3A_564 : i32 to index
        %parallel_loop3A_747 = arith.index_cast %parallel_loop3A_741 : i32 to index
        %parallel_loop3A_748 = tpu.vector_load %arg7[%parallel_loop3A_746, %parallel_loop3A_747] {strides = array<i32>} : memref<32x512xf32, #tpu.memory_space<vmem>>, vector<1x16xf32>,
        %parallel_loop3A_749 = vector.shape_cast %parallel_loop3A_748 : vector<1x16xf32> to vector<16xf32>
        %parallel_loop3A_750 = arith.minimumf %parallel_loop3A_749, %parallel_loop3A_745 : vector<16xf32>
        %parallel_loop3A_751 = arith.constant 0.000000e+00 : f32
        %parallel_loop3A_752 = vector.broadcast %parallel_loop3A_751 : f32 to vector<16xf32>
        %parallel_loop3A_753 = arith.cmpf ogt, %parallel_loop3A_750, %parallel_loop3A_752 : vector<16xf32>
        %parallel_loop3A_754 = arith.subf %parallel_loop3A_749, %parallel_loop3A_745 : vector<16xf32>
        %parallel_loop3A_755 = math.absf %parallel_loop3A_754 : vector<16xf32>
        %parallel_loop3A_756 = arith.constant 3.000000e+00 : f32
        %parallel_loop3A_757 = vector.broadcast %parallel_loop3A_756 : f32 to vector<16xf32>
        %parallel_loop3A_758 = arith.cmpf ogt, %parallel_loop3A_755, %parallel_loop3A_757 : vector<16xf32>
        %parallel_loop3A_759 = arith.constant 65537 : i32
        %parallel_loop3A_760 = arith.constant 1 : i32
        %parallel_loop3A_761 = vector.broadcast %parallel_loop3A_759 : i32 to vector<16xi32>
        %parallel_loop3A_762 = vector.broadcast %parallel_loop3A_760 : i32 to vector<16xi32>
        %parallel_loop3A_763 = arith.select %parallel_loop3A_758, %parallel_loop3A_761, %parallel_loop3A_762 : vector<16xi1>, vector<16xi32>
        %parallel_loop3A_764 = arith.constant 0 : i32
        %parallel_loop3A_765 = vector.broadcast %parallel_loop3A_764 : i32 to vector<16xi32>
        %parallel_loop3A_766 = arith.select %parallel_loop3A_753, %parallel_loop3A_763, %parallel_loop3A_765 : vector<16xi1>, vector<16xi32>
        %parallel_loop3A_767 = arith.constant 112 : i32
        %parallel_loop3A_768 = arith.addi %parallel_loop3A_569, %parallel_loop3A_767 : i32
        %parallel_loop3A_769 = tpu.assume_multiple %parallel_loop3A_768, 16 : i32
        %parallel_loop3A_770 = arith.index_cast %scan3A_564 : i32 to index
        %parallel_loop3A_771 = arith.index_cast %parallel_loop3A_769 : i32 to index
        %parallel_loop3A_772 = tpu.vector_load %arg5[%parallel_loop3A_770, %parallel_loop3A_771] {strides = array<i32>} : memref<32x512xf32, #tpu.memory_space<vmem>>, vector<1x16xf32>,
        %parallel_loop3A_773 = vector.shape_cast %parallel_loop3A_772 : vector<1x16xf32> to vector<16xf32>
        %parallel_loop3A_774 = arith.index_cast %scan3A_564 : i32 to index
        %parallel_loop3A_775 = arith.index_cast %parallel_loop3A_769 : i32 to index
        %parallel_loop3A_776 = tpu.vector_load %arg7[%parallel_loop3A_774, %parallel_loop3A_775] {strides = array<i32>} : memref<32x512xf32, #tpu.memory_space<vmem>>, vector<1x16xf32>,
        %parallel_loop3A_777 = vector.shape_cast %parallel_loop3A_776 : vector<1x16xf32> to vector<16xf32>
        %parallel_loop3A_778 = arith.minimumf %parallel_loop3A_777, %parallel_loop3A_773 : vector<16xf32>
        %parallel_loop3A_779 = arith.constant 0.000000e+00 : f32
        %parallel_loop3A_780 = vector.broadcast %parallel_loop3A_779 : f32 to vector<16xf32>
        %parallel_loop3A_781 = arith.cmpf ogt, %parallel_loop3A_778, %parallel_loop3A_780 : vector<16xf32>
        %parallel_loop3A_782 = arith.subf %parallel_loop3A_777, %parallel_loop3A_773 : vector<16xf32>
        %parallel_loop3A_783 = math.absf %parallel_loop3A_782 : vector<16xf32>
        %parallel_loop3A_784 = arith.constant 3.000000e+00 : f32
        %parallel_loop3A_785 = vector.broadcast %parallel_loop3A_784 : f32 to vector<16xf32>
        %parallel_loop3A_786 = arith.cmpf ogt, %parallel_loop3A_783, %parallel_loop3A_785 : vector<16xf32>
        %parallel_loop3A_787 = arith.constant 65537 : i32
        %parallel_loop3A_788 = arith.constant 1 : i32
        %parallel_loop3A_789 = vector.broadcast %parallel_loop3A_787 : i32 to vector<16xi32>
        %parallel_loop3A_790 = vector.broadcast %parallel_loop3A_788 : i32 to vector<16xi32>
        %parallel_loop3A_791 = arith.select %parallel_loop3A_786, %parallel_loop3A_789, %parallel_loop3A_790 : vector<16xi1>, vector<16xi32>
        %parallel_loop3A_792 = arith.constant 0 : i32
        %parallel_loop3A_793 = vector.broadcast %parallel_loop3A_792 : i32 to vector<16xi32>
        %parallel_loop3A_794 = arith.select %parallel_loop3A_781, %parallel_loop3A_791, %parallel_loop3A_793 : vector<16xi1>, vector<16xi32>
        %parallel_loop3A_795 = arith.addi %parallel_loop3A_598, %parallel_loop3A_626 : vector<16xi32>
        %parallel_loop3A_796 = arith.addi %parallel_loop3A_654, %parallel_loop3A_682 : vector<16xi32>
        %parallel_loop3A_797 = arith.addi %parallel_loop3A_710, %parallel_loop3A_738 : vector<16xi32>
        %parallel_loop3A_798 = arith.addi %parallel_loop3A_766, %parallel_loop3A_794 : vector<16xi32>
        %parallel_loop3A_799 = arith.addi %parallel_loop3A_795, %parallel_loop3A_796 : vector<16xi32>
        %parallel_loop3A_800 = arith.addi %parallel_loop3A_797, %parallel_loop3A_798 : vector<16xi32>
        %parallel_loop3A_801 = arith.addi %parallel_loop3A_799, %parallel_loop3A_800 : vector<16xi32>
        %parallel_loop3A_802 = arith.addi %parallel_loop3A_570, %parallel_loop3A_801 : vector<16xi32>
        scf.yield %parallel_loop3A_802 : vector<16xi32>
      } {sc.loop_unroll_factor = 2 : i64, sc.parallel_access}
      scf.yield %parallel_loop3A_568 : vector<16xi32>
    }
    %scan3A_560 = arith.constant 32 : i32
    %swap3A = arith.constant 0 : index
    %swap3A_561 = tpu.vector_load %arg9[%swap3A] {strides = array<i32>} : memref<16xi32, #tpu.memory_space<vmem>>, vector<16xi32>,
    %swap3A_562 = vector.shape_cast %swap3A_561 : vector<16xi32> to vector<16xi32>
    %swap3A_563 = vector.shape_cast %scan3A_559 : vector<16xi32> to vector<16xi32>
    tpu.vector_store %arg9[%swap3A], %swap3A_563 {strides = array<i32>} : memref<16xi32, #tpu.memory_space<vmem>>, vector<16xi32>,
    "tpu.region"() ({
      %run_scoped3A = tpu.sem_alloc : memref<!tpu.dma_semaphore, #tpu.memory_space<semaphore_mem>>
      %dma_start3A_564 = arith.constant 0 : i32
      %dma_start3A_565 = tpu.memref_slice %arg4[%add3A, %dma_start3A_564] : memref<32x16xi32, #tpu.memory_space<hbm>> -> memref<1x16xi32, #tpu.memory_space<hbm>>
      %dma_start3A_566 = tpu.memref_squeeze %dma_start3A_565 : memref<1x16xi32, #tpu.memory_space<hbm>> -> memref<16xi32, #tpu.memory_space<hbm>>
      %dma_start3A_567 = arith.constant 0 : i32
      %dma_start3A_568 = tpu.memref_slice %arg4[%add3A, %dma_start3A_567] : memref<32x16xi32, #tpu.memory_space<hbm>> -> memref<1x16xi32, #tpu.memory_space<hbm>>
      %dma_start3A_569 = tpu.memref_squeeze %dma_start3A_568 : memref<1x16xi32, #tpu.memory_space<hbm>> -> memref<16xi32, #tpu.memory_space<hbm>>
      tpu.enqueue_dma source(%arg9 : memref<16xi32, #tpu.memory_space<vmem>>) target(%dma_start3A_569 : memref<16xi32, #tpu.memory_space<hbm>>) target_semaphore(%run_scoped3A : memref<!tpu.dma_semaphore, #tpu.memory_space<semaphore_mem>>)
      %dma_wait3A_570 = arith.constant 0 : i32
      %dma_wait3A_571 = tpu.memref_slice %arg4[%add3A, %dma_wait3A_570] : memref<32x16xi32, #tpu.memory_space<hbm>> -> memref<1x16xi32, #tpu.memory_space<hbm>>
      %dma_wait3A_572 = tpu.memref_squeeze %dma_wait3A_571 : memref<1x16xi32, #tpu.memory_space<hbm>> -> memref<16xi32, #tpu.memory_space<hbm>>
      %dma_wait3A_573 = arith.constant 0 : i32
      %dma_wait3A_574 = tpu.memref_slice %arg4[%add3A, %dma_wait3A_573] : memref<32x16xi32, #tpu.memory_space<hbm>> -> memref<1x16xi32, #tpu.memory_space<hbm>>
      %dma_wait3A_575 = tpu.memref_squeeze %dma_wait3A_574 : memref<1x16xi32, #tpu.memory_space<hbm>> -> memref<16xi32, #tpu.memory_space<hbm>>
      tpu.wait_dma2 semaphore(%run_scoped3A : memref<!tpu.dma_semaphore, #tpu.memory_space<semaphore_mem>>) src(%arg9 : memref<16xi32, #tpu.memory_space<vmem>>) dst(%dma_wait3A_575 : memref<16xi32, #tpu.memory_space<hbm>>)
      tpu.yield
    }) : () -> ()
    return
  }
}

module attributes {stable_mosaic.version = 14 : i64} {
  func.func @_finalize_body(%arg0: memref<32x16xi32, #tpu.memory_space<vmem>>, %arg1: memref<1x2xf32, #tpu.memory_space<smem>>, %arg2: memref<1x1xf32, #tpu.memory_space<smem>>) attributes {dimension_semantics = [], scalar_prefetch = 0 : i64, scratch_operands = 0 : i64, tpu.core_type = #tpu.core_type<tc>} {
    %get3A = arith.constant 0 : index
    %get3A_0 = arith.constant 0 : index
    %get3A_1 = vector.load %arg0[%get3A, %get3A_0] : memref<32x16xi32, #tpu.memory_space<vmem>>, vector<32x16xi32>
    %and3A = arith.constant 65535 : i32
    %and3A_2 = vector.broadcast %and3A : i32 to vector<32x16xi32>
    %and3A_3 = arith.andi %get3A_1, %and3A_2 : vector<32x16xi32>
    %convert_element_type3A = arith.sitofp %and3A_3 : vector<32x16xi32> to vector<32x16xf32>
    %reduce_sum3A = vector.shape_cast %convert_element_type3A : vector<32x16xf32> to vector<1x32x16xf32>
    %reduce_sum3A_4 = arith.constant dense<0.000000e+00> : vector<1xf32>
    %reduce_sum3A_5 = vector.multi_reduction <add>, %reduce_sum3A, %reduce_sum3A_4 [1, 2] : vector<1x32x16xf32> to vector<1xf32>
    %reduce_sum3A_6 = vector.shape_cast %reduce_sum3A_5 : vector<1xf32> to vector<1x1x1xf32>
    %reduce_sum3A_7 = vector.extract %reduce_sum3A_6[0, 0, 0] : f32 from vector<1x1x1xf32>
    %get3A_8 = arith.constant 0 : index
    %get3A_9 = arith.constant 0 : index
    %get3A_10 = memref.load %arg1[%get3A_8, %get3A_9] : memref<1x2xf32, #tpu.memory_space<smem>>
    %add3A = arith.addf %reduce_sum3A_7, %get3A_10 : f32
    %shift_right_arithmetic3A = arith.constant 16 : i32
    %shift_right_arithmetic3A_11 = vector.broadcast %shift_right_arithmetic3A : i32 to vector<32x16xi32>
    %shift_right_arithmetic3A_12 = arith.shrsi %get3A_1, %shift_right_arithmetic3A_11 : vector<32x16xi32>
    %convert_element_type3A_13 = arith.sitofp %shift_right_arithmetic3A_12 : vector<32x16xi32> to vector<32x16xf32>
    %reduce_sum3A_14 = vector.shape_cast %convert_element_type3A_13 : vector<32x16xf32> to vector<1x32x16xf32>
    %reduce_sum3A_15 = arith.constant dense<0.000000e+00> : vector<1xf32>
    %reduce_sum3A_16 = vector.multi_reduction <add>, %reduce_sum3A_14, %reduce_sum3A_15 [1, 2] : vector<1x32x16xf32> to vector<1xf32>
    %reduce_sum3A_17 = vector.shape_cast %reduce_sum3A_16 : vector<1xf32> to vector<1x1x1xf32>
    %reduce_sum3A_18 = vector.extract %reduce_sum3A_17[0, 0, 0] : f32 from vector<1x1x1xf32>
    %get3A_19 = arith.constant 0 : index
    %get3A_20 = arith.constant 1 : index
    %get3A_21 = memref.load %arg1[%get3A_19, %get3A_20] : memref<1x2xf32, #tpu.memory_space<smem>>
    %add3A_22 = arith.addf %reduce_sum3A_18, %get3A_21 : f32
    %div3A = arith.divf %add3A_22, %add3A : f32
    %swap3A = arith.constant 0 : index
    %swap3A_23 = arith.constant 0 : index
    %swap3A_24 = memref.load %arg2[%swap3A, %swap3A_23] : memref<1x1xf32, #tpu.memory_space<smem>>
    memref.store %div3A, %arg2[%swap3A, %swap3A_23] : memref<1x1xf32, #tpu.memory_space<smem>>
    return
  }
}

module attributes {stable_mosaic.version = 14 : i64} {
  func.func @_tc_partial_body(%arg0: i32, %arg1: memref<2x512x512xf32, #tpu.memory_space<vmem>>, %arg2: memref<2x512x512xf32, #tpu.memory_space<vmem>>, %arg3: memref<1x2xf32, #tpu.memory_space<smem>>, %arg4: memref<8x512xi32, #tpu.memory_space<vmem>>) attributes {dimension_semantics = [#tpu.dimension_semantics<arbitrary>], iteration_bounds = array<i64: 11>, scalar_prefetch = 0 : i64, scratch_operands = 1 : i64, tpu.core_type = #tpu.core_type<tc>, window_params = [{transform_indices = @transform_0, window_bounds = array<i64: 2, 512, 512>}, {transform_indices = @transform_1, window_bounds = array<i64: 2, 512, 512>}, {transform_indices = @transform_2, window_bounds = array<i64: 1, 2>}]} {
    %eq3A = arith.constant 0 : i32
    %eq3A_0 = arith.cmpi eq, %arg0, %eq3A : i32
    %convert_element_type3A = arith.extui %eq3A_0 : i1 to i32
    %cond3A = arith.constant 0 : i32
    %cond3A_1 = arith.cmpi ne, %convert_element_type3A, %cond3A : i32
    scf.if %cond3A_1 {
      %broadcast_in_dim3A_2829 = arith.constant 0 : i32
      %broadcast_in_dim3A_2830 = vector.broadcast %broadcast_in_dim3A_2829 : i32 to vector<8x512xi32>
      %swap3A_2831 = arith.constant 0 : index
      %swap3A_2832 = arith.constant 0 : index
      %swap3A_2833 = vector.load %arg4[%swap3A_2831, %swap3A_2832] : memref<8x512xi32, #tpu.memory_space<vmem>>, vector<8x512xi32>
      tpu.vector_store %arg4[%swap3A_2831, %swap3A_2832], %broadcast_in_dim3A_2830 {strides = array<i32>} : memref<8x512xi32, #tpu.memory_space<vmem>>, vector<8x512xi32>,
    } else {
    }
    %get3A = arith.constant 0 : index
    %get3A_2 = arith.constant 0 : index
    %get3A_3 = arith.constant 0 : index
    %get3A_4 = vector.load %arg1[%get3A, %get3A_2, %get3A_3] : memref<2x512x512xf32, #tpu.memory_space<vmem>>, vector<2x512x512xf32>
    %reshape3A = vector.shape_cast %get3A_4 : vector<2x512x512xf32> to vector<128x8x512xf32>
    %get3A_5 = arith.constant 0 : index
    %get3A_6 = arith.constant 0 : index
    %get3A_7 = arith.constant 0 : index
    %get3A_8 = vector.load %arg2[%get3A_5, %get3A_6, %get3A_7] : memref<2x512x512xf32, #tpu.memory_space<vmem>>, vector<2x512x512xf32>
    %reshape3A_9 = vector.shape_cast %get3A_8 : vector<2x512x512xf32> to vector<128x8x512xf32>
    %get3A_10 = arith.constant 0 : index
    %get3A_11 = arith.constant 0 : index
    %get3A_12 = vector.load %arg4[%get3A_10, %get3A_11] : memref<8x512xi32, #tpu.memory_space<vmem>>, vector<8x512xi32>
    %broadcast_in_dim3A = arith.constant 0 : i32
    %broadcast_in_dim3A_13 = vector.broadcast %broadcast_in_dim3A : i32 to vector<8x512xi32>
    %slice3A = vector.extract_strided_slice %reshape3A {offsets = [0, 0, 0], sizes = [1, 8, 512], strides = [1, 1, 1]} : vector<128x8x512xf32> to vector<1x8x512xf32>
    %squeeze3A = vector.shape_cast %slice3A : vector<1x8x512xf32> to vector<8x512xf32>
    %slice3A_14 = vector.extract_strided_slice %reshape3A_9 {offsets = [0, 0, 0], sizes = [1, 8, 512], strides = [1, 1, 1]} : vector<128x8x512xf32> to vector<1x8x512xf32>
    %squeeze3A_15 = vector.shape_cast %slice3A_14 : vector<1x8x512xf32> to vector<8x512xf32>
    %min3A = arith.minimumf %squeeze3A_15, %squeeze3A : vector<8x512xf32>
    %gt3A = arith.constant 0.000000e+00 : f32
    %gt3A_16 = vector.broadcast %gt3A : f32 to vector<8x512xf32>
    %gt3A_17 = arith.cmpf ogt, %min3A, %gt3A_16 : vector<8x512xf32>
    %sub3A = arith.subf %squeeze3A_15, %squeeze3A : vector<8x512xf32>
    %abs3A = math.absf %sub3A : vector<8x512xf32>
    %gt3A_18 = arith.constant 3.000000e+00 : f32
    %gt3A_19 = vector.broadcast %gt3A_18 : f32 to vector<8x512xf32>
    %gt3A_20 = arith.cmpf ogt, %abs3A, %gt3A_19 : vector<8x512xf32>
    %jit3A = arith.constant 65537 : i32
    %jit3A_21 = arith.constant 1 : i32
    %broadcast_in_dim3A_22 = vector.broadcast %jit3A : i32 to vector<8x512xi32>
    %broadcast_in_dim3A_23 = vector.broadcast %jit3A_21 : i32 to vector<8x512xi32>
    %select_n3A = arith.select %gt3A_20, %broadcast_in_dim3A_22, %broadcast_in_dim3A_23 : vector<8x512xi1>, vector<8x512xi32>
    %jit3A_24 = arith.constant 0 : i32
    %broadcast_in_dim3A_25 = vector.broadcast %jit3A_24 : i32 to vector<8x512xi32>
    %select_n3A_26 = arith.select %gt3A_17, %select_n3A, %broadcast_in_dim3A_25 : vector<8x512xi1>, vector<8x512xi32>
    %add3A = arith.addi %get3A_12, %select_n3A_26 : vector<8x512xi32>
    %slice3A_27 = vector.extract_strided_slice %reshape3A {offsets = [1, 0, 0], sizes = [1, 8, 512], strides = [1, 1, 1]} : vector<128x8x512xf32> to vector<1x8x512xf32>
    %squeeze3A_28 = vector.shape_cast %slice3A_27 : vector<1x8x512xf32> to vector<8x512xf32>
    %slice3A_29 = vector.extract_strided_slice %reshape3A_9 {offsets = [1, 0, 0], sizes = [1, 8, 512], strides = [1, 1, 1]} : vector<128x8x512xf32> to vector<1x8x512xf32>
    %squeeze3A_30 = vector.shape_cast %slice3A_29 : vector<1x8x512xf32> to vector<8x512xf32>
    %min3A_31 = arith.minimumf %squeeze3A_30, %squeeze3A_28 : vector<8x512xf32>
    %gt3A_32 = arith.constant 0.000000e+00 : f32
    %gt3A_33 = vector.broadcast %gt3A_32 : f32 to vector<8x512xf32>
    %gt3A_34 = arith.cmpf ogt, %min3A_31, %gt3A_33 : vector<8x512xf32>
    %sub3A_35 = arith.subf %squeeze3A_30, %squeeze3A_28 : vector<8x512xf32>
    %abs3A_36 = math.absf %sub3A_35 : vector<8x512xf32>
    %gt3A_37 = arith.constant 3.000000e+00 : f32
    %gt3A_38 = vector.broadcast %gt3A_37 : f32 to vector<8x512xf32>
    %gt3A_39 = arith.cmpf ogt, %abs3A_36, %gt3A_38 : vector<8x512xf32>
    %jit3A_40 = arith.constant 65537 : i32
    %jit3A_41 = arith.constant 1 : i32
    %broadcast_in_dim3A_42 = vector.broadcast %jit3A_40 : i32 to vector<8x512xi32>
    %broadcast_in_dim3A_43 = vector.broadcast %jit3A_41 : i32 to vector<8x512xi32>
    %select_n3A_44 = arith.select %gt3A_39, %broadcast_in_dim3A_42, %broadcast_in_dim3A_43 : vector<8x512xi1>, vector<8x512xi32>
    %jit3A_45 = arith.constant 0 : i32
    %broadcast_in_dim3A_46 = vector.broadcast %jit3A_45 : i32 to vector<8x512xi32>
    %select_n3A_47 = arith.select %gt3A_34, %select_n3A_44, %broadcast_in_dim3A_46 : vector<8x512xi1>, vector<8x512xi32>
    %add3A_48 = arith.addi %broadcast_in_dim3A_13, %select_n3A_47 : vector<8x512xi32>
    %slice3A_49 = vector.extract_strided_slice %reshape3A {offsets = [2, 0, 0], sizes = [1, 8, 512], strides = [1, 1, 1]} : vector<128x8x512xf32> to vector<1x8x512xf32>
    %squeeze3A_50 = vector.shape_cast %slice3A_49 : vector<1x8x512xf32> to vector<8x512xf32>
    %slice3A_51 = vector.extract_strided_slice %reshape3A_9 {offsets = [2, 0, 0], sizes = [1, 8, 512], strides = [1, 1, 1]} : vector<128x8x512xf32> to vector<1x8x512xf32>
    %squeeze3A_52 = vector.shape_cast %slice3A_51 : vector<1x8x512xf32> to vector<8x512xf32>
    %min3A_53 = arith.minimumf %squeeze3A_52, %squeeze3A_50 : vector<8x512xf32>
    %gt3A_54 = arith.constant 0.000000e+00 : f32
    %gt3A_55 = vector.broadcast %gt3A_54 : f32 to vector<8x512xf32>
    %gt3A_56 = arith.cmpf ogt, %min3A_53, %gt3A_55 : vector<8x512xf32>
    %sub3A_57 = arith.subf %squeeze3A_52, %squeeze3A_50 : vector<8x512xf32>
    %abs3A_58 = math.absf %sub3A_57 : vector<8x512xf32>
    %gt3A_59 = arith.constant 3.000000e+00 : f32
    %gt3A_60 = vector.broadcast %gt3A_59 : f32 to vector<8x512xf32>
    %gt3A_61 = arith.cmpf ogt, %abs3A_58, %gt3A_60 : vector<8x512xf32>
    %jit3A_62 = arith.constant 65537 : i32
    %jit3A_63 = arith.constant 1 : i32
    %broadcast_in_dim3A_64 = vector.broadcast %jit3A_62 : i32 to vector<8x512xi32>
    %broadcast_in_dim3A_65 = vector.broadcast %jit3A_63 : i32 to vector<8x512xi32>
    %select_n3A_66 = arith.select %gt3A_61, %broadcast_in_dim3A_64, %broadcast_in_dim3A_65 : vector<8x512xi1>, vector<8x512xi32>
    %jit3A_67 = arith.constant 0 : i32
    %broadcast_in_dim3A_68 = vector.broadcast %jit3A_67 : i32 to vector<8x512xi32>
    %select_n3A_69 = arith.select %gt3A_56, %select_n3A_66, %broadcast_in_dim3A_68 : vector<8x512xi1>, vector<8x512xi32>
    %add3A_70 = arith.addi %add3A, %select_n3A_69 : vector<8x512xi32>
    %slice3A_71 = vector.extract_strided_slice %reshape3A {offsets = [3, 0, 0], sizes = [1, 8, 512], strides = [1, 1, 1]} : vector<128x8x512xf32> to vector<1x8x512xf32>
    %squeeze3A_72 = vector.shape_cast %slice3A_71 : vector<1x8x512xf32> to vector<8x512xf32>
    %slice3A_73 = vector.extract_strided_slice %reshape3A_9 {offsets = [3, 0, 0], sizes = [1, 8, 512], strides = [1, 1, 1]} : vector<128x8x512xf32> to vector<1x8x512xf32>
    %squeeze3A_74 = vector.shape_cast %slice3A_73 : vector<1x8x512xf32> to vector<8x512xf32>
    %min3A_75 = arith.minimumf %squeeze3A_74, %squeeze3A_72 : vector<8x512xf32>
    %gt3A_76 = arith.constant 0.000000e+00 : f32
    %gt3A_77 = vector.broadcast %gt3A_76 : f32 to vector<8x512xf32>
    %gt3A_78 = arith.cmpf ogt, %min3A_75, %gt3A_77 : vector<8x512xf32>
    %sub3A_79 = arith.subf %squeeze3A_74, %squeeze3A_72 : vector<8x512xf32>
    %abs3A_80 = math.absf %sub3A_79 : vector<8x512xf32>
    %gt3A_81 = arith.constant 3.000000e+00 : f32
    %gt3A_82 = vector.broadcast %gt3A_81 : f32 to vector<8x512xf32>
    %gt3A_83 = arith.cmpf ogt, %abs3A_80, %gt3A_82 : vector<8x512xf32>
    %jit3A_84 = arith.constant 65537 : i32
    %jit3A_85 = arith.constant 1 : i32
    %broadcast_in_dim3A_86 = vector.broadcast %jit3A_84 : i32 to vector<8x512xi32>
    %broadcast_in_dim3A_87 = vector.broadcast %jit3A_85 : i32 to vector<8x512xi32>
    %select_n3A_88 = arith.select %gt3A_83, %broadcast_in_dim3A_86, %broadcast_in_dim3A_87 : vector<8x512xi1>, vector<8x512xi32>
    %jit3A_89 = arith.constant 0 : i32
    %broadcast_in_dim3A_90 = vector.broadcast %jit3A_89 : i32 to vector<8x512xi32>
    %select_n3A_91 = arith.select %gt3A_78, %select_n3A_88, %broadcast_in_dim3A_90 : vector<8x512xi1>, vector<8x512xi32>
    %add3A_92 = arith.addi %add3A_48, %select_n3A_91 : vector<8x512xi32>
    %slice3A_93 = vector.extract_strided_slice %reshape3A {offsets = [4, 0, 0], sizes = [1, 8, 512], strides = [1, 1, 1]} : vector<128x8x512xf32> to vector<1x8x512xf32>
    %squeeze3A_94 = vector.shape_cast %slice3A_93 : vector<1x8x512xf32> to vector<8x512xf32>
    %slice3A_95 = vector.extract_strided_slice %reshape3A_9 {offsets = [4, 0, 0], sizes = [1, 8, 512], strides = [1, 1, 1]} : vector<128x8x512xf32> to vector<1x8x512xf32>
    %squeeze3A_96 = vector.shape_cast %slice3A_95 : vector<1x8x512xf32> to vector<8x512xf32>
    %min3A_97 = arith.minimumf %squeeze3A_96, %squeeze3A_94 : vector<8x512xf32>
    %gt3A_98 = arith.constant 0.000000e+00 : f32
    %gt3A_99 = vector.broadcast %gt3A_98 : f32 to vector<8x512xf32>
    %gt3A_100 = arith.cmpf ogt, %min3A_97, %gt3A_99 : vector<8x512xf32>
    %sub3A_101 = arith.subf %squeeze3A_96, %squeeze3A_94 : vector<8x512xf32>
    %abs3A_102 = math.absf %sub3A_101 : vector<8x512xf32>
    %gt3A_103 = arith.constant 3.000000e+00 : f32
    %gt3A_104 = vector.broadcast %gt3A_103 : f32 to vector<8x512xf32>
    %gt3A_105 = arith.cmpf ogt, %abs3A_102, %gt3A_104 : vector<8x512xf32>
    %jit3A_106 = arith.constant 65537 : i32
    %jit3A_107 = arith.constant 1 : i32
    %broadcast_in_dim3A_108 = vector.broadcast %jit3A_106 : i32 to vector<8x512xi32>
    %broadcast_in_dim3A_109 = vector.broadcast %jit3A_107 : i32 to vector<8x512xi32>
    %select_n3A_110 = arith.select %gt3A_105, %broadcast_in_dim3A_108, %broadcast_in_dim3A_109 : vector<8x512xi1>, vector<8x512xi32>
    %jit3A_111 = arith.constant 0 : i32
    %broadcast_in_dim3A_112 = vector.broadcast %jit3A_111 : i32 to vector<8x512xi32>
    %select_n3A_113 = arith.select %gt3A_100, %select_n3A_110, %broadcast_in_dim3A_112 : vector<8x512xi1>, vector<8x512xi32>
    %add3A_114 = arith.addi %add3A_70, %select_n3A_113 : vector<8x512xi32>
    %slice3A_115 = vector.extract_strided_slice %reshape3A {offsets = [5, 0, 0], sizes = [1, 8, 512], strides = [1, 1, 1]} : vector<128x8x512xf32> to vector<1x8x512xf32>
    %squeeze3A_116 = vector.shape_cast %slice3A_115 : vector<1x8x512xf32> to vector<8x512xf32>
    %slice3A_117 = vector.extract_strided_slice %reshape3A_9 {offsets = [5, 0, 0], sizes = [1, 8, 512], strides = [1, 1, 1]} : vector<128x8x512xf32> to vector<1x8x512xf32>
    %squeeze3A_118 = vector.shape_cast %slice3A_117 : vector<1x8x512xf32> to vector<8x512xf32>
    %min3A_119 = arith.minimumf %squeeze3A_118, %squeeze3A_116 : vector<8x512xf32>
    %gt3A_120 = arith.constant 0.000000e+00 : f32
    %gt3A_121 = vector.broadcast %gt3A_120 : f32 to vector<8x512xf32>
    %gt3A_122 = arith.cmpf ogt, %min3A_119, %gt3A_121 : vector<8x512xf32>
    %sub3A_123 = arith.subf %squeeze3A_118, %squeeze3A_116 : vector<8x512xf32>
    %abs3A_124 = math.absf %sub3A_123 : vector<8x512xf32>
    %gt3A_125 = arith.constant 3.000000e+00 : f32
    %gt3A_126 = vector.broadcast %gt3A_125 : f32 to vector<8x512xf32>
    %gt3A_127 = arith.cmpf ogt, %abs3A_124, %gt3A_126 : vector<8x512xf32>
    %jit3A_128 = arith.constant 65537 : i32
    %jit3A_129 = arith.constant 1 : i32
    %broadcast_in_dim3A_130 = vector.broadcast %jit3A_128 : i32 to vector<8x512xi32>
    %broadcast_in_dim3A_131 = vector.broadcast %jit3A_129 : i32 to vector<8x512xi32>
    %select_n3A_132 = arith.select %gt3A_127, %broadcast_in_dim3A_130, %broadcast_in_dim3A_131 : vector<8x512xi1>, vector<8x512xi32>
    %jit3A_133 = arith.constant 0 : i32
    %broadcast_in_dim3A_134 = vector.broadcast %jit3A_133 : i32 to vector<8x512xi32>
    %select_n3A_135 = arith.select %gt3A_122, %select_n3A_132, %broadcast_in_dim3A_134 : vector<8x512xi1>, vector<8x512xi32>
    %add3A_136 = arith.addi %add3A_92, %select_n3A_135 : vector<8x512xi32>
    %slice3A_137 = vector.extract_strided_slice %reshape3A {offsets = [6, 0, 0], sizes = [1, 8, 512], strides = [1, 1, 1]} : vector<128x8x512xf32> to vector<1x8x512xf32>
    %squeeze3A_138 = vector.shape_cast %slice3A_137 : vector<1x8x512xf32> to vector<8x512xf32>
    %slice3A_139 = vector.extract_strided_slice %reshape3A_9 {offsets = [6, 0, 0], sizes = [1, 8, 512], strides = [1, 1, 1]} : vector<128x8x512xf32> to vector<1x8x512xf32>
    %squeeze3A_140 = vector.shape_cast %slice3A_139 : vector<1x8x512xf32> to vector<8x512xf32>
    %min3A_141 = arith.minimumf %squeeze3A_140, %squeeze3A_138 : vector<8x512xf32>
    %gt3A_142 = arith.constant 0.000000e+00 : f32
    %gt3A_143 = vector.broadcast %gt3A_142 : f32 to vector<8x512xf32>
    %gt3A_144 = arith.cmpf ogt, %min3A_141, %gt3A_143 : vector<8x512xf32>
    %sub3A_145 = arith.subf %squeeze3A_140, %squeeze3A_138 : vector<8x512xf32>
    %abs3A_146 = math.absf %sub3A_145 : vector<8x512xf32>
    %gt3A_147 = arith.constant 3.000000e+00 : f32
    %gt3A_148 = vector.broadcast %gt3A_147 : f32 to vector<8x512xf32>
    %gt3A_149 = arith.cmpf ogt, %abs3A_146, %gt3A_148 : vector<8x512xf32>
    %jit3A_150 = arith.constant 65537 : i32
    %jit3A_151 = arith.constant 1 : i32
    %broadcast_in_dim3A_152 = vector.broadcast %jit3A_150 : i32 to vector<8x512xi32>
    %broadcast_in_dim3A_153 = vector.broadcast %jit3A_151 : i32 to vector<8x512xi32>
    %select_n3A_154 = arith.select %gt3A_149, %broadcast_in_dim3A_152, %broadcast_in_dim3A_153 : vector<8x512xi1>, vector<8x512xi32>
    %jit3A_155 = arith.constant 0 : i32
    %broadcast_in_dim3A_156 = vector.broadcast %jit3A_155 : i32 to vector<8x512xi32>
    %select_n3A_157 = arith.select %gt3A_144, %select_n3A_154, %broadcast_in_dim3A_156 : vector<8x512xi1>, vector<8x512xi32>
    %add3A_158 = arith.addi %add3A_114, %select_n3A_157 : vector<8x512xi32>
    %slice3A_159 = vector.extract_strided_slice %reshape3A {offsets = [7, 0, 0], sizes = [1, 8, 512], strides = [1, 1, 1]} : vector<128x8x512xf32> to vector<1x8x512xf32>
    %squeeze3A_160 = vector.shape_cast %slice3A_159 : vector<1x8x512xf32> to vector<8x512xf32>
    %slice3A_161 = vector.extract_strided_slice %reshape3A_9 {offsets = [7, 0, 0], sizes = [1, 8, 512], strides = [1, 1, 1]} : vector<128x8x512xf32> to vector<1x8x512xf32>
    %squeeze3A_162 = vector.shape_cast %slice3A_161 : vector<1x8x512xf32> to vector<8x512xf32>
    %min3A_163 = arith.minimumf %squeeze3A_162, %squeeze3A_160 : vector<8x512xf32>
    %gt3A_164 = arith.constant 0.000000e+00 : f32
    %gt3A_165 = vector.broadcast %gt3A_164 : f32 to vector<8x512xf32>
    %gt3A_166 = arith.cmpf ogt, %min3A_163, %gt3A_165 : vector<8x512xf32>
    %sub3A_167 = arith.subf %squeeze3A_162, %squeeze3A_160 : vector<8x512xf32>
    %abs3A_168 = math.absf %sub3A_167 : vector<8x512xf32>
    %gt3A_169 = arith.constant 3.000000e+00 : f32
    %gt3A_170 = vector.broadcast %gt3A_169 : f32 to vector<8x512xf32>
    %gt3A_171 = arith.cmpf ogt, %abs3A_168, %gt3A_170 : vector<8x512xf32>
    %jit3A_172 = arith.constant 65537 : i32
    %jit3A_173 = arith.constant 1 : i32
    %broadcast_in_dim3A_174 = vector.broadcast %jit3A_172 : i32 to vector<8x512xi32>
    %broadcast_in_dim3A_175 = vector.broadcast %jit3A_173 : i32 to vector<8x512xi32>
    %select_n3A_176 = arith.select %gt3A_171, %broadcast_in_dim3A_174, %broadcast_in_dim3A_175 : vector<8x512xi1>, vector<8x512xi32>
    %jit3A_177 = arith.constant 0 : i32
    %broadcast_in_dim3A_178 = vector.broadcast %jit3A_177 : i32 to vector<8x512xi32>
    %select_n3A_179 = arith.select %gt3A_166, %select_n3A_176, %broadcast_in_dim3A_178 : vector<8x512xi1>, vector<8x512xi32>
    %add3A_180 = arith.addi %add3A_136, %select_n3A_179 : vector<8x512xi32>
    %slice3A_181 = vector.extract_strided_slice %reshape3A {offsets = [8, 0, 0], sizes = [1, 8, 512], strides = [1, 1, 1]} : vector<128x8x512xf32> to vector<1x8x512xf32>
    %squeeze3A_182 = vector.shape_cast %slice3A_181 : vector<1x8x512xf32> to vector<8x512xf32>
    %slice3A_183 = vector.extract_strided_slice %reshape3A_9 {offsets = [8, 0, 0], sizes = [1, 8, 512], strides = [1, 1, 1]} : vector<128x8x512xf32> to vector<1x8x512xf32>
    %squeeze3A_184 = vector.shape_cast %slice3A_183 : vector<1x8x512xf32> to vector<8x512xf32>
    %min3A_185 = arith.minimumf %squeeze3A_184, %squeeze3A_182 : vector<8x512xf32>
    %gt3A_186 = arith.constant 0.000000e+00 : f32
    %gt3A_187 = vector.broadcast %gt3A_186 : f32 to vector<8x512xf32>
    %gt3A_188 = arith.cmpf ogt, %min3A_185, %gt3A_187 : vector<8x512xf32>
    %sub3A_189 = arith.subf %squeeze3A_184, %squeeze3A_182 : vector<8x512xf32>
    %abs3A_190 = math.absf %sub3A_189 : vector<8x512xf32>
    %gt3A_191 = arith.constant 3.000000e+00 : f32
    %gt3A_192 = vector.broadcast %gt3A_191 : f32 to vector<8x512xf32>
    %gt3A_193 = arith.cmpf ogt, %abs3A_190, %gt3A_192 : vector<8x512xf32>
    %jit3A_194 = arith.constant 65537 : i32
    %jit3A_195 = arith.constant 1 : i32
    %broadcast_in_dim3A_196 = vector.broadcast %jit3A_194 : i32 to vector<8x512xi32>
    %broadcast_in_dim3A_197 = vector.broadcast %jit3A_195 : i32 to vector<8x512xi32>
    %select_n3A_198 = arith.select %gt3A_193, %broadcast_in_dim3A_196, %broadcast_in_dim3A_197 : vector<8x512xi1>, vector<8x512xi32>
    %jit3A_199 = arith.constant 0 : i32
    %broadcast_in_dim3A_200 = vector.broadcast %jit3A_199 : i32 to vector<8x512xi32>
    %select_n3A_201 = arith.select %gt3A_188, %select_n3A_198, %broadcast_in_dim3A_200 : vector<8x512xi1>, vector<8x512xi32>
    %add3A_202 = arith.addi %add3A_158, %select_n3A_201 : vector<8x512xi32>
    %slice3A_203 = vector.extract_strided_slice %reshape3A {offsets = [9, 0, 0], sizes = [1, 8, 512], strides = [1, 1, 1]} : vector<128x8x512xf32> to vector<1x8x512xf32>
    %squeeze3A_204 = vector.shape_cast %slice3A_203 : vector<1x8x512xf32> to vector<8x512xf32>
    %slice3A_205 = vector.extract_strided_slice %reshape3A_9 {offsets = [9, 0, 0], sizes = [1, 8, 512], strides = [1, 1, 1]} : vector<128x8x512xf32> to vector<1x8x512xf32>
    %squeeze3A_206 = vector.shape_cast %slice3A_205 : vector<1x8x512xf32> to vector<8x512xf32>
    %min3A_207 = arith.minimumf %squeeze3A_206, %squeeze3A_204 : vector<8x512xf32>
    %gt3A_208 = arith.constant 0.000000e+00 : f32
    %gt3A_209 = vector.broadcast %gt3A_208 : f32 to vector<8x512xf32>
    %gt3A_210 = arith.cmpf ogt, %min3A_207, %gt3A_209 : vector<8x512xf32>
    %sub3A_211 = arith.subf %squeeze3A_206, %squeeze3A_204 : vector<8x512xf32>
    %abs3A_212 = math.absf %sub3A_211 : vector<8x512xf32>
    %gt3A_213 = arith.constant 3.000000e+00 : f32
    %gt3A_214 = vector.broadcast %gt3A_213 : f32 to vector<8x512xf32>
    %gt3A_215 = arith.cmpf ogt, %abs3A_212, %gt3A_214 : vector<8x512xf32>
    %jit3A_216 = arith.constant 65537 : i32
    %jit3A_217 = arith.constant 1 : i32
    %broadcast_in_dim3A_218 = vector.broadcast %jit3A_216 : i32 to vector<8x512xi32>
    %broadcast_in_dim3A_219 = vector.broadcast %jit3A_217 : i32 to vector<8x512xi32>
    %select_n3A_220 = arith.select %gt3A_215, %broadcast_in_dim3A_218, %broadcast_in_dim3A_219 : vector<8x512xi1>, vector<8x512xi32>
    %jit3A_221 = arith.constant 0 : i32
    %broadcast_in_dim3A_222 = vector.broadcast %jit3A_221 : i32 to vector<8x512xi32>
    %select_n3A_223 = arith.select %gt3A_210, %select_n3A_220, %broadcast_in_dim3A_222 : vector<8x512xi1>, vector<8x512xi32>
    %add3A_224 = arith.addi %add3A_180, %select_n3A_223 : vector<8x512xi32>
    %slice3A_225 = vector.extract_strided_slice %reshape3A {offsets = [10, 0, 0], sizes = [1, 8, 512], strides = [1, 1, 1]} : vector<128x8x512xf32> to vector<1x8x512xf32>
    %squeeze3A_226 = vector.shape_cast %slice3A_225 : vector<1x8x512xf32> to vector<8x512xf32>
    %slice3A_227 = vector.extract_strided_slice %reshape3A_9 {offsets = [10, 0, 0], sizes = [1, 8, 512], strides = [1, 1, 1]} : vector<128x8x512xf32> to vector<1x8x512xf32>
    %squeeze3A_228 = vector.shape_cast %slice3A_227 : vector<1x8x512xf32> to vector<8x512xf32>
    %min3A_229 = arith.minimumf %squeeze3A_228, %squeeze3A_226 : vector<8x512xf32>
    %gt3A_230 = arith.constant 0.000000e+00 : f32
    %gt3A_231 = vector.broadcast %gt3A_230 : f32 to vector<8x512xf32>
    %gt3A_232 = arith.cmpf ogt, %min3A_229, %gt3A_231 : vector<8x512xf32>
    %sub3A_233 = arith.subf %squeeze3A_228, %squeeze3A_226 : vector<8x512xf32>
    %abs3A_234 = math.absf %sub3A_233 : vector<8x512xf32>
    %gt3A_235 = arith.constant 3.000000e+00 : f32
    %gt3A_236 = vector.broadcast %gt3A_235 : f32 to vector<8x512xf32>
    %gt3A_237 = arith.cmpf ogt, %abs3A_234, %gt3A_236 : vector<8x512xf32>
    %jit3A_238 = arith.constant 65537 : i32
    %jit3A_239 = arith.constant 1 : i32
    %broadcast_in_dim3A_240 = vector.broadcast %jit3A_238 : i32 to vector<8x512xi32>
    %broadcast_in_dim3A_241 = vector.broadcast %jit3A_239 : i32 to vector<8x512xi32>
    %select_n3A_242 = arith.select %gt3A_237, %broadcast_in_dim3A_240, %broadcast_in_dim3A_241 : vector<8x512xi1>, vector<8x512xi32>
    %jit3A_243 = arith.constant 0 : i32
    %broadcast_in_dim3A_244 = vector.broadcast %jit3A_243 : i32 to vector<8x512xi32>
    %select_n3A_245 = arith.select %gt3A_232, %select_n3A_242, %broadcast_in_dim3A_244 : vector<8x512xi1>, vector<8x512xi32>
    %add3A_246 = arith.addi %add3A_202, %select_n3A_245 : vector<8x512xi32>
    %slice3A_247 = vector.extract_strided_slice %reshape3A {offsets = [11, 0, 0], sizes = [1, 8, 512], strides = [1, 1, 1]} : vector<128x8x512xf32> to vector<1x8x512xf32>
    %squeeze3A_248 = vector.shape_cast %slice3A_247 : vector<1x8x512xf32> to vector<8x512xf32>
    %slice3A_249 = vector.extract_strided_slice %reshape3A_9 {offsets = [11, 0, 0], sizes = [1, 8, 512], strides = [1, 1, 1]} : vector<128x8x512xf32> to vector<1x8x512xf32>
    %squeeze3A_250 = vector.shape_cast %slice3A_249 : vector<1x8x512xf32> to vector<8x512xf32>
    %min3A_251 = arith.minimumf %squeeze3A_250, %squeeze3A_248 : vector<8x512xf32>
    %gt3A_252 = arith.constant 0.000000e+00 : f32
    %gt3A_253 = vector.broadcast %gt3A_252 : f32 to vector<8x512xf32>
    %gt3A_254 = arith.cmpf ogt, %min3A_251, %gt3A_253 : vector<8x512xf32>
    %sub3A_255 = arith.subf %squeeze3A_250, %squeeze3A_248 : vector<8x512xf32>
    %abs3A_256 = math.absf %sub3A_255 : vector<8x512xf32>
    %gt3A_257 = arith.constant 3.000000e+00 : f32
    %gt3A_258 = vector.broadcast %gt3A_257 : f32 to vector<8x512xf32>
    %gt3A_259 = arith.cmpf ogt, %abs3A_256, %gt3A_258 : vector<8x512xf32>
    %jit3A_260 = arith.constant 65537 : i32
    %jit3A_261 = arith.constant 1 : i32
    %broadcast_in_dim3A_262 = vector.broadcast %jit3A_260 : i32 to vector<8x512xi32>
    %broadcast_in_dim3A_263 = vector.broadcast %jit3A_261 : i32 to vector<8x512xi32>
    %select_n3A_264 = arith.select %gt3A_259, %broadcast_in_dim3A_262, %broadcast_in_dim3A_263 : vector<8x512xi1>, vector<8x512xi32>
    %jit3A_265 = arith.constant 0 : i32
    %broadcast_in_dim3A_266 = vector.broadcast %jit3A_265 : i32 to vector<8x512xi32>
    %select_n3A_267 = arith.select %gt3A_254, %select_n3A_264, %broadcast_in_dim3A_266 : vector<8x512xi1>, vector<8x512xi32>
    %add3A_268 = arith.addi %add3A_224, %select_n3A_267 : vector<8x512xi32>
    %slice3A_269 = vector.extract_strided_slice %reshape3A {offsets = [12, 0, 0], sizes = [1, 8, 512], strides = [1, 1, 1]} : vector<128x8x512xf32> to vector<1x8x512xf32>
    %squeeze3A_270 = vector.shape_cast %slice3A_269 : vector<1x8x512xf32> to vector<8x512xf32>
    %slice3A_271 = vector.extract_strided_slice %reshape3A_9 {offsets = [12, 0, 0], sizes = [1, 8, 512], strides = [1, 1, 1]} : vector<128x8x512xf32> to vector<1x8x512xf32>
    %squeeze3A_272 = vector.shape_cast %slice3A_271 : vector<1x8x512xf32> to vector<8x512xf32>
    %min3A_273 = arith.minimumf %squeeze3A_272, %squeeze3A_270 : vector<8x512xf32>
    %gt3A_274 = arith.constant 0.000000e+00 : f32
    %gt3A_275 = vector.broadcast %gt3A_274 : f32 to vector<8x512xf32>
    %gt3A_276 = arith.cmpf ogt, %min3A_273, %gt3A_275 : vector<8x512xf32>
    %sub3A_277 = arith.subf %squeeze3A_272, %squeeze3A_270 : vector<8x512xf32>
    %abs3A_278 = math.absf %sub3A_277 : vector<8x512xf32>
    %gt3A_279 = arith.constant 3.000000e+00 : f32
    %gt3A_280 = vector.broadcast %gt3A_279 : f32 to vector<8x512xf32>
    %gt3A_281 = arith.cmpf ogt, %abs3A_278, %gt3A_280 : vector<8x512xf32>
    %jit3A_282 = arith.constant 65537 : i32
    %jit3A_283 = arith.constant 1 : i32
    %broadcast_in_dim3A_284 = vector.broadcast %jit3A_282 : i32 to vector<8x512xi32>
    %broadcast_in_dim3A_285 = vector.broadcast %jit3A_283 : i32 to vector<8x512xi32>
    %select_n3A_286 = arith.select %gt3A_281, %broadcast_in_dim3A_284, %broadcast_in_dim3A_285 : vector<8x512xi1>, vector<8x512xi32>
    %jit3A_287 = arith.constant 0 : i32
    %broadcast_in_dim3A_288 = vector.broadcast %jit3A_287 : i32 to vector<8x512xi32>
    %select_n3A_289 = arith.select %gt3A_276, %select_n3A_286, %broadcast_in_dim3A_288 : vector<8x512xi1>, vector<8x512xi32>
    %add3A_290 = arith.addi %add3A_246, %select_n3A_289 : vector<8x512xi32>
    %slice3A_291 = vector.extract_strided_slice %reshape3A {offsets = [13, 0, 0], sizes = [1, 8, 512], strides = [1, 1, 1]} : vector<128x8x512xf32> to vector<1x8x512xf32>
    %squeeze3A_292 = vector.shape_cast %slice3A_291 : vector<1x8x512xf32> to vector<8x512xf32>
    %slice3A_293 = vector.extract_strided_slice %reshape3A_9 {offsets = [13, 0, 0], sizes = [1, 8, 512], strides = [1, 1, 1]} : vector<128x8x512xf32> to vector<1x8x512xf32>
    %squeeze3A_294 = vector.shape_cast %slice3A_293 : vector<1x8x512xf32> to vector<8x512xf32>
    %min3A_295 = arith.minimumf %squeeze3A_294, %squeeze3A_292 : vector<8x512xf32>
    %gt3A_296 = arith.constant 0.000000e+00 : f32
    %gt3A_297 = vector.broadcast %gt3A_296 : f32 to vector<8x512xf32>
    %gt3A_298 = arith.cmpf ogt, %min3A_295, %gt3A_297 : vector<8x512xf32>
    %sub3A_299 = arith.subf %squeeze3A_294, %squeeze3A_292 : vector<8x512xf32>
    %abs3A_300 = math.absf %sub3A_299 : vector<8x512xf32>
    %gt3A_301 = arith.constant 3.000000e+00 : f32
    %gt3A_302 = vector.broadcast %gt3A_301 : f32 to vector<8x512xf32>
    %gt3A_303 = arith.cmpf ogt, %abs3A_300, %gt3A_302 : vector<8x512xf32>
    %jit3A_304 = arith.constant 65537 : i32
    %jit3A_305 = arith.constant 1 : i32
    %broadcast_in_dim3A_306 = vector.broadcast %jit3A_304 : i32 to vector<8x512xi32>
    %broadcast_in_dim3A_307 = vector.broadcast %jit3A_305 : i32 to vector<8x512xi32>
    %select_n3A_308 = arith.select %gt3A_303, %broadcast_in_dim3A_306, %broadcast_in_dim3A_307 : vector<8x512xi1>, vector<8x512xi32>
    %jit3A_309 = arith.constant 0 : i32
    %broadcast_in_dim3A_310 = vector.broadcast %jit3A_309 : i32 to vector<8x512xi32>
    %select_n3A_311 = arith.select %gt3A_298, %select_n3A_308, %broadcast_in_dim3A_310 : vector<8x512xi1>, vector<8x512xi32>
    %add3A_312 = arith.addi %add3A_268, %select_n3A_311 : vector<8x512xi32>
    %slice3A_313 = vector.extract_strided_slice %reshape3A {offsets = [14, 0, 0], sizes = [1, 8, 512], strides = [1, 1, 1]} : vector<128x8x512xf32> to vector<1x8x512xf32>
    %squeeze3A_314 = vector.shape_cast %slice3A_313 : vector<1x8x512xf32> to vector<8x512xf32>
    %slice3A_315 = vector.extract_strided_slice %reshape3A_9 {offsets = [14, 0, 0], sizes = [1, 8, 512], strides = [1, 1, 1]} : vector<128x8x512xf32> to vector<1x8x512xf32>
    %squeeze3A_316 = vector.shape_cast %slice3A_315 : vector<1x8x512xf32> to vector<8x512xf32>
    %min3A_317 = arith.minimumf %squeeze3A_316, %squeeze3A_314 : vector<8x512xf32>
    %gt3A_318 = arith.constant 0.000000e+00 : f32
    %gt3A_319 = vector.broadcast %gt3A_318 : f32 to vector<8x512xf32>
    %gt3A_320 = arith.cmpf ogt, %min3A_317, %gt3A_319 : vector<8x512xf32>
    %sub3A_321 = arith.subf %squeeze3A_316, %squeeze3A_314 : vector<8x512xf32>
    %abs3A_322 = math.absf %sub3A_321 : vector<8x512xf32>
    %gt3A_323 = arith.constant 3.000000e+00 : f32
    %gt3A_324 = vector.broadcast %gt3A_323 : f32 to vector<8x512xf32>
    %gt3A_325 = arith.cmpf ogt, %abs3A_322, %gt3A_324 : vector<8x512xf32>
    %jit3A_326 = arith.constant 65537 : i32
    %jit3A_327 = arith.constant 1 : i32
    %broadcast_in_dim3A_328 = vector.broadcast %jit3A_326 : i32 to vector<8x512xi32>
    %broadcast_in_dim3A_329 = vector.broadcast %jit3A_327 : i32 to vector<8x512xi32>
    %select_n3A_330 = arith.select %gt3A_325, %broadcast_in_dim3A_328, %broadcast_in_dim3A_329 : vector<8x512xi1>, vector<8x512xi32>
    %jit3A_331 = arith.constant 0 : i32
    %broadcast_in_dim3A_332 = vector.broadcast %jit3A_331 : i32 to vector<8x512xi32>
    %select_n3A_333 = arith.select %gt3A_320, %select_n3A_330, %broadcast_in_dim3A_332 : vector<8x512xi1>, vector<8x512xi32>
    %add3A_334 = arith.addi %add3A_290, %select_n3A_333 : vector<8x512xi32>
    %slice3A_335 = vector.extract_strided_slice %reshape3A {offsets = [15, 0, 0], sizes = [1, 8, 512], strides = [1, 1, 1]} : vector<128x8x512xf32> to vector<1x8x512xf32>
    %squeeze3A_336 = vector.shape_cast %slice3A_335 : vector<1x8x512xf32> to vector<8x512xf32>
    %slice3A_337 = vector.extract_strided_slice %reshape3A_9 {offsets = [15, 0, 0], sizes = [1, 8, 512], strides = [1, 1, 1]} : vector<128x8x512xf32> to vector<1x8x512xf32>
    %squeeze3A_338 = vector.shape_cast %slice3A_337 : vector<1x8x512xf32> to vector<8x512xf32>
    %min3A_339 = arith.minimumf %squeeze3A_338, %squeeze3A_336 : vector<8x512xf32>
    %gt3A_340 = arith.constant 0.000000e+00 : f32
    %gt3A_341 = vector.broadcast %gt3A_340 : f32 to vector<8x512xf32>
    %gt3A_342 = arith.cmpf ogt, %min3A_339, %gt3A_341 : vector<8x512xf32>
    %sub3A_343 = arith.subf %squeeze3A_338, %squeeze3A_336 : vector<8x512xf32>
    %abs3A_344 = math.absf %sub3A_343 : vector<8x512xf32>
    %gt3A_345 = arith.constant 3.000000e+00 : f32
    %gt3A_346 = vector.broadcast %gt3A_345 : f32 to vector<8x512xf32>
    %gt3A_347 = arith.cmpf ogt, %abs3A_344, %gt3A_346 : vector<8x512xf32>
    %jit3A_348 = arith.constant 65537 : i32
    %jit3A_349 = arith.constant 1 : i32
    %broadcast_in_dim3A_350 = vector.broadcast %jit3A_348 : i32 to vector<8x512xi32>
    %broadcast_in_dim3A_351 = vector.broadcast %jit3A_349 : i32 to vector<8x512xi32>
    %select_n3A_352 = arith.select %gt3A_347, %broadcast_in_dim3A_350, %broadcast_in_dim3A_351 : vector<8x512xi1>, vector<8x512xi32>
    %jit3A_353 = arith.constant 0 : i32
    %broadcast_in_dim3A_354 = vector.broadcast %jit3A_353 : i32 to vector<8x512xi32>
    %select_n3A_355 = arith.select %gt3A_342, %select_n3A_352, %broadcast_in_dim3A_354 : vector<8x512xi1>, vector<8x512xi32>
    %add3A_356 = arith.addi %add3A_312, %select_n3A_355 : vector<8x512xi32>
    %slice3A_357 = vector.extract_strided_slice %reshape3A {offsets = [16, 0, 0], sizes = [1, 8, 512], strides = [1, 1, 1]} : vector<128x8x512xf32> to vector<1x8x512xf32>
    %squeeze3A_358 = vector.shape_cast %slice3A_357 : vector<1x8x512xf32> to vector<8x512xf32>
    %slice3A_359 = vector.extract_strided_slice %reshape3A_9 {offsets = [16, 0, 0], sizes = [1, 8, 512], strides = [1, 1, 1]} : vector<128x8x512xf32> to vector<1x8x512xf32>
    %squeeze3A_360 = vector.shape_cast %slice3A_359 : vector<1x8x512xf32> to vector<8x512xf32>
    %min3A_361 = arith.minimumf %squeeze3A_360, %squeeze3A_358 : vector<8x512xf32>
    %gt3A_362 = arith.constant 0.000000e+00 : f32
    %gt3A_363 = vector.broadcast %gt3A_362 : f32 to vector<8x512xf32>
    %gt3A_364 = arith.cmpf ogt, %min3A_361, %gt3A_363 : vector<8x512xf32>
    %sub3A_365 = arith.subf %squeeze3A_360, %squeeze3A_358 : vector<8x512xf32>
    %abs3A_366 = math.absf %sub3A_365 : vector<8x512xf32>
    %gt3A_367 = arith.constant 3.000000e+00 : f32
    %gt3A_368 = vector.broadcast %gt3A_367 : f32 to vector<8x512xf32>
    %gt3A_369 = arith.cmpf ogt, %abs3A_366, %gt3A_368 : vector<8x512xf32>
    %jit3A_370 = arith.constant 65537 : i32
    %jit3A_371 = arith.constant 1 : i32
    %broadcast_in_dim3A_372 = vector.broadcast %jit3A_370 : i32 to vector<8x512xi32>
    %broadcast_in_dim3A_373 = vector.broadcast %jit3A_371 : i32 to vector<8x512xi32>
    %select_n3A_374 = arith.select %gt3A_369, %broadcast_in_dim3A_372, %broadcast_in_dim3A_373 : vector<8x512xi1>, vector<8x512xi32>
    %jit3A_375 = arith.constant 0 : i32
    %broadcast_in_dim3A_376 = vector.broadcast %jit3A_375 : i32 to vector<8x512xi32>
    %select_n3A_377 = arith.select %gt3A_364, %select_n3A_374, %broadcast_in_dim3A_376 : vector<8x512xi1>, vector<8x512xi32>
    %add3A_378 = arith.addi %add3A_334, %select_n3A_377 : vector<8x512xi32>
    %slice3A_379 = vector.extract_strided_slice %reshape3A {offsets = [17, 0, 0], sizes = [1, 8, 512], strides = [1, 1, 1]} : vector<128x8x512xf32> to vector<1x8x512xf32>
    %squeeze3A_380 = vector.shape_cast %slice3A_379 : vector<1x8x512xf32> to vector<8x512xf32>
    %slice3A_381 = vector.extract_strided_slice %reshape3A_9 {offsets = [17, 0, 0], sizes = [1, 8, 512], strides = [1, 1, 1]} : vector<128x8x512xf32> to vector<1x8x512xf32>
    %squeeze3A_382 = vector.shape_cast %slice3A_381 : vector<1x8x512xf32> to vector<8x512xf32>
    %min3A_383 = arith.minimumf %squeeze3A_382, %squeeze3A_380 : vector<8x512xf32>
    %gt3A_384 = arith.constant 0.000000e+00 : f32
    %gt3A_385 = vector.broadcast %gt3A_384 : f32 to vector<8x512xf32>
    %gt3A_386 = arith.cmpf ogt, %min3A_383, %gt3A_385 : vector<8x512xf32>
    %sub3A_387 = arith.subf %squeeze3A_382, %squeeze3A_380 : vector<8x512xf32>
    %abs3A_388 = math.absf %sub3A_387 : vector<8x512xf32>
    %gt3A_389 = arith.constant 3.000000e+00 : f32
    %gt3A_390 = vector.broadcast %gt3A_389 : f32 to vector<8x512xf32>
    %gt3A_391 = arith.cmpf ogt, %abs3A_388, %gt3A_390 : vector<8x512xf32>
    %jit3A_392 = arith.constant 65537 : i32
    %jit3A_393 = arith.constant 1 : i32
    %broadcast_in_dim3A_394 = vector.broadcast %jit3A_392 : i32 to vector<8x512xi32>
    %broadcast_in_dim3A_395 = vector.broadcast %jit3A_393 : i32 to vector<8x512xi32>
    %select_n3A_396 = arith.select %gt3A_391, %broadcast_in_dim3A_394, %broadcast_in_dim3A_395 : vector<8x512xi1>, vector<8x512xi32>
    %jit3A_397 = arith.constant 0 : i32
    %broadcast_in_dim3A_398 = vector.broadcast %jit3A_397 : i32 to vector<8x512xi32>
    %select_n3A_399 = arith.select %gt3A_386, %select_n3A_396, %broadcast_in_dim3A_398 : vector<8x512xi1>, vector<8x512xi32>
    %add3A_400 = arith.addi %add3A_356, %select_n3A_399 : vector<8x512xi32>
    %slice3A_401 = vector.extract_strided_slice %reshape3A {offsets = [18, 0, 0], sizes = [1, 8, 512], strides = [1, 1, 1]} : vector<128x8x512xf32> to vector<1x8x512xf32>
    %squeeze3A_402 = vector.shape_cast %slice3A_401 : vector<1x8x512xf32> to vector<8x512xf32>
    %slice3A_403 = vector.extract_strided_slice %reshape3A_9 {offsets = [18, 0, 0], sizes = [1, 8, 512], strides = [1, 1, 1]} : vector<128x8x512xf32> to vector<1x8x512xf32>
    %squeeze3A_404 = vector.shape_cast %slice3A_403 : vector<1x8x512xf32> to vector<8x512xf32>
    %min3A_405 = arith.minimumf %squeeze3A_404, %squeeze3A_402 : vector<8x512xf32>
    %gt3A_406 = arith.constant 0.000000e+00 : f32
    %gt3A_407 = vector.broadcast %gt3A_406 : f32 to vector<8x512xf32>
    %gt3A_408 = arith.cmpf ogt, %min3A_405, %gt3A_407 : vector<8x512xf32>
    %sub3A_409 = arith.subf %squeeze3A_404, %squeeze3A_402 : vector<8x512xf32>
    %abs3A_410 = math.absf %sub3A_409 : vector<8x512xf32>
    %gt3A_411 = arith.constant 3.000000e+00 : f32
    %gt3A_412 = vector.broadcast %gt3A_411 : f32 to vector<8x512xf32>
    %gt3A_413 = arith.cmpf ogt, %abs3A_410, %gt3A_412 : vector<8x512xf32>
    %jit3A_414 = arith.constant 65537 : i32
    %jit3A_415 = arith.constant 1 : i32
    %broadcast_in_dim3A_416 = vector.broadcast %jit3A_414 : i32 to vector<8x512xi32>
    %broadcast_in_dim3A_417 = vector.broadcast %jit3A_415 : i32 to vector<8x512xi32>
    %select_n3A_418 = arith.select %gt3A_413, %broadcast_in_dim3A_416, %broadcast_in_dim3A_417 : vector<8x512xi1>, vector<8x512xi32>
    %jit3A_419 = arith.constant 0 : i32
    %broadcast_in_dim3A_420 = vector.broadcast %jit3A_419 : i32 to vector<8x512xi32>
    %select_n3A_421 = arith.select %gt3A_408, %select_n3A_418, %broadcast_in_dim3A_420 : vector<8x512xi1>, vector<8x512xi32>
    %add3A_422 = arith.addi %add3A_378, %select_n3A_421 : vector<8x512xi32>
    %slice3A_423 = vector.extract_strided_slice %reshape3A {offsets = [19, 0, 0], sizes = [1, 8, 512], strides = [1, 1, 1]} : vector<128x8x512xf32> to vector<1x8x512xf32>
    %squeeze3A_424 = vector.shape_cast %slice3A_423 : vector<1x8x512xf32> to vector<8x512xf32>
    %slice3A_425 = vector.extract_strided_slice %reshape3A_9 {offsets = [19, 0, 0], sizes = [1, 8, 512], strides = [1, 1, 1]} : vector<128x8x512xf32> to vector<1x8x512xf32>
    %squeeze3A_426 = vector.shape_cast %slice3A_425 : vector<1x8x512xf32> to vector<8x512xf32>
    %min3A_427 = arith.minimumf %squeeze3A_426, %squeeze3A_424 : vector<8x512xf32>
    %gt3A_428 = arith.constant 0.000000e+00 : f32
    %gt3A_429 = vector.broadcast %gt3A_428 : f32 to vector<8x512xf32>
    %gt3A_430 = arith.cmpf ogt, %min3A_427, %gt3A_429 : vector<8x512xf32>
    %sub3A_431 = arith.subf %squeeze3A_426, %squeeze3A_424 : vector<8x512xf32>
    %abs3A_432 = math.absf %sub3A_431 : vector<8x512xf32>
    %gt3A_433 = arith.constant 3.000000e+00 : f32
    %gt3A_434 = vector.broadcast %gt3A_433 : f32 to vector<8x512xf32>
    %gt3A_435 = arith.cmpf ogt, %abs3A_432, %gt3A_434 : vector<8x512xf32>
    %jit3A_436 = arith.constant 65537 : i32
    %jit3A_437 = arith.constant 1 : i32
    %broadcast_in_dim3A_438 = vector.broadcast %jit3A_436 : i32 to vector<8x512xi32>
    %broadcast_in_dim3A_439 = vector.broadcast %jit3A_437 : i32 to vector<8x512xi32>
    %select_n3A_440 = arith.select %gt3A_435, %broadcast_in_dim3A_438, %broadcast_in_dim3A_439 : vector<8x512xi1>, vector<8x512xi32>
    %jit3A_441 = arith.constant 0 : i32
    %broadcast_in_dim3A_442 = vector.broadcast %jit3A_441 : i32 to vector<8x512xi32>
    %select_n3A_443 = arith.select %gt3A_430, %select_n3A_440, %broadcast_in_dim3A_442 : vector<8x512xi1>, vector<8x512xi32>
    %add3A_444 = arith.addi %add3A_400, %select_n3A_443 : vector<8x512xi32>
    %slice3A_445 = vector.extract_strided_slice %reshape3A {offsets = [20, 0, 0], sizes = [1, 8, 512], strides = [1, 1, 1]} : vector<128x8x512xf32> to vector<1x8x512xf32>
    %squeeze3A_446 = vector.shape_cast %slice3A_445 : vector<1x8x512xf32> to vector<8x512xf32>
    %slice3A_447 = vector.extract_strided_slice %reshape3A_9 {offsets = [20, 0, 0], sizes = [1, 8, 512], strides = [1, 1, 1]} : vector<128x8x512xf32> to vector<1x8x512xf32>
    %squeeze3A_448 = vector.shape_cast %slice3A_447 : vector<1x8x512xf32> to vector<8x512xf32>
    %min3A_449 = arith.minimumf %squeeze3A_448, %squeeze3A_446 : vector<8x512xf32>
    %gt3A_450 = arith.constant 0.000000e+00 : f32
    %gt3A_451 = vector.broadcast %gt3A_450 : f32 to vector<8x512xf32>
    %gt3A_452 = arith.cmpf ogt, %min3A_449, %gt3A_451 : vector<8x512xf32>
    %sub3A_453 = arith.subf %squeeze3A_448, %squeeze3A_446 : vector<8x512xf32>
    %abs3A_454 = math.absf %sub3A_453 : vector<8x512xf32>
    %gt3A_455 = arith.constant 3.000000e+00 : f32
    %gt3A_456 = vector.broadcast %gt3A_455 : f32 to vector<8x512xf32>
    %gt3A_457 = arith.cmpf ogt, %abs3A_454, %gt3A_456 : vector<8x512xf32>
    %jit3A_458 = arith.constant 65537 : i32
    %jit3A_459 = arith.constant 1 : i32
    %broadcast_in_dim3A_460 = vector.broadcast %jit3A_458 : i32 to vector<8x512xi32>
    %broadcast_in_dim3A_461 = vector.broadcast %jit3A_459 : i32 to vector<8x512xi32>
    %select_n3A_462 = arith.select %gt3A_457, %broadcast_in_dim3A_460, %broadcast_in_dim3A_461 : vector<8x512xi1>, vector<8x512xi32>
    %jit3A_463 = arith.constant 0 : i32
    %broadcast_in_dim3A_464 = vector.broadcast %jit3A_463 : i32 to vector<8x512xi32>
    %select_n3A_465 = arith.select %gt3A_452, %select_n3A_462, %broadcast_in_dim3A_464 : vector<8x512xi1>, vector<8x512xi32>
    %add3A_466 = arith.addi %add3A_422, %select_n3A_465 : vector<8x512xi32>
    %slice3A_467 = vector.extract_strided_slice %reshape3A {offsets = [21, 0, 0], sizes = [1, 8, 512], strides = [1, 1, 1]} : vector<128x8x512xf32> to vector<1x8x512xf32>
    %squeeze3A_468 = vector.shape_cast %slice3A_467 : vector<1x8x512xf32> to vector<8x512xf32>
    %slice3A_469 = vector.extract_strided_slice %reshape3A_9 {offsets = [21, 0, 0], sizes = [1, 8, 512], strides = [1, 1, 1]} : vector<128x8x512xf32> to vector<1x8x512xf32>
    %squeeze3A_470 = vector.shape_cast %slice3A_469 : vector<1x8x512xf32> to vector<8x512xf32>
    %min3A_471 = arith.minimumf %squeeze3A_470, %squeeze3A_468 : vector<8x512xf32>
    %gt3A_472 = arith.constant 0.000000e+00 : f32
    %gt3A_473 = vector.broadcast %gt3A_472 : f32 to vector<8x512xf32>
    %gt3A_474 = arith.cmpf ogt, %min3A_471, %gt3A_473 : vector<8x512xf32>
    %sub3A_475 = arith.subf %squeeze3A_470, %squeeze3A_468 : vector<8x512xf32>
    %abs3A_476 = math.absf %sub3A_475 : vector<8x512xf32>
    %gt3A_477 = arith.constant 3.000000e+00 : f32
    %gt3A_478 = vector.broadcast %gt3A_477 : f32 to vector<8x512xf32>
    %gt3A_479 = arith.cmpf ogt, %abs3A_476, %gt3A_478 : vector<8x512xf32>
    %jit3A_480 = arith.constant 65537 : i32
    %jit3A_481 = arith.constant 1 : i32
    %broadcast_in_dim3A_482 = vector.broadcast %jit3A_480 : i32 to vector<8x512xi32>
    %broadcast_in_dim3A_483 = vector.broadcast %jit3A_481 : i32 to vector<8x512xi32>
    %select_n3A_484 = arith.select %gt3A_479, %broadcast_in_dim3A_482, %broadcast_in_dim3A_483 : vector<8x512xi1>, vector<8x512xi32>
    %jit3A_485 = arith.constant 0 : i32
    %broadcast_in_dim3A_486 = vector.broadcast %jit3A_485 : i32 to vector<8x512xi32>
    %select_n3A_487 = arith.select %gt3A_474, %select_n3A_484, %broadcast_in_dim3A_486 : vector<8x512xi1>, vector<8x512xi32>
    %add3A_488 = arith.addi %add3A_444, %select_n3A_487 : vector<8x512xi32>
    %slice3A_489 = vector.extract_strided_slice %reshape3A {offsets = [22, 0, 0], sizes = [1, 8, 512], strides = [1, 1, 1]} : vector<128x8x512xf32> to vector<1x8x512xf32>
    %squeeze3A_490 = vector.shape_cast %slice3A_489 : vector<1x8x512xf32> to vector<8x512xf32>
    %slice3A_491 = vector.extract_strided_slice %reshape3A_9 {offsets = [22, 0, 0], sizes = [1, 8, 512], strides = [1, 1, 1]} : vector<128x8x512xf32> to vector<1x8x512xf32>
    %squeeze3A_492 = vector.shape_cast %slice3A_491 : vector<1x8x512xf32> to vector<8x512xf32>
    %min3A_493 = arith.minimumf %squeeze3A_492, %squeeze3A_490 : vector<8x512xf32>
    %gt3A_494 = arith.constant 0.000000e+00 : f32
    %gt3A_495 = vector.broadcast %gt3A_494 : f32 to vector<8x512xf32>
    %gt3A_496 = arith.cmpf ogt, %min3A_493, %gt3A_495 : vector<8x512xf32>
    %sub3A_497 = arith.subf %squeeze3A_492, %squeeze3A_490 : vector<8x512xf32>
    %abs3A_498 = math.absf %sub3A_497 : vector<8x512xf32>
    %gt3A_499 = arith.constant 3.000000e+00 : f32
    %gt3A_500 = vector.broadcast %gt3A_499 : f32 to vector<8x512xf32>
    %gt3A_501 = arith.cmpf ogt, %abs3A_498, %gt3A_500 : vector<8x512xf32>
    %jit3A_502 = arith.constant 65537 : i32
    %jit3A_503 = arith.constant 1 : i32
    %broadcast_in_dim3A_504 = vector.broadcast %jit3A_502 : i32 to vector<8x512xi32>
    %broadcast_in_dim3A_505 = vector.broadcast %jit3A_503 : i32 to vector<8x512xi32>
    %select_n3A_506 = arith.select %gt3A_501, %broadcast_in_dim3A_504, %broadcast_in_dim3A_505 : vector<8x512xi1>, vector<8x512xi32>
    %jit3A_507 = arith.constant 0 : i32
    %broadcast_in_dim3A_508 = vector.broadcast %jit3A_507 : i32 to vector<8x512xi32>
    %select_n3A_509 = arith.select %gt3A_496, %select_n3A_506, %broadcast_in_dim3A_508 : vector<8x512xi1>, vector<8x512xi32>
    %add3A_510 = arith.addi %add3A_466, %select_n3A_509 : vector<8x512xi32>
    %slice3A_511 = vector.extract_strided_slice %reshape3A {offsets = [23, 0, 0], sizes = [1, 8, 512], strides = [1, 1, 1]} : vector<128x8x512xf32> to vector<1x8x512xf32>
    %squeeze3A_512 = vector.shape_cast %slice3A_511 : vector<1x8x512xf32> to vector<8x512xf32>
    %slice3A_513 = vector.extract_strided_slice %reshape3A_9 {offsets = [23, 0, 0], sizes = [1, 8, 512], strides = [1, 1, 1]} : vector<128x8x512xf32> to vector<1x8x512xf32>
    %squeeze3A_514 = vector.shape_cast %slice3A_513 : vector<1x8x512xf32> to vector<8x512xf32>
    %min3A_515 = arith.minimumf %squeeze3A_514, %squeeze3A_512 : vector<8x512xf32>
    %gt3A_516 = arith.constant 0.000000e+00 : f32
    %gt3A_517 = vector.broadcast %gt3A_516 : f32 to vector<8x512xf32>
    %gt3A_518 = arith.cmpf ogt, %min3A_515, %gt3A_517 : vector<8x512xf32>
    %sub3A_519 = arith.subf %squeeze3A_514, %squeeze3A_512 : vector<8x512xf32>
    %abs3A_520 = math.absf %sub3A_519 : vector<8x512xf32>
    %gt3A_521 = arith.constant 3.000000e+00 : f32
    %gt3A_522 = vector.broadcast %gt3A_521 : f32 to vector<8x512xf32>
    %gt3A_523 = arith.cmpf ogt, %abs3A_520, %gt3A_522 : vector<8x512xf32>
    %jit3A_524 = arith.constant 65537 : i32
    %jit3A_525 = arith.constant 1 : i32
    %broadcast_in_dim3A_526 = vector.broadcast %jit3A_524 : i32 to vector<8x512xi32>
    %broadcast_in_dim3A_527 = vector.broadcast %jit3A_525 : i32 to vector<8x512xi32>
    %select_n3A_528 = arith.select %gt3A_523, %broadcast_in_dim3A_526, %broadcast_in_dim3A_527 : vector<8x512xi1>, vector<8x512xi32>
    %jit3A_529 = arith.constant 0 : i32
    %broadcast_in_dim3A_530 = vector.broadcast %jit3A_529 : i32 to vector<8x512xi32>
    %select_n3A_531 = arith.select %gt3A_518, %select_n3A_528, %broadcast_in_dim3A_530 : vector<8x512xi1>, vector<8x512xi32>
    %add3A_532 = arith.addi %add3A_488, %select_n3A_531 : vector<8x512xi32>
    %slice3A_533 = vector.extract_strided_slice %reshape3A {offsets = [24, 0, 0], sizes = [1, 8, 512], strides = [1, 1, 1]} : vector<128x8x512xf32> to vector<1x8x512xf32>
    %squeeze3A_534 = vector.shape_cast %slice3A_533 : vector<1x8x512xf32> to vector<8x512xf32>
    %slice3A_535 = vector.extract_strided_slice %reshape3A_9 {offsets = [24, 0, 0], sizes = [1, 8, 512], strides = [1, 1, 1]} : vector<128x8x512xf32> to vector<1x8x512xf32>
    %squeeze3A_536 = vector.shape_cast %slice3A_535 : vector<1x8x512xf32> to vector<8x512xf32>
    %min3A_537 = arith.minimumf %squeeze3A_536, %squeeze3A_534 : vector<8x512xf32>
    %gt3A_538 = arith.constant 0.000000e+00 : f32
    %gt3A_539 = vector.broadcast %gt3A_538 : f32 to vector<8x512xf32>
    %gt3A_540 = arith.cmpf ogt, %min3A_537, %gt3A_539 : vector<8x512xf32>
    %sub3A_541 = arith.subf %squeeze3A_536, %squeeze3A_534 : vector<8x512xf32>
    %abs3A_542 = math.absf %sub3A_541 : vector<8x512xf32>
    %gt3A_543 = arith.constant 3.000000e+00 : f32
    %gt3A_544 = vector.broadcast %gt3A_543 : f32 to vector<8x512xf32>
    %gt3A_545 = arith.cmpf ogt, %abs3A_542, %gt3A_544 : vector<8x512xf32>
    %jit3A_546 = arith.constant 65537 : i32
    %jit3A_547 = arith.constant 1 : i32
    %broadcast_in_dim3A_548 = vector.broadcast %jit3A_546 : i32 to vector<8x512xi32>
    %broadcast_in_dim3A_549 = vector.broadcast %jit3A_547 : i32 to vector<8x512xi32>
    %select_n3A_550 = arith.select %gt3A_545, %broadcast_in_dim3A_548, %broadcast_in_dim3A_549 : vector<8x512xi1>, vector<8x512xi32>
    %jit3A_551 = arith.constant 0 : i32
    %broadcast_in_dim3A_552 = vector.broadcast %jit3A_551 : i32 to vector<8x512xi32>
    %select_n3A_553 = arith.select %gt3A_540, %select_n3A_550, %broadcast_in_dim3A_552 : vector<8x512xi1>, vector<8x512xi32>
    %add3A_554 = arith.addi %add3A_510, %select_n3A_553 : vector<8x512xi32>
    %slice3A_555 = vector.extract_strided_slice %reshape3A {offsets = [25, 0, 0], sizes = [1, 8, 512], strides = [1, 1, 1]} : vector<128x8x512xf32> to vector<1x8x512xf32>
    %squeeze3A_556 = vector.shape_cast %slice3A_555 : vector<1x8x512xf32> to vector<8x512xf32>
    %slice3A_557 = vector.extract_strided_slice %reshape3A_9 {offsets = [25, 0, 0], sizes = [1, 8, 512], strides = [1, 1, 1]} : vector<128x8x512xf32> to vector<1x8x512xf32>
    %squeeze3A_558 = vector.shape_cast %slice3A_557 : vector<1x8x512xf32> to vector<8x512xf32>
    %min3A_559 = arith.minimumf %squeeze3A_558, %squeeze3A_556 : vector<8x512xf32>
    %gt3A_560 = arith.constant 0.000000e+00 : f32
    %gt3A_561 = vector.broadcast %gt3A_560 : f32 to vector<8x512xf32>
    %gt3A_562 = arith.cmpf ogt, %min3A_559, %gt3A_561 : vector<8x512xf32>
    %sub3A_563 = arith.subf %squeeze3A_558, %squeeze3A_556 : vector<8x512xf32>
    %abs3A_564 = math.absf %sub3A_563 : vector<8x512xf32>
    %gt3A_565 = arith.constant 3.000000e+00 : f32
    %gt3A_566 = vector.broadcast %gt3A_565 : f32 to vector<8x512xf32>
    %gt3A_567 = arith.cmpf ogt, %abs3A_564, %gt3A_566 : vector<8x512xf32>
    %jit3A_568 = arith.constant 65537 : i32
    %jit3A_569 = arith.constant 1 : i32
    %broadcast_in_dim3A_570 = vector.broadcast %jit3A_568 : i32 to vector<8x512xi32>
    %broadcast_in_dim3A_571 = vector.broadcast %jit3A_569 : i32 to vector<8x512xi32>
    %select_n3A_572 = arith.select %gt3A_567, %broadcast_in_dim3A_570, %broadcast_in_dim3A_571 : vector<8x512xi1>, vector<8x512xi32>
    %jit3A_573 = arith.constant 0 : i32
    %broadcast_in_dim3A_574 = vector.broadcast %jit3A_573 : i32 to vector<8x512xi32>
    %select_n3A_575 = arith.select %gt3A_562, %select_n3A_572, %broadcast_in_dim3A_574 : vector<8x512xi1>, vector<8x512xi32>
    %add3A_576 = arith.addi %add3A_532, %select_n3A_575 : vector<8x512xi32>
    %slice3A_577 = vector.extract_strided_slice %reshape3A {offsets = [26, 0, 0], sizes = [1, 8, 512], strides = [1, 1, 1]} : vector<128x8x512xf32> to vector<1x8x512xf32>
    %squeeze3A_578 = vector.shape_cast %slice3A_577 : vector<1x8x512xf32> to vector<8x512xf32>
    %slice3A_579 = vector.extract_strided_slice %reshape3A_9 {offsets = [26, 0, 0], sizes = [1, 8, 512], strides = [1, 1, 1]} : vector<128x8x512xf32> to vector<1x8x512xf32>
    %squeeze3A_580 = vector.shape_cast %slice3A_579 : vector<1x8x512xf32> to vector<8x512xf32>
    %min3A_581 = arith.minimumf %squeeze3A_580, %squeeze3A_578 : vector<8x512xf32>
    %gt3A_582 = arith.constant 0.000000e+00 : f32
    %gt3A_583 = vector.broadcast %gt3A_582 : f32 to vector<8x512xf32>
    %gt3A_584 = arith.cmpf ogt, %min3A_581, %gt3A_583 : vector<8x512xf32>
    %sub3A_585 = arith.subf %squeeze3A_580, %squeeze3A_578 : vector<8x512xf32>
    %abs3A_586 = math.absf %sub3A_585 : vector<8x512xf32>
    %gt3A_587 = arith.constant 3.000000e+00 : f32
    %gt3A_588 = vector.broadcast %gt3A_587 : f32 to vector<8x512xf32>
    %gt3A_589 = arith.cmpf ogt, %abs3A_586, %gt3A_588 : vector<8x512xf32>
    %jit3A_590 = arith.constant 65537 : i32
    %jit3A_591 = arith.constant 1 : i32
    %broadcast_in_dim3A_592 = vector.broadcast %jit3A_590 : i32 to vector<8x512xi32>
    %broadcast_in_dim3A_593 = vector.broadcast %jit3A_591 : i32 to vector<8x512xi32>
    %select_n3A_594 = arith.select %gt3A_589, %broadcast_in_dim3A_592, %broadcast_in_dim3A_593 : vector<8x512xi1>, vector<8x512xi32>
    %jit3A_595 = arith.constant 0 : i32
    %broadcast_in_dim3A_596 = vector.broadcast %jit3A_595 : i32 to vector<8x512xi32>
    %select_n3A_597 = arith.select %gt3A_584, %select_n3A_594, %broadcast_in_dim3A_596 : vector<8x512xi1>, vector<8x512xi32>
    %add3A_598 = arith.addi %add3A_554, %select_n3A_597 : vector<8x512xi32>
    %slice3A_599 = vector.extract_strided_slice %reshape3A {offsets = [27, 0, 0], sizes = [1, 8, 512], strides = [1, 1, 1]} : vector<128x8x512xf32> to vector<1x8x512xf32>
    %squeeze3A_600 = vector.shape_cast %slice3A_599 : vector<1x8x512xf32> to vector<8x512xf32>
    %slice3A_601 = vector.extract_strided_slice %reshape3A_9 {offsets = [27, 0, 0], sizes = [1, 8, 512], strides = [1, 1, 1]} : vector<128x8x512xf32> to vector<1x8x512xf32>
    %squeeze3A_602 = vector.shape_cast %slice3A_601 : vector<1x8x512xf32> to vector<8x512xf32>
    %min3A_603 = arith.minimumf %squeeze3A_602, %squeeze3A_600 : vector<8x512xf32>
    %gt3A_604 = arith.constant 0.000000e+00 : f32
    %gt3A_605 = vector.broadcast %gt3A_604 : f32 to vector<8x512xf32>
    %gt3A_606 = arith.cmpf ogt, %min3A_603, %gt3A_605 : vector<8x512xf32>
    %sub3A_607 = arith.subf %squeeze3A_602, %squeeze3A_600 : vector<8x512xf32>
    %abs3A_608 = math.absf %sub3A_607 : vector<8x512xf32>
    %gt3A_609 = arith.constant 3.000000e+00 : f32
    %gt3A_610 = vector.broadcast %gt3A_609 : f32 to vector<8x512xf32>
    %gt3A_611 = arith.cmpf ogt, %abs3A_608, %gt3A_610 : vector<8x512xf32>
    %jit3A_612 = arith.constant 65537 : i32
    %jit3A_613 = arith.constant 1 : i32
    %broadcast_in_dim3A_614 = vector.broadcast %jit3A_612 : i32 to vector<8x512xi32>
    %broadcast_in_dim3A_615 = vector.broadcast %jit3A_613 : i32 to vector<8x512xi32>
    %select_n3A_616 = arith.select %gt3A_611, %broadcast_in_dim3A_614, %broadcast_in_dim3A_615 : vector<8x512xi1>, vector<8x512xi32>
    %jit3A_617 = arith.constant 0 : i32
    %broadcast_in_dim3A_618 = vector.broadcast %jit3A_617 : i32 to vector<8x512xi32>
    %select_n3A_619 = arith.select %gt3A_606, %select_n3A_616, %broadcast_in_dim3A_618 : vector<8x512xi1>, vector<8x512xi32>
    %add3A_620 = arith.addi %add3A_576, %select_n3A_619 : vector<8x512xi32>
    %slice3A_621 = vector.extract_strided_slice %reshape3A {offsets = [28, 0, 0], sizes = [1, 8, 512], strides = [1, 1, 1]} : vector<128x8x512xf32> to vector<1x8x512xf32>
    %squeeze3A_622 = vector.shape_cast %slice3A_621 : vector<1x8x512xf32> to vector<8x512xf32>
    %slice3A_623 = vector.extract_strided_slice %reshape3A_9 {offsets = [28, 0, 0], sizes = [1, 8, 512], strides = [1, 1, 1]} : vector<128x8x512xf32> to vector<1x8x512xf32>
    %squeeze3A_624 = vector.shape_cast %slice3A_623 : vector<1x8x512xf32> to vector<8x512xf32>
    %min3A_625 = arith.minimumf %squeeze3A_624, %squeeze3A_622 : vector<8x512xf32>
    %gt3A_626 = arith.constant 0.000000e+00 : f32
    %gt3A_627 = vector.broadcast %gt3A_626 : f32 to vector<8x512xf32>
    %gt3A_628 = arith.cmpf ogt, %min3A_625, %gt3A_627 : vector<8x512xf32>
    %sub3A_629 = arith.subf %squeeze3A_624, %squeeze3A_622 : vector<8x512xf32>
    %abs3A_630 = math.absf %sub3A_629 : vector<8x512xf32>
    %gt3A_631 = arith.constant 3.000000e+00 : f32
    %gt3A_632 = vector.broadcast %gt3A_631 : f32 to vector<8x512xf32>
    %gt3A_633 = arith.cmpf ogt, %abs3A_630, %gt3A_632 : vector<8x512xf32>
    %jit3A_634 = arith.constant 65537 : i32
    %jit3A_635 = arith.constant 1 : i32
    %broadcast_in_dim3A_636 = vector.broadcast %jit3A_634 : i32 to vector<8x512xi32>
    %broadcast_in_dim3A_637 = vector.broadcast %jit3A_635 : i32 to vector<8x512xi32>
    %select_n3A_638 = arith.select %gt3A_633, %broadcast_in_dim3A_636, %broadcast_in_dim3A_637 : vector<8x512xi1>, vector<8x512xi32>
    %jit3A_639 = arith.constant 0 : i32
    %broadcast_in_dim3A_640 = vector.broadcast %jit3A_639 : i32 to vector<8x512xi32>
    %select_n3A_641 = arith.select %gt3A_628, %select_n3A_638, %broadcast_in_dim3A_640 : vector<8x512xi1>, vector<8x512xi32>
    %add3A_642 = arith.addi %add3A_598, %select_n3A_641 : vector<8x512xi32>
    %slice3A_643 = vector.extract_strided_slice %reshape3A {offsets = [29, 0, 0], sizes = [1, 8, 512], strides = [1, 1, 1]} : vector<128x8x512xf32> to vector<1x8x512xf32>
    %squeeze3A_644 = vector.shape_cast %slice3A_643 : vector<1x8x512xf32> to vector<8x512xf32>
    %slice3A_645 = vector.extract_strided_slice %reshape3A_9 {offsets = [29, 0, 0], sizes = [1, 8, 512], strides = [1, 1, 1]} : vector<128x8x512xf32> to vector<1x8x512xf32>
    %squeeze3A_646 = vector.shape_cast %slice3A_645 : vector<1x8x512xf32> to vector<8x512xf32>
    %min3A_647 = arith.minimumf %squeeze3A_646, %squeeze3A_644 : vector<8x512xf32>
    %gt3A_648 = arith.constant 0.000000e+00 : f32
    %gt3A_649 = vector.broadcast %gt3A_648 : f32 to vector<8x512xf32>
    %gt3A_650 = arith.cmpf ogt, %min3A_647, %gt3A_649 : vector<8x512xf32>
    %sub3A_651 = arith.subf %squeeze3A_646, %squeeze3A_644 : vector<8x512xf32>
    %abs3A_652 = math.absf %sub3A_651 : vector<8x512xf32>
    %gt3A_653 = arith.constant 3.000000e+00 : f32
    %gt3A_654 = vector.broadcast %gt3A_653 : f32 to vector<8x512xf32>
    %gt3A_655 = arith.cmpf ogt, %abs3A_652, %gt3A_654 : vector<8x512xf32>
    %jit3A_656 = arith.constant 65537 : i32
    %jit3A_657 = arith.constant 1 : i32
    %broadcast_in_dim3A_658 = vector.broadcast %jit3A_656 : i32 to vector<8x512xi32>
    %broadcast_in_dim3A_659 = vector.broadcast %jit3A_657 : i32 to vector<8x512xi32>
    %select_n3A_660 = arith.select %gt3A_655, %broadcast_in_dim3A_658, %broadcast_in_dim3A_659 : vector<8x512xi1>, vector<8x512xi32>
    %jit3A_661 = arith.constant 0 : i32
    %broadcast_in_dim3A_662 = vector.broadcast %jit3A_661 : i32 to vector<8x512xi32>
    %select_n3A_663 = arith.select %gt3A_650, %select_n3A_660, %broadcast_in_dim3A_662 : vector<8x512xi1>, vector<8x512xi32>
    %add3A_664 = arith.addi %add3A_620, %select_n3A_663 : vector<8x512xi32>
    %slice3A_665 = vector.extract_strided_slice %reshape3A {offsets = [30, 0, 0], sizes = [1, 8, 512], strides = [1, 1, 1]} : vector<128x8x512xf32> to vector<1x8x512xf32>
    %squeeze3A_666 = vector.shape_cast %slice3A_665 : vector<1x8x512xf32> to vector<8x512xf32>
    %slice3A_667 = vector.extract_strided_slice %reshape3A_9 {offsets = [30, 0, 0], sizes = [1, 8, 512], strides = [1, 1, 1]} : vector<128x8x512xf32> to vector<1x8x512xf32>
    %squeeze3A_668 = vector.shape_cast %slice3A_667 : vector<1x8x512xf32> to vector<8x512xf32>
    %min3A_669 = arith.minimumf %squeeze3A_668, %squeeze3A_666 : vector<8x512xf32>
    %gt3A_670 = arith.constant 0.000000e+00 : f32
    %gt3A_671 = vector.broadcast %gt3A_670 : f32 to vector<8x512xf32>
    %gt3A_672 = arith.cmpf ogt, %min3A_669, %gt3A_671 : vector<8x512xf32>
    %sub3A_673 = arith.subf %squeeze3A_668, %squeeze3A_666 : vector<8x512xf32>
    %abs3A_674 = math.absf %sub3A_673 : vector<8x512xf32>
    %gt3A_675 = arith.constant 3.000000e+00 : f32
    %gt3A_676 = vector.broadcast %gt3A_675 : f32 to vector<8x512xf32>
    %gt3A_677 = arith.cmpf ogt, %abs3A_674, %gt3A_676 : vector<8x512xf32>
    %jit3A_678 = arith.constant 65537 : i32
    %jit3A_679 = arith.constant 1 : i32
    %broadcast_in_dim3A_680 = vector.broadcast %jit3A_678 : i32 to vector<8x512xi32>
    %broadcast_in_dim3A_681 = vector.broadcast %jit3A_679 : i32 to vector<8x512xi32>
    %select_n3A_682 = arith.select %gt3A_677, %broadcast_in_dim3A_680, %broadcast_in_dim3A_681 : vector<8x512xi1>, vector<8x512xi32>
    %jit3A_683 = arith.constant 0 : i32
    %broadcast_in_dim3A_684 = vector.broadcast %jit3A_683 : i32 to vector<8x512xi32>
    %select_n3A_685 = arith.select %gt3A_672, %select_n3A_682, %broadcast_in_dim3A_684 : vector<8x512xi1>, vector<8x512xi32>
    %add3A_686 = arith.addi %add3A_642, %select_n3A_685 : vector<8x512xi32>
    %slice3A_687 = vector.extract_strided_slice %reshape3A {offsets = [31, 0, 0], sizes = [1, 8, 512], strides = [1, 1, 1]} : vector<128x8x512xf32> to vector<1x8x512xf32>
    %squeeze3A_688 = vector.shape_cast %slice3A_687 : vector<1x8x512xf32> to vector<8x512xf32>
    %slice3A_689 = vector.extract_strided_slice %reshape3A_9 {offsets = [31, 0, 0], sizes = [1, 8, 512], strides = [1, 1, 1]} : vector<128x8x512xf32> to vector<1x8x512xf32>
    %squeeze3A_690 = vector.shape_cast %slice3A_689 : vector<1x8x512xf32> to vector<8x512xf32>
    %min3A_691 = arith.minimumf %squeeze3A_690, %squeeze3A_688 : vector<8x512xf32>
    %gt3A_692 = arith.constant 0.000000e+00 : f32
    %gt3A_693 = vector.broadcast %gt3A_692 : f32 to vector<8x512xf32>
    %gt3A_694 = arith.cmpf ogt, %min3A_691, %gt3A_693 : vector<8x512xf32>
    %sub3A_695 = arith.subf %squeeze3A_690, %squeeze3A_688 : vector<8x512xf32>
    %abs3A_696 = math.absf %sub3A_695 : vector<8x512xf32>
    %gt3A_697 = arith.constant 3.000000e+00 : f32
    %gt3A_698 = vector.broadcast %gt3A_697 : f32 to vector<8x512xf32>
    %gt3A_699 = arith.cmpf ogt, %abs3A_696, %gt3A_698 : vector<8x512xf32>
    %jit3A_700 = arith.constant 65537 : i32
    %jit3A_701 = arith.constant 1 : i32
    %broadcast_in_dim3A_702 = vector.broadcast %jit3A_700 : i32 to vector<8x512xi32>
    %broadcast_in_dim3A_703 = vector.broadcast %jit3A_701 : i32 to vector<8x512xi32>
    %select_n3A_704 = arith.select %gt3A_699, %broadcast_in_dim3A_702, %broadcast_in_dim3A_703 : vector<8x512xi1>, vector<8x512xi32>
    %jit3A_705 = arith.constant 0 : i32
    %broadcast_in_dim3A_706 = vector.broadcast %jit3A_705 : i32 to vector<8x512xi32>
    %select_n3A_707 = arith.select %gt3A_694, %select_n3A_704, %broadcast_in_dim3A_706 : vector<8x512xi1>, vector<8x512xi32>
    %add3A_708 = arith.addi %add3A_664, %select_n3A_707 : vector<8x512xi32>
    %slice3A_709 = vector.extract_strided_slice %reshape3A {offsets = [32, 0, 0], sizes = [1, 8, 512], strides = [1, 1, 1]} : vector<128x8x512xf32> to vector<1x8x512xf32>
    %squeeze3A_710 = vector.shape_cast %slice3A_709 : vector<1x8x512xf32> to vector<8x512xf32>
    %slice3A_711 = vector.extract_strided_slice %reshape3A_9 {offsets = [32, 0, 0], sizes = [1, 8, 512], strides = [1, 1, 1]} : vector<128x8x512xf32> to vector<1x8x512xf32>
    %squeeze3A_712 = vector.shape_cast %slice3A_711 : vector<1x8x512xf32> to vector<8x512xf32>
    %min3A_713 = arith.minimumf %squeeze3A_712, %squeeze3A_710 : vector<8x512xf32>
    %gt3A_714 = arith.constant 0.000000e+00 : f32
    %gt3A_715 = vector.broadcast %gt3A_714 : f32 to vector<8x512xf32>
    %gt3A_716 = arith.cmpf ogt, %min3A_713, %gt3A_715 : vector<8x512xf32>
    %sub3A_717 = arith.subf %squeeze3A_712, %squeeze3A_710 : vector<8x512xf32>
    %abs3A_718 = math.absf %sub3A_717 : vector<8x512xf32>
    %gt3A_719 = arith.constant 3.000000e+00 : f32
    %gt3A_720 = vector.broadcast %gt3A_719 : f32 to vector<8x512xf32>
    %gt3A_721 = arith.cmpf ogt, %abs3A_718, %gt3A_720 : vector<8x512xf32>
    %jit3A_722 = arith.constant 65537 : i32
    %jit3A_723 = arith.constant 1 : i32
    %broadcast_in_dim3A_724 = vector.broadcast %jit3A_722 : i32 to vector<8x512xi32>
    %broadcast_in_dim3A_725 = vector.broadcast %jit3A_723 : i32 to vector<8x512xi32>
    %select_n3A_726 = arith.select %gt3A_721, %broadcast_in_dim3A_724, %broadcast_in_dim3A_725 : vector<8x512xi1>, vector<8x512xi32>
    %jit3A_727 = arith.constant 0 : i32
    %broadcast_in_dim3A_728 = vector.broadcast %jit3A_727 : i32 to vector<8x512xi32>
    %select_n3A_729 = arith.select %gt3A_716, %select_n3A_726, %broadcast_in_dim3A_728 : vector<8x512xi1>, vector<8x512xi32>
    %add3A_730 = arith.addi %add3A_686, %select_n3A_729 : vector<8x512xi32>
    %slice3A_731 = vector.extract_strided_slice %reshape3A {offsets = [33, 0, 0], sizes = [1, 8, 512], strides = [1, 1, 1]} : vector<128x8x512xf32> to vector<1x8x512xf32>
    %squeeze3A_732 = vector.shape_cast %slice3A_731 : vector<1x8x512xf32> to vector<8x512xf32>
    %slice3A_733 = vector.extract_strided_slice %reshape3A_9 {offsets = [33, 0, 0], sizes = [1, 8, 512], strides = [1, 1, 1]} : vector<128x8x512xf32> to vector<1x8x512xf32>
    %squeeze3A_734 = vector.shape_cast %slice3A_733 : vector<1x8x512xf32> to vector<8x512xf32>
    %min3A_735 = arith.minimumf %squeeze3A_734, %squeeze3A_732 : vector<8x512xf32>
    %gt3A_736 = arith.constant 0.000000e+00 : f32
    %gt3A_737 = vector.broadcast %gt3A_736 : f32 to vector<8x512xf32>
    %gt3A_738 = arith.cmpf ogt, %min3A_735, %gt3A_737 : vector<8x512xf32>
    %sub3A_739 = arith.subf %squeeze3A_734, %squeeze3A_732 : vector<8x512xf32>
    %abs3A_740 = math.absf %sub3A_739 : vector<8x512xf32>
    %gt3A_741 = arith.constant 3.000000e+00 : f32
    %gt3A_742 = vector.broadcast %gt3A_741 : f32 to vector<8x512xf32>
    %gt3A_743 = arith.cmpf ogt, %abs3A_740, %gt3A_742 : vector<8x512xf32>
    %jit3A_744 = arith.constant 65537 : i32
    %jit3A_745 = arith.constant 1 : i32
    %broadcast_in_dim3A_746 = vector.broadcast %jit3A_744 : i32 to vector<8x512xi32>
    %broadcast_in_dim3A_747 = vector.broadcast %jit3A_745 : i32 to vector<8x512xi32>
    %select_n3A_748 = arith.select %gt3A_743, %broadcast_in_dim3A_746, %broadcast_in_dim3A_747 : vector<8x512xi1>, vector<8x512xi32>
    %jit3A_749 = arith.constant 0 : i32
    %broadcast_in_dim3A_750 = vector.broadcast %jit3A_749 : i32 to vector<8x512xi32>
    %select_n3A_751 = arith.select %gt3A_738, %select_n3A_748, %broadcast_in_dim3A_750 : vector<8x512xi1>, vector<8x512xi32>
    %add3A_752 = arith.addi %add3A_708, %select_n3A_751 : vector<8x512xi32>
    %slice3A_753 = vector.extract_strided_slice %reshape3A {offsets = [34, 0, 0], sizes = [1, 8, 512], strides = [1, 1, 1]} : vector<128x8x512xf32> to vector<1x8x512xf32>
    %squeeze3A_754 = vector.shape_cast %slice3A_753 : vector<1x8x512xf32> to vector<8x512xf32>
    %slice3A_755 = vector.extract_strided_slice %reshape3A_9 {offsets = [34, 0, 0], sizes = [1, 8, 512], strides = [1, 1, 1]} : vector<128x8x512xf32> to vector<1x8x512xf32>
    %squeeze3A_756 = vector.shape_cast %slice3A_755 : vector<1x8x512xf32> to vector<8x512xf32>
    %min3A_757 = arith.minimumf %squeeze3A_756, %squeeze3A_754 : vector<8x512xf32>
    %gt3A_758 = arith.constant 0.000000e+00 : f32
    %gt3A_759 = vector.broadcast %gt3A_758 : f32 to vector<8x512xf32>
    %gt3A_760 = arith.cmpf ogt, %min3A_757, %gt3A_759 : vector<8x512xf32>
    %sub3A_761 = arith.subf %squeeze3A_756, %squeeze3A_754 : vector<8x512xf32>
    %abs3A_762 = math.absf %sub3A_761 : vector<8x512xf32>
    %gt3A_763 = arith.constant 3.000000e+00 : f32
    %gt3A_764 = vector.broadcast %gt3A_763 : f32 to vector<8x512xf32>
    %gt3A_765 = arith.cmpf ogt, %abs3A_762, %gt3A_764 : vector<8x512xf32>
    %jit3A_766 = arith.constant 65537 : i32
    %jit3A_767 = arith.constant 1 : i32
    %broadcast_in_dim3A_768 = vector.broadcast %jit3A_766 : i32 to vector<8x512xi32>
    %broadcast_in_dim3A_769 = vector.broadcast %jit3A_767 : i32 to vector<8x512xi32>
    %select_n3A_770 = arith.select %gt3A_765, %broadcast_in_dim3A_768, %broadcast_in_dim3A_769 : vector<8x512xi1>, vector<8x512xi32>
    %jit3A_771 = arith.constant 0 : i32
    %broadcast_in_dim3A_772 = vector.broadcast %jit3A_771 : i32 to vector<8x512xi32>
    %select_n3A_773 = arith.select %gt3A_760, %select_n3A_770, %broadcast_in_dim3A_772 : vector<8x512xi1>, vector<8x512xi32>
    %add3A_774 = arith.addi %add3A_730, %select_n3A_773 : vector<8x512xi32>
    %slice3A_775 = vector.extract_strided_slice %reshape3A {offsets = [35, 0, 0], sizes = [1, 8, 512], strides = [1, 1, 1]} : vector<128x8x512xf32> to vector<1x8x512xf32>
    %squeeze3A_776 = vector.shape_cast %slice3A_775 : vector<1x8x512xf32> to vector<8x512xf32>
    %slice3A_777 = vector.extract_strided_slice %reshape3A_9 {offsets = [35, 0, 0], sizes = [1, 8, 512], strides = [1, 1, 1]} : vector<128x8x512xf32> to vector<1x8x512xf32>
    %squeeze3A_778 = vector.shape_cast %slice3A_777 : vector<1x8x512xf32> to vector<8x512xf32>
    %min3A_779 = arith.minimumf %squeeze3A_778, %squeeze3A_776 : vector<8x512xf32>
    %gt3A_780 = arith.constant 0.000000e+00 : f32
    %gt3A_781 = vector.broadcast %gt3A_780 : f32 to vector<8x512xf32>
    %gt3A_782 = arith.cmpf ogt, %min3A_779, %gt3A_781 : vector<8x512xf32>
    %sub3A_783 = arith.subf %squeeze3A_778, %squeeze3A_776 : vector<8x512xf32>
    %abs3A_784 = math.absf %sub3A_783 : vector<8x512xf32>
    %gt3A_785 = arith.constant 3.000000e+00 : f32
    %gt3A_786 = vector.broadcast %gt3A_785 : f32 to vector<8x512xf32>
    %gt3A_787 = arith.cmpf ogt, %abs3A_784, %gt3A_786 : vector<8x512xf32>
    %jit3A_788 = arith.constant 65537 : i32
    %jit3A_789 = arith.constant 1 : i32
    %broadcast_in_dim3A_790 = vector.broadcast %jit3A_788 : i32 to vector<8x512xi32>
    %broadcast_in_dim3A_791 = vector.broadcast %jit3A_789 : i32 to vector<8x512xi32>
    %select_n3A_792 = arith.select %gt3A_787, %broadcast_in_dim3A_790, %broadcast_in_dim3A_791 : vector<8x512xi1>, vector<8x512xi32>
    %jit3A_793 = arith.constant 0 : i32
    %broadcast_in_dim3A_794 = vector.broadcast %jit3A_793 : i32 to vector<8x512xi32>
    %select_n3A_795 = arith.select %gt3A_782, %select_n3A_792, %broadcast_in_dim3A_794 : vector<8x512xi1>, vector<8x512xi32>
    %add3A_796 = arith.addi %add3A_752, %select_n3A_795 : vector<8x512xi32>
    %slice3A_797 = vector.extract_strided_slice %reshape3A {offsets = [36, 0, 0], sizes = [1, 8, 512], strides = [1, 1, 1]} : vector<128x8x512xf32> to vector<1x8x512xf32>
    %squeeze3A_798 = vector.shape_cast %slice3A_797 : vector<1x8x512xf32> to vector<8x512xf32>
    %slice3A_799 = vector.extract_strided_slice %reshape3A_9 {offsets = [36, 0, 0], sizes = [1, 8, 512], strides = [1, 1, 1]} : vector<128x8x512xf32> to vector<1x8x512xf32>
    %squeeze3A_800 = vector.shape_cast %slice3A_799 : vector<1x8x512xf32> to vector<8x512xf32>
    %min3A_801 = arith.minimumf %squeeze3A_800, %squeeze3A_798 : vector<8x512xf32>
    %gt3A_802 = arith.constant 0.000000e+00 : f32
    %gt3A_803 = vector.broadcast %gt3A_802 : f32 to vector<8x512xf32>
    %gt3A_804 = arith.cmpf ogt, %min3A_801, %gt3A_803 : vector<8x512xf32>
    %sub3A_805 = arith.subf %squeeze3A_800, %squeeze3A_798 : vector<8x512xf32>
    %abs3A_806 = math.absf %sub3A_805 : vector<8x512xf32>
    %gt3A_807 = arith.constant 3.000000e+00 : f32
    %gt3A_808 = vector.broadcast %gt3A_807 : f32 to vector<8x512xf32>
    %gt3A_809 = arith.cmpf ogt, %abs3A_806, %gt3A_808 : vector<8x512xf32>
    %jit3A_810 = arith.constant 65537 : i32
    %jit3A_811 = arith.constant 1 : i32
    %broadcast_in_dim3A_812 = vector.broadcast %jit3A_810 : i32 to vector<8x512xi32>
    %broadcast_in_dim3A_813 = vector.broadcast %jit3A_811 : i32 to vector<8x512xi32>
    %select_n3A_814 = arith.select %gt3A_809, %broadcast_in_dim3A_812, %broadcast_in_dim3A_813 : vector<8x512xi1>, vector<8x512xi32>
    %jit3A_815 = arith.constant 0 : i32
    %broadcast_in_dim3A_816 = vector.broadcast %jit3A_815 : i32 to vector<8x512xi32>
    %select_n3A_817 = arith.select %gt3A_804, %select_n3A_814, %broadcast_in_dim3A_816 : vector<8x512xi1>, vector<8x512xi32>
    %add3A_818 = arith.addi %add3A_774, %select_n3A_817 : vector<8x512xi32>
    %slice3A_819 = vector.extract_strided_slice %reshape3A {offsets = [37, 0, 0], sizes = [1, 8, 512], strides = [1, 1, 1]} : vector<128x8x512xf32> to vector<1x8x512xf32>
    %squeeze3A_820 = vector.shape_cast %slice3A_819 : vector<1x8x512xf32> to vector<8x512xf32>
    %slice3A_821 = vector.extract_strided_slice %reshape3A_9 {offsets = [37, 0, 0], sizes = [1, 8, 512], strides = [1, 1, 1]} : vector<128x8x512xf32> to vector<1x8x512xf32>
    %squeeze3A_822 = vector.shape_cast %slice3A_821 : vector<1x8x512xf32> to vector<8x512xf32>
    %min3A_823 = arith.minimumf %squeeze3A_822, %squeeze3A_820 : vector<8x512xf32>
    %gt3A_824 = arith.constant 0.000000e+00 : f32
    %gt3A_825 = vector.broadcast %gt3A_824 : f32 to vector<8x512xf32>
    %gt3A_826 = arith.cmpf ogt, %min3A_823, %gt3A_825 : vector<8x512xf32>
    %sub3A_827 = arith.subf %squeeze3A_822, %squeeze3A_820 : vector<8x512xf32>
    %abs3A_828 = math.absf %sub3A_827 : vector<8x512xf32>
    %gt3A_829 = arith.constant 3.000000e+00 : f32
    %gt3A_830 = vector.broadcast %gt3A_829 : f32 to vector<8x512xf32>
    %gt3A_831 = arith.cmpf ogt, %abs3A_828, %gt3A_830 : vector<8x512xf32>
    %jit3A_832 = arith.constant 65537 : i32
    %jit3A_833 = arith.constant 1 : i32
    %broadcast_in_dim3A_834 = vector.broadcast %jit3A_832 : i32 to vector<8x512xi32>
    %broadcast_in_dim3A_835 = vector.broadcast %jit3A_833 : i32 to vector<8x512xi32>
    %select_n3A_836 = arith.select %gt3A_831, %broadcast_in_dim3A_834, %broadcast_in_dim3A_835 : vector<8x512xi1>, vector<8x512xi32>
    %jit3A_837 = arith.constant 0 : i32
    %broadcast_in_dim3A_838 = vector.broadcast %jit3A_837 : i32 to vector<8x512xi32>
    %select_n3A_839 = arith.select %gt3A_826, %select_n3A_836, %broadcast_in_dim3A_838 : vector<8x512xi1>, vector<8x512xi32>
    %add3A_840 = arith.addi %add3A_796, %select_n3A_839 : vector<8x512xi32>
    %slice3A_841 = vector.extract_strided_slice %reshape3A {offsets = [38, 0, 0], sizes = [1, 8, 512], strides = [1, 1, 1]} : vector<128x8x512xf32> to vector<1x8x512xf32>
    %squeeze3A_842 = vector.shape_cast %slice3A_841 : vector<1x8x512xf32> to vector<8x512xf32>
    %slice3A_843 = vector.extract_strided_slice %reshape3A_9 {offsets = [38, 0, 0], sizes = [1, 8, 512], strides = [1, 1, 1]} : vector<128x8x512xf32> to vector<1x8x512xf32>
    %squeeze3A_844 = vector.shape_cast %slice3A_843 : vector<1x8x512xf32> to vector<8x512xf32>
    %min3A_845 = arith.minimumf %squeeze3A_844, %squeeze3A_842 : vector<8x512xf32>
    %gt3A_846 = arith.constant 0.000000e+00 : f32
    %gt3A_847 = vector.broadcast %gt3A_846 : f32 to vector<8x512xf32>
    %gt3A_848 = arith.cmpf ogt, %min3A_845, %gt3A_847 : vector<8x512xf32>
    %sub3A_849 = arith.subf %squeeze3A_844, %squeeze3A_842 : vector<8x512xf32>
    %abs3A_850 = math.absf %sub3A_849 : vector<8x512xf32>
    %gt3A_851 = arith.constant 3.000000e+00 : f32
    %gt3A_852 = vector.broadcast %gt3A_851 : f32 to vector<8x512xf32>
    %gt3A_853 = arith.cmpf ogt, %abs3A_850, %gt3A_852 : vector<8x512xf32>
    %jit3A_854 = arith.constant 65537 : i32
    %jit3A_855 = arith.constant 1 : i32
    %broadcast_in_dim3A_856 = vector.broadcast %jit3A_854 : i32 to vector<8x512xi32>
    %broadcast_in_dim3A_857 = vector.broadcast %jit3A_855 : i32 to vector<8x512xi32>
    %select_n3A_858 = arith.select %gt3A_853, %broadcast_in_dim3A_856, %broadcast_in_dim3A_857 : vector<8x512xi1>, vector<8x512xi32>
    %jit3A_859 = arith.constant 0 : i32
    %broadcast_in_dim3A_860 = vector.broadcast %jit3A_859 : i32 to vector<8x512xi32>
    %select_n3A_861 = arith.select %gt3A_848, %select_n3A_858, %broadcast_in_dim3A_860 : vector<8x512xi1>, vector<8x512xi32>
    %add3A_862 = arith.addi %add3A_818, %select_n3A_861 : vector<8x512xi32>
    %slice3A_863 = vector.extract_strided_slice %reshape3A {offsets = [39, 0, 0], sizes = [1, 8, 512], strides = [1, 1, 1]} : vector<128x8x512xf32> to vector<1x8x512xf32>
    %squeeze3A_864 = vector.shape_cast %slice3A_863 : vector<1x8x512xf32> to vector<8x512xf32>
    %slice3A_865 = vector.extract_strided_slice %reshape3A_9 {offsets = [39, 0, 0], sizes = [1, 8, 512], strides = [1, 1, 1]} : vector<128x8x512xf32> to vector<1x8x512xf32>
    %squeeze3A_866 = vector.shape_cast %slice3A_865 : vector<1x8x512xf32> to vector<8x512xf32>
    %min3A_867 = arith.minimumf %squeeze3A_866, %squeeze3A_864 : vector<8x512xf32>
    %gt3A_868 = arith.constant 0.000000e+00 : f32
    %gt3A_869 = vector.broadcast %gt3A_868 : f32 to vector<8x512xf32>
    %gt3A_870 = arith.cmpf ogt, %min3A_867, %gt3A_869 : vector<8x512xf32>
    %sub3A_871 = arith.subf %squeeze3A_866, %squeeze3A_864 : vector<8x512xf32>
    %abs3A_872 = math.absf %sub3A_871 : vector<8x512xf32>
    %gt3A_873 = arith.constant 3.000000e+00 : f32
    %gt3A_874 = vector.broadcast %gt3A_873 : f32 to vector<8x512xf32>
    %gt3A_875 = arith.cmpf ogt, %abs3A_872, %gt3A_874 : vector<8x512xf32>
    %jit3A_876 = arith.constant 65537 : i32
    %jit3A_877 = arith.constant 1 : i32
    %broadcast_in_dim3A_878 = vector.broadcast %jit3A_876 : i32 to vector<8x512xi32>
    %broadcast_in_dim3A_879 = vector.broadcast %jit3A_877 : i32 to vector<8x512xi32>
    %select_n3A_880 = arith.select %gt3A_875, %broadcast_in_dim3A_878, %broadcast_in_dim3A_879 : vector<8x512xi1>, vector<8x512xi32>
    %jit3A_881 = arith.constant 0 : i32
    %broadcast_in_dim3A_882 = vector.broadcast %jit3A_881 : i32 to vector<8x512xi32>
    %select_n3A_883 = arith.select %gt3A_870, %select_n3A_880, %broadcast_in_dim3A_882 : vector<8x512xi1>, vector<8x512xi32>
    %add3A_884 = arith.addi %add3A_840, %select_n3A_883 : vector<8x512xi32>
    %slice3A_885 = vector.extract_strided_slice %reshape3A {offsets = [40, 0, 0], sizes = [1, 8, 512], strides = [1, 1, 1]} : vector<128x8x512xf32> to vector<1x8x512xf32>
    %squeeze3A_886 = vector.shape_cast %slice3A_885 : vector<1x8x512xf32> to vector<8x512xf32>
    %slice3A_887 = vector.extract_strided_slice %reshape3A_9 {offsets = [40, 0, 0], sizes = [1, 8, 512], strides = [1, 1, 1]} : vector<128x8x512xf32> to vector<1x8x512xf32>
    %squeeze3A_888 = vector.shape_cast %slice3A_887 : vector<1x8x512xf32> to vector<8x512xf32>
    %min3A_889 = arith.minimumf %squeeze3A_888, %squeeze3A_886 : vector<8x512xf32>
    %gt3A_890 = arith.constant 0.000000e+00 : f32
    %gt3A_891 = vector.broadcast %gt3A_890 : f32 to vector<8x512xf32>
    %gt3A_892 = arith.cmpf ogt, %min3A_889, %gt3A_891 : vector<8x512xf32>
    %sub3A_893 = arith.subf %squeeze3A_888, %squeeze3A_886 : vector<8x512xf32>
    %abs3A_894 = math.absf %sub3A_893 : vector<8x512xf32>
    %gt3A_895 = arith.constant 3.000000e+00 : f32
    %gt3A_896 = vector.broadcast %gt3A_895 : f32 to vector<8x512xf32>
    %gt3A_897 = arith.cmpf ogt, %abs3A_894, %gt3A_896 : vector<8x512xf32>
    %jit3A_898 = arith.constant 65537 : i32
    %jit3A_899 = arith.constant 1 : i32
    %broadcast_in_dim3A_900 = vector.broadcast %jit3A_898 : i32 to vector<8x512xi32>
    %broadcast_in_dim3A_901 = vector.broadcast %jit3A_899 : i32 to vector<8x512xi32>
    %select_n3A_902 = arith.select %gt3A_897, %broadcast_in_dim3A_900, %broadcast_in_dim3A_901 : vector<8x512xi1>, vector<8x512xi32>
    %jit3A_903 = arith.constant 0 : i32
    %broadcast_in_dim3A_904 = vector.broadcast %jit3A_903 : i32 to vector<8x512xi32>
    %select_n3A_905 = arith.select %gt3A_892, %select_n3A_902, %broadcast_in_dim3A_904 : vector<8x512xi1>, vector<8x512xi32>
    %add3A_906 = arith.addi %add3A_862, %select_n3A_905 : vector<8x512xi32>
    %slice3A_907 = vector.extract_strided_slice %reshape3A {offsets = [41, 0, 0], sizes = [1, 8, 512], strides = [1, 1, 1]} : vector<128x8x512xf32> to vector<1x8x512xf32>
    %squeeze3A_908 = vector.shape_cast %slice3A_907 : vector<1x8x512xf32> to vector<8x512xf32>
    %slice3A_909 = vector.extract_strided_slice %reshape3A_9 {offsets = [41, 0, 0], sizes = [1, 8, 512], strides = [1, 1, 1]} : vector<128x8x512xf32> to vector<1x8x512xf32>
    %squeeze3A_910 = vector.shape_cast %slice3A_909 : vector<1x8x512xf32> to vector<8x512xf32>
    %min3A_911 = arith.minimumf %squeeze3A_910, %squeeze3A_908 : vector<8x512xf32>
    %gt3A_912 = arith.constant 0.000000e+00 : f32
    %gt3A_913 = vector.broadcast %gt3A_912 : f32 to vector<8x512xf32>
    %gt3A_914 = arith.cmpf ogt, %min3A_911, %gt3A_913 : vector<8x512xf32>
    %sub3A_915 = arith.subf %squeeze3A_910, %squeeze3A_908 : vector<8x512xf32>
    %abs3A_916 = math.absf %sub3A_915 : vector<8x512xf32>
    %gt3A_917 = arith.constant 3.000000e+00 : f32
    %gt3A_918 = vector.broadcast %gt3A_917 : f32 to vector<8x512xf32>
    %gt3A_919 = arith.cmpf ogt, %abs3A_916, %gt3A_918 : vector<8x512xf32>
    %jit3A_920 = arith.constant 65537 : i32
    %jit3A_921 = arith.constant 1 : i32
    %broadcast_in_dim3A_922 = vector.broadcast %jit3A_920 : i32 to vector<8x512xi32>
    %broadcast_in_dim3A_923 = vector.broadcast %jit3A_921 : i32 to vector<8x512xi32>
    %select_n3A_924 = arith.select %gt3A_919, %broadcast_in_dim3A_922, %broadcast_in_dim3A_923 : vector<8x512xi1>, vector<8x512xi32>
    %jit3A_925 = arith.constant 0 : i32
    %broadcast_in_dim3A_926 = vector.broadcast %jit3A_925 : i32 to vector<8x512xi32>
    %select_n3A_927 = arith.select %gt3A_914, %select_n3A_924, %broadcast_in_dim3A_926 : vector<8x512xi1>, vector<8x512xi32>
    %add3A_928 = arith.addi %add3A_884, %select_n3A_927 : vector<8x512xi32>
    %slice3A_929 = vector.extract_strided_slice %reshape3A {offsets = [42, 0, 0], sizes = [1, 8, 512], strides = [1, 1, 1]} : vector<128x8x512xf32> to vector<1x8x512xf32>
    %squeeze3A_930 = vector.shape_cast %slice3A_929 : vector<1x8x512xf32> to vector<8x512xf32>
    %slice3A_931 = vector.extract_strided_slice %reshape3A_9 {offsets = [42, 0, 0], sizes = [1, 8, 512], strides = [1, 1, 1]} : vector<128x8x512xf32> to vector<1x8x512xf32>
    %squeeze3A_932 = vector.shape_cast %slice3A_931 : vector<1x8x512xf32> to vector<8x512xf32>
    %min3A_933 = arith.minimumf %squeeze3A_932, %squeeze3A_930 : vector<8x512xf32>
    %gt3A_934 = arith.constant 0.000000e+00 : f32
    %gt3A_935 = vector.broadcast %gt3A_934 : f32 to vector<8x512xf32>
    %gt3A_936 = arith.cmpf ogt, %min3A_933, %gt3A_935 : vector<8x512xf32>
    %sub3A_937 = arith.subf %squeeze3A_932, %squeeze3A_930 : vector<8x512xf32>
    %abs3A_938 = math.absf %sub3A_937 : vector<8x512xf32>
    %gt3A_939 = arith.constant 3.000000e+00 : f32
    %gt3A_940 = vector.broadcast %gt3A_939 : f32 to vector<8x512xf32>
    %gt3A_941 = arith.cmpf ogt, %abs3A_938, %gt3A_940 : vector<8x512xf32>
    %jit3A_942 = arith.constant 65537 : i32
    %jit3A_943 = arith.constant 1 : i32
    %broadcast_in_dim3A_944 = vector.broadcast %jit3A_942 : i32 to vector<8x512xi32>
    %broadcast_in_dim3A_945 = vector.broadcast %jit3A_943 : i32 to vector<8x512xi32>
    %select_n3A_946 = arith.select %gt3A_941, %broadcast_in_dim3A_944, %broadcast_in_dim3A_945 : vector<8x512xi1>, vector<8x512xi32>
    %jit3A_947 = arith.constant 0 : i32
    %broadcast_in_dim3A_948 = vector.broadcast %jit3A_947 : i32 to vector<8x512xi32>
    %select_n3A_949 = arith.select %gt3A_936, %select_n3A_946, %broadcast_in_dim3A_948 : vector<8x512xi1>, vector<8x512xi32>
    %add3A_950 = arith.addi %add3A_906, %select_n3A_949 : vector<8x512xi32>
    %slice3A_951 = vector.extract_strided_slice %reshape3A {offsets = [43, 0, 0], sizes = [1, 8, 512], strides = [1, 1, 1]} : vector<128x8x512xf32> to vector<1x8x512xf32>
    %squeeze3A_952 = vector.shape_cast %slice3A_951 : vector<1x8x512xf32> to vector<8x512xf32>
    %slice3A_953 = vector.extract_strided_slice %reshape3A_9 {offsets = [43, 0, 0], sizes = [1, 8, 512], strides = [1, 1, 1]} : vector<128x8x512xf32> to vector<1x8x512xf32>
    %squeeze3A_954 = vector.shape_cast %slice3A_953 : vector<1x8x512xf32> to vector<8x512xf32>
    %min3A_955 = arith.minimumf %squeeze3A_954, %squeeze3A_952 : vector<8x512xf32>
    %gt3A_956 = arith.constant 0.000000e+00 : f32
    %gt3A_957 = vector.broadcast %gt3A_956 : f32 to vector<8x512xf32>
    %gt3A_958 = arith.cmpf ogt, %min3A_955, %gt3A_957 : vector<8x512xf32>
    %sub3A_959 = arith.subf %squeeze3A_954, %squeeze3A_952 : vector<8x512xf32>
    %abs3A_960 = math.absf %sub3A_959 : vector<8x512xf32>
    %gt3A_961 = arith.constant 3.000000e+00 : f32
    %gt3A_962 = vector.broadcast %gt3A_961 : f32 to vector<8x512xf32>
    %gt3A_963 = arith.cmpf ogt, %abs3A_960, %gt3A_962 : vector<8x512xf32>
    %jit3A_964 = arith.constant 65537 : i32
    %jit3A_965 = arith.constant 1 : i32
    %broadcast_in_dim3A_966 = vector.broadcast %jit3A_964 : i32 to vector<8x512xi32>
    %broadcast_in_dim3A_967 = vector.broadcast %jit3A_965 : i32 to vector<8x512xi32>
    %select_n3A_968 = arith.select %gt3A_963, %broadcast_in_dim3A_966, %broadcast_in_dim3A_967 : vector<8x512xi1>, vector<8x512xi32>
    %jit3A_969 = arith.constant 0 : i32
    %broadcast_in_dim3A_970 = vector.broadcast %jit3A_969 : i32 to vector<8x512xi32>
    %select_n3A_971 = arith.select %gt3A_958, %select_n3A_968, %broadcast_in_dim3A_970 : vector<8x512xi1>, vector<8x512xi32>
    %add3A_972 = arith.addi %add3A_928, %select_n3A_971 : vector<8x512xi32>
    %slice3A_973 = vector.extract_strided_slice %reshape3A {offsets = [44, 0, 0], sizes = [1, 8, 512], strides = [1, 1, 1]} : vector<128x8x512xf32> to vector<1x8x512xf32>
    %squeeze3A_974 = vector.shape_cast %slice3A_973 : vector<1x8x512xf32> to vector<8x512xf32>
    %slice3A_975 = vector.extract_strided_slice %reshape3A_9 {offsets = [44, 0, 0], sizes = [1, 8, 512], strides = [1, 1, 1]} : vector<128x8x512xf32> to vector<1x8x512xf32>
    %squeeze3A_976 = vector.shape_cast %slice3A_975 : vector<1x8x512xf32> to vector<8x512xf32>
    %min3A_977 = arith.minimumf %squeeze3A_976, %squeeze3A_974 : vector<8x512xf32>
    %gt3A_978 = arith.constant 0.000000e+00 : f32
    %gt3A_979 = vector.broadcast %gt3A_978 : f32 to vector<8x512xf32>
    %gt3A_980 = arith.cmpf ogt, %min3A_977, %gt3A_979 : vector<8x512xf32>
    %sub3A_981 = arith.subf %squeeze3A_976, %squeeze3A_974 : vector<8x512xf32>
    %abs3A_982 = math.absf %sub3A_981 : vector<8x512xf32>
    %gt3A_983 = arith.constant 3.000000e+00 : f32
    %gt3A_984 = vector.broadcast %gt3A_983 : f32 to vector<8x512xf32>
    %gt3A_985 = arith.cmpf ogt, %abs3A_982, %gt3A_984 : vector<8x512xf32>
    %jit3A_986 = arith.constant 65537 : i32
    %jit3A_987 = arith.constant 1 : i32
    %broadcast_in_dim3A_988 = vector.broadcast %jit3A_986 : i32 to vector<8x512xi32>
    %broadcast_in_dim3A_989 = vector.broadcast %jit3A_987 : i32 to vector<8x512xi32>
    %select_n3A_990 = arith.select %gt3A_985, %broadcast_in_dim3A_988, %broadcast_in_dim3A_989 : vector<8x512xi1>, vector<8x512xi32>
    %jit3A_991 = arith.constant 0 : i32
    %broadcast_in_dim3A_992 = vector.broadcast %jit3A_991 : i32 to vector<8x512xi32>
    %select_n3A_993 = arith.select %gt3A_980, %select_n3A_990, %broadcast_in_dim3A_992 : vector<8x512xi1>, vector<8x512xi32>
    %add3A_994 = arith.addi %add3A_950, %select_n3A_993 : vector<8x512xi32>
    %slice3A_995 = vector.extract_strided_slice %reshape3A {offsets = [45, 0, 0], sizes = [1, 8, 512], strides = [1, 1, 1]} : vector<128x8x512xf32> to vector<1x8x512xf32>
    %squeeze3A_996 = vector.shape_cast %slice3A_995 : vector<1x8x512xf32> to vector<8x512xf32>
    %slice3A_997 = vector.extract_strided_slice %reshape3A_9 {offsets = [45, 0, 0], sizes = [1, 8, 512], strides = [1, 1, 1]} : vector<128x8x512xf32> to vector<1x8x512xf32>
    %squeeze3A_998 = vector.shape_cast %slice3A_997 : vector<1x8x512xf32> to vector<8x512xf32>
    %min3A_999 = arith.minimumf %squeeze3A_998, %squeeze3A_996 : vector<8x512xf32>
    %gt3A_1000 = arith.constant 0.000000e+00 : f32
    %gt3A_1001 = vector.broadcast %gt3A_1000 : f32 to vector<8x512xf32>
    %gt3A_1002 = arith.cmpf ogt, %min3A_999, %gt3A_1001 : vector<8x512xf32>
    %sub3A_1003 = arith.subf %squeeze3A_998, %squeeze3A_996 : vector<8x512xf32>
    %abs3A_1004 = math.absf %sub3A_1003 : vector<8x512xf32>
    %gt3A_1005 = arith.constant 3.000000e+00 : f32
    %gt3A_1006 = vector.broadcast %gt3A_1005 : f32 to vector<8x512xf32>
    %gt3A_1007 = arith.cmpf ogt, %abs3A_1004, %gt3A_1006 : vector<8x512xf32>
    %jit3A_1008 = arith.constant 65537 : i32
    %jit3A_1009 = arith.constant 1 : i32
    %broadcast_in_dim3A_1010 = vector.broadcast %jit3A_1008 : i32 to vector<8x512xi32>
    %broadcast_in_dim3A_1011 = vector.broadcast %jit3A_1009 : i32 to vector<8x512xi32>
    %select_n3A_1012 = arith.select %gt3A_1007, %broadcast_in_dim3A_1010, %broadcast_in_dim3A_1011 : vector<8x512xi1>, vector<8x512xi32>
    %jit3A_1013 = arith.constant 0 : i32
    %broadcast_in_dim3A_1014 = vector.broadcast %jit3A_1013 : i32 to vector<8x512xi32>
    %select_n3A_1015 = arith.select %gt3A_1002, %select_n3A_1012, %broadcast_in_dim3A_1014 : vector<8x512xi1>, vector<8x512xi32>
    %add3A_1016 = arith.addi %add3A_972, %select_n3A_1015 : vector<8x512xi32>
    %slice3A_1017 = vector.extract_strided_slice %reshape3A {offsets = [46, 0, 0], sizes = [1, 8, 512], strides = [1, 1, 1]} : vector<128x8x512xf32> to vector<1x8x512xf32>
    %squeeze3A_1018 = vector.shape_cast %slice3A_1017 : vector<1x8x512xf32> to vector<8x512xf32>
    %slice3A_1019 = vector.extract_strided_slice %reshape3A_9 {offsets = [46, 0, 0], sizes = [1, 8, 512], strides = [1, 1, 1]} : vector<128x8x512xf32> to vector<1x8x512xf32>
    %squeeze3A_1020 = vector.shape_cast %slice3A_1019 : vector<1x8x512xf32> to vector<8x512xf32>
    %min3A_1021 = arith.minimumf %squeeze3A_1020, %squeeze3A_1018 : vector<8x512xf32>
    %gt3A_1022 = arith.constant 0.000000e+00 : f32
    %gt3A_1023 = vector.broadcast %gt3A_1022 : f32 to vector<8x512xf32>
    %gt3A_1024 = arith.cmpf ogt, %min3A_1021, %gt3A_1023 : vector<8x512xf32>
    %sub3A_1025 = arith.subf %squeeze3A_1020, %squeeze3A_1018 : vector<8x512xf32>
    %abs3A_1026 = math.absf %sub3A_1025 : vector<8x512xf32>
    %gt3A_1027 = arith.constant 3.000000e+00 : f32
    %gt3A_1028 = vector.broadcast %gt3A_1027 : f32 to vector<8x512xf32>
    %gt3A_1029 = arith.cmpf ogt, %abs3A_1026, %gt3A_1028 : vector<8x512xf32>
    %jit3A_1030 = arith.constant 65537 : i32
    %jit3A_1031 = arith.constant 1 : i32
    %broadcast_in_dim3A_1032 = vector.broadcast %jit3A_1030 : i32 to vector<8x512xi32>
    %broadcast_in_dim3A_1033 = vector.broadcast %jit3A_1031 : i32 to vector<8x512xi32>
    %select_n3A_1034 = arith.select %gt3A_1029, %broadcast_in_dim3A_1032, %broadcast_in_dim3A_1033 : vector<8x512xi1>, vector<8x512xi32>
    %jit3A_1035 = arith.constant 0 : i32
    %broadcast_in_dim3A_1036 = vector.broadcast %jit3A_1035 : i32 to vector<8x512xi32>
    %select_n3A_1037 = arith.select %gt3A_1024, %select_n3A_1034, %broadcast_in_dim3A_1036 : vector<8x512xi1>, vector<8x512xi32>
    %add3A_1038 = arith.addi %add3A_994, %select_n3A_1037 : vector<8x512xi32>
    %slice3A_1039 = vector.extract_strided_slice %reshape3A {offsets = [47, 0, 0], sizes = [1, 8, 512], strides = [1, 1, 1]} : vector<128x8x512xf32> to vector<1x8x512xf32>
    %squeeze3A_1040 = vector.shape_cast %slice3A_1039 : vector<1x8x512xf32> to vector<8x512xf32>
    %slice3A_1041 = vector.extract_strided_slice %reshape3A_9 {offsets = [47, 0, 0], sizes = [1, 8, 512], strides = [1, 1, 1]} : vector<128x8x512xf32> to vector<1x8x512xf32>
    %squeeze3A_1042 = vector.shape_cast %slice3A_1041 : vector<1x8x512xf32> to vector<8x512xf32>
    %min3A_1043 = arith.minimumf %squeeze3A_1042, %squeeze3A_1040 : vector<8x512xf32>
    %gt3A_1044 = arith.constant 0.000000e+00 : f32
    %gt3A_1045 = vector.broadcast %gt3A_1044 : f32 to vector<8x512xf32>
    %gt3A_1046 = arith.cmpf ogt, %min3A_1043, %gt3A_1045 : vector<8x512xf32>
    %sub3A_1047 = arith.subf %squeeze3A_1042, %squeeze3A_1040 : vector<8x512xf32>
    %abs3A_1048 = math.absf %sub3A_1047 : vector<8x512xf32>
    %gt3A_1049 = arith.constant 3.000000e+00 : f32
    %gt3A_1050 = vector.broadcast %gt3A_1049 : f32 to vector<8x512xf32>
    %gt3A_1051 = arith.cmpf ogt, %abs3A_1048, %gt3A_1050 : vector<8x512xf32>
    %jit3A_1052 = arith.constant 65537 : i32
    %jit3A_1053 = arith.constant 1 : i32
    %broadcast_in_dim3A_1054 = vector.broadcast %jit3A_1052 : i32 to vector<8x512xi32>
    %broadcast_in_dim3A_1055 = vector.broadcast %jit3A_1053 : i32 to vector<8x512xi32>
    %select_n3A_1056 = arith.select %gt3A_1051, %broadcast_in_dim3A_1054, %broadcast_in_dim3A_1055 : vector<8x512xi1>, vector<8x512xi32>
    %jit3A_1057 = arith.constant 0 : i32
    %broadcast_in_dim3A_1058 = vector.broadcast %jit3A_1057 : i32 to vector<8x512xi32>
    %select_n3A_1059 = arith.select %gt3A_1046, %select_n3A_1056, %broadcast_in_dim3A_1058 : vector<8x512xi1>, vector<8x512xi32>
    %add3A_1060 = arith.addi %add3A_1016, %select_n3A_1059 : vector<8x512xi32>
    %slice3A_1061 = vector.extract_strided_slice %reshape3A {offsets = [48, 0, 0], sizes = [1, 8, 512], strides = [1, 1, 1]} : vector<128x8x512xf32> to vector<1x8x512xf32>
    %squeeze3A_1062 = vector.shape_cast %slice3A_1061 : vector<1x8x512xf32> to vector<8x512xf32>
    %slice3A_1063 = vector.extract_strided_slice %reshape3A_9 {offsets = [48, 0, 0], sizes = [1, 8, 512], strides = [1, 1, 1]} : vector<128x8x512xf32> to vector<1x8x512xf32>
    %squeeze3A_1064 = vector.shape_cast %slice3A_1063 : vector<1x8x512xf32> to vector<8x512xf32>
    %min3A_1065 = arith.minimumf %squeeze3A_1064, %squeeze3A_1062 : vector<8x512xf32>
    %gt3A_1066 = arith.constant 0.000000e+00 : f32
    %gt3A_1067 = vector.broadcast %gt3A_1066 : f32 to vector<8x512xf32>
    %gt3A_1068 = arith.cmpf ogt, %min3A_1065, %gt3A_1067 : vector<8x512xf32>
    %sub3A_1069 = arith.subf %squeeze3A_1064, %squeeze3A_1062 : vector<8x512xf32>
    %abs3A_1070 = math.absf %sub3A_1069 : vector<8x512xf32>
    %gt3A_1071 = arith.constant 3.000000e+00 : f32
    %gt3A_1072 = vector.broadcast %gt3A_1071 : f32 to vector<8x512xf32>
    %gt3A_1073 = arith.cmpf ogt, %abs3A_1070, %gt3A_1072 : vector<8x512xf32>
    %jit3A_1074 = arith.constant 65537 : i32
    %jit3A_1075 = arith.constant 1 : i32
    %broadcast_in_dim3A_1076 = vector.broadcast %jit3A_1074 : i32 to vector<8x512xi32>
    %broadcast_in_dim3A_1077 = vector.broadcast %jit3A_1075 : i32 to vector<8x512xi32>
    %select_n3A_1078 = arith.select %gt3A_1073, %broadcast_in_dim3A_1076, %broadcast_in_dim3A_1077 : vector<8x512xi1>, vector<8x512xi32>
    %jit3A_1079 = arith.constant 0 : i32
    %broadcast_in_dim3A_1080 = vector.broadcast %jit3A_1079 : i32 to vector<8x512xi32>
    %select_n3A_1081 = arith.select %gt3A_1068, %select_n3A_1078, %broadcast_in_dim3A_1080 : vector<8x512xi1>, vector<8x512xi32>
    %add3A_1082 = arith.addi %add3A_1038, %select_n3A_1081 : vector<8x512xi32>
    %slice3A_1083 = vector.extract_strided_slice %reshape3A {offsets = [49, 0, 0], sizes = [1, 8, 512], strides = [1, 1, 1]} : vector<128x8x512xf32> to vector<1x8x512xf32>
    %squeeze3A_1084 = vector.shape_cast %slice3A_1083 : vector<1x8x512xf32> to vector<8x512xf32>
    %slice3A_1085 = vector.extract_strided_slice %reshape3A_9 {offsets = [49, 0, 0], sizes = [1, 8, 512], strides = [1, 1, 1]} : vector<128x8x512xf32> to vector<1x8x512xf32>
    %squeeze3A_1086 = vector.shape_cast %slice3A_1085 : vector<1x8x512xf32> to vector<8x512xf32>
    %min3A_1087 = arith.minimumf %squeeze3A_1086, %squeeze3A_1084 : vector<8x512xf32>
    %gt3A_1088 = arith.constant 0.000000e+00 : f32
    %gt3A_1089 = vector.broadcast %gt3A_1088 : f32 to vector<8x512xf32>
    %gt3A_1090 = arith.cmpf ogt, %min3A_1087, %gt3A_1089 : vector<8x512xf32>
    %sub3A_1091 = arith.subf %squeeze3A_1086, %squeeze3A_1084 : vector<8x512xf32>
    %abs3A_1092 = math.absf %sub3A_1091 : vector<8x512xf32>
    %gt3A_1093 = arith.constant 3.000000e+00 : f32
    %gt3A_1094 = vector.broadcast %gt3A_1093 : f32 to vector<8x512xf32>
    %gt3A_1095 = arith.cmpf ogt, %abs3A_1092, %gt3A_1094 : vector<8x512xf32>
    %jit3A_1096 = arith.constant 65537 : i32
    %jit3A_1097 = arith.constant 1 : i32
    %broadcast_in_dim3A_1098 = vector.broadcast %jit3A_1096 : i32 to vector<8x512xi32>
    %broadcast_in_dim3A_1099 = vector.broadcast %jit3A_1097 : i32 to vector<8x512xi32>
    %select_n3A_1100 = arith.select %gt3A_1095, %broadcast_in_dim3A_1098, %broadcast_in_dim3A_1099 : vector<8x512xi1>, vector<8x512xi32>
    %jit3A_1101 = arith.constant 0 : i32
    %broadcast_in_dim3A_1102 = vector.broadcast %jit3A_1101 : i32 to vector<8x512xi32>
    %select_n3A_1103 = arith.select %gt3A_1090, %select_n3A_1100, %broadcast_in_dim3A_1102 : vector<8x512xi1>, vector<8x512xi32>
    %add3A_1104 = arith.addi %add3A_1060, %select_n3A_1103 : vector<8x512xi32>
    %slice3A_1105 = vector.extract_strided_slice %reshape3A {offsets = [50, 0, 0], sizes = [1, 8, 512], strides = [1, 1, 1]} : vector<128x8x512xf32> to vector<1x8x512xf32>
    %squeeze3A_1106 = vector.shape_cast %slice3A_1105 : vector<1x8x512xf32> to vector<8x512xf32>
    %slice3A_1107 = vector.extract_strided_slice %reshape3A_9 {offsets = [50, 0, 0], sizes = [1, 8, 512], strides = [1, 1, 1]} : vector<128x8x512xf32> to vector<1x8x512xf32>
    %squeeze3A_1108 = vector.shape_cast %slice3A_1107 : vector<1x8x512xf32> to vector<8x512xf32>
    %min3A_1109 = arith.minimumf %squeeze3A_1108, %squeeze3A_1106 : vector<8x512xf32>
    %gt3A_1110 = arith.constant 0.000000e+00 : f32
    %gt3A_1111 = vector.broadcast %gt3A_1110 : f32 to vector<8x512xf32>
    %gt3A_1112 = arith.cmpf ogt, %min3A_1109, %gt3A_1111 : vector<8x512xf32>
    %sub3A_1113 = arith.subf %squeeze3A_1108, %squeeze3A_1106 : vector<8x512xf32>
    %abs3A_1114 = math.absf %sub3A_1113 : vector<8x512xf32>
    %gt3A_1115 = arith.constant 3.000000e+00 : f32
    %gt3A_1116 = vector.broadcast %gt3A_1115 : f32 to vector<8x512xf32>
    %gt3A_1117 = arith.cmpf ogt, %abs3A_1114, %gt3A_1116 : vector<8x512xf32>
    %jit3A_1118 = arith.constant 65537 : i32
    %jit3A_1119 = arith.constant 1 : i32
    %broadcast_in_dim3A_1120 = vector.broadcast %jit3A_1118 : i32 to vector<8x512xi32>
    %broadcast_in_dim3A_1121 = vector.broadcast %jit3A_1119 : i32 to vector<8x512xi32>
    %select_n3A_1122 = arith.select %gt3A_1117, %broadcast_in_dim3A_1120, %broadcast_in_dim3A_1121 : vector<8x512xi1>, vector<8x512xi32>
    %jit3A_1123 = arith.constant 0 : i32
    %broadcast_in_dim3A_1124 = vector.broadcast %jit3A_1123 : i32 to vector<8x512xi32>
    %select_n3A_1125 = arith.select %gt3A_1112, %select_n3A_1122, %broadcast_in_dim3A_1124 : vector<8x512xi1>, vector<8x512xi32>
    %add3A_1126 = arith.addi %add3A_1082, %select_n3A_1125 : vector<8x512xi32>
    %slice3A_1127 = vector.extract_strided_slice %reshape3A {offsets = [51, 0, 0], sizes = [1, 8, 512], strides = [1, 1, 1]} : vector<128x8x512xf32> to vector<1x8x512xf32>
    %squeeze3A_1128 = vector.shape_cast %slice3A_1127 : vector<1x8x512xf32> to vector<8x512xf32>
    %slice3A_1129 = vector.extract_strided_slice %reshape3A_9 {offsets = [51, 0, 0], sizes = [1, 8, 512], strides = [1, 1, 1]} : vector<128x8x512xf32> to vector<1x8x512xf32>
    %squeeze3A_1130 = vector.shape_cast %slice3A_1129 : vector<1x8x512xf32> to vector<8x512xf32>
    %min3A_1131 = arith.minimumf %squeeze3A_1130, %squeeze3A_1128 : vector<8x512xf32>
    %gt3A_1132 = arith.constant 0.000000e+00 : f32
    %gt3A_1133 = vector.broadcast %gt3A_1132 : f32 to vector<8x512xf32>
    %gt3A_1134 = arith.cmpf ogt, %min3A_1131, %gt3A_1133 : vector<8x512xf32>
    %sub3A_1135 = arith.subf %squeeze3A_1130, %squeeze3A_1128 : vector<8x512xf32>
    %abs3A_1136 = math.absf %sub3A_1135 : vector<8x512xf32>
    %gt3A_1137 = arith.constant 3.000000e+00 : f32
    %gt3A_1138 = vector.broadcast %gt3A_1137 : f32 to vector<8x512xf32>
    %gt3A_1139 = arith.cmpf ogt, %abs3A_1136, %gt3A_1138 : vector<8x512xf32>
    %jit3A_1140 = arith.constant 65537 : i32
    %jit3A_1141 = arith.constant 1 : i32
    %broadcast_in_dim3A_1142 = vector.broadcast %jit3A_1140 : i32 to vector<8x512xi32>
    %broadcast_in_dim3A_1143 = vector.broadcast %jit3A_1141 : i32 to vector<8x512xi32>
    %select_n3A_1144 = arith.select %gt3A_1139, %broadcast_in_dim3A_1142, %broadcast_in_dim3A_1143 : vector<8x512xi1>, vector<8x512xi32>
    %jit3A_1145 = arith.constant 0 : i32
    %broadcast_in_dim3A_1146 = vector.broadcast %jit3A_1145 : i32 to vector<8x512xi32>
    %select_n3A_1147 = arith.select %gt3A_1134, %select_n3A_1144, %broadcast_in_dim3A_1146 : vector<8x512xi1>, vector<8x512xi32>
    %add3A_1148 = arith.addi %add3A_1104, %select_n3A_1147 : vector<8x512xi32>
    %slice3A_1149 = vector.extract_strided_slice %reshape3A {offsets = [52, 0, 0], sizes = [1, 8, 512], strides = [1, 1, 1]} : vector<128x8x512xf32> to vector<1x8x512xf32>
    %squeeze3A_1150 = vector.shape_cast %slice3A_1149 : vector<1x8x512xf32> to vector<8x512xf32>
    %slice3A_1151 = vector.extract_strided_slice %reshape3A_9 {offsets = [52, 0, 0], sizes = [1, 8, 512], strides = [1, 1, 1]} : vector<128x8x512xf32> to vector<1x8x512xf32>
    %squeeze3A_1152 = vector.shape_cast %slice3A_1151 : vector<1x8x512xf32> to vector<8x512xf32>
    %min3A_1153 = arith.minimumf %squeeze3A_1152, %squeeze3A_1150 : vector<8x512xf32>
    %gt3A_1154 = arith.constant 0.000000e+00 : f32
    %gt3A_1155 = vector.broadcast %gt3A_1154 : f32 to vector<8x512xf32>
    %gt3A_1156 = arith.cmpf ogt, %min3A_1153, %gt3A_1155 : vector<8x512xf32>
    %sub3A_1157 = arith.subf %squeeze3A_1152, %squeeze3A_1150 : vector<8x512xf32>
    %abs3A_1158 = math.absf %sub3A_1157 : vector<8x512xf32>
    %gt3A_1159 = arith.constant 3.000000e+00 : f32
    %gt3A_1160 = vector.broadcast %gt3A_1159 : f32 to vector<8x512xf32>
    %gt3A_1161 = arith.cmpf ogt, %abs3A_1158, %gt3A_1160 : vector<8x512xf32>
    %jit3A_1162 = arith.constant 65537 : i32
    %jit3A_1163 = arith.constant 1 : i32
    %broadcast_in_dim3A_1164 = vector.broadcast %jit3A_1162 : i32 to vector<8x512xi32>
    %broadcast_in_dim3A_1165 = vector.broadcast %jit3A_1163 : i32 to vector<8x512xi32>
    %select_n3A_1166 = arith.select %gt3A_1161, %broadcast_in_dim3A_1164, %broadcast_in_dim3A_1165 : vector<8x512xi1>, vector<8x512xi32>
    %jit3A_1167 = arith.constant 0 : i32
    %broadcast_in_dim3A_1168 = vector.broadcast %jit3A_1167 : i32 to vector<8x512xi32>
    %select_n3A_1169 = arith.select %gt3A_1156, %select_n3A_1166, %broadcast_in_dim3A_1168 : vector<8x512xi1>, vector<8x512xi32>
    %add3A_1170 = arith.addi %add3A_1126, %select_n3A_1169 : vector<8x512xi32>
    %slice3A_1171 = vector.extract_strided_slice %reshape3A {offsets = [53, 0, 0], sizes = [1, 8, 512], strides = [1, 1, 1]} : vector<128x8x512xf32> to vector<1x8x512xf32>
    %squeeze3A_1172 = vector.shape_cast %slice3A_1171 : vector<1x8x512xf32> to vector<8x512xf32>
    %slice3A_1173 = vector.extract_strided_slice %reshape3A_9 {offsets = [53, 0, 0], sizes = [1, 8, 512], strides = [1, 1, 1]} : vector<128x8x512xf32> to vector<1x8x512xf32>
    %squeeze3A_1174 = vector.shape_cast %slice3A_1173 : vector<1x8x512xf32> to vector<8x512xf32>
    %min3A_1175 = arith.minimumf %squeeze3A_1174, %squeeze3A_1172 : vector<8x512xf32>
    %gt3A_1176 = arith.constant 0.000000e+00 : f32
    %gt3A_1177 = vector.broadcast %gt3A_1176 : f32 to vector<8x512xf32>
    %gt3A_1178 = arith.cmpf ogt, %min3A_1175, %gt3A_1177 : vector<8x512xf32>
    %sub3A_1179 = arith.subf %squeeze3A_1174, %squeeze3A_1172 : vector<8x512xf32>
    %abs3A_1180 = math.absf %sub3A_1179 : vector<8x512xf32>
    %gt3A_1181 = arith.constant 3.000000e+00 : f32
    %gt3A_1182 = vector.broadcast %gt3A_1181 : f32 to vector<8x512xf32>
    %gt3A_1183 = arith.cmpf ogt, %abs3A_1180, %gt3A_1182 : vector<8x512xf32>
    %jit3A_1184 = arith.constant 65537 : i32
    %jit3A_1185 = arith.constant 1 : i32
    %broadcast_in_dim3A_1186 = vector.broadcast %jit3A_1184 : i32 to vector<8x512xi32>
    %broadcast_in_dim3A_1187 = vector.broadcast %jit3A_1185 : i32 to vector<8x512xi32>
    %select_n3A_1188 = arith.select %gt3A_1183, %broadcast_in_dim3A_1186, %broadcast_in_dim3A_1187 : vector<8x512xi1>, vector<8x512xi32>
    %jit3A_1189 = arith.constant 0 : i32
    %broadcast_in_dim3A_1190 = vector.broadcast %jit3A_1189 : i32 to vector<8x512xi32>
    %select_n3A_1191 = arith.select %gt3A_1178, %select_n3A_1188, %broadcast_in_dim3A_1190 : vector<8x512xi1>, vector<8x512xi32>
    %add3A_1192 = arith.addi %add3A_1148, %select_n3A_1191 : vector<8x512xi32>
    %slice3A_1193 = vector.extract_strided_slice %reshape3A {offsets = [54, 0, 0], sizes = [1, 8, 512], strides = [1, 1, 1]} : vector<128x8x512xf32> to vector<1x8x512xf32>
    %squeeze3A_1194 = vector.shape_cast %slice3A_1193 : vector<1x8x512xf32> to vector<8x512xf32>
    %slice3A_1195 = vector.extract_strided_slice %reshape3A_9 {offsets = [54, 0, 0], sizes = [1, 8, 512], strides = [1, 1, 1]} : vector<128x8x512xf32> to vector<1x8x512xf32>
    %squeeze3A_1196 = vector.shape_cast %slice3A_1195 : vector<1x8x512xf32> to vector<8x512xf32>
    %min3A_1197 = arith.minimumf %squeeze3A_1196, %squeeze3A_1194 : vector<8x512xf32>
    %gt3A_1198 = arith.constant 0.000000e+00 : f32
    %gt3A_1199 = vector.broadcast %gt3A_1198 : f32 to vector<8x512xf32>
    %gt3A_1200 = arith.cmpf ogt, %min3A_1197, %gt3A_1199 : vector<8x512xf32>
    %sub3A_1201 = arith.subf %squeeze3A_1196, %squeeze3A_1194 : vector<8x512xf32>
    %abs3A_1202 = math.absf %sub3A_1201 : vector<8x512xf32>
    %gt3A_1203 = arith.constant 3.000000e+00 : f32
    %gt3A_1204 = vector.broadcast %gt3A_1203 : f32 to vector<8x512xf32>
    %gt3A_1205 = arith.cmpf ogt, %abs3A_1202, %gt3A_1204 : vector<8x512xf32>
    %jit3A_1206 = arith.constant 65537 : i32
    %jit3A_1207 = arith.constant 1 : i32
    %broadcast_in_dim3A_1208 = vector.broadcast %jit3A_1206 : i32 to vector<8x512xi32>
    %broadcast_in_dim3A_1209 = vector.broadcast %jit3A_1207 : i32 to vector<8x512xi32>
    %select_n3A_1210 = arith.select %gt3A_1205, %broadcast_in_dim3A_1208, %broadcast_in_dim3A_1209 : vector<8x512xi1>, vector<8x512xi32>
    %jit3A_1211 = arith.constant 0 : i32
    %broadcast_in_dim3A_1212 = vector.broadcast %jit3A_1211 : i32 to vector<8x512xi32>
    %select_n3A_1213 = arith.select %gt3A_1200, %select_n3A_1210, %broadcast_in_dim3A_1212 : vector<8x512xi1>, vector<8x512xi32>
    %add3A_1214 = arith.addi %add3A_1170, %select_n3A_1213 : vector<8x512xi32>
    %slice3A_1215 = vector.extract_strided_slice %reshape3A {offsets = [55, 0, 0], sizes = [1, 8, 512], strides = [1, 1, 1]} : vector<128x8x512xf32> to vector<1x8x512xf32>
    %squeeze3A_1216 = vector.shape_cast %slice3A_1215 : vector<1x8x512xf32> to vector<8x512xf32>
    %slice3A_1217 = vector.extract_strided_slice %reshape3A_9 {offsets = [55, 0, 0], sizes = [1, 8, 512], strides = [1, 1, 1]} : vector<128x8x512xf32> to vector<1x8x512xf32>
    %squeeze3A_1218 = vector.shape_cast %slice3A_1217 : vector<1x8x512xf32> to vector<8x512xf32>
    %min3A_1219 = arith.minimumf %squeeze3A_1218, %squeeze3A_1216 : vector<8x512xf32>
    %gt3A_1220 = arith.constant 0.000000e+00 : f32
    %gt3A_1221 = vector.broadcast %gt3A_1220 : f32 to vector<8x512xf32>
    %gt3A_1222 = arith.cmpf ogt, %min3A_1219, %gt3A_1221 : vector<8x512xf32>
    %sub3A_1223 = arith.subf %squeeze3A_1218, %squeeze3A_1216 : vector<8x512xf32>
    %abs3A_1224 = math.absf %sub3A_1223 : vector<8x512xf32>
    %gt3A_1225 = arith.constant 3.000000e+00 : f32
    %gt3A_1226 = vector.broadcast %gt3A_1225 : f32 to vector<8x512xf32>
    %gt3A_1227 = arith.cmpf ogt, %abs3A_1224, %gt3A_1226 : vector<8x512xf32>
    %jit3A_1228 = arith.constant 65537 : i32
    %jit3A_1229 = arith.constant 1 : i32
    %broadcast_in_dim3A_1230 = vector.broadcast %jit3A_1228 : i32 to vector<8x512xi32>
    %broadcast_in_dim3A_1231 = vector.broadcast %jit3A_1229 : i32 to vector<8x512xi32>
    %select_n3A_1232 = arith.select %gt3A_1227, %broadcast_in_dim3A_1230, %broadcast_in_dim3A_1231 : vector<8x512xi1>, vector<8x512xi32>
    %jit3A_1233 = arith.constant 0 : i32
    %broadcast_in_dim3A_1234 = vector.broadcast %jit3A_1233 : i32 to vector<8x512xi32>
    %select_n3A_1235 = arith.select %gt3A_1222, %select_n3A_1232, %broadcast_in_dim3A_1234 : vector<8x512xi1>, vector<8x512xi32>
    %add3A_1236 = arith.addi %add3A_1192, %select_n3A_1235 : vector<8x512xi32>
    %slice3A_1237 = vector.extract_strided_slice %reshape3A {offsets = [56, 0, 0], sizes = [1, 8, 512], strides = [1, 1, 1]} : vector<128x8x512xf32> to vector<1x8x512xf32>
    %squeeze3A_1238 = vector.shape_cast %slice3A_1237 : vector<1x8x512xf32> to vector<8x512xf32>
    %slice3A_1239 = vector.extract_strided_slice %reshape3A_9 {offsets = [56, 0, 0], sizes = [1, 8, 512], strides = [1, 1, 1]} : vector<128x8x512xf32> to vector<1x8x512xf32>
    %squeeze3A_1240 = vector.shape_cast %slice3A_1239 : vector<1x8x512xf32> to vector<8x512xf32>
    %min3A_1241 = arith.minimumf %squeeze3A_1240, %squeeze3A_1238 : vector<8x512xf32>
    %gt3A_1242 = arith.constant 0.000000e+00 : f32
    %gt3A_1243 = vector.broadcast %gt3A_1242 : f32 to vector<8x512xf32>
    %gt3A_1244 = arith.cmpf ogt, %min3A_1241, %gt3A_1243 : vector<8x512xf32>
    %sub3A_1245 = arith.subf %squeeze3A_1240, %squeeze3A_1238 : vector<8x512xf32>
    %abs3A_1246 = math.absf %sub3A_1245 : vector<8x512xf32>
    %gt3A_1247 = arith.constant 3.000000e+00 : f32
    %gt3A_1248 = vector.broadcast %gt3A_1247 : f32 to vector<8x512xf32>
    %gt3A_1249 = arith.cmpf ogt, %abs3A_1246, %gt3A_1248 : vector<8x512xf32>
    %jit3A_1250 = arith.constant 65537 : i32
    %jit3A_1251 = arith.constant 1 : i32
    %broadcast_in_dim3A_1252 = vector.broadcast %jit3A_1250 : i32 to vector<8x512xi32>
    %broadcast_in_dim3A_1253 = vector.broadcast %jit3A_1251 : i32 to vector<8x512xi32>
    %select_n3A_1254 = arith.select %gt3A_1249, %broadcast_in_dim3A_1252, %broadcast_in_dim3A_1253 : vector<8x512xi1>, vector<8x512xi32>
    %jit3A_1255 = arith.constant 0 : i32
    %broadcast_in_dim3A_1256 = vector.broadcast %jit3A_1255 : i32 to vector<8x512xi32>
    %select_n3A_1257 = arith.select %gt3A_1244, %select_n3A_1254, %broadcast_in_dim3A_1256 : vector<8x512xi1>, vector<8x512xi32>
    %add3A_1258 = arith.addi %add3A_1214, %select_n3A_1257 : vector<8x512xi32>
    %slice3A_1259 = vector.extract_strided_slice %reshape3A {offsets = [57, 0, 0], sizes = [1, 8, 512], strides = [1, 1, 1]} : vector<128x8x512xf32> to vector<1x8x512xf32>
    %squeeze3A_1260 = vector.shape_cast %slice3A_1259 : vector<1x8x512xf32> to vector<8x512xf32>
    %slice3A_1261 = vector.extract_strided_slice %reshape3A_9 {offsets = [57, 0, 0], sizes = [1, 8, 512], strides = [1, 1, 1]} : vector<128x8x512xf32> to vector<1x8x512xf32>
    %squeeze3A_1262 = vector.shape_cast %slice3A_1261 : vector<1x8x512xf32> to vector<8x512xf32>
    %min3A_1263 = arith.minimumf %squeeze3A_1262, %squeeze3A_1260 : vector<8x512xf32>
    %gt3A_1264 = arith.constant 0.000000e+00 : f32
    %gt3A_1265 = vector.broadcast %gt3A_1264 : f32 to vector<8x512xf32>
    %gt3A_1266 = arith.cmpf ogt, %min3A_1263, %gt3A_1265 : vector<8x512xf32>
    %sub3A_1267 = arith.subf %squeeze3A_1262, %squeeze3A_1260 : vector<8x512xf32>
    %abs3A_1268 = math.absf %sub3A_1267 : vector<8x512xf32>
    %gt3A_1269 = arith.constant 3.000000e+00 : f32
    %gt3A_1270 = vector.broadcast %gt3A_1269 : f32 to vector<8x512xf32>
    %gt3A_1271 = arith.cmpf ogt, %abs3A_1268, %gt3A_1270 : vector<8x512xf32>
    %jit3A_1272 = arith.constant 65537 : i32
    %jit3A_1273 = arith.constant 1 : i32
    %broadcast_in_dim3A_1274 = vector.broadcast %jit3A_1272 : i32 to vector<8x512xi32>
    %broadcast_in_dim3A_1275 = vector.broadcast %jit3A_1273 : i32 to vector<8x512xi32>
    %select_n3A_1276 = arith.select %gt3A_1271, %broadcast_in_dim3A_1274, %broadcast_in_dim3A_1275 : vector<8x512xi1>, vector<8x512xi32>
    %jit3A_1277 = arith.constant 0 : i32
    %broadcast_in_dim3A_1278 = vector.broadcast %jit3A_1277 : i32 to vector<8x512xi32>
    %select_n3A_1279 = arith.select %gt3A_1266, %select_n3A_1276, %broadcast_in_dim3A_1278 : vector<8x512xi1>, vector<8x512xi32>
    %add3A_1280 = arith.addi %add3A_1236, %select_n3A_1279 : vector<8x512xi32>
    %slice3A_1281 = vector.extract_strided_slice %reshape3A {offsets = [58, 0, 0], sizes = [1, 8, 512], strides = [1, 1, 1]} : vector<128x8x512xf32> to vector<1x8x512xf32>
    %squeeze3A_1282 = vector.shape_cast %slice3A_1281 : vector<1x8x512xf32> to vector<8x512xf32>
    %slice3A_1283 = vector.extract_strided_slice %reshape3A_9 {offsets = [58, 0, 0], sizes = [1, 8, 512], strides = [1, 1, 1]} : vector<128x8x512xf32> to vector<1x8x512xf32>
    %squeeze3A_1284 = vector.shape_cast %slice3A_1283 : vector<1x8x512xf32> to vector<8x512xf32>
    %min3A_1285 = arith.minimumf %squeeze3A_1284, %squeeze3A_1282 : vector<8x512xf32>
    %gt3A_1286 = arith.constant 0.000000e+00 : f32
    %gt3A_1287 = vector.broadcast %gt3A_1286 : f32 to vector<8x512xf32>
    %gt3A_1288 = arith.cmpf ogt, %min3A_1285, %gt3A_1287 : vector<8x512xf32>
    %sub3A_1289 = arith.subf %squeeze3A_1284, %squeeze3A_1282 : vector<8x512xf32>
    %abs3A_1290 = math.absf %sub3A_1289 : vector<8x512xf32>
    %gt3A_1291 = arith.constant 3.000000e+00 : f32
    %gt3A_1292 = vector.broadcast %gt3A_1291 : f32 to vector<8x512xf32>
    %gt3A_1293 = arith.cmpf ogt, %abs3A_1290, %gt3A_1292 : vector<8x512xf32>
    %jit3A_1294 = arith.constant 65537 : i32
    %jit3A_1295 = arith.constant 1 : i32
    %broadcast_in_dim3A_1296 = vector.broadcast %jit3A_1294 : i32 to vector<8x512xi32>
    %broadcast_in_dim3A_1297 = vector.broadcast %jit3A_1295 : i32 to vector<8x512xi32>
    %select_n3A_1298 = arith.select %gt3A_1293, %broadcast_in_dim3A_1296, %broadcast_in_dim3A_1297 : vector<8x512xi1>, vector<8x512xi32>
    %jit3A_1299 = arith.constant 0 : i32
    %broadcast_in_dim3A_1300 = vector.broadcast %jit3A_1299 : i32 to vector<8x512xi32>
    %select_n3A_1301 = arith.select %gt3A_1288, %select_n3A_1298, %broadcast_in_dim3A_1300 : vector<8x512xi1>, vector<8x512xi32>
    %add3A_1302 = arith.addi %add3A_1258, %select_n3A_1301 : vector<8x512xi32>
    %slice3A_1303 = vector.extract_strided_slice %reshape3A {offsets = [59, 0, 0], sizes = [1, 8, 512], strides = [1, 1, 1]} : vector<128x8x512xf32> to vector<1x8x512xf32>
    %squeeze3A_1304 = vector.shape_cast %slice3A_1303 : vector<1x8x512xf32> to vector<8x512xf32>
    %slice3A_1305 = vector.extract_strided_slice %reshape3A_9 {offsets = [59, 0, 0], sizes = [1, 8, 512], strides = [1, 1, 1]} : vector<128x8x512xf32> to vector<1x8x512xf32>
    %squeeze3A_1306 = vector.shape_cast %slice3A_1305 : vector<1x8x512xf32> to vector<8x512xf32>
    %min3A_1307 = arith.minimumf %squeeze3A_1306, %squeeze3A_1304 : vector<8x512xf32>
    %gt3A_1308 = arith.constant 0.000000e+00 : f32
    %gt3A_1309 = vector.broadcast %gt3A_1308 : f32 to vector<8x512xf32>
    %gt3A_1310 = arith.cmpf ogt, %min3A_1307, %gt3A_1309 : vector<8x512xf32>
    %sub3A_1311 = arith.subf %squeeze3A_1306, %squeeze3A_1304 : vector<8x512xf32>
    %abs3A_1312 = math.absf %sub3A_1311 : vector<8x512xf32>
    %gt3A_1313 = arith.constant 3.000000e+00 : f32
    %gt3A_1314 = vector.broadcast %gt3A_1313 : f32 to vector<8x512xf32>
    %gt3A_1315 = arith.cmpf ogt, %abs3A_1312, %gt3A_1314 : vector<8x512xf32>
    %jit3A_1316 = arith.constant 65537 : i32
    %jit3A_1317 = arith.constant 1 : i32
    %broadcast_in_dim3A_1318 = vector.broadcast %jit3A_1316 : i32 to vector<8x512xi32>
    %broadcast_in_dim3A_1319 = vector.broadcast %jit3A_1317 : i32 to vector<8x512xi32>
    %select_n3A_1320 = arith.select %gt3A_1315, %broadcast_in_dim3A_1318, %broadcast_in_dim3A_1319 : vector<8x512xi1>, vector<8x512xi32>
    %jit3A_1321 = arith.constant 0 : i32
    %broadcast_in_dim3A_1322 = vector.broadcast %jit3A_1321 : i32 to vector<8x512xi32>
    %select_n3A_1323 = arith.select %gt3A_1310, %select_n3A_1320, %broadcast_in_dim3A_1322 : vector<8x512xi1>, vector<8x512xi32>
    %add3A_1324 = arith.addi %add3A_1280, %select_n3A_1323 : vector<8x512xi32>
    %slice3A_1325 = vector.extract_strided_slice %reshape3A {offsets = [60, 0, 0], sizes = [1, 8, 512], strides = [1, 1, 1]} : vector<128x8x512xf32> to vector<1x8x512xf32>
    %squeeze3A_1326 = vector.shape_cast %slice3A_1325 : vector<1x8x512xf32> to vector<8x512xf32>
    %slice3A_1327 = vector.extract_strided_slice %reshape3A_9 {offsets = [60, 0, 0], sizes = [1, 8, 512], strides = [1, 1, 1]} : vector<128x8x512xf32> to vector<1x8x512xf32>
    %squeeze3A_1328 = vector.shape_cast %slice3A_1327 : vector<1x8x512xf32> to vector<8x512xf32>
    %min3A_1329 = arith.minimumf %squeeze3A_1328, %squeeze3A_1326 : vector<8x512xf32>
    %gt3A_1330 = arith.constant 0.000000e+00 : f32
    %gt3A_1331 = vector.broadcast %gt3A_1330 : f32 to vector<8x512xf32>
    %gt3A_1332 = arith.cmpf ogt, %min3A_1329, %gt3A_1331 : vector<8x512xf32>
    %sub3A_1333 = arith.subf %squeeze3A_1328, %squeeze3A_1326 : vector<8x512xf32>
    %abs3A_1334 = math.absf %sub3A_1333 : vector<8x512xf32>
    %gt3A_1335 = arith.constant 3.000000e+00 : f32
    %gt3A_1336 = vector.broadcast %gt3A_1335 : f32 to vector<8x512xf32>
    %gt3A_1337 = arith.cmpf ogt, %abs3A_1334, %gt3A_1336 : vector<8x512xf32>
    %jit3A_1338 = arith.constant 65537 : i32
    %jit3A_1339 = arith.constant 1 : i32
    %broadcast_in_dim3A_1340 = vector.broadcast %jit3A_1338 : i32 to vector<8x512xi32>
    %broadcast_in_dim3A_1341 = vector.broadcast %jit3A_1339 : i32 to vector<8x512xi32>
    %select_n3A_1342 = arith.select %gt3A_1337, %broadcast_in_dim3A_1340, %broadcast_in_dim3A_1341 : vector<8x512xi1>, vector<8x512xi32>
    %jit3A_1343 = arith.constant 0 : i32
    %broadcast_in_dim3A_1344 = vector.broadcast %jit3A_1343 : i32 to vector<8x512xi32>
    %select_n3A_1345 = arith.select %gt3A_1332, %select_n3A_1342, %broadcast_in_dim3A_1344 : vector<8x512xi1>, vector<8x512xi32>
    %add3A_1346 = arith.addi %add3A_1302, %select_n3A_1345 : vector<8x512xi32>
    %slice3A_1347 = vector.extract_strided_slice %reshape3A {offsets = [61, 0, 0], sizes = [1, 8, 512], strides = [1, 1, 1]} : vector<128x8x512xf32> to vector<1x8x512xf32>
    %squeeze3A_1348 = vector.shape_cast %slice3A_1347 : vector<1x8x512xf32> to vector<8x512xf32>
    %slice3A_1349 = vector.extract_strided_slice %reshape3A_9 {offsets = [61, 0, 0], sizes = [1, 8, 512], strides = [1, 1, 1]} : vector<128x8x512xf32> to vector<1x8x512xf32>
    %squeeze3A_1350 = vector.shape_cast %slice3A_1349 : vector<1x8x512xf32> to vector<8x512xf32>
    %min3A_1351 = arith.minimumf %squeeze3A_1350, %squeeze3A_1348 : vector<8x512xf32>
    %gt3A_1352 = arith.constant 0.000000e+00 : f32
    %gt3A_1353 = vector.broadcast %gt3A_1352 : f32 to vector<8x512xf32>
    %gt3A_1354 = arith.cmpf ogt, %min3A_1351, %gt3A_1353 : vector<8x512xf32>
    %sub3A_1355 = arith.subf %squeeze3A_1350, %squeeze3A_1348 : vector<8x512xf32>
    %abs3A_1356 = math.absf %sub3A_1355 : vector<8x512xf32>
    %gt3A_1357 = arith.constant 3.000000e+00 : f32
    %gt3A_1358 = vector.broadcast %gt3A_1357 : f32 to vector<8x512xf32>
    %gt3A_1359 = arith.cmpf ogt, %abs3A_1356, %gt3A_1358 : vector<8x512xf32>
    %jit3A_1360 = arith.constant 65537 : i32
    %jit3A_1361 = arith.constant 1 : i32
    %broadcast_in_dim3A_1362 = vector.broadcast %jit3A_1360 : i32 to vector<8x512xi32>
    %broadcast_in_dim3A_1363 = vector.broadcast %jit3A_1361 : i32 to vector<8x512xi32>
    %select_n3A_1364 = arith.select %gt3A_1359, %broadcast_in_dim3A_1362, %broadcast_in_dim3A_1363 : vector<8x512xi1>, vector<8x512xi32>
    %jit3A_1365 = arith.constant 0 : i32
    %broadcast_in_dim3A_1366 = vector.broadcast %jit3A_1365 : i32 to vector<8x512xi32>
    %select_n3A_1367 = arith.select %gt3A_1354, %select_n3A_1364, %broadcast_in_dim3A_1366 : vector<8x512xi1>, vector<8x512xi32>
    %add3A_1368 = arith.addi %add3A_1324, %select_n3A_1367 : vector<8x512xi32>
    %slice3A_1369 = vector.extract_strided_slice %reshape3A {offsets = [62, 0, 0], sizes = [1, 8, 512], strides = [1, 1, 1]} : vector<128x8x512xf32> to vector<1x8x512xf32>
    %squeeze3A_1370 = vector.shape_cast %slice3A_1369 : vector<1x8x512xf32> to vector<8x512xf32>
    %slice3A_1371 = vector.extract_strided_slice %reshape3A_9 {offsets = [62, 0, 0], sizes = [1, 8, 512], strides = [1, 1, 1]} : vector<128x8x512xf32> to vector<1x8x512xf32>
    %squeeze3A_1372 = vector.shape_cast %slice3A_1371 : vector<1x8x512xf32> to vector<8x512xf32>
    %min3A_1373 = arith.minimumf %squeeze3A_1372, %squeeze3A_1370 : vector<8x512xf32>
    %gt3A_1374 = arith.constant 0.000000e+00 : f32
    %gt3A_1375 = vector.broadcast %gt3A_1374 : f32 to vector<8x512xf32>
    %gt3A_1376 = arith.cmpf ogt, %min3A_1373, %gt3A_1375 : vector<8x512xf32>
    %sub3A_1377 = arith.subf %squeeze3A_1372, %squeeze3A_1370 : vector<8x512xf32>
    %abs3A_1378 = math.absf %sub3A_1377 : vector<8x512xf32>
    %gt3A_1379 = arith.constant 3.000000e+00 : f32
    %gt3A_1380 = vector.broadcast %gt3A_1379 : f32 to vector<8x512xf32>
    %gt3A_1381 = arith.cmpf ogt, %abs3A_1378, %gt3A_1380 : vector<8x512xf32>
    %jit3A_1382 = arith.constant 65537 : i32
    %jit3A_1383 = arith.constant 1 : i32
    %broadcast_in_dim3A_1384 = vector.broadcast %jit3A_1382 : i32 to vector<8x512xi32>
    %broadcast_in_dim3A_1385 = vector.broadcast %jit3A_1383 : i32 to vector<8x512xi32>
    %select_n3A_1386 = arith.select %gt3A_1381, %broadcast_in_dim3A_1384, %broadcast_in_dim3A_1385 : vector<8x512xi1>, vector<8x512xi32>
    %jit3A_1387 = arith.constant 0 : i32
    %broadcast_in_dim3A_1388 = vector.broadcast %jit3A_1387 : i32 to vector<8x512xi32>
    %select_n3A_1389 = arith.select %gt3A_1376, %select_n3A_1386, %broadcast_in_dim3A_1388 : vector<8x512xi1>, vector<8x512xi32>
    %add3A_1390 = arith.addi %add3A_1346, %select_n3A_1389 : vector<8x512xi32>
    %slice3A_1391 = vector.extract_strided_slice %reshape3A {offsets = [63, 0, 0], sizes = [1, 8, 512], strides = [1, 1, 1]} : vector<128x8x512xf32> to vector<1x8x512xf32>
    %squeeze3A_1392 = vector.shape_cast %slice3A_1391 : vector<1x8x512xf32> to vector<8x512xf32>
    %slice3A_1393 = vector.extract_strided_slice %reshape3A_9 {offsets = [63, 0, 0], sizes = [1, 8, 512], strides = [1, 1, 1]} : vector<128x8x512xf32> to vector<1x8x512xf32>
    %squeeze3A_1394 = vector.shape_cast %slice3A_1393 : vector<1x8x512xf32> to vector<8x512xf32>
    %min3A_1395 = arith.minimumf %squeeze3A_1394, %squeeze3A_1392 : vector<8x512xf32>
    %gt3A_1396 = arith.constant 0.000000e+00 : f32
    %gt3A_1397 = vector.broadcast %gt3A_1396 : f32 to vector<8x512xf32>
    %gt3A_1398 = arith.cmpf ogt, %min3A_1395, %gt3A_1397 : vector<8x512xf32>
    %sub3A_1399 = arith.subf %squeeze3A_1394, %squeeze3A_1392 : vector<8x512xf32>
    %abs3A_1400 = math.absf %sub3A_1399 : vector<8x512xf32>
    %gt3A_1401 = arith.constant 3.000000e+00 : f32
    %gt3A_1402 = vector.broadcast %gt3A_1401 : f32 to vector<8x512xf32>
    %gt3A_1403 = arith.cmpf ogt, %abs3A_1400, %gt3A_1402 : vector<8x512xf32>
    %jit3A_1404 = arith.constant 65537 : i32
    %jit3A_1405 = arith.constant 1 : i32
    %broadcast_in_dim3A_1406 = vector.broadcast %jit3A_1404 : i32 to vector<8x512xi32>
    %broadcast_in_dim3A_1407 = vector.broadcast %jit3A_1405 : i32 to vector<8x512xi32>
    %select_n3A_1408 = arith.select %gt3A_1403, %broadcast_in_dim3A_1406, %broadcast_in_dim3A_1407 : vector<8x512xi1>, vector<8x512xi32>
    %jit3A_1409 = arith.constant 0 : i32
    %broadcast_in_dim3A_1410 = vector.broadcast %jit3A_1409 : i32 to vector<8x512xi32>
    %select_n3A_1411 = arith.select %gt3A_1398, %select_n3A_1408, %broadcast_in_dim3A_1410 : vector<8x512xi1>, vector<8x512xi32>
    %add3A_1412 = arith.addi %add3A_1368, %select_n3A_1411 : vector<8x512xi32>
    %slice3A_1413 = vector.extract_strided_slice %reshape3A {offsets = [64, 0, 0], sizes = [1, 8, 512], strides = [1, 1, 1]} : vector<128x8x512xf32> to vector<1x8x512xf32>
    %squeeze3A_1414 = vector.shape_cast %slice3A_1413 : vector<1x8x512xf32> to vector<8x512xf32>
    %slice3A_1415 = vector.extract_strided_slice %reshape3A_9 {offsets = [64, 0, 0], sizes = [1, 8, 512], strides = [1, 1, 1]} : vector<128x8x512xf32> to vector<1x8x512xf32>
    %squeeze3A_1416 = vector.shape_cast %slice3A_1415 : vector<1x8x512xf32> to vector<8x512xf32>
    %min3A_1417 = arith.minimumf %squeeze3A_1416, %squeeze3A_1414 : vector<8x512xf32>
    %gt3A_1418 = arith.constant 0.000000e+00 : f32
    %gt3A_1419 = vector.broadcast %gt3A_1418 : f32 to vector<8x512xf32>
    %gt3A_1420 = arith.cmpf ogt, %min3A_1417, %gt3A_1419 : vector<8x512xf32>
    %sub3A_1421 = arith.subf %squeeze3A_1416, %squeeze3A_1414 : vector<8x512xf32>
    %abs3A_1422 = math.absf %sub3A_1421 : vector<8x512xf32>
    %gt3A_1423 = arith.constant 3.000000e+00 : f32
    %gt3A_1424 = vector.broadcast %gt3A_1423 : f32 to vector<8x512xf32>
    %gt3A_1425 = arith.cmpf ogt, %abs3A_1422, %gt3A_1424 : vector<8x512xf32>
    %jit3A_1426 = arith.constant 65537 : i32
    %jit3A_1427 = arith.constant 1 : i32
    %broadcast_in_dim3A_1428 = vector.broadcast %jit3A_1426 : i32 to vector<8x512xi32>
    %broadcast_in_dim3A_1429 = vector.broadcast %jit3A_1427 : i32 to vector<8x512xi32>
    %select_n3A_1430 = arith.select %gt3A_1425, %broadcast_in_dim3A_1428, %broadcast_in_dim3A_1429 : vector<8x512xi1>, vector<8x512xi32>
    %jit3A_1431 = arith.constant 0 : i32
    %broadcast_in_dim3A_1432 = vector.broadcast %jit3A_1431 : i32 to vector<8x512xi32>
    %select_n3A_1433 = arith.select %gt3A_1420, %select_n3A_1430, %broadcast_in_dim3A_1432 : vector<8x512xi1>, vector<8x512xi32>
    %add3A_1434 = arith.addi %add3A_1390, %select_n3A_1433 : vector<8x512xi32>
    %slice3A_1435 = vector.extract_strided_slice %reshape3A {offsets = [65, 0, 0], sizes = [1, 8, 512], strides = [1, 1, 1]} : vector<128x8x512xf32> to vector<1x8x512xf32>
    %squeeze3A_1436 = vector.shape_cast %slice3A_1435 : vector<1x8x512xf32> to vector<8x512xf32>
    %slice3A_1437 = vector.extract_strided_slice %reshape3A_9 {offsets = [65, 0, 0], sizes = [1, 8, 512], strides = [1, 1, 1]} : vector<128x8x512xf32> to vector<1x8x512xf32>
    %squeeze3A_1438 = vector.shape_cast %slice3A_1437 : vector<1x8x512xf32> to vector<8x512xf32>
    %min3A_1439 = arith.minimumf %squeeze3A_1438, %squeeze3A_1436 : vector<8x512xf32>
    %gt3A_1440 = arith.constant 0.000000e+00 : f32
    %gt3A_1441 = vector.broadcast %gt3A_1440 : f32 to vector<8x512xf32>
    %gt3A_1442 = arith.cmpf ogt, %min3A_1439, %gt3A_1441 : vector<8x512xf32>
    %sub3A_1443 = arith.subf %squeeze3A_1438, %squeeze3A_1436 : vector<8x512xf32>
    %abs3A_1444 = math.absf %sub3A_1443 : vector<8x512xf32>
    %gt3A_1445 = arith.constant 3.000000e+00 : f32
    %gt3A_1446 = vector.broadcast %gt3A_1445 : f32 to vector<8x512xf32>
    %gt3A_1447 = arith.cmpf ogt, %abs3A_1444, %gt3A_1446 : vector<8x512xf32>
    %jit3A_1448 = arith.constant 65537 : i32
    %jit3A_1449 = arith.constant 1 : i32
    %broadcast_in_dim3A_1450 = vector.broadcast %jit3A_1448 : i32 to vector<8x512xi32>
    %broadcast_in_dim3A_1451 = vector.broadcast %jit3A_1449 : i32 to vector<8x512xi32>
    %select_n3A_1452 = arith.select %gt3A_1447, %broadcast_in_dim3A_1450, %broadcast_in_dim3A_1451 : vector<8x512xi1>, vector<8x512xi32>
    %jit3A_1453 = arith.constant 0 : i32
    %broadcast_in_dim3A_1454 = vector.broadcast %jit3A_1453 : i32 to vector<8x512xi32>
    %select_n3A_1455 = arith.select %gt3A_1442, %select_n3A_1452, %broadcast_in_dim3A_1454 : vector<8x512xi1>, vector<8x512xi32>
    %add3A_1456 = arith.addi %add3A_1412, %select_n3A_1455 : vector<8x512xi32>
    %slice3A_1457 = vector.extract_strided_slice %reshape3A {offsets = [66, 0, 0], sizes = [1, 8, 512], strides = [1, 1, 1]} : vector<128x8x512xf32> to vector<1x8x512xf32>
    %squeeze3A_1458 = vector.shape_cast %slice3A_1457 : vector<1x8x512xf32> to vector<8x512xf32>
    %slice3A_1459 = vector.extract_strided_slice %reshape3A_9 {offsets = [66, 0, 0], sizes = [1, 8, 512], strides = [1, 1, 1]} : vector<128x8x512xf32> to vector<1x8x512xf32>
    %squeeze3A_1460 = vector.shape_cast %slice3A_1459 : vector<1x8x512xf32> to vector<8x512xf32>
    %min3A_1461 = arith.minimumf %squeeze3A_1460, %squeeze3A_1458 : vector<8x512xf32>
    %gt3A_1462 = arith.constant 0.000000e+00 : f32
    %gt3A_1463 = vector.broadcast %gt3A_1462 : f32 to vector<8x512xf32>
    %gt3A_1464 = arith.cmpf ogt, %min3A_1461, %gt3A_1463 : vector<8x512xf32>
    %sub3A_1465 = arith.subf %squeeze3A_1460, %squeeze3A_1458 : vector<8x512xf32>
    %abs3A_1466 = math.absf %sub3A_1465 : vector<8x512xf32>
    %gt3A_1467 = arith.constant 3.000000e+00 : f32
    %gt3A_1468 = vector.broadcast %gt3A_1467 : f32 to vector<8x512xf32>
    %gt3A_1469 = arith.cmpf ogt, %abs3A_1466, %gt3A_1468 : vector<8x512xf32>
    %jit3A_1470 = arith.constant 65537 : i32
    %jit3A_1471 = arith.constant 1 : i32
    %broadcast_in_dim3A_1472 = vector.broadcast %jit3A_1470 : i32 to vector<8x512xi32>
    %broadcast_in_dim3A_1473 = vector.broadcast %jit3A_1471 : i32 to vector<8x512xi32>
    %select_n3A_1474 = arith.select %gt3A_1469, %broadcast_in_dim3A_1472, %broadcast_in_dim3A_1473 : vector<8x512xi1>, vector<8x512xi32>
    %jit3A_1475 = arith.constant 0 : i32
    %broadcast_in_dim3A_1476 = vector.broadcast %jit3A_1475 : i32 to vector<8x512xi32>
    %select_n3A_1477 = arith.select %gt3A_1464, %select_n3A_1474, %broadcast_in_dim3A_1476 : vector<8x512xi1>, vector<8x512xi32>
    %add3A_1478 = arith.addi %add3A_1434, %select_n3A_1477 : vector<8x512xi32>
    %slice3A_1479 = vector.extract_strided_slice %reshape3A {offsets = [67, 0, 0], sizes = [1, 8, 512], strides = [1, 1, 1]} : vector<128x8x512xf32> to vector<1x8x512xf32>
    %squeeze3A_1480 = vector.shape_cast %slice3A_1479 : vector<1x8x512xf32> to vector<8x512xf32>
    %slice3A_1481 = vector.extract_strided_slice %reshape3A_9 {offsets = [67, 0, 0], sizes = [1, 8, 512], strides = [1, 1, 1]} : vector<128x8x512xf32> to vector<1x8x512xf32>
    %squeeze3A_1482 = vector.shape_cast %slice3A_1481 : vector<1x8x512xf32> to vector<8x512xf32>
    %min3A_1483 = arith.minimumf %squeeze3A_1482, %squeeze3A_1480 : vector<8x512xf32>
    %gt3A_1484 = arith.constant 0.000000e+00 : f32
    %gt3A_1485 = vector.broadcast %gt3A_1484 : f32 to vector<8x512xf32>
    %gt3A_1486 = arith.cmpf ogt, %min3A_1483, %gt3A_1485 : vector<8x512xf32>
    %sub3A_1487 = arith.subf %squeeze3A_1482, %squeeze3A_1480 : vector<8x512xf32>
    %abs3A_1488 = math.absf %sub3A_1487 : vector<8x512xf32>
    %gt3A_1489 = arith.constant 3.000000e+00 : f32
    %gt3A_1490 = vector.broadcast %gt3A_1489 : f32 to vector<8x512xf32>
    %gt3A_1491 = arith.cmpf ogt, %abs3A_1488, %gt3A_1490 : vector<8x512xf32>
    %jit3A_1492 = arith.constant 65537 : i32
    %jit3A_1493 = arith.constant 1 : i32
    %broadcast_in_dim3A_1494 = vector.broadcast %jit3A_1492 : i32 to vector<8x512xi32>
    %broadcast_in_dim3A_1495 = vector.broadcast %jit3A_1493 : i32 to vector<8x512xi32>
    %select_n3A_1496 = arith.select %gt3A_1491, %broadcast_in_dim3A_1494, %broadcast_in_dim3A_1495 : vector<8x512xi1>, vector<8x512xi32>
    %jit3A_1497 = arith.constant 0 : i32
    %broadcast_in_dim3A_1498 = vector.broadcast %jit3A_1497 : i32 to vector<8x512xi32>
    %select_n3A_1499 = arith.select %gt3A_1486, %select_n3A_1496, %broadcast_in_dim3A_1498 : vector<8x512xi1>, vector<8x512xi32>
    %add3A_1500 = arith.addi %add3A_1456, %select_n3A_1499 : vector<8x512xi32>
    %slice3A_1501 = vector.extract_strided_slice %reshape3A {offsets = [68, 0, 0], sizes = [1, 8, 512], strides = [1, 1, 1]} : vector<128x8x512xf32> to vector<1x8x512xf32>
    %squeeze3A_1502 = vector.shape_cast %slice3A_1501 : vector<1x8x512xf32> to vector<8x512xf32>
    %slice3A_1503 = vector.extract_strided_slice %reshape3A_9 {offsets = [68, 0, 0], sizes = [1, 8, 512], strides = [1, 1, 1]} : vector<128x8x512xf32> to vector<1x8x512xf32>
    %squeeze3A_1504 = vector.shape_cast %slice3A_1503 : vector<1x8x512xf32> to vector<8x512xf32>
    %min3A_1505 = arith.minimumf %squeeze3A_1504, %squeeze3A_1502 : vector<8x512xf32>
    %gt3A_1506 = arith.constant 0.000000e+00 : f32
    %gt3A_1507 = vector.broadcast %gt3A_1506 : f32 to vector<8x512xf32>
    %gt3A_1508 = arith.cmpf ogt, %min3A_1505, %gt3A_1507 : vector<8x512xf32>
    %sub3A_1509 = arith.subf %squeeze3A_1504, %squeeze3A_1502 : vector<8x512xf32>
    %abs3A_1510 = math.absf %sub3A_1509 : vector<8x512xf32>
    %gt3A_1511 = arith.constant 3.000000e+00 : f32
    %gt3A_1512 = vector.broadcast %gt3A_1511 : f32 to vector<8x512xf32>
    %gt3A_1513 = arith.cmpf ogt, %abs3A_1510, %gt3A_1512 : vector<8x512xf32>
    %jit3A_1514 = arith.constant 65537 : i32
    %jit3A_1515 = arith.constant 1 : i32
    %broadcast_in_dim3A_1516 = vector.broadcast %jit3A_1514 : i32 to vector<8x512xi32>
    %broadcast_in_dim3A_1517 = vector.broadcast %jit3A_1515 : i32 to vector<8x512xi32>
    %select_n3A_1518 = arith.select %gt3A_1513, %broadcast_in_dim3A_1516, %broadcast_in_dim3A_1517 : vector<8x512xi1>, vector<8x512xi32>
    %jit3A_1519 = arith.constant 0 : i32
    %broadcast_in_dim3A_1520 = vector.broadcast %jit3A_1519 : i32 to vector<8x512xi32>
    %select_n3A_1521 = arith.select %gt3A_1508, %select_n3A_1518, %broadcast_in_dim3A_1520 : vector<8x512xi1>, vector<8x512xi32>
    %add3A_1522 = arith.addi %add3A_1478, %select_n3A_1521 : vector<8x512xi32>
    %slice3A_1523 = vector.extract_strided_slice %reshape3A {offsets = [69, 0, 0], sizes = [1, 8, 512], strides = [1, 1, 1]} : vector<128x8x512xf32> to vector<1x8x512xf32>
    %squeeze3A_1524 = vector.shape_cast %slice3A_1523 : vector<1x8x512xf32> to vector<8x512xf32>
    %slice3A_1525 = vector.extract_strided_slice %reshape3A_9 {offsets = [69, 0, 0], sizes = [1, 8, 512], strides = [1, 1, 1]} : vector<128x8x512xf32> to vector<1x8x512xf32>
    %squeeze3A_1526 = vector.shape_cast %slice3A_1525 : vector<1x8x512xf32> to vector<8x512xf32>
    %min3A_1527 = arith.minimumf %squeeze3A_1526, %squeeze3A_1524 : vector<8x512xf32>
    %gt3A_1528 = arith.constant 0.000000e+00 : f32
    %gt3A_1529 = vector.broadcast %gt3A_1528 : f32 to vector<8x512xf32>
    %gt3A_1530 = arith.cmpf ogt, %min3A_1527, %gt3A_1529 : vector<8x512xf32>
    %sub3A_1531 = arith.subf %squeeze3A_1526, %squeeze3A_1524 : vector<8x512xf32>
    %abs3A_1532 = math.absf %sub3A_1531 : vector<8x512xf32>
    %gt3A_1533 = arith.constant 3.000000e+00 : f32
    %gt3A_1534 = vector.broadcast %gt3A_1533 : f32 to vector<8x512xf32>
    %gt3A_1535 = arith.cmpf ogt, %abs3A_1532, %gt3A_1534 : vector<8x512xf32>
    %jit3A_1536 = arith.constant 65537 : i32
    %jit3A_1537 = arith.constant 1 : i32
    %broadcast_in_dim3A_1538 = vector.broadcast %jit3A_1536 : i32 to vector<8x512xi32>
    %broadcast_in_dim3A_1539 = vector.broadcast %jit3A_1537 : i32 to vector<8x512xi32>
    %select_n3A_1540 = arith.select %gt3A_1535, %broadcast_in_dim3A_1538, %broadcast_in_dim3A_1539 : vector<8x512xi1>, vector<8x512xi32>
    %jit3A_1541 = arith.constant 0 : i32
    %broadcast_in_dim3A_1542 = vector.broadcast %jit3A_1541 : i32 to vector<8x512xi32>
    %select_n3A_1543 = arith.select %gt3A_1530, %select_n3A_1540, %broadcast_in_dim3A_1542 : vector<8x512xi1>, vector<8x512xi32>
    %add3A_1544 = arith.addi %add3A_1500, %select_n3A_1543 : vector<8x512xi32>
    %slice3A_1545 = vector.extract_strided_slice %reshape3A {offsets = [70, 0, 0], sizes = [1, 8, 512], strides = [1, 1, 1]} : vector<128x8x512xf32> to vector<1x8x512xf32>
    %squeeze3A_1546 = vector.shape_cast %slice3A_1545 : vector<1x8x512xf32> to vector<8x512xf32>
    %slice3A_1547 = vector.extract_strided_slice %reshape3A_9 {offsets = [70, 0, 0], sizes = [1, 8, 512], strides = [1, 1, 1]} : vector<128x8x512xf32> to vector<1x8x512xf32>
    %squeeze3A_1548 = vector.shape_cast %slice3A_1547 : vector<1x8x512xf32> to vector<8x512xf32>
    %min3A_1549 = arith.minimumf %squeeze3A_1548, %squeeze3A_1546 : vector<8x512xf32>
    %gt3A_1550 = arith.constant 0.000000e+00 : f32
    %gt3A_1551 = vector.broadcast %gt3A_1550 : f32 to vector<8x512xf32>
    %gt3A_1552 = arith.cmpf ogt, %min3A_1549, %gt3A_1551 : vector<8x512xf32>
    %sub3A_1553 = arith.subf %squeeze3A_1548, %squeeze3A_1546 : vector<8x512xf32>
    %abs3A_1554 = math.absf %sub3A_1553 : vector<8x512xf32>
    %gt3A_1555 = arith.constant 3.000000e+00 : f32
    %gt3A_1556 = vector.broadcast %gt3A_1555 : f32 to vector<8x512xf32>
    %gt3A_1557 = arith.cmpf ogt, %abs3A_1554, %gt3A_1556 : vector<8x512xf32>
    %jit3A_1558 = arith.constant 65537 : i32
    %jit3A_1559 = arith.constant 1 : i32
    %broadcast_in_dim3A_1560 = vector.broadcast %jit3A_1558 : i32 to vector<8x512xi32>
    %broadcast_in_dim3A_1561 = vector.broadcast %jit3A_1559 : i32 to vector<8x512xi32>
    %select_n3A_1562 = arith.select %gt3A_1557, %broadcast_in_dim3A_1560, %broadcast_in_dim3A_1561 : vector<8x512xi1>, vector<8x512xi32>
    %jit3A_1563 = arith.constant 0 : i32
    %broadcast_in_dim3A_1564 = vector.broadcast %jit3A_1563 : i32 to vector<8x512xi32>
    %select_n3A_1565 = arith.select %gt3A_1552, %select_n3A_1562, %broadcast_in_dim3A_1564 : vector<8x512xi1>, vector<8x512xi32>
    %add3A_1566 = arith.addi %add3A_1522, %select_n3A_1565 : vector<8x512xi32>
    %slice3A_1567 = vector.extract_strided_slice %reshape3A {offsets = [71, 0, 0], sizes = [1, 8, 512], strides = [1, 1, 1]} : vector<128x8x512xf32> to vector<1x8x512xf32>
    %squeeze3A_1568 = vector.shape_cast %slice3A_1567 : vector<1x8x512xf32> to vector<8x512xf32>
    %slice3A_1569 = vector.extract_strided_slice %reshape3A_9 {offsets = [71, 0, 0], sizes = [1, 8, 512], strides = [1, 1, 1]} : vector<128x8x512xf32> to vector<1x8x512xf32>
    %squeeze3A_1570 = vector.shape_cast %slice3A_1569 : vector<1x8x512xf32> to vector<8x512xf32>
    %min3A_1571 = arith.minimumf %squeeze3A_1570, %squeeze3A_1568 : vector<8x512xf32>
    %gt3A_1572 = arith.constant 0.000000e+00 : f32
    %gt3A_1573 = vector.broadcast %gt3A_1572 : f32 to vector<8x512xf32>
    %gt3A_1574 = arith.cmpf ogt, %min3A_1571, %gt3A_1573 : vector<8x512xf32>
    %sub3A_1575 = arith.subf %squeeze3A_1570, %squeeze3A_1568 : vector<8x512xf32>
    %abs3A_1576 = math.absf %sub3A_1575 : vector<8x512xf32>
    %gt3A_1577 = arith.constant 3.000000e+00 : f32
    %gt3A_1578 = vector.broadcast %gt3A_1577 : f32 to vector<8x512xf32>
    %gt3A_1579 = arith.cmpf ogt, %abs3A_1576, %gt3A_1578 : vector<8x512xf32>
    %jit3A_1580 = arith.constant 65537 : i32
    %jit3A_1581 = arith.constant 1 : i32
    %broadcast_in_dim3A_1582 = vector.broadcast %jit3A_1580 : i32 to vector<8x512xi32>
    %broadcast_in_dim3A_1583 = vector.broadcast %jit3A_1581 : i32 to vector<8x512xi32>
    %select_n3A_1584 = arith.select %gt3A_1579, %broadcast_in_dim3A_1582, %broadcast_in_dim3A_1583 : vector<8x512xi1>, vector<8x512xi32>
    %jit3A_1585 = arith.constant 0 : i32
    %broadcast_in_dim3A_1586 = vector.broadcast %jit3A_1585 : i32 to vector<8x512xi32>
    %select_n3A_1587 = arith.select %gt3A_1574, %select_n3A_1584, %broadcast_in_dim3A_1586 : vector<8x512xi1>, vector<8x512xi32>
    %add3A_1588 = arith.addi %add3A_1544, %select_n3A_1587 : vector<8x512xi32>
    %slice3A_1589 = vector.extract_strided_slice %reshape3A {offsets = [72, 0, 0], sizes = [1, 8, 512], strides = [1, 1, 1]} : vector<128x8x512xf32> to vector<1x8x512xf32>
    %squeeze3A_1590 = vector.shape_cast %slice3A_1589 : vector<1x8x512xf32> to vector<8x512xf32>
    %slice3A_1591 = vector.extract_strided_slice %reshape3A_9 {offsets = [72, 0, 0], sizes = [1, 8, 512], strides = [1, 1, 1]} : vector<128x8x512xf32> to vector<1x8x512xf32>
    %squeeze3A_1592 = vector.shape_cast %slice3A_1591 : vector<1x8x512xf32> to vector<8x512xf32>
    %min3A_1593 = arith.minimumf %squeeze3A_1592, %squeeze3A_1590 : vector<8x512xf32>
    %gt3A_1594 = arith.constant 0.000000e+00 : f32
    %gt3A_1595 = vector.broadcast %gt3A_1594 : f32 to vector<8x512xf32>
    %gt3A_1596 = arith.cmpf ogt, %min3A_1593, %gt3A_1595 : vector<8x512xf32>
    %sub3A_1597 = arith.subf %squeeze3A_1592, %squeeze3A_1590 : vector<8x512xf32>
    %abs3A_1598 = math.absf %sub3A_1597 : vector<8x512xf32>
    %gt3A_1599 = arith.constant 3.000000e+00 : f32
    %gt3A_1600 = vector.broadcast %gt3A_1599 : f32 to vector<8x512xf32>
    %gt3A_1601 = arith.cmpf ogt, %abs3A_1598, %gt3A_1600 : vector<8x512xf32>
    %jit3A_1602 = arith.constant 65537 : i32
    %jit3A_1603 = arith.constant 1 : i32
    %broadcast_in_dim3A_1604 = vector.broadcast %jit3A_1602 : i32 to vector<8x512xi32>
    %broadcast_in_dim3A_1605 = vector.broadcast %jit3A_1603 : i32 to vector<8x512xi32>
    %select_n3A_1606 = arith.select %gt3A_1601, %broadcast_in_dim3A_1604, %broadcast_in_dim3A_1605 : vector<8x512xi1>, vector<8x512xi32>
    %jit3A_1607 = arith.constant 0 : i32
    %broadcast_in_dim3A_1608 = vector.broadcast %jit3A_1607 : i32 to vector<8x512xi32>
    %select_n3A_1609 = arith.select %gt3A_1596, %select_n3A_1606, %broadcast_in_dim3A_1608 : vector<8x512xi1>, vector<8x512xi32>
    %add3A_1610 = arith.addi %add3A_1566, %select_n3A_1609 : vector<8x512xi32>
    %slice3A_1611 = vector.extract_strided_slice %reshape3A {offsets = [73, 0, 0], sizes = [1, 8, 512], strides = [1, 1, 1]} : vector<128x8x512xf32> to vector<1x8x512xf32>
    %squeeze3A_1612 = vector.shape_cast %slice3A_1611 : vector<1x8x512xf32> to vector<8x512xf32>
    %slice3A_1613 = vector.extract_strided_slice %reshape3A_9 {offsets = [73, 0, 0], sizes = [1, 8, 512], strides = [1, 1, 1]} : vector<128x8x512xf32> to vector<1x8x512xf32>
    %squeeze3A_1614 = vector.shape_cast %slice3A_1613 : vector<1x8x512xf32> to vector<8x512xf32>
    %min3A_1615 = arith.minimumf %squeeze3A_1614, %squeeze3A_1612 : vector<8x512xf32>
    %gt3A_1616 = arith.constant 0.000000e+00 : f32
    %gt3A_1617 = vector.broadcast %gt3A_1616 : f32 to vector<8x512xf32>
    %gt3A_1618 = arith.cmpf ogt, %min3A_1615, %gt3A_1617 : vector<8x512xf32>
    %sub3A_1619 = arith.subf %squeeze3A_1614, %squeeze3A_1612 : vector<8x512xf32>
    %abs3A_1620 = math.absf %sub3A_1619 : vector<8x512xf32>
    %gt3A_1621 = arith.constant 3.000000e+00 : f32
    %gt3A_1622 = vector.broadcast %gt3A_1621 : f32 to vector<8x512xf32>
    %gt3A_1623 = arith.cmpf ogt, %abs3A_1620, %gt3A_1622 : vector<8x512xf32>
    %jit3A_1624 = arith.constant 65537 : i32
    %jit3A_1625 = arith.constant 1 : i32
    %broadcast_in_dim3A_1626 = vector.broadcast %jit3A_1624 : i32 to vector<8x512xi32>
    %broadcast_in_dim3A_1627 = vector.broadcast %jit3A_1625 : i32 to vector<8x512xi32>
    %select_n3A_1628 = arith.select %gt3A_1623, %broadcast_in_dim3A_1626, %broadcast_in_dim3A_1627 : vector<8x512xi1>, vector<8x512xi32>
    %jit3A_1629 = arith.constant 0 : i32
    %broadcast_in_dim3A_1630 = vector.broadcast %jit3A_1629 : i32 to vector<8x512xi32>
    %select_n3A_1631 = arith.select %gt3A_1618, %select_n3A_1628, %broadcast_in_dim3A_1630 : vector<8x512xi1>, vector<8x512xi32>
    %add3A_1632 = arith.addi %add3A_1588, %select_n3A_1631 : vector<8x512xi32>
    %slice3A_1633 = vector.extract_strided_slice %reshape3A {offsets = [74, 0, 0], sizes = [1, 8, 512], strides = [1, 1, 1]} : vector<128x8x512xf32> to vector<1x8x512xf32>
    %squeeze3A_1634 = vector.shape_cast %slice3A_1633 : vector<1x8x512xf32> to vector<8x512xf32>
    %slice3A_1635 = vector.extract_strided_slice %reshape3A_9 {offsets = [74, 0, 0], sizes = [1, 8, 512], strides = [1, 1, 1]} : vector<128x8x512xf32> to vector<1x8x512xf32>
    %squeeze3A_1636 = vector.shape_cast %slice3A_1635 : vector<1x8x512xf32> to vector<8x512xf32>
    %min3A_1637 = arith.minimumf %squeeze3A_1636, %squeeze3A_1634 : vector<8x512xf32>
    %gt3A_1638 = arith.constant 0.000000e+00 : f32
    %gt3A_1639 = vector.broadcast %gt3A_1638 : f32 to vector<8x512xf32>
    %gt3A_1640 = arith.cmpf ogt, %min3A_1637, %gt3A_1639 : vector<8x512xf32>
    %sub3A_1641 = arith.subf %squeeze3A_1636, %squeeze3A_1634 : vector<8x512xf32>
    %abs3A_1642 = math.absf %sub3A_1641 : vector<8x512xf32>
    %gt3A_1643 = arith.constant 3.000000e+00 : f32
    %gt3A_1644 = vector.broadcast %gt3A_1643 : f32 to vector<8x512xf32>
    %gt3A_1645 = arith.cmpf ogt, %abs3A_1642, %gt3A_1644 : vector<8x512xf32>
    %jit3A_1646 = arith.constant 65537 : i32
    %jit3A_1647 = arith.constant 1 : i32
    %broadcast_in_dim3A_1648 = vector.broadcast %jit3A_1646 : i32 to vector<8x512xi32>
    %broadcast_in_dim3A_1649 = vector.broadcast %jit3A_1647 : i32 to vector<8x512xi32>
    %select_n3A_1650 = arith.select %gt3A_1645, %broadcast_in_dim3A_1648, %broadcast_in_dim3A_1649 : vector<8x512xi1>, vector<8x512xi32>
    %jit3A_1651 = arith.constant 0 : i32
    %broadcast_in_dim3A_1652 = vector.broadcast %jit3A_1651 : i32 to vector<8x512xi32>
    %select_n3A_1653 = arith.select %gt3A_1640, %select_n3A_1650, %broadcast_in_dim3A_1652 : vector<8x512xi1>, vector<8x512xi32>
    %add3A_1654 = arith.addi %add3A_1610, %select_n3A_1653 : vector<8x512xi32>
    %slice3A_1655 = vector.extract_strided_slice %reshape3A {offsets = [75, 0, 0], sizes = [1, 8, 512], strides = [1, 1, 1]} : vector<128x8x512xf32> to vector<1x8x512xf32>
    %squeeze3A_1656 = vector.shape_cast %slice3A_1655 : vector<1x8x512xf32> to vector<8x512xf32>
    %slice3A_1657 = vector.extract_strided_slice %reshape3A_9 {offsets = [75, 0, 0], sizes = [1, 8, 512], strides = [1, 1, 1]} : vector<128x8x512xf32> to vector<1x8x512xf32>
    %squeeze3A_1658 = vector.shape_cast %slice3A_1657 : vector<1x8x512xf32> to vector<8x512xf32>
    %min3A_1659 = arith.minimumf %squeeze3A_1658, %squeeze3A_1656 : vector<8x512xf32>
    %gt3A_1660 = arith.constant 0.000000e+00 : f32
    %gt3A_1661 = vector.broadcast %gt3A_1660 : f32 to vector<8x512xf32>
    %gt3A_1662 = arith.cmpf ogt, %min3A_1659, %gt3A_1661 : vector<8x512xf32>
    %sub3A_1663 = arith.subf %squeeze3A_1658, %squeeze3A_1656 : vector<8x512xf32>
    %abs3A_1664 = math.absf %sub3A_1663 : vector<8x512xf32>
    %gt3A_1665 = arith.constant 3.000000e+00 : f32
    %gt3A_1666 = vector.broadcast %gt3A_1665 : f32 to vector<8x512xf32>
    %gt3A_1667 = arith.cmpf ogt, %abs3A_1664, %gt3A_1666 : vector<8x512xf32>
    %jit3A_1668 = arith.constant 65537 : i32
    %jit3A_1669 = arith.constant 1 : i32
    %broadcast_in_dim3A_1670 = vector.broadcast %jit3A_1668 : i32 to vector<8x512xi32>
    %broadcast_in_dim3A_1671 = vector.broadcast %jit3A_1669 : i32 to vector<8x512xi32>
    %select_n3A_1672 = arith.select %gt3A_1667, %broadcast_in_dim3A_1670, %broadcast_in_dim3A_1671 : vector<8x512xi1>, vector<8x512xi32>
    %jit3A_1673 = arith.constant 0 : i32
    %broadcast_in_dim3A_1674 = vector.broadcast %jit3A_1673 : i32 to vector<8x512xi32>
    %select_n3A_1675 = arith.select %gt3A_1662, %select_n3A_1672, %broadcast_in_dim3A_1674 : vector<8x512xi1>, vector<8x512xi32>
    %add3A_1676 = arith.addi %add3A_1632, %select_n3A_1675 : vector<8x512xi32>
    %slice3A_1677 = vector.extract_strided_slice %reshape3A {offsets = [76, 0, 0], sizes = [1, 8, 512], strides = [1, 1, 1]} : vector<128x8x512xf32> to vector<1x8x512xf32>
    %squeeze3A_1678 = vector.shape_cast %slice3A_1677 : vector<1x8x512xf32> to vector<8x512xf32>
    %slice3A_1679 = vector.extract_strided_slice %reshape3A_9 {offsets = [76, 0, 0], sizes = [1, 8, 512], strides = [1, 1, 1]} : vector<128x8x512xf32> to vector<1x8x512xf32>
    %squeeze3A_1680 = vector.shape_cast %slice3A_1679 : vector<1x8x512xf32> to vector<8x512xf32>
    %min3A_1681 = arith.minimumf %squeeze3A_1680, %squeeze3A_1678 : vector<8x512xf32>
    %gt3A_1682 = arith.constant 0.000000e+00 : f32
    %gt3A_1683 = vector.broadcast %gt3A_1682 : f32 to vector<8x512xf32>
    %gt3A_1684 = arith.cmpf ogt, %min3A_1681, %gt3A_1683 : vector<8x512xf32>
    %sub3A_1685 = arith.subf %squeeze3A_1680, %squeeze3A_1678 : vector<8x512xf32>
    %abs3A_1686 = math.absf %sub3A_1685 : vector<8x512xf32>
    %gt3A_1687 = arith.constant 3.000000e+00 : f32
    %gt3A_1688 = vector.broadcast %gt3A_1687 : f32 to vector<8x512xf32>
    %gt3A_1689 = arith.cmpf ogt, %abs3A_1686, %gt3A_1688 : vector<8x512xf32>
    %jit3A_1690 = arith.constant 65537 : i32
    %jit3A_1691 = arith.constant 1 : i32
    %broadcast_in_dim3A_1692 = vector.broadcast %jit3A_1690 : i32 to vector<8x512xi32>
    %broadcast_in_dim3A_1693 = vector.broadcast %jit3A_1691 : i32 to vector<8x512xi32>
    %select_n3A_1694 = arith.select %gt3A_1689, %broadcast_in_dim3A_1692, %broadcast_in_dim3A_1693 : vector<8x512xi1>, vector<8x512xi32>
    %jit3A_1695 = arith.constant 0 : i32
    %broadcast_in_dim3A_1696 = vector.broadcast %jit3A_1695 : i32 to vector<8x512xi32>
    %select_n3A_1697 = arith.select %gt3A_1684, %select_n3A_1694, %broadcast_in_dim3A_1696 : vector<8x512xi1>, vector<8x512xi32>
    %add3A_1698 = arith.addi %add3A_1654, %select_n3A_1697 : vector<8x512xi32>
    %slice3A_1699 = vector.extract_strided_slice %reshape3A {offsets = [77, 0, 0], sizes = [1, 8, 512], strides = [1, 1, 1]} : vector<128x8x512xf32> to vector<1x8x512xf32>
    %squeeze3A_1700 = vector.shape_cast %slice3A_1699 : vector<1x8x512xf32> to vector<8x512xf32>
    %slice3A_1701 = vector.extract_strided_slice %reshape3A_9 {offsets = [77, 0, 0], sizes = [1, 8, 512], strides = [1, 1, 1]} : vector<128x8x512xf32> to vector<1x8x512xf32>
    %squeeze3A_1702 = vector.shape_cast %slice3A_1701 : vector<1x8x512xf32> to vector<8x512xf32>
    %min3A_1703 = arith.minimumf %squeeze3A_1702, %squeeze3A_1700 : vector<8x512xf32>
    %gt3A_1704 = arith.constant 0.000000e+00 : f32
    %gt3A_1705 = vector.broadcast %gt3A_1704 : f32 to vector<8x512xf32>
    %gt3A_1706 = arith.cmpf ogt, %min3A_1703, %gt3A_1705 : vector<8x512xf32>
    %sub3A_1707 = arith.subf %squeeze3A_1702, %squeeze3A_1700 : vector<8x512xf32>
    %abs3A_1708 = math.absf %sub3A_1707 : vector<8x512xf32>
    %gt3A_1709 = arith.constant 3.000000e+00 : f32
    %gt3A_1710 = vector.broadcast %gt3A_1709 : f32 to vector<8x512xf32>
    %gt3A_1711 = arith.cmpf ogt, %abs3A_1708, %gt3A_1710 : vector<8x512xf32>
    %jit3A_1712 = arith.constant 65537 : i32
    %jit3A_1713 = arith.constant 1 : i32
    %broadcast_in_dim3A_1714 = vector.broadcast %jit3A_1712 : i32 to vector<8x512xi32>
    %broadcast_in_dim3A_1715 = vector.broadcast %jit3A_1713 : i32 to vector<8x512xi32>
    %select_n3A_1716 = arith.select %gt3A_1711, %broadcast_in_dim3A_1714, %broadcast_in_dim3A_1715 : vector<8x512xi1>, vector<8x512xi32>
    %jit3A_1717 = arith.constant 0 : i32
    %broadcast_in_dim3A_1718 = vector.broadcast %jit3A_1717 : i32 to vector<8x512xi32>
    %select_n3A_1719 = arith.select %gt3A_1706, %select_n3A_1716, %broadcast_in_dim3A_1718 : vector<8x512xi1>, vector<8x512xi32>
    %add3A_1720 = arith.addi %add3A_1676, %select_n3A_1719 : vector<8x512xi32>
    %slice3A_1721 = vector.extract_strided_slice %reshape3A {offsets = [78, 0, 0], sizes = [1, 8, 512], strides = [1, 1, 1]} : vector<128x8x512xf32> to vector<1x8x512xf32>
    %squeeze3A_1722 = vector.shape_cast %slice3A_1721 : vector<1x8x512xf32> to vector<8x512xf32>
    %slice3A_1723 = vector.extract_strided_slice %reshape3A_9 {offsets = [78, 0, 0], sizes = [1, 8, 512], strides = [1, 1, 1]} : vector<128x8x512xf32> to vector<1x8x512xf32>
    %squeeze3A_1724 = vector.shape_cast %slice3A_1723 : vector<1x8x512xf32> to vector<8x512xf32>
    %min3A_1725 = arith.minimumf %squeeze3A_1724, %squeeze3A_1722 : vector<8x512xf32>
    %gt3A_1726 = arith.constant 0.000000e+00 : f32
    %gt3A_1727 = vector.broadcast %gt3A_1726 : f32 to vector<8x512xf32>
    %gt3A_1728 = arith.cmpf ogt, %min3A_1725, %gt3A_1727 : vector<8x512xf32>
    %sub3A_1729 = arith.subf %squeeze3A_1724, %squeeze3A_1722 : vector<8x512xf32>
    %abs3A_1730 = math.absf %sub3A_1729 : vector<8x512xf32>
    %gt3A_1731 = arith.constant 3.000000e+00 : f32
    %gt3A_1732 = vector.broadcast %gt3A_1731 : f32 to vector<8x512xf32>
    %gt3A_1733 = arith.cmpf ogt, %abs3A_1730, %gt3A_1732 : vector<8x512xf32>
    %jit3A_1734 = arith.constant 65537 : i32
    %jit3A_1735 = arith.constant 1 : i32
    %broadcast_in_dim3A_1736 = vector.broadcast %jit3A_1734 : i32 to vector<8x512xi32>
    %broadcast_in_dim3A_1737 = vector.broadcast %jit3A_1735 : i32 to vector<8x512xi32>
    %select_n3A_1738 = arith.select %gt3A_1733, %broadcast_in_dim3A_1736, %broadcast_in_dim3A_1737 : vector<8x512xi1>, vector<8x512xi32>
    %jit3A_1739 = arith.constant 0 : i32
    %broadcast_in_dim3A_1740 = vector.broadcast %jit3A_1739 : i32 to vector<8x512xi32>
    %select_n3A_1741 = arith.select %gt3A_1728, %select_n3A_1738, %broadcast_in_dim3A_1740 : vector<8x512xi1>, vector<8x512xi32>
    %add3A_1742 = arith.addi %add3A_1698, %select_n3A_1741 : vector<8x512xi32>
    %slice3A_1743 = vector.extract_strided_slice %reshape3A {offsets = [79, 0, 0], sizes = [1, 8, 512], strides = [1, 1, 1]} : vector<128x8x512xf32> to vector<1x8x512xf32>
    %squeeze3A_1744 = vector.shape_cast %slice3A_1743 : vector<1x8x512xf32> to vector<8x512xf32>
    %slice3A_1745 = vector.extract_strided_slice %reshape3A_9 {offsets = [79, 0, 0], sizes = [1, 8, 512], strides = [1, 1, 1]} : vector<128x8x512xf32> to vector<1x8x512xf32>
    %squeeze3A_1746 = vector.shape_cast %slice3A_1745 : vector<1x8x512xf32> to vector<8x512xf32>
    %min3A_1747 = arith.minimumf %squeeze3A_1746, %squeeze3A_1744 : vector<8x512xf32>
    %gt3A_1748 = arith.constant 0.000000e+00 : f32
    %gt3A_1749 = vector.broadcast %gt3A_1748 : f32 to vector<8x512xf32>
    %gt3A_1750 = arith.cmpf ogt, %min3A_1747, %gt3A_1749 : vector<8x512xf32>
    %sub3A_1751 = arith.subf %squeeze3A_1746, %squeeze3A_1744 : vector<8x512xf32>
    %abs3A_1752 = math.absf %sub3A_1751 : vector<8x512xf32>
    %gt3A_1753 = arith.constant 3.000000e+00 : f32
    %gt3A_1754 = vector.broadcast %gt3A_1753 : f32 to vector<8x512xf32>
    %gt3A_1755 = arith.cmpf ogt, %abs3A_1752, %gt3A_1754 : vector<8x512xf32>
    %jit3A_1756 = arith.constant 65537 : i32
    %jit3A_1757 = arith.constant 1 : i32
    %broadcast_in_dim3A_1758 = vector.broadcast %jit3A_1756 : i32 to vector<8x512xi32>
    %broadcast_in_dim3A_1759 = vector.broadcast %jit3A_1757 : i32 to vector<8x512xi32>
    %select_n3A_1760 = arith.select %gt3A_1755, %broadcast_in_dim3A_1758, %broadcast_in_dim3A_1759 : vector<8x512xi1>, vector<8x512xi32>
    %jit3A_1761 = arith.constant 0 : i32
    %broadcast_in_dim3A_1762 = vector.broadcast %jit3A_1761 : i32 to vector<8x512xi32>
    %select_n3A_1763 = arith.select %gt3A_1750, %select_n3A_1760, %broadcast_in_dim3A_1762 : vector<8x512xi1>, vector<8x512xi32>
    %add3A_1764 = arith.addi %add3A_1720, %select_n3A_1763 : vector<8x512xi32>
    %slice3A_1765 = vector.extract_strided_slice %reshape3A {offsets = [80, 0, 0], sizes = [1, 8, 512], strides = [1, 1, 1]} : vector<128x8x512xf32> to vector<1x8x512xf32>
    %squeeze3A_1766 = vector.shape_cast %slice3A_1765 : vector<1x8x512xf32> to vector<8x512xf32>
    %slice3A_1767 = vector.extract_strided_slice %reshape3A_9 {offsets = [80, 0, 0], sizes = [1, 8, 512], strides = [1, 1, 1]} : vector<128x8x512xf32> to vector<1x8x512xf32>
    %squeeze3A_1768 = vector.shape_cast %slice3A_1767 : vector<1x8x512xf32> to vector<8x512xf32>
    %min3A_1769 = arith.minimumf %squeeze3A_1768, %squeeze3A_1766 : vector<8x512xf32>
    %gt3A_1770 = arith.constant 0.000000e+00 : f32
    %gt3A_1771 = vector.broadcast %gt3A_1770 : f32 to vector<8x512xf32>
    %gt3A_1772 = arith.cmpf ogt, %min3A_1769, %gt3A_1771 : vector<8x512xf32>
    %sub3A_1773 = arith.subf %squeeze3A_1768, %squeeze3A_1766 : vector<8x512xf32>
    %abs3A_1774 = math.absf %sub3A_1773 : vector<8x512xf32>
    %gt3A_1775 = arith.constant 3.000000e+00 : f32
    %gt3A_1776 = vector.broadcast %gt3A_1775 : f32 to vector<8x512xf32>
    %gt3A_1777 = arith.cmpf ogt, %abs3A_1774, %gt3A_1776 : vector<8x512xf32>
    %jit3A_1778 = arith.constant 65537 : i32
    %jit3A_1779 = arith.constant 1 : i32
    %broadcast_in_dim3A_1780 = vector.broadcast %jit3A_1778 : i32 to vector<8x512xi32>
    %broadcast_in_dim3A_1781 = vector.broadcast %jit3A_1779 : i32 to vector<8x512xi32>
    %select_n3A_1782 = arith.select %gt3A_1777, %broadcast_in_dim3A_1780, %broadcast_in_dim3A_1781 : vector<8x512xi1>, vector<8x512xi32>
    %jit3A_1783 = arith.constant 0 : i32
    %broadcast_in_dim3A_1784 = vector.broadcast %jit3A_1783 : i32 to vector<8x512xi32>
    %select_n3A_1785 = arith.select %gt3A_1772, %select_n3A_1782, %broadcast_in_dim3A_1784 : vector<8x512xi1>, vector<8x512xi32>
    %add3A_1786 = arith.addi %add3A_1742, %select_n3A_1785 : vector<8x512xi32>
    %slice3A_1787 = vector.extract_strided_slice %reshape3A {offsets = [81, 0, 0], sizes = [1, 8, 512], strides = [1, 1, 1]} : vector<128x8x512xf32> to vector<1x8x512xf32>
    %squeeze3A_1788 = vector.shape_cast %slice3A_1787 : vector<1x8x512xf32> to vector<8x512xf32>
    %slice3A_1789 = vector.extract_strided_slice %reshape3A_9 {offsets = [81, 0, 0], sizes = [1, 8, 512], strides = [1, 1, 1]} : vector<128x8x512xf32> to vector<1x8x512xf32>
    %squeeze3A_1790 = vector.shape_cast %slice3A_1789 : vector<1x8x512xf32> to vector<8x512xf32>
    %min3A_1791 = arith.minimumf %squeeze3A_1790, %squeeze3A_1788 : vector<8x512xf32>
    %gt3A_1792 = arith.constant 0.000000e+00 : f32
    %gt3A_1793 = vector.broadcast %gt3A_1792 : f32 to vector<8x512xf32>
    %gt3A_1794 = arith.cmpf ogt, %min3A_1791, %gt3A_1793 : vector<8x512xf32>
    %sub3A_1795 = arith.subf %squeeze3A_1790, %squeeze3A_1788 : vector<8x512xf32>
    %abs3A_1796 = math.absf %sub3A_1795 : vector<8x512xf32>
    %gt3A_1797 = arith.constant 3.000000e+00 : f32
    %gt3A_1798 = vector.broadcast %gt3A_1797 : f32 to vector<8x512xf32>
    %gt3A_1799 = arith.cmpf ogt, %abs3A_1796, %gt3A_1798 : vector<8x512xf32>
    %jit3A_1800 = arith.constant 65537 : i32
    %jit3A_1801 = arith.constant 1 : i32
    %broadcast_in_dim3A_1802 = vector.broadcast %jit3A_1800 : i32 to vector<8x512xi32>
    %broadcast_in_dim3A_1803 = vector.broadcast %jit3A_1801 : i32 to vector<8x512xi32>
    %select_n3A_1804 = arith.select %gt3A_1799, %broadcast_in_dim3A_1802, %broadcast_in_dim3A_1803 : vector<8x512xi1>, vector<8x512xi32>
    %jit3A_1805 = arith.constant 0 : i32
    %broadcast_in_dim3A_1806 = vector.broadcast %jit3A_1805 : i32 to vector<8x512xi32>
    %select_n3A_1807 = arith.select %gt3A_1794, %select_n3A_1804, %broadcast_in_dim3A_1806 : vector<8x512xi1>, vector<8x512xi32>
    %add3A_1808 = arith.addi %add3A_1764, %select_n3A_1807 : vector<8x512xi32>
    %slice3A_1809 = vector.extract_strided_slice %reshape3A {offsets = [82, 0, 0], sizes = [1, 8, 512], strides = [1, 1, 1]} : vector<128x8x512xf32> to vector<1x8x512xf32>
    %squeeze3A_1810 = vector.shape_cast %slice3A_1809 : vector<1x8x512xf32> to vector<8x512xf32>
    %slice3A_1811 = vector.extract_strided_slice %reshape3A_9 {offsets = [82, 0, 0], sizes = [1, 8, 512], strides = [1, 1, 1]} : vector<128x8x512xf32> to vector<1x8x512xf32>
    %squeeze3A_1812 = vector.shape_cast %slice3A_1811 : vector<1x8x512xf32> to vector<8x512xf32>
    %min3A_1813 = arith.minimumf %squeeze3A_1812, %squeeze3A_1810 : vector<8x512xf32>
    %gt3A_1814 = arith.constant 0.000000e+00 : f32
    %gt3A_1815 = vector.broadcast %gt3A_1814 : f32 to vector<8x512xf32>
    %gt3A_1816 = arith.cmpf ogt, %min3A_1813, %gt3A_1815 : vector<8x512xf32>
    %sub3A_1817 = arith.subf %squeeze3A_1812, %squeeze3A_1810 : vector<8x512xf32>
    %abs3A_1818 = math.absf %sub3A_1817 : vector<8x512xf32>
    %gt3A_1819 = arith.constant 3.000000e+00 : f32
    %gt3A_1820 = vector.broadcast %gt3A_1819 : f32 to vector<8x512xf32>
    %gt3A_1821 = arith.cmpf ogt, %abs3A_1818, %gt3A_1820 : vector<8x512xf32>
    %jit3A_1822 = arith.constant 65537 : i32
    %jit3A_1823 = arith.constant 1 : i32
    %broadcast_in_dim3A_1824 = vector.broadcast %jit3A_1822 : i32 to vector<8x512xi32>
    %broadcast_in_dim3A_1825 = vector.broadcast %jit3A_1823 : i32 to vector<8x512xi32>
    %select_n3A_1826 = arith.select %gt3A_1821, %broadcast_in_dim3A_1824, %broadcast_in_dim3A_1825 : vector<8x512xi1>, vector<8x512xi32>
    %jit3A_1827 = arith.constant 0 : i32
    %broadcast_in_dim3A_1828 = vector.broadcast %jit3A_1827 : i32 to vector<8x512xi32>
    %select_n3A_1829 = arith.select %gt3A_1816, %select_n3A_1826, %broadcast_in_dim3A_1828 : vector<8x512xi1>, vector<8x512xi32>
    %add3A_1830 = arith.addi %add3A_1786, %select_n3A_1829 : vector<8x512xi32>
    %slice3A_1831 = vector.extract_strided_slice %reshape3A {offsets = [83, 0, 0], sizes = [1, 8, 512], strides = [1, 1, 1]} : vector<128x8x512xf32> to vector<1x8x512xf32>
    %squeeze3A_1832 = vector.shape_cast %slice3A_1831 : vector<1x8x512xf32> to vector<8x512xf32>
    %slice3A_1833 = vector.extract_strided_slice %reshape3A_9 {offsets = [83, 0, 0], sizes = [1, 8, 512], strides = [1, 1, 1]} : vector<128x8x512xf32> to vector<1x8x512xf32>
    %squeeze3A_1834 = vector.shape_cast %slice3A_1833 : vector<1x8x512xf32> to vector<8x512xf32>
    %min3A_1835 = arith.minimumf %squeeze3A_1834, %squeeze3A_1832 : vector<8x512xf32>
    %gt3A_1836 = arith.constant 0.000000e+00 : f32
    %gt3A_1837 = vector.broadcast %gt3A_1836 : f32 to vector<8x512xf32>
    %gt3A_1838 = arith.cmpf ogt, %min3A_1835, %gt3A_1837 : vector<8x512xf32>
    %sub3A_1839 = arith.subf %squeeze3A_1834, %squeeze3A_1832 : vector<8x512xf32>
    %abs3A_1840 = math.absf %sub3A_1839 : vector<8x512xf32>
    %gt3A_1841 = arith.constant 3.000000e+00 : f32
    %gt3A_1842 = vector.broadcast %gt3A_1841 : f32 to vector<8x512xf32>
    %gt3A_1843 = arith.cmpf ogt, %abs3A_1840, %gt3A_1842 : vector<8x512xf32>
    %jit3A_1844 = arith.constant 65537 : i32
    %jit3A_1845 = arith.constant 1 : i32
    %broadcast_in_dim3A_1846 = vector.broadcast %jit3A_1844 : i32 to vector<8x512xi32>
    %broadcast_in_dim3A_1847 = vector.broadcast %jit3A_1845 : i32 to vector<8x512xi32>
    %select_n3A_1848 = arith.select %gt3A_1843, %broadcast_in_dim3A_1846, %broadcast_in_dim3A_1847 : vector<8x512xi1>, vector<8x512xi32>
    %jit3A_1849 = arith.constant 0 : i32
    %broadcast_in_dim3A_1850 = vector.broadcast %jit3A_1849 : i32 to vector<8x512xi32>
    %select_n3A_1851 = arith.select %gt3A_1838, %select_n3A_1848, %broadcast_in_dim3A_1850 : vector<8x512xi1>, vector<8x512xi32>
    %add3A_1852 = arith.addi %add3A_1808, %select_n3A_1851 : vector<8x512xi32>
    %slice3A_1853 = vector.extract_strided_slice %reshape3A {offsets = [84, 0, 0], sizes = [1, 8, 512], strides = [1, 1, 1]} : vector<128x8x512xf32> to vector<1x8x512xf32>
    %squeeze3A_1854 = vector.shape_cast %slice3A_1853 : vector<1x8x512xf32> to vector<8x512xf32>
    %slice3A_1855 = vector.extract_strided_slice %reshape3A_9 {offsets = [84, 0, 0], sizes = [1, 8, 512], strides = [1, 1, 1]} : vector<128x8x512xf32> to vector<1x8x512xf32>
    %squeeze3A_1856 = vector.shape_cast %slice3A_1855 : vector<1x8x512xf32> to vector<8x512xf32>
    %min3A_1857 = arith.minimumf %squeeze3A_1856, %squeeze3A_1854 : vector<8x512xf32>
    %gt3A_1858 = arith.constant 0.000000e+00 : f32
    %gt3A_1859 = vector.broadcast %gt3A_1858 : f32 to vector<8x512xf32>
    %gt3A_1860 = arith.cmpf ogt, %min3A_1857, %gt3A_1859 : vector<8x512xf32>
    %sub3A_1861 = arith.subf %squeeze3A_1856, %squeeze3A_1854 : vector<8x512xf32>
    %abs3A_1862 = math.absf %sub3A_1861 : vector<8x512xf32>
    %gt3A_1863 = arith.constant 3.000000e+00 : f32
    %gt3A_1864 = vector.broadcast %gt3A_1863 : f32 to vector<8x512xf32>
    %gt3A_1865 = arith.cmpf ogt, %abs3A_1862, %gt3A_1864 : vector<8x512xf32>
    %jit3A_1866 = arith.constant 65537 : i32
    %jit3A_1867 = arith.constant 1 : i32
    %broadcast_in_dim3A_1868 = vector.broadcast %jit3A_1866 : i32 to vector<8x512xi32>
    %broadcast_in_dim3A_1869 = vector.broadcast %jit3A_1867 : i32 to vector<8x512xi32>
    %select_n3A_1870 = arith.select %gt3A_1865, %broadcast_in_dim3A_1868, %broadcast_in_dim3A_1869 : vector<8x512xi1>, vector<8x512xi32>
    %jit3A_1871 = arith.constant 0 : i32
    %broadcast_in_dim3A_1872 = vector.broadcast %jit3A_1871 : i32 to vector<8x512xi32>
    %select_n3A_1873 = arith.select %gt3A_1860, %select_n3A_1870, %broadcast_in_dim3A_1872 : vector<8x512xi1>, vector<8x512xi32>
    %add3A_1874 = arith.addi %add3A_1830, %select_n3A_1873 : vector<8x512xi32>
    %slice3A_1875 = vector.extract_strided_slice %reshape3A {offsets = [85, 0, 0], sizes = [1, 8, 512], strides = [1, 1, 1]} : vector<128x8x512xf32> to vector<1x8x512xf32>
    %squeeze3A_1876 = vector.shape_cast %slice3A_1875 : vector<1x8x512xf32> to vector<8x512xf32>
    %slice3A_1877 = vector.extract_strided_slice %reshape3A_9 {offsets = [85, 0, 0], sizes = [1, 8, 512], strides = [1, 1, 1]} : vector<128x8x512xf32> to vector<1x8x512xf32>
    %squeeze3A_1878 = vector.shape_cast %slice3A_1877 : vector<1x8x512xf32> to vector<8x512xf32>
    %min3A_1879 = arith.minimumf %squeeze3A_1878, %squeeze3A_1876 : vector<8x512xf32>
    %gt3A_1880 = arith.constant 0.000000e+00 : f32
    %gt3A_1881 = vector.broadcast %gt3A_1880 : f32 to vector<8x512xf32>
    %gt3A_1882 = arith.cmpf ogt, %min3A_1879, %gt3A_1881 : vector<8x512xf32>
    %sub3A_1883 = arith.subf %squeeze3A_1878, %squeeze3A_1876 : vector<8x512xf32>
    %abs3A_1884 = math.absf %sub3A_1883 : vector<8x512xf32>
    %gt3A_1885 = arith.constant 3.000000e+00 : f32
    %gt3A_1886 = vector.broadcast %gt3A_1885 : f32 to vector<8x512xf32>
    %gt3A_1887 = arith.cmpf ogt, %abs3A_1884, %gt3A_1886 : vector<8x512xf32>
    %jit3A_1888 = arith.constant 65537 : i32
    %jit3A_1889 = arith.constant 1 : i32
    %broadcast_in_dim3A_1890 = vector.broadcast %jit3A_1888 : i32 to vector<8x512xi32>
    %broadcast_in_dim3A_1891 = vector.broadcast %jit3A_1889 : i32 to vector<8x512xi32>
    %select_n3A_1892 = arith.select %gt3A_1887, %broadcast_in_dim3A_1890, %broadcast_in_dim3A_1891 : vector<8x512xi1>, vector<8x512xi32>
    %jit3A_1893 = arith.constant 0 : i32
    %broadcast_in_dim3A_1894 = vector.broadcast %jit3A_1893 : i32 to vector<8x512xi32>
    %select_n3A_1895 = arith.select %gt3A_1882, %select_n3A_1892, %broadcast_in_dim3A_1894 : vector<8x512xi1>, vector<8x512xi32>
    %add3A_1896 = arith.addi %add3A_1852, %select_n3A_1895 : vector<8x512xi32>
    %slice3A_1897 = vector.extract_strided_slice %reshape3A {offsets = [86, 0, 0], sizes = [1, 8, 512], strides = [1, 1, 1]} : vector<128x8x512xf32> to vector<1x8x512xf32>
    %squeeze3A_1898 = vector.shape_cast %slice3A_1897 : vector<1x8x512xf32> to vector<8x512xf32>
    %slice3A_1899 = vector.extract_strided_slice %reshape3A_9 {offsets = [86, 0, 0], sizes = [1, 8, 512], strides = [1, 1, 1]} : vector<128x8x512xf32> to vector<1x8x512xf32>
    %squeeze3A_1900 = vector.shape_cast %slice3A_1899 : vector<1x8x512xf32> to vector<8x512xf32>
    %min3A_1901 = arith.minimumf %squeeze3A_1900, %squeeze3A_1898 : vector<8x512xf32>
    %gt3A_1902 = arith.constant 0.000000e+00 : f32
    %gt3A_1903 = vector.broadcast %gt3A_1902 : f32 to vector<8x512xf32>
    %gt3A_1904 = arith.cmpf ogt, %min3A_1901, %gt3A_1903 : vector<8x512xf32>
    %sub3A_1905 = arith.subf %squeeze3A_1900, %squeeze3A_1898 : vector<8x512xf32>
    %abs3A_1906 = math.absf %sub3A_1905 : vector<8x512xf32>
    %gt3A_1907 = arith.constant 3.000000e+00 : f32
    %gt3A_1908 = vector.broadcast %gt3A_1907 : f32 to vector<8x512xf32>
    %gt3A_1909 = arith.cmpf ogt, %abs3A_1906, %gt3A_1908 : vector<8x512xf32>
    %jit3A_1910 = arith.constant 65537 : i32
    %jit3A_1911 = arith.constant 1 : i32
    %broadcast_in_dim3A_1912 = vector.broadcast %jit3A_1910 : i32 to vector<8x512xi32>
    %broadcast_in_dim3A_1913 = vector.broadcast %jit3A_1911 : i32 to vector<8x512xi32>
    %select_n3A_1914 = arith.select %gt3A_1909, %broadcast_in_dim3A_1912, %broadcast_in_dim3A_1913 : vector<8x512xi1>, vector<8x512xi32>
    %jit3A_1915 = arith.constant 0 : i32
    %broadcast_in_dim3A_1916 = vector.broadcast %jit3A_1915 : i32 to vector<8x512xi32>
    %select_n3A_1917 = arith.select %gt3A_1904, %select_n3A_1914, %broadcast_in_dim3A_1916 : vector<8x512xi1>, vector<8x512xi32>
    %add3A_1918 = arith.addi %add3A_1874, %select_n3A_1917 : vector<8x512xi32>
    %slice3A_1919 = vector.extract_strided_slice %reshape3A {offsets = [87, 0, 0], sizes = [1, 8, 512], strides = [1, 1, 1]} : vector<128x8x512xf32> to vector<1x8x512xf32>
    %squeeze3A_1920 = vector.shape_cast %slice3A_1919 : vector<1x8x512xf32> to vector<8x512xf32>
    %slice3A_1921 = vector.extract_strided_slice %reshape3A_9 {offsets = [87, 0, 0], sizes = [1, 8, 512], strides = [1, 1, 1]} : vector<128x8x512xf32> to vector<1x8x512xf32>
    %squeeze3A_1922 = vector.shape_cast %slice3A_1921 : vector<1x8x512xf32> to vector<8x512xf32>
    %min3A_1923 = arith.minimumf %squeeze3A_1922, %squeeze3A_1920 : vector<8x512xf32>
    %gt3A_1924 = arith.constant 0.000000e+00 : f32
    %gt3A_1925 = vector.broadcast %gt3A_1924 : f32 to vector<8x512xf32>
    %gt3A_1926 = arith.cmpf ogt, %min3A_1923, %gt3A_1925 : vector<8x512xf32>
    %sub3A_1927 = arith.subf %squeeze3A_1922, %squeeze3A_1920 : vector<8x512xf32>
    %abs3A_1928 = math.absf %sub3A_1927 : vector<8x512xf32>
    %gt3A_1929 = arith.constant 3.000000e+00 : f32
    %gt3A_1930 = vector.broadcast %gt3A_1929 : f32 to vector<8x512xf32>
    %gt3A_1931 = arith.cmpf ogt, %abs3A_1928, %gt3A_1930 : vector<8x512xf32>
    %jit3A_1932 = arith.constant 65537 : i32
    %jit3A_1933 = arith.constant 1 : i32
    %broadcast_in_dim3A_1934 = vector.broadcast %jit3A_1932 : i32 to vector<8x512xi32>
    %broadcast_in_dim3A_1935 = vector.broadcast %jit3A_1933 : i32 to vector<8x512xi32>
    %select_n3A_1936 = arith.select %gt3A_1931, %broadcast_in_dim3A_1934, %broadcast_in_dim3A_1935 : vector<8x512xi1>, vector<8x512xi32>
    %jit3A_1937 = arith.constant 0 : i32
    %broadcast_in_dim3A_1938 = vector.broadcast %jit3A_1937 : i32 to vector<8x512xi32>
    %select_n3A_1939 = arith.select %gt3A_1926, %select_n3A_1936, %broadcast_in_dim3A_1938 : vector<8x512xi1>, vector<8x512xi32>
    %add3A_1940 = arith.addi %add3A_1896, %select_n3A_1939 : vector<8x512xi32>
    %slice3A_1941 = vector.extract_strided_slice %reshape3A {offsets = [88, 0, 0], sizes = [1, 8, 512], strides = [1, 1, 1]} : vector<128x8x512xf32> to vector<1x8x512xf32>
    %squeeze3A_1942 = vector.shape_cast %slice3A_1941 : vector<1x8x512xf32> to vector<8x512xf32>
    %slice3A_1943 = vector.extract_strided_slice %reshape3A_9 {offsets = [88, 0, 0], sizes = [1, 8, 512], strides = [1, 1, 1]} : vector<128x8x512xf32> to vector<1x8x512xf32>
    %squeeze3A_1944 = vector.shape_cast %slice3A_1943 : vector<1x8x512xf32> to vector<8x512xf32>
    %min3A_1945 = arith.minimumf %squeeze3A_1944, %squeeze3A_1942 : vector<8x512xf32>
    %gt3A_1946 = arith.constant 0.000000e+00 : f32
    %gt3A_1947 = vector.broadcast %gt3A_1946 : f32 to vector<8x512xf32>
    %gt3A_1948 = arith.cmpf ogt, %min3A_1945, %gt3A_1947 : vector<8x512xf32>
    %sub3A_1949 = arith.subf %squeeze3A_1944, %squeeze3A_1942 : vector<8x512xf32>
    %abs3A_1950 = math.absf %sub3A_1949 : vector<8x512xf32>
    %gt3A_1951 = arith.constant 3.000000e+00 : f32
    %gt3A_1952 = vector.broadcast %gt3A_1951 : f32 to vector<8x512xf32>
    %gt3A_1953 = arith.cmpf ogt, %abs3A_1950, %gt3A_1952 : vector<8x512xf32>
    %jit3A_1954 = arith.constant 65537 : i32
    %jit3A_1955 = arith.constant 1 : i32
    %broadcast_in_dim3A_1956 = vector.broadcast %jit3A_1954 : i32 to vector<8x512xi32>
    %broadcast_in_dim3A_1957 = vector.broadcast %jit3A_1955 : i32 to vector<8x512xi32>
    %select_n3A_1958 = arith.select %gt3A_1953, %broadcast_in_dim3A_1956, %broadcast_in_dim3A_1957 : vector<8x512xi1>, vector<8x512xi32>
    %jit3A_1959 = arith.constant 0 : i32
    %broadcast_in_dim3A_1960 = vector.broadcast %jit3A_1959 : i32 to vector<8x512xi32>
    %select_n3A_1961 = arith.select %gt3A_1948, %select_n3A_1958, %broadcast_in_dim3A_1960 : vector<8x512xi1>, vector<8x512xi32>
    %add3A_1962 = arith.addi %add3A_1918, %select_n3A_1961 : vector<8x512xi32>
    %slice3A_1963 = vector.extract_strided_slice %reshape3A {offsets = [89, 0, 0], sizes = [1, 8, 512], strides = [1, 1, 1]} : vector<128x8x512xf32> to vector<1x8x512xf32>
    %squeeze3A_1964 = vector.shape_cast %slice3A_1963 : vector<1x8x512xf32> to vector<8x512xf32>
    %slice3A_1965 = vector.extract_strided_slice %reshape3A_9 {offsets = [89, 0, 0], sizes = [1, 8, 512], strides = [1, 1, 1]} : vector<128x8x512xf32> to vector<1x8x512xf32>
    %squeeze3A_1966 = vector.shape_cast %slice3A_1965 : vector<1x8x512xf32> to vector<8x512xf32>
    %min3A_1967 = arith.minimumf %squeeze3A_1966, %squeeze3A_1964 : vector<8x512xf32>
    %gt3A_1968 = arith.constant 0.000000e+00 : f32
    %gt3A_1969 = vector.broadcast %gt3A_1968 : f32 to vector<8x512xf32>
    %gt3A_1970 = arith.cmpf ogt, %min3A_1967, %gt3A_1969 : vector<8x512xf32>
    %sub3A_1971 = arith.subf %squeeze3A_1966, %squeeze3A_1964 : vector<8x512xf32>
    %abs3A_1972 = math.absf %sub3A_1971 : vector<8x512xf32>
    %gt3A_1973 = arith.constant 3.000000e+00 : f32
    %gt3A_1974 = vector.broadcast %gt3A_1973 : f32 to vector<8x512xf32>
    %gt3A_1975 = arith.cmpf ogt, %abs3A_1972, %gt3A_1974 : vector<8x512xf32>
    %jit3A_1976 = arith.constant 65537 : i32
    %jit3A_1977 = arith.constant 1 : i32
    %broadcast_in_dim3A_1978 = vector.broadcast %jit3A_1976 : i32 to vector<8x512xi32>
    %broadcast_in_dim3A_1979 = vector.broadcast %jit3A_1977 : i32 to vector<8x512xi32>
    %select_n3A_1980 = arith.select %gt3A_1975, %broadcast_in_dim3A_1978, %broadcast_in_dim3A_1979 : vector<8x512xi1>, vector<8x512xi32>
    %jit3A_1981 = arith.constant 0 : i32
    %broadcast_in_dim3A_1982 = vector.broadcast %jit3A_1981 : i32 to vector<8x512xi32>
    %select_n3A_1983 = arith.select %gt3A_1970, %select_n3A_1980, %broadcast_in_dim3A_1982 : vector<8x512xi1>, vector<8x512xi32>
    %add3A_1984 = arith.addi %add3A_1940, %select_n3A_1983 : vector<8x512xi32>
    %slice3A_1985 = vector.extract_strided_slice %reshape3A {offsets = [90, 0, 0], sizes = [1, 8, 512], strides = [1, 1, 1]} : vector<128x8x512xf32> to vector<1x8x512xf32>
    %squeeze3A_1986 = vector.shape_cast %slice3A_1985 : vector<1x8x512xf32> to vector<8x512xf32>
    %slice3A_1987 = vector.extract_strided_slice %reshape3A_9 {offsets = [90, 0, 0], sizes = [1, 8, 512], strides = [1, 1, 1]} : vector<128x8x512xf32> to vector<1x8x512xf32>
    %squeeze3A_1988 = vector.shape_cast %slice3A_1987 : vector<1x8x512xf32> to vector<8x512xf32>
    %min3A_1989 = arith.minimumf %squeeze3A_1988, %squeeze3A_1986 : vector<8x512xf32>
    %gt3A_1990 = arith.constant 0.000000e+00 : f32
    %gt3A_1991 = vector.broadcast %gt3A_1990 : f32 to vector<8x512xf32>
    %gt3A_1992 = arith.cmpf ogt, %min3A_1989, %gt3A_1991 : vector<8x512xf32>
    %sub3A_1993 = arith.subf %squeeze3A_1988, %squeeze3A_1986 : vector<8x512xf32>
    %abs3A_1994 = math.absf %sub3A_1993 : vector<8x512xf32>
    %gt3A_1995 = arith.constant 3.000000e+00 : f32
    %gt3A_1996 = vector.broadcast %gt3A_1995 : f32 to vector<8x512xf32>
    %gt3A_1997 = arith.cmpf ogt, %abs3A_1994, %gt3A_1996 : vector<8x512xf32>
    %jit3A_1998 = arith.constant 65537 : i32
    %jit3A_1999 = arith.constant 1 : i32
    %broadcast_in_dim3A_2000 = vector.broadcast %jit3A_1998 : i32 to vector<8x512xi32>
    %broadcast_in_dim3A_2001 = vector.broadcast %jit3A_1999 : i32 to vector<8x512xi32>
    %select_n3A_2002 = arith.select %gt3A_1997, %broadcast_in_dim3A_2000, %broadcast_in_dim3A_2001 : vector<8x512xi1>, vector<8x512xi32>
    %jit3A_2003 = arith.constant 0 : i32
    %broadcast_in_dim3A_2004 = vector.broadcast %jit3A_2003 : i32 to vector<8x512xi32>
    %select_n3A_2005 = arith.select %gt3A_1992, %select_n3A_2002, %broadcast_in_dim3A_2004 : vector<8x512xi1>, vector<8x512xi32>
    %add3A_2006 = arith.addi %add3A_1962, %select_n3A_2005 : vector<8x512xi32>
    %slice3A_2007 = vector.extract_strided_slice %reshape3A {offsets = [91, 0, 0], sizes = [1, 8, 512], strides = [1, 1, 1]} : vector<128x8x512xf32> to vector<1x8x512xf32>
    %squeeze3A_2008 = vector.shape_cast %slice3A_2007 : vector<1x8x512xf32> to vector<8x512xf32>
    %slice3A_2009 = vector.extract_strided_slice %reshape3A_9 {offsets = [91, 0, 0], sizes = [1, 8, 512], strides = [1, 1, 1]} : vector<128x8x512xf32> to vector<1x8x512xf32>
    %squeeze3A_2010 = vector.shape_cast %slice3A_2009 : vector<1x8x512xf32> to vector<8x512xf32>
    %min3A_2011 = arith.minimumf %squeeze3A_2010, %squeeze3A_2008 : vector<8x512xf32>
    %gt3A_2012 = arith.constant 0.000000e+00 : f32
    %gt3A_2013 = vector.broadcast %gt3A_2012 : f32 to vector<8x512xf32>
    %gt3A_2014 = arith.cmpf ogt, %min3A_2011, %gt3A_2013 : vector<8x512xf32>
    %sub3A_2015 = arith.subf %squeeze3A_2010, %squeeze3A_2008 : vector<8x512xf32>
    %abs3A_2016 = math.absf %sub3A_2015 : vector<8x512xf32>
    %gt3A_2017 = arith.constant 3.000000e+00 : f32
    %gt3A_2018 = vector.broadcast %gt3A_2017 : f32 to vector<8x512xf32>
    %gt3A_2019 = arith.cmpf ogt, %abs3A_2016, %gt3A_2018 : vector<8x512xf32>
    %jit3A_2020 = arith.constant 65537 : i32
    %jit3A_2021 = arith.constant 1 : i32
    %broadcast_in_dim3A_2022 = vector.broadcast %jit3A_2020 : i32 to vector<8x512xi32>
    %broadcast_in_dim3A_2023 = vector.broadcast %jit3A_2021 : i32 to vector<8x512xi32>
    %select_n3A_2024 = arith.select %gt3A_2019, %broadcast_in_dim3A_2022, %broadcast_in_dim3A_2023 : vector<8x512xi1>, vector<8x512xi32>
    %jit3A_2025 = arith.constant 0 : i32
    %broadcast_in_dim3A_2026 = vector.broadcast %jit3A_2025 : i32 to vector<8x512xi32>
    %select_n3A_2027 = arith.select %gt3A_2014, %select_n3A_2024, %broadcast_in_dim3A_2026 : vector<8x512xi1>, vector<8x512xi32>
    %add3A_2028 = arith.addi %add3A_1984, %select_n3A_2027 : vector<8x512xi32>
    %slice3A_2029 = vector.extract_strided_slice %reshape3A {offsets = [92, 0, 0], sizes = [1, 8, 512], strides = [1, 1, 1]} : vector<128x8x512xf32> to vector<1x8x512xf32>
    %squeeze3A_2030 = vector.shape_cast %slice3A_2029 : vector<1x8x512xf32> to vector<8x512xf32>
    %slice3A_2031 = vector.extract_strided_slice %reshape3A_9 {offsets = [92, 0, 0], sizes = [1, 8, 512], strides = [1, 1, 1]} : vector<128x8x512xf32> to vector<1x8x512xf32>
    %squeeze3A_2032 = vector.shape_cast %slice3A_2031 : vector<1x8x512xf32> to vector<8x512xf32>
    %min3A_2033 = arith.minimumf %squeeze3A_2032, %squeeze3A_2030 : vector<8x512xf32>
    %gt3A_2034 = arith.constant 0.000000e+00 : f32
    %gt3A_2035 = vector.broadcast %gt3A_2034 : f32 to vector<8x512xf32>
    %gt3A_2036 = arith.cmpf ogt, %min3A_2033, %gt3A_2035 : vector<8x512xf32>
    %sub3A_2037 = arith.subf %squeeze3A_2032, %squeeze3A_2030 : vector<8x512xf32>
    %abs3A_2038 = math.absf %sub3A_2037 : vector<8x512xf32>
    %gt3A_2039 = arith.constant 3.000000e+00 : f32
    %gt3A_2040 = vector.broadcast %gt3A_2039 : f32 to vector<8x512xf32>
    %gt3A_2041 = arith.cmpf ogt, %abs3A_2038, %gt3A_2040 : vector<8x512xf32>
    %jit3A_2042 = arith.constant 65537 : i32
    %jit3A_2043 = arith.constant 1 : i32
    %broadcast_in_dim3A_2044 = vector.broadcast %jit3A_2042 : i32 to vector<8x512xi32>
    %broadcast_in_dim3A_2045 = vector.broadcast %jit3A_2043 : i32 to vector<8x512xi32>
    %select_n3A_2046 = arith.select %gt3A_2041, %broadcast_in_dim3A_2044, %broadcast_in_dim3A_2045 : vector<8x512xi1>, vector<8x512xi32>
    %jit3A_2047 = arith.constant 0 : i32
    %broadcast_in_dim3A_2048 = vector.broadcast %jit3A_2047 : i32 to vector<8x512xi32>
    %select_n3A_2049 = arith.select %gt3A_2036, %select_n3A_2046, %broadcast_in_dim3A_2048 : vector<8x512xi1>, vector<8x512xi32>
    %add3A_2050 = arith.addi %add3A_2006, %select_n3A_2049 : vector<8x512xi32>
    %slice3A_2051 = vector.extract_strided_slice %reshape3A {offsets = [93, 0, 0], sizes = [1, 8, 512], strides = [1, 1, 1]} : vector<128x8x512xf32> to vector<1x8x512xf32>
    %squeeze3A_2052 = vector.shape_cast %slice3A_2051 : vector<1x8x512xf32> to vector<8x512xf32>
    %slice3A_2053 = vector.extract_strided_slice %reshape3A_9 {offsets = [93, 0, 0], sizes = [1, 8, 512], strides = [1, 1, 1]} : vector<128x8x512xf32> to vector<1x8x512xf32>
    %squeeze3A_2054 = vector.shape_cast %slice3A_2053 : vector<1x8x512xf32> to vector<8x512xf32>
    %min3A_2055 = arith.minimumf %squeeze3A_2054, %squeeze3A_2052 : vector<8x512xf32>
    %gt3A_2056 = arith.constant 0.000000e+00 : f32
    %gt3A_2057 = vector.broadcast %gt3A_2056 : f32 to vector<8x512xf32>
    %gt3A_2058 = arith.cmpf ogt, %min3A_2055, %gt3A_2057 : vector<8x512xf32>
    %sub3A_2059 = arith.subf %squeeze3A_2054, %squeeze3A_2052 : vector<8x512xf32>
    %abs3A_2060 = math.absf %sub3A_2059 : vector<8x512xf32>
    %gt3A_2061 = arith.constant 3.000000e+00 : f32
    %gt3A_2062 = vector.broadcast %gt3A_2061 : f32 to vector<8x512xf32>
    %gt3A_2063 = arith.cmpf ogt, %abs3A_2060, %gt3A_2062 : vector<8x512xf32>
    %jit3A_2064 = arith.constant 65537 : i32
    %jit3A_2065 = arith.constant 1 : i32
    %broadcast_in_dim3A_2066 = vector.broadcast %jit3A_2064 : i32 to vector<8x512xi32>
    %broadcast_in_dim3A_2067 = vector.broadcast %jit3A_2065 : i32 to vector<8x512xi32>
    %select_n3A_2068 = arith.select %gt3A_2063, %broadcast_in_dim3A_2066, %broadcast_in_dim3A_2067 : vector<8x512xi1>, vector<8x512xi32>
    %jit3A_2069 = arith.constant 0 : i32
    %broadcast_in_dim3A_2070 = vector.broadcast %jit3A_2069 : i32 to vector<8x512xi32>
    %select_n3A_2071 = arith.select %gt3A_2058, %select_n3A_2068, %broadcast_in_dim3A_2070 : vector<8x512xi1>, vector<8x512xi32>
    %add3A_2072 = arith.addi %add3A_2028, %select_n3A_2071 : vector<8x512xi32>
    %slice3A_2073 = vector.extract_strided_slice %reshape3A {offsets = [94, 0, 0], sizes = [1, 8, 512], strides = [1, 1, 1]} : vector<128x8x512xf32> to vector<1x8x512xf32>
    %squeeze3A_2074 = vector.shape_cast %slice3A_2073 : vector<1x8x512xf32> to vector<8x512xf32>
    %slice3A_2075 = vector.extract_strided_slice %reshape3A_9 {offsets = [94, 0, 0], sizes = [1, 8, 512], strides = [1, 1, 1]} : vector<128x8x512xf32> to vector<1x8x512xf32>
    %squeeze3A_2076 = vector.shape_cast %slice3A_2075 : vector<1x8x512xf32> to vector<8x512xf32>
    %min3A_2077 = arith.minimumf %squeeze3A_2076, %squeeze3A_2074 : vector<8x512xf32>
    %gt3A_2078 = arith.constant 0.000000e+00 : f32
    %gt3A_2079 = vector.broadcast %gt3A_2078 : f32 to vector<8x512xf32>
    %gt3A_2080 = arith.cmpf ogt, %min3A_2077, %gt3A_2079 : vector<8x512xf32>
    %sub3A_2081 = arith.subf %squeeze3A_2076, %squeeze3A_2074 : vector<8x512xf32>
    %abs3A_2082 = math.absf %sub3A_2081 : vector<8x512xf32>
    %gt3A_2083 = arith.constant 3.000000e+00 : f32
    %gt3A_2084 = vector.broadcast %gt3A_2083 : f32 to vector<8x512xf32>
    %gt3A_2085 = arith.cmpf ogt, %abs3A_2082, %gt3A_2084 : vector<8x512xf32>
    %jit3A_2086 = arith.constant 65537 : i32
    %jit3A_2087 = arith.constant 1 : i32
    %broadcast_in_dim3A_2088 = vector.broadcast %jit3A_2086 : i32 to vector<8x512xi32>
    %broadcast_in_dim3A_2089 = vector.broadcast %jit3A_2087 : i32 to vector<8x512xi32>
    %select_n3A_2090 = arith.select %gt3A_2085, %broadcast_in_dim3A_2088, %broadcast_in_dim3A_2089 : vector<8x512xi1>, vector<8x512xi32>
    %jit3A_2091 = arith.constant 0 : i32
    %broadcast_in_dim3A_2092 = vector.broadcast %jit3A_2091 : i32 to vector<8x512xi32>
    %select_n3A_2093 = arith.select %gt3A_2080, %select_n3A_2090, %broadcast_in_dim3A_2092 : vector<8x512xi1>, vector<8x512xi32>
    %add3A_2094 = arith.addi %add3A_2050, %select_n3A_2093 : vector<8x512xi32>
    %slice3A_2095 = vector.extract_strided_slice %reshape3A {offsets = [95, 0, 0], sizes = [1, 8, 512], strides = [1, 1, 1]} : vector<128x8x512xf32> to vector<1x8x512xf32>
    %squeeze3A_2096 = vector.shape_cast %slice3A_2095 : vector<1x8x512xf32> to vector<8x512xf32>
    %slice3A_2097 = vector.extract_strided_slice %reshape3A_9 {offsets = [95, 0, 0], sizes = [1, 8, 512], strides = [1, 1, 1]} : vector<128x8x512xf32> to vector<1x8x512xf32>
    %squeeze3A_2098 = vector.shape_cast %slice3A_2097 : vector<1x8x512xf32> to vector<8x512xf32>
    %min3A_2099 = arith.minimumf %squeeze3A_2098, %squeeze3A_2096 : vector<8x512xf32>
    %gt3A_2100 = arith.constant 0.000000e+00 : f32
    %gt3A_2101 = vector.broadcast %gt3A_2100 : f32 to vector<8x512xf32>
    %gt3A_2102 = arith.cmpf ogt, %min3A_2099, %gt3A_2101 : vector<8x512xf32>
    %sub3A_2103 = arith.subf %squeeze3A_2098, %squeeze3A_2096 : vector<8x512xf32>
    %abs3A_2104 = math.absf %sub3A_2103 : vector<8x512xf32>
    %gt3A_2105 = arith.constant 3.000000e+00 : f32
    %gt3A_2106 = vector.broadcast %gt3A_2105 : f32 to vector<8x512xf32>
    %gt3A_2107 = arith.cmpf ogt, %abs3A_2104, %gt3A_2106 : vector<8x512xf32>
    %jit3A_2108 = arith.constant 65537 : i32
    %jit3A_2109 = arith.constant 1 : i32
    %broadcast_in_dim3A_2110 = vector.broadcast %jit3A_2108 : i32 to vector<8x512xi32>
    %broadcast_in_dim3A_2111 = vector.broadcast %jit3A_2109 : i32 to vector<8x512xi32>
    %select_n3A_2112 = arith.select %gt3A_2107, %broadcast_in_dim3A_2110, %broadcast_in_dim3A_2111 : vector<8x512xi1>, vector<8x512xi32>
    %jit3A_2113 = arith.constant 0 : i32
    %broadcast_in_dim3A_2114 = vector.broadcast %jit3A_2113 : i32 to vector<8x512xi32>
    %select_n3A_2115 = arith.select %gt3A_2102, %select_n3A_2112, %broadcast_in_dim3A_2114 : vector<8x512xi1>, vector<8x512xi32>
    %add3A_2116 = arith.addi %add3A_2072, %select_n3A_2115 : vector<8x512xi32>
    %slice3A_2117 = vector.extract_strided_slice %reshape3A {offsets = [96, 0, 0], sizes = [1, 8, 512], strides = [1, 1, 1]} : vector<128x8x512xf32> to vector<1x8x512xf32>
    %squeeze3A_2118 = vector.shape_cast %slice3A_2117 : vector<1x8x512xf32> to vector<8x512xf32>
    %slice3A_2119 = vector.extract_strided_slice %reshape3A_9 {offsets = [96, 0, 0], sizes = [1, 8, 512], strides = [1, 1, 1]} : vector<128x8x512xf32> to vector<1x8x512xf32>
    %squeeze3A_2120 = vector.shape_cast %slice3A_2119 : vector<1x8x512xf32> to vector<8x512xf32>
    %min3A_2121 = arith.minimumf %squeeze3A_2120, %squeeze3A_2118 : vector<8x512xf32>
    %gt3A_2122 = arith.constant 0.000000e+00 : f32
    %gt3A_2123 = vector.broadcast %gt3A_2122 : f32 to vector<8x512xf32>
    %gt3A_2124 = arith.cmpf ogt, %min3A_2121, %gt3A_2123 : vector<8x512xf32>
    %sub3A_2125 = arith.subf %squeeze3A_2120, %squeeze3A_2118 : vector<8x512xf32>
    %abs3A_2126 = math.absf %sub3A_2125 : vector<8x512xf32>
    %gt3A_2127 = arith.constant 3.000000e+00 : f32
    %gt3A_2128 = vector.broadcast %gt3A_2127 : f32 to vector<8x512xf32>
    %gt3A_2129 = arith.cmpf ogt, %abs3A_2126, %gt3A_2128 : vector<8x512xf32>
    %jit3A_2130 = arith.constant 65537 : i32
    %jit3A_2131 = arith.constant 1 : i32
    %broadcast_in_dim3A_2132 = vector.broadcast %jit3A_2130 : i32 to vector<8x512xi32>
    %broadcast_in_dim3A_2133 = vector.broadcast %jit3A_2131 : i32 to vector<8x512xi32>
    %select_n3A_2134 = arith.select %gt3A_2129, %broadcast_in_dim3A_2132, %broadcast_in_dim3A_2133 : vector<8x512xi1>, vector<8x512xi32>
    %jit3A_2135 = arith.constant 0 : i32
    %broadcast_in_dim3A_2136 = vector.broadcast %jit3A_2135 : i32 to vector<8x512xi32>
    %select_n3A_2137 = arith.select %gt3A_2124, %select_n3A_2134, %broadcast_in_dim3A_2136 : vector<8x512xi1>, vector<8x512xi32>
    %add3A_2138 = arith.addi %add3A_2094, %select_n3A_2137 : vector<8x512xi32>
    %slice3A_2139 = vector.extract_strided_slice %reshape3A {offsets = [97, 0, 0], sizes = [1, 8, 512], strides = [1, 1, 1]} : vector<128x8x512xf32> to vector<1x8x512xf32>
    %squeeze3A_2140 = vector.shape_cast %slice3A_2139 : vector<1x8x512xf32> to vector<8x512xf32>
    %slice3A_2141 = vector.extract_strided_slice %reshape3A_9 {offsets = [97, 0, 0], sizes = [1, 8, 512], strides = [1, 1, 1]} : vector<128x8x512xf32> to vector<1x8x512xf32>
    %squeeze3A_2142 = vector.shape_cast %slice3A_2141 : vector<1x8x512xf32> to vector<8x512xf32>
    %min3A_2143 = arith.minimumf %squeeze3A_2142, %squeeze3A_2140 : vector<8x512xf32>
    %gt3A_2144 = arith.constant 0.000000e+00 : f32
    %gt3A_2145 = vector.broadcast %gt3A_2144 : f32 to vector<8x512xf32>
    %gt3A_2146 = arith.cmpf ogt, %min3A_2143, %gt3A_2145 : vector<8x512xf32>
    %sub3A_2147 = arith.subf %squeeze3A_2142, %squeeze3A_2140 : vector<8x512xf32>
    %abs3A_2148 = math.absf %sub3A_2147 : vector<8x512xf32>
    %gt3A_2149 = arith.constant 3.000000e+00 : f32
    %gt3A_2150 = vector.broadcast %gt3A_2149 : f32 to vector<8x512xf32>
    %gt3A_2151 = arith.cmpf ogt, %abs3A_2148, %gt3A_2150 : vector<8x512xf32>
    %jit3A_2152 = arith.constant 65537 : i32
    %jit3A_2153 = arith.constant 1 : i32
    %broadcast_in_dim3A_2154 = vector.broadcast %jit3A_2152 : i32 to vector<8x512xi32>
    %broadcast_in_dim3A_2155 = vector.broadcast %jit3A_2153 : i32 to vector<8x512xi32>
    %select_n3A_2156 = arith.select %gt3A_2151, %broadcast_in_dim3A_2154, %broadcast_in_dim3A_2155 : vector<8x512xi1>, vector<8x512xi32>
    %jit3A_2157 = arith.constant 0 : i32
    %broadcast_in_dim3A_2158 = vector.broadcast %jit3A_2157 : i32 to vector<8x512xi32>
    %select_n3A_2159 = arith.select %gt3A_2146, %select_n3A_2156, %broadcast_in_dim3A_2158 : vector<8x512xi1>, vector<8x512xi32>
    %add3A_2160 = arith.addi %add3A_2116, %select_n3A_2159 : vector<8x512xi32>
    %slice3A_2161 = vector.extract_strided_slice %reshape3A {offsets = [98, 0, 0], sizes = [1, 8, 512], strides = [1, 1, 1]} : vector<128x8x512xf32> to vector<1x8x512xf32>
    %squeeze3A_2162 = vector.shape_cast %slice3A_2161 : vector<1x8x512xf32> to vector<8x512xf32>
    %slice3A_2163 = vector.extract_strided_slice %reshape3A_9 {offsets = [98, 0, 0], sizes = [1, 8, 512], strides = [1, 1, 1]} : vector<128x8x512xf32> to vector<1x8x512xf32>
    %squeeze3A_2164 = vector.shape_cast %slice3A_2163 : vector<1x8x512xf32> to vector<8x512xf32>
    %min3A_2165 = arith.minimumf %squeeze3A_2164, %squeeze3A_2162 : vector<8x512xf32>
    %gt3A_2166 = arith.constant 0.000000e+00 : f32
    %gt3A_2167 = vector.broadcast %gt3A_2166 : f32 to vector<8x512xf32>
    %gt3A_2168 = arith.cmpf ogt, %min3A_2165, %gt3A_2167 : vector<8x512xf32>
    %sub3A_2169 = arith.subf %squeeze3A_2164, %squeeze3A_2162 : vector<8x512xf32>
    %abs3A_2170 = math.absf %sub3A_2169 : vector<8x512xf32>
    %gt3A_2171 = arith.constant 3.000000e+00 : f32
    %gt3A_2172 = vector.broadcast %gt3A_2171 : f32 to vector<8x512xf32>
    %gt3A_2173 = arith.cmpf ogt, %abs3A_2170, %gt3A_2172 : vector<8x512xf32>
    %jit3A_2174 = arith.constant 65537 : i32
    %jit3A_2175 = arith.constant 1 : i32
    %broadcast_in_dim3A_2176 = vector.broadcast %jit3A_2174 : i32 to vector<8x512xi32>
    %broadcast_in_dim3A_2177 = vector.broadcast %jit3A_2175 : i32 to vector<8x512xi32>
    %select_n3A_2178 = arith.select %gt3A_2173, %broadcast_in_dim3A_2176, %broadcast_in_dim3A_2177 : vector<8x512xi1>, vector<8x512xi32>
    %jit3A_2179 = arith.constant 0 : i32
    %broadcast_in_dim3A_2180 = vector.broadcast %jit3A_2179 : i32 to vector<8x512xi32>
    %select_n3A_2181 = arith.select %gt3A_2168, %select_n3A_2178, %broadcast_in_dim3A_2180 : vector<8x512xi1>, vector<8x512xi32>
    %add3A_2182 = arith.addi %add3A_2138, %select_n3A_2181 : vector<8x512xi32>
    %slice3A_2183 = vector.extract_strided_slice %reshape3A {offsets = [99, 0, 0], sizes = [1, 8, 512], strides = [1, 1, 1]} : vector<128x8x512xf32> to vector<1x8x512xf32>
    %squeeze3A_2184 = vector.shape_cast %slice3A_2183 : vector<1x8x512xf32> to vector<8x512xf32>
    %slice3A_2185 = vector.extract_strided_slice %reshape3A_9 {offsets = [99, 0, 0], sizes = [1, 8, 512], strides = [1, 1, 1]} : vector<128x8x512xf32> to vector<1x8x512xf32>
    %squeeze3A_2186 = vector.shape_cast %slice3A_2185 : vector<1x8x512xf32> to vector<8x512xf32>
    %min3A_2187 = arith.minimumf %squeeze3A_2186, %squeeze3A_2184 : vector<8x512xf32>
    %gt3A_2188 = arith.constant 0.000000e+00 : f32
    %gt3A_2189 = vector.broadcast %gt3A_2188 : f32 to vector<8x512xf32>
    %gt3A_2190 = arith.cmpf ogt, %min3A_2187, %gt3A_2189 : vector<8x512xf32>
    %sub3A_2191 = arith.subf %squeeze3A_2186, %squeeze3A_2184 : vector<8x512xf32>
    %abs3A_2192 = math.absf %sub3A_2191 : vector<8x512xf32>
    %gt3A_2193 = arith.constant 3.000000e+00 : f32
    %gt3A_2194 = vector.broadcast %gt3A_2193 : f32 to vector<8x512xf32>
    %gt3A_2195 = arith.cmpf ogt, %abs3A_2192, %gt3A_2194 : vector<8x512xf32>
    %jit3A_2196 = arith.constant 65537 : i32
    %jit3A_2197 = arith.constant 1 : i32
    %broadcast_in_dim3A_2198 = vector.broadcast %jit3A_2196 : i32 to vector<8x512xi32>
    %broadcast_in_dim3A_2199 = vector.broadcast %jit3A_2197 : i32 to vector<8x512xi32>
    %select_n3A_2200 = arith.select %gt3A_2195, %broadcast_in_dim3A_2198, %broadcast_in_dim3A_2199 : vector<8x512xi1>, vector<8x512xi32>
    %jit3A_2201 = arith.constant 0 : i32
    %broadcast_in_dim3A_2202 = vector.broadcast %jit3A_2201 : i32 to vector<8x512xi32>
    %select_n3A_2203 = arith.select %gt3A_2190, %select_n3A_2200, %broadcast_in_dim3A_2202 : vector<8x512xi1>, vector<8x512xi32>
    %add3A_2204 = arith.addi %add3A_2160, %select_n3A_2203 : vector<8x512xi32>
    %slice3A_2205 = vector.extract_strided_slice %reshape3A {offsets = [100, 0, 0], sizes = [1, 8, 512], strides = [1, 1, 1]} : vector<128x8x512xf32> to vector<1x8x512xf32>
    %squeeze3A_2206 = vector.shape_cast %slice3A_2205 : vector<1x8x512xf32> to vector<8x512xf32>
    %slice3A_2207 = vector.extract_strided_slice %reshape3A_9 {offsets = [100, 0, 0], sizes = [1, 8, 512], strides = [1, 1, 1]} : vector<128x8x512xf32> to vector<1x8x512xf32>
    %squeeze3A_2208 = vector.shape_cast %slice3A_2207 : vector<1x8x512xf32> to vector<8x512xf32>
    %min3A_2209 = arith.minimumf %squeeze3A_2208, %squeeze3A_2206 : vector<8x512xf32>
    %gt3A_2210 = arith.constant 0.000000e+00 : f32
    %gt3A_2211 = vector.broadcast %gt3A_2210 : f32 to vector<8x512xf32>
    %gt3A_2212 = arith.cmpf ogt, %min3A_2209, %gt3A_2211 : vector<8x512xf32>
    %sub3A_2213 = arith.subf %squeeze3A_2208, %squeeze3A_2206 : vector<8x512xf32>
    %abs3A_2214 = math.absf %sub3A_2213 : vector<8x512xf32>
    %gt3A_2215 = arith.constant 3.000000e+00 : f32
    %gt3A_2216 = vector.broadcast %gt3A_2215 : f32 to vector<8x512xf32>
    %gt3A_2217 = arith.cmpf ogt, %abs3A_2214, %gt3A_2216 : vector<8x512xf32>
    %jit3A_2218 = arith.constant 65537 : i32
    %jit3A_2219 = arith.constant 1 : i32
    %broadcast_in_dim3A_2220 = vector.broadcast %jit3A_2218 : i32 to vector<8x512xi32>
    %broadcast_in_dim3A_2221 = vector.broadcast %jit3A_2219 : i32 to vector<8x512xi32>
    %select_n3A_2222 = arith.select %gt3A_2217, %broadcast_in_dim3A_2220, %broadcast_in_dim3A_2221 : vector<8x512xi1>, vector<8x512xi32>
    %jit3A_2223 = arith.constant 0 : i32
    %broadcast_in_dim3A_2224 = vector.broadcast %jit3A_2223 : i32 to vector<8x512xi32>
    %select_n3A_2225 = arith.select %gt3A_2212, %select_n3A_2222, %broadcast_in_dim3A_2224 : vector<8x512xi1>, vector<8x512xi32>
    %add3A_2226 = arith.addi %add3A_2182, %select_n3A_2225 : vector<8x512xi32>
    %slice3A_2227 = vector.extract_strided_slice %reshape3A {offsets = [101, 0, 0], sizes = [1, 8, 512], strides = [1, 1, 1]} : vector<128x8x512xf32> to vector<1x8x512xf32>
    %squeeze3A_2228 = vector.shape_cast %slice3A_2227 : vector<1x8x512xf32> to vector<8x512xf32>
    %slice3A_2229 = vector.extract_strided_slice %reshape3A_9 {offsets = [101, 0, 0], sizes = [1, 8, 512], strides = [1, 1, 1]} : vector<128x8x512xf32> to vector<1x8x512xf32>
    %squeeze3A_2230 = vector.shape_cast %slice3A_2229 : vector<1x8x512xf32> to vector<8x512xf32>
    %min3A_2231 = arith.minimumf %squeeze3A_2230, %squeeze3A_2228 : vector<8x512xf32>
    %gt3A_2232 = arith.constant 0.000000e+00 : f32
    %gt3A_2233 = vector.broadcast %gt3A_2232 : f32 to vector<8x512xf32>
    %gt3A_2234 = arith.cmpf ogt, %min3A_2231, %gt3A_2233 : vector<8x512xf32>
    %sub3A_2235 = arith.subf %squeeze3A_2230, %squeeze3A_2228 : vector<8x512xf32>
    %abs3A_2236 = math.absf %sub3A_2235 : vector<8x512xf32>
    %gt3A_2237 = arith.constant 3.000000e+00 : f32
    %gt3A_2238 = vector.broadcast %gt3A_2237 : f32 to vector<8x512xf32>
    %gt3A_2239 = arith.cmpf ogt, %abs3A_2236, %gt3A_2238 : vector<8x512xf32>
    %jit3A_2240 = arith.constant 65537 : i32
    %jit3A_2241 = arith.constant 1 : i32
    %broadcast_in_dim3A_2242 = vector.broadcast %jit3A_2240 : i32 to vector<8x512xi32>
    %broadcast_in_dim3A_2243 = vector.broadcast %jit3A_2241 : i32 to vector<8x512xi32>
    %select_n3A_2244 = arith.select %gt3A_2239, %broadcast_in_dim3A_2242, %broadcast_in_dim3A_2243 : vector<8x512xi1>, vector<8x512xi32>
    %jit3A_2245 = arith.constant 0 : i32
    %broadcast_in_dim3A_2246 = vector.broadcast %jit3A_2245 : i32 to vector<8x512xi32>
    %select_n3A_2247 = arith.select %gt3A_2234, %select_n3A_2244, %broadcast_in_dim3A_2246 : vector<8x512xi1>, vector<8x512xi32>
    %add3A_2248 = arith.addi %add3A_2204, %select_n3A_2247 : vector<8x512xi32>
    %slice3A_2249 = vector.extract_strided_slice %reshape3A {offsets = [102, 0, 0], sizes = [1, 8, 512], strides = [1, 1, 1]} : vector<128x8x512xf32> to vector<1x8x512xf32>
    %squeeze3A_2250 = vector.shape_cast %slice3A_2249 : vector<1x8x512xf32> to vector<8x512xf32>
    %slice3A_2251 = vector.extract_strided_slice %reshape3A_9 {offsets = [102, 0, 0], sizes = [1, 8, 512], strides = [1, 1, 1]} : vector<128x8x512xf32> to vector<1x8x512xf32>
    %squeeze3A_2252 = vector.shape_cast %slice3A_2251 : vector<1x8x512xf32> to vector<8x512xf32>
    %min3A_2253 = arith.minimumf %squeeze3A_2252, %squeeze3A_2250 : vector<8x512xf32>
    %gt3A_2254 = arith.constant 0.000000e+00 : f32
    %gt3A_2255 = vector.broadcast %gt3A_2254 : f32 to vector<8x512xf32>
    %gt3A_2256 = arith.cmpf ogt, %min3A_2253, %gt3A_2255 : vector<8x512xf32>
    %sub3A_2257 = arith.subf %squeeze3A_2252, %squeeze3A_2250 : vector<8x512xf32>
    %abs3A_2258 = math.absf %sub3A_2257 : vector<8x512xf32>
    %gt3A_2259 = arith.constant 3.000000e+00 : f32
    %gt3A_2260 = vector.broadcast %gt3A_2259 : f32 to vector<8x512xf32>
    %gt3A_2261 = arith.cmpf ogt, %abs3A_2258, %gt3A_2260 : vector<8x512xf32>
    %jit3A_2262 = arith.constant 65537 : i32
    %jit3A_2263 = arith.constant 1 : i32
    %broadcast_in_dim3A_2264 = vector.broadcast %jit3A_2262 : i32 to vector<8x512xi32>
    %broadcast_in_dim3A_2265 = vector.broadcast %jit3A_2263 : i32 to vector<8x512xi32>
    %select_n3A_2266 = arith.select %gt3A_2261, %broadcast_in_dim3A_2264, %broadcast_in_dim3A_2265 : vector<8x512xi1>, vector<8x512xi32>
    %jit3A_2267 = arith.constant 0 : i32
    %broadcast_in_dim3A_2268 = vector.broadcast %jit3A_2267 : i32 to vector<8x512xi32>
    %select_n3A_2269 = arith.select %gt3A_2256, %select_n3A_2266, %broadcast_in_dim3A_2268 : vector<8x512xi1>, vector<8x512xi32>
    %add3A_2270 = arith.addi %add3A_2226, %select_n3A_2269 : vector<8x512xi32>
    %slice3A_2271 = vector.extract_strided_slice %reshape3A {offsets = [103, 0, 0], sizes = [1, 8, 512], strides = [1, 1, 1]} : vector<128x8x512xf32> to vector<1x8x512xf32>
    %squeeze3A_2272 = vector.shape_cast %slice3A_2271 : vector<1x8x512xf32> to vector<8x512xf32>
    %slice3A_2273 = vector.extract_strided_slice %reshape3A_9 {offsets = [103, 0, 0], sizes = [1, 8, 512], strides = [1, 1, 1]} : vector<128x8x512xf32> to vector<1x8x512xf32>
    %squeeze3A_2274 = vector.shape_cast %slice3A_2273 : vector<1x8x512xf32> to vector<8x512xf32>
    %min3A_2275 = arith.minimumf %squeeze3A_2274, %squeeze3A_2272 : vector<8x512xf32>
    %gt3A_2276 = arith.constant 0.000000e+00 : f32
    %gt3A_2277 = vector.broadcast %gt3A_2276 : f32 to vector<8x512xf32>
    %gt3A_2278 = arith.cmpf ogt, %min3A_2275, %gt3A_2277 : vector<8x512xf32>
    %sub3A_2279 = arith.subf %squeeze3A_2274, %squeeze3A_2272 : vector<8x512xf32>
    %abs3A_2280 = math.absf %sub3A_2279 : vector<8x512xf32>
    %gt3A_2281 = arith.constant 3.000000e+00 : f32
    %gt3A_2282 = vector.broadcast %gt3A_2281 : f32 to vector<8x512xf32>
    %gt3A_2283 = arith.cmpf ogt, %abs3A_2280, %gt3A_2282 : vector<8x512xf32>
    %jit3A_2284 = arith.constant 65537 : i32
    %jit3A_2285 = arith.constant 1 : i32
    %broadcast_in_dim3A_2286 = vector.broadcast %jit3A_2284 : i32 to vector<8x512xi32>
    %broadcast_in_dim3A_2287 = vector.broadcast %jit3A_2285 : i32 to vector<8x512xi32>
    %select_n3A_2288 = arith.select %gt3A_2283, %broadcast_in_dim3A_2286, %broadcast_in_dim3A_2287 : vector<8x512xi1>, vector<8x512xi32>
    %jit3A_2289 = arith.constant 0 : i32
    %broadcast_in_dim3A_2290 = vector.broadcast %jit3A_2289 : i32 to vector<8x512xi32>
    %select_n3A_2291 = arith.select %gt3A_2278, %select_n3A_2288, %broadcast_in_dim3A_2290 : vector<8x512xi1>, vector<8x512xi32>
    %add3A_2292 = arith.addi %add3A_2248, %select_n3A_2291 : vector<8x512xi32>
    %slice3A_2293 = vector.extract_strided_slice %reshape3A {offsets = [104, 0, 0], sizes = [1, 8, 512], strides = [1, 1, 1]} : vector<128x8x512xf32> to vector<1x8x512xf32>
    %squeeze3A_2294 = vector.shape_cast %slice3A_2293 : vector<1x8x512xf32> to vector<8x512xf32>
    %slice3A_2295 = vector.extract_strided_slice %reshape3A_9 {offsets = [104, 0, 0], sizes = [1, 8, 512], strides = [1, 1, 1]} : vector<128x8x512xf32> to vector<1x8x512xf32>
    %squeeze3A_2296 = vector.shape_cast %slice3A_2295 : vector<1x8x512xf32> to vector<8x512xf32>
    %min3A_2297 = arith.minimumf %squeeze3A_2296, %squeeze3A_2294 : vector<8x512xf32>
    %gt3A_2298 = arith.constant 0.000000e+00 : f32
    %gt3A_2299 = vector.broadcast %gt3A_2298 : f32 to vector<8x512xf32>
    %gt3A_2300 = arith.cmpf ogt, %min3A_2297, %gt3A_2299 : vector<8x512xf32>
    %sub3A_2301 = arith.subf %squeeze3A_2296, %squeeze3A_2294 : vector<8x512xf32>
    %abs3A_2302 = math.absf %sub3A_2301 : vector<8x512xf32>
    %gt3A_2303 = arith.constant 3.000000e+00 : f32
    %gt3A_2304 = vector.broadcast %gt3A_2303 : f32 to vector<8x512xf32>
    %gt3A_2305 = arith.cmpf ogt, %abs3A_2302, %gt3A_2304 : vector<8x512xf32>
    %jit3A_2306 = arith.constant 65537 : i32
    %jit3A_2307 = arith.constant 1 : i32
    %broadcast_in_dim3A_2308 = vector.broadcast %jit3A_2306 : i32 to vector<8x512xi32>
    %broadcast_in_dim3A_2309 = vector.broadcast %jit3A_2307 : i32 to vector<8x512xi32>
    %select_n3A_2310 = arith.select %gt3A_2305, %broadcast_in_dim3A_2308, %broadcast_in_dim3A_2309 : vector<8x512xi1>, vector<8x512xi32>
    %jit3A_2311 = arith.constant 0 : i32
    %broadcast_in_dim3A_2312 = vector.broadcast %jit3A_2311 : i32 to vector<8x512xi32>
    %select_n3A_2313 = arith.select %gt3A_2300, %select_n3A_2310, %broadcast_in_dim3A_2312 : vector<8x512xi1>, vector<8x512xi32>
    %add3A_2314 = arith.addi %add3A_2270, %select_n3A_2313 : vector<8x512xi32>
    %slice3A_2315 = vector.extract_strided_slice %reshape3A {offsets = [105, 0, 0], sizes = [1, 8, 512], strides = [1, 1, 1]} : vector<128x8x512xf32> to vector<1x8x512xf32>
    %squeeze3A_2316 = vector.shape_cast %slice3A_2315 : vector<1x8x512xf32> to vector<8x512xf32>
    %slice3A_2317 = vector.extract_strided_slice %reshape3A_9 {offsets = [105, 0, 0], sizes = [1, 8, 512], strides = [1, 1, 1]} : vector<128x8x512xf32> to vector<1x8x512xf32>
    %squeeze3A_2318 = vector.shape_cast %slice3A_2317 : vector<1x8x512xf32> to vector<8x512xf32>
    %min3A_2319 = arith.minimumf %squeeze3A_2318, %squeeze3A_2316 : vector<8x512xf32>
    %gt3A_2320 = arith.constant 0.000000e+00 : f32
    %gt3A_2321 = vector.broadcast %gt3A_2320 : f32 to vector<8x512xf32>
    %gt3A_2322 = arith.cmpf ogt, %min3A_2319, %gt3A_2321 : vector<8x512xf32>
    %sub3A_2323 = arith.subf %squeeze3A_2318, %squeeze3A_2316 : vector<8x512xf32>
    %abs3A_2324 = math.absf %sub3A_2323 : vector<8x512xf32>
    %gt3A_2325 = arith.constant 3.000000e+00 : f32
    %gt3A_2326 = vector.broadcast %gt3A_2325 : f32 to vector<8x512xf32>
    %gt3A_2327 = arith.cmpf ogt, %abs3A_2324, %gt3A_2326 : vector<8x512xf32>
    %jit3A_2328 = arith.constant 65537 : i32
    %jit3A_2329 = arith.constant 1 : i32
    %broadcast_in_dim3A_2330 = vector.broadcast %jit3A_2328 : i32 to vector<8x512xi32>
    %broadcast_in_dim3A_2331 = vector.broadcast %jit3A_2329 : i32 to vector<8x512xi32>
    %select_n3A_2332 = arith.select %gt3A_2327, %broadcast_in_dim3A_2330, %broadcast_in_dim3A_2331 : vector<8x512xi1>, vector<8x512xi32>
    %jit3A_2333 = arith.constant 0 : i32
    %broadcast_in_dim3A_2334 = vector.broadcast %jit3A_2333 : i32 to vector<8x512xi32>
    %select_n3A_2335 = arith.select %gt3A_2322, %select_n3A_2332, %broadcast_in_dim3A_2334 : vector<8x512xi1>, vector<8x512xi32>
    %add3A_2336 = arith.addi %add3A_2292, %select_n3A_2335 : vector<8x512xi32>
    %slice3A_2337 = vector.extract_strided_slice %reshape3A {offsets = [106, 0, 0], sizes = [1, 8, 512], strides = [1, 1, 1]} : vector<128x8x512xf32> to vector<1x8x512xf32>
    %squeeze3A_2338 = vector.shape_cast %slice3A_2337 : vector<1x8x512xf32> to vector<8x512xf32>
    %slice3A_2339 = vector.extract_strided_slice %reshape3A_9 {offsets = [106, 0, 0], sizes = [1, 8, 512], strides = [1, 1, 1]} : vector<128x8x512xf32> to vector<1x8x512xf32>
    %squeeze3A_2340 = vector.shape_cast %slice3A_2339 : vector<1x8x512xf32> to vector<8x512xf32>
    %min3A_2341 = arith.minimumf %squeeze3A_2340, %squeeze3A_2338 : vector<8x512xf32>
    %gt3A_2342 = arith.constant 0.000000e+00 : f32
    %gt3A_2343 = vector.broadcast %gt3A_2342 : f32 to vector<8x512xf32>
    %gt3A_2344 = arith.cmpf ogt, %min3A_2341, %gt3A_2343 : vector<8x512xf32>
    %sub3A_2345 = arith.subf %squeeze3A_2340, %squeeze3A_2338 : vector<8x512xf32>
    %abs3A_2346 = math.absf %sub3A_2345 : vector<8x512xf32>
    %gt3A_2347 = arith.constant 3.000000e+00 : f32
    %gt3A_2348 = vector.broadcast %gt3A_2347 : f32 to vector<8x512xf32>
    %gt3A_2349 = arith.cmpf ogt, %abs3A_2346, %gt3A_2348 : vector<8x512xf32>
    %jit3A_2350 = arith.constant 65537 : i32
    %jit3A_2351 = arith.constant 1 : i32
    %broadcast_in_dim3A_2352 = vector.broadcast %jit3A_2350 : i32 to vector<8x512xi32>
    %broadcast_in_dim3A_2353 = vector.broadcast %jit3A_2351 : i32 to vector<8x512xi32>
    %select_n3A_2354 = arith.select %gt3A_2349, %broadcast_in_dim3A_2352, %broadcast_in_dim3A_2353 : vector<8x512xi1>, vector<8x512xi32>
    %jit3A_2355 = arith.constant 0 : i32
    %broadcast_in_dim3A_2356 = vector.broadcast %jit3A_2355 : i32 to vector<8x512xi32>
    %select_n3A_2357 = arith.select %gt3A_2344, %select_n3A_2354, %broadcast_in_dim3A_2356 : vector<8x512xi1>, vector<8x512xi32>
    %add3A_2358 = arith.addi %add3A_2314, %select_n3A_2357 : vector<8x512xi32>
    %slice3A_2359 = vector.extract_strided_slice %reshape3A {offsets = [107, 0, 0], sizes = [1, 8, 512], strides = [1, 1, 1]} : vector<128x8x512xf32> to vector<1x8x512xf32>
    %squeeze3A_2360 = vector.shape_cast %slice3A_2359 : vector<1x8x512xf32> to vector<8x512xf32>
    %slice3A_2361 = vector.extract_strided_slice %reshape3A_9 {offsets = [107, 0, 0], sizes = [1, 8, 512], strides = [1, 1, 1]} : vector<128x8x512xf32> to vector<1x8x512xf32>
    %squeeze3A_2362 = vector.shape_cast %slice3A_2361 : vector<1x8x512xf32> to vector<8x512xf32>
    %min3A_2363 = arith.minimumf %squeeze3A_2362, %squeeze3A_2360 : vector<8x512xf32>
    %gt3A_2364 = arith.constant 0.000000e+00 : f32
    %gt3A_2365 = vector.broadcast %gt3A_2364 : f32 to vector<8x512xf32>
    %gt3A_2366 = arith.cmpf ogt, %min3A_2363, %gt3A_2365 : vector<8x512xf32>
    %sub3A_2367 = arith.subf %squeeze3A_2362, %squeeze3A_2360 : vector<8x512xf32>
    %abs3A_2368 = math.absf %sub3A_2367 : vector<8x512xf32>
    %gt3A_2369 = arith.constant 3.000000e+00 : f32
    %gt3A_2370 = vector.broadcast %gt3A_2369 : f32 to vector<8x512xf32>
    %gt3A_2371 = arith.cmpf ogt, %abs3A_2368, %gt3A_2370 : vector<8x512xf32>
    %jit3A_2372 = arith.constant 65537 : i32
    %jit3A_2373 = arith.constant 1 : i32
    %broadcast_in_dim3A_2374 = vector.broadcast %jit3A_2372 : i32 to vector<8x512xi32>
    %broadcast_in_dim3A_2375 = vector.broadcast %jit3A_2373 : i32 to vector<8x512xi32>
    %select_n3A_2376 = arith.select %gt3A_2371, %broadcast_in_dim3A_2374, %broadcast_in_dim3A_2375 : vector<8x512xi1>, vector<8x512xi32>
    %jit3A_2377 = arith.constant 0 : i32
    %broadcast_in_dim3A_2378 = vector.broadcast %jit3A_2377 : i32 to vector<8x512xi32>
    %select_n3A_2379 = arith.select %gt3A_2366, %select_n3A_2376, %broadcast_in_dim3A_2378 : vector<8x512xi1>, vector<8x512xi32>
    %add3A_2380 = arith.addi %add3A_2336, %select_n3A_2379 : vector<8x512xi32>
    %slice3A_2381 = vector.extract_strided_slice %reshape3A {offsets = [108, 0, 0], sizes = [1, 8, 512], strides = [1, 1, 1]} : vector<128x8x512xf32> to vector<1x8x512xf32>
    %squeeze3A_2382 = vector.shape_cast %slice3A_2381 : vector<1x8x512xf32> to vector<8x512xf32>
    %slice3A_2383 = vector.extract_strided_slice %reshape3A_9 {offsets = [108, 0, 0], sizes = [1, 8, 512], strides = [1, 1, 1]} : vector<128x8x512xf32> to vector<1x8x512xf32>
    %squeeze3A_2384 = vector.shape_cast %slice3A_2383 : vector<1x8x512xf32> to vector<8x512xf32>
    %min3A_2385 = arith.minimumf %squeeze3A_2384, %squeeze3A_2382 : vector<8x512xf32>
    %gt3A_2386 = arith.constant 0.000000e+00 : f32
    %gt3A_2387 = vector.broadcast %gt3A_2386 : f32 to vector<8x512xf32>
    %gt3A_2388 = arith.cmpf ogt, %min3A_2385, %gt3A_2387 : vector<8x512xf32>
    %sub3A_2389 = arith.subf %squeeze3A_2384, %squeeze3A_2382 : vector<8x512xf32>
    %abs3A_2390 = math.absf %sub3A_2389 : vector<8x512xf32>
    %gt3A_2391 = arith.constant 3.000000e+00 : f32
    %gt3A_2392 = vector.broadcast %gt3A_2391 : f32 to vector<8x512xf32>
    %gt3A_2393 = arith.cmpf ogt, %abs3A_2390, %gt3A_2392 : vector<8x512xf32>
    %jit3A_2394 = arith.constant 65537 : i32
    %jit3A_2395 = arith.constant 1 : i32
    %broadcast_in_dim3A_2396 = vector.broadcast %jit3A_2394 : i32 to vector<8x512xi32>
    %broadcast_in_dim3A_2397 = vector.broadcast %jit3A_2395 : i32 to vector<8x512xi32>
    %select_n3A_2398 = arith.select %gt3A_2393, %broadcast_in_dim3A_2396, %broadcast_in_dim3A_2397 : vector<8x512xi1>, vector<8x512xi32>
    %jit3A_2399 = arith.constant 0 : i32
    %broadcast_in_dim3A_2400 = vector.broadcast %jit3A_2399 : i32 to vector<8x512xi32>
    %select_n3A_2401 = arith.select %gt3A_2388, %select_n3A_2398, %broadcast_in_dim3A_2400 : vector<8x512xi1>, vector<8x512xi32>
    %add3A_2402 = arith.addi %add3A_2358, %select_n3A_2401 : vector<8x512xi32>
    %slice3A_2403 = vector.extract_strided_slice %reshape3A {offsets = [109, 0, 0], sizes = [1, 8, 512], strides = [1, 1, 1]} : vector<128x8x512xf32> to vector<1x8x512xf32>
    %squeeze3A_2404 = vector.shape_cast %slice3A_2403 : vector<1x8x512xf32> to vector<8x512xf32>
    %slice3A_2405 = vector.extract_strided_slice %reshape3A_9 {offsets = [109, 0, 0], sizes = [1, 8, 512], strides = [1, 1, 1]} : vector<128x8x512xf32> to vector<1x8x512xf32>
    %squeeze3A_2406 = vector.shape_cast %slice3A_2405 : vector<1x8x512xf32> to vector<8x512xf32>
    %min3A_2407 = arith.minimumf %squeeze3A_2406, %squeeze3A_2404 : vector<8x512xf32>
    %gt3A_2408 = arith.constant 0.000000e+00 : f32
    %gt3A_2409 = vector.broadcast %gt3A_2408 : f32 to vector<8x512xf32>
    %gt3A_2410 = arith.cmpf ogt, %min3A_2407, %gt3A_2409 : vector<8x512xf32>
    %sub3A_2411 = arith.subf %squeeze3A_2406, %squeeze3A_2404 : vector<8x512xf32>
    %abs3A_2412 = math.absf %sub3A_2411 : vector<8x512xf32>
    %gt3A_2413 = arith.constant 3.000000e+00 : f32
    %gt3A_2414 = vector.broadcast %gt3A_2413 : f32 to vector<8x512xf32>
    %gt3A_2415 = arith.cmpf ogt, %abs3A_2412, %gt3A_2414 : vector<8x512xf32>
    %jit3A_2416 = arith.constant 65537 : i32
    %jit3A_2417 = arith.constant 1 : i32
    %broadcast_in_dim3A_2418 = vector.broadcast %jit3A_2416 : i32 to vector<8x512xi32>
    %broadcast_in_dim3A_2419 = vector.broadcast %jit3A_2417 : i32 to vector<8x512xi32>
    %select_n3A_2420 = arith.select %gt3A_2415, %broadcast_in_dim3A_2418, %broadcast_in_dim3A_2419 : vector<8x512xi1>, vector<8x512xi32>
    %jit3A_2421 = arith.constant 0 : i32
    %broadcast_in_dim3A_2422 = vector.broadcast %jit3A_2421 : i32 to vector<8x512xi32>
    %select_n3A_2423 = arith.select %gt3A_2410, %select_n3A_2420, %broadcast_in_dim3A_2422 : vector<8x512xi1>, vector<8x512xi32>
    %add3A_2424 = arith.addi %add3A_2380, %select_n3A_2423 : vector<8x512xi32>
    %slice3A_2425 = vector.extract_strided_slice %reshape3A {offsets = [110, 0, 0], sizes = [1, 8, 512], strides = [1, 1, 1]} : vector<128x8x512xf32> to vector<1x8x512xf32>
    %squeeze3A_2426 = vector.shape_cast %slice3A_2425 : vector<1x8x512xf32> to vector<8x512xf32>
    %slice3A_2427 = vector.extract_strided_slice %reshape3A_9 {offsets = [110, 0, 0], sizes = [1, 8, 512], strides = [1, 1, 1]} : vector<128x8x512xf32> to vector<1x8x512xf32>
    %squeeze3A_2428 = vector.shape_cast %slice3A_2427 : vector<1x8x512xf32> to vector<8x512xf32>
    %min3A_2429 = arith.minimumf %squeeze3A_2428, %squeeze3A_2426 : vector<8x512xf32>
    %gt3A_2430 = arith.constant 0.000000e+00 : f32
    %gt3A_2431 = vector.broadcast %gt3A_2430 : f32 to vector<8x512xf32>
    %gt3A_2432 = arith.cmpf ogt, %min3A_2429, %gt3A_2431 : vector<8x512xf32>
    %sub3A_2433 = arith.subf %squeeze3A_2428, %squeeze3A_2426 : vector<8x512xf32>
    %abs3A_2434 = math.absf %sub3A_2433 : vector<8x512xf32>
    %gt3A_2435 = arith.constant 3.000000e+00 : f32
    %gt3A_2436 = vector.broadcast %gt3A_2435 : f32 to vector<8x512xf32>
    %gt3A_2437 = arith.cmpf ogt, %abs3A_2434, %gt3A_2436 : vector<8x512xf32>
    %jit3A_2438 = arith.constant 65537 : i32
    %jit3A_2439 = arith.constant 1 : i32
    %broadcast_in_dim3A_2440 = vector.broadcast %jit3A_2438 : i32 to vector<8x512xi32>
    %broadcast_in_dim3A_2441 = vector.broadcast %jit3A_2439 : i32 to vector<8x512xi32>
    %select_n3A_2442 = arith.select %gt3A_2437, %broadcast_in_dim3A_2440, %broadcast_in_dim3A_2441 : vector<8x512xi1>, vector<8x512xi32>
    %jit3A_2443 = arith.constant 0 : i32
    %broadcast_in_dim3A_2444 = vector.broadcast %jit3A_2443 : i32 to vector<8x512xi32>
    %select_n3A_2445 = arith.select %gt3A_2432, %select_n3A_2442, %broadcast_in_dim3A_2444 : vector<8x512xi1>, vector<8x512xi32>
    %add3A_2446 = arith.addi %add3A_2402, %select_n3A_2445 : vector<8x512xi32>
    %slice3A_2447 = vector.extract_strided_slice %reshape3A {offsets = [111, 0, 0], sizes = [1, 8, 512], strides = [1, 1, 1]} : vector<128x8x512xf32> to vector<1x8x512xf32>
    %squeeze3A_2448 = vector.shape_cast %slice3A_2447 : vector<1x8x512xf32> to vector<8x512xf32>
    %slice3A_2449 = vector.extract_strided_slice %reshape3A_9 {offsets = [111, 0, 0], sizes = [1, 8, 512], strides = [1, 1, 1]} : vector<128x8x512xf32> to vector<1x8x512xf32>
    %squeeze3A_2450 = vector.shape_cast %slice3A_2449 : vector<1x8x512xf32> to vector<8x512xf32>
    %min3A_2451 = arith.minimumf %squeeze3A_2450, %squeeze3A_2448 : vector<8x512xf32>
    %gt3A_2452 = arith.constant 0.000000e+00 : f32
    %gt3A_2453 = vector.broadcast %gt3A_2452 : f32 to vector<8x512xf32>
    %gt3A_2454 = arith.cmpf ogt, %min3A_2451, %gt3A_2453 : vector<8x512xf32>
    %sub3A_2455 = arith.subf %squeeze3A_2450, %squeeze3A_2448 : vector<8x512xf32>
    %abs3A_2456 = math.absf %sub3A_2455 : vector<8x512xf32>
    %gt3A_2457 = arith.constant 3.000000e+00 : f32
    %gt3A_2458 = vector.broadcast %gt3A_2457 : f32 to vector<8x512xf32>
    %gt3A_2459 = arith.cmpf ogt, %abs3A_2456, %gt3A_2458 : vector<8x512xf32>
    %jit3A_2460 = arith.constant 65537 : i32
    %jit3A_2461 = arith.constant 1 : i32
    %broadcast_in_dim3A_2462 = vector.broadcast %jit3A_2460 : i32 to vector<8x512xi32>
    %broadcast_in_dim3A_2463 = vector.broadcast %jit3A_2461 : i32 to vector<8x512xi32>
    %select_n3A_2464 = arith.select %gt3A_2459, %broadcast_in_dim3A_2462, %broadcast_in_dim3A_2463 : vector<8x512xi1>, vector<8x512xi32>
    %jit3A_2465 = arith.constant 0 : i32
    %broadcast_in_dim3A_2466 = vector.broadcast %jit3A_2465 : i32 to vector<8x512xi32>
    %select_n3A_2467 = arith.select %gt3A_2454, %select_n3A_2464, %broadcast_in_dim3A_2466 : vector<8x512xi1>, vector<8x512xi32>
    %add3A_2468 = arith.addi %add3A_2424, %select_n3A_2467 : vector<8x512xi32>
    %slice3A_2469 = vector.extract_strided_slice %reshape3A {offsets = [112, 0, 0], sizes = [1, 8, 512], strides = [1, 1, 1]} : vector<128x8x512xf32> to vector<1x8x512xf32>
    %squeeze3A_2470 = vector.shape_cast %slice3A_2469 : vector<1x8x512xf32> to vector<8x512xf32>
    %slice3A_2471 = vector.extract_strided_slice %reshape3A_9 {offsets = [112, 0, 0], sizes = [1, 8, 512], strides = [1, 1, 1]} : vector<128x8x512xf32> to vector<1x8x512xf32>
    %squeeze3A_2472 = vector.shape_cast %slice3A_2471 : vector<1x8x512xf32> to vector<8x512xf32>
    %min3A_2473 = arith.minimumf %squeeze3A_2472, %squeeze3A_2470 : vector<8x512xf32>
    %gt3A_2474 = arith.constant 0.000000e+00 : f32
    %gt3A_2475 = vector.broadcast %gt3A_2474 : f32 to vector<8x512xf32>
    %gt3A_2476 = arith.cmpf ogt, %min3A_2473, %gt3A_2475 : vector<8x512xf32>
    %sub3A_2477 = arith.subf %squeeze3A_2472, %squeeze3A_2470 : vector<8x512xf32>
    %abs3A_2478 = math.absf %sub3A_2477 : vector<8x512xf32>
    %gt3A_2479 = arith.constant 3.000000e+00 : f32
    %gt3A_2480 = vector.broadcast %gt3A_2479 : f32 to vector<8x512xf32>
    %gt3A_2481 = arith.cmpf ogt, %abs3A_2478, %gt3A_2480 : vector<8x512xf32>
    %jit3A_2482 = arith.constant 65537 : i32
    %jit3A_2483 = arith.constant 1 : i32
    %broadcast_in_dim3A_2484 = vector.broadcast %jit3A_2482 : i32 to vector<8x512xi32>
    %broadcast_in_dim3A_2485 = vector.broadcast %jit3A_2483 : i32 to vector<8x512xi32>
    %select_n3A_2486 = arith.select %gt3A_2481, %broadcast_in_dim3A_2484, %broadcast_in_dim3A_2485 : vector<8x512xi1>, vector<8x512xi32>
    %jit3A_2487 = arith.constant 0 : i32
    %broadcast_in_dim3A_2488 = vector.broadcast %jit3A_2487 : i32 to vector<8x512xi32>
    %select_n3A_2489 = arith.select %gt3A_2476, %select_n3A_2486, %broadcast_in_dim3A_2488 : vector<8x512xi1>, vector<8x512xi32>
    %add3A_2490 = arith.addi %add3A_2446, %select_n3A_2489 : vector<8x512xi32>
    %slice3A_2491 = vector.extract_strided_slice %reshape3A {offsets = [113, 0, 0], sizes = [1, 8, 512], strides = [1, 1, 1]} : vector<128x8x512xf32> to vector<1x8x512xf32>
    %squeeze3A_2492 = vector.shape_cast %slice3A_2491 : vector<1x8x512xf32> to vector<8x512xf32>
    %slice3A_2493 = vector.extract_strided_slice %reshape3A_9 {offsets = [113, 0, 0], sizes = [1, 8, 512], strides = [1, 1, 1]} : vector<128x8x512xf32> to vector<1x8x512xf32>
    %squeeze3A_2494 = vector.shape_cast %slice3A_2493 : vector<1x8x512xf32> to vector<8x512xf32>
    %min3A_2495 = arith.minimumf %squeeze3A_2494, %squeeze3A_2492 : vector<8x512xf32>
    %gt3A_2496 = arith.constant 0.000000e+00 : f32
    %gt3A_2497 = vector.broadcast %gt3A_2496 : f32 to vector<8x512xf32>
    %gt3A_2498 = arith.cmpf ogt, %min3A_2495, %gt3A_2497 : vector<8x512xf32>
    %sub3A_2499 = arith.subf %squeeze3A_2494, %squeeze3A_2492 : vector<8x512xf32>
    %abs3A_2500 = math.absf %sub3A_2499 : vector<8x512xf32>
    %gt3A_2501 = arith.constant 3.000000e+00 : f32
    %gt3A_2502 = vector.broadcast %gt3A_2501 : f32 to vector<8x512xf32>
    %gt3A_2503 = arith.cmpf ogt, %abs3A_2500, %gt3A_2502 : vector<8x512xf32>
    %jit3A_2504 = arith.constant 65537 : i32
    %jit3A_2505 = arith.constant 1 : i32
    %broadcast_in_dim3A_2506 = vector.broadcast %jit3A_2504 : i32 to vector<8x512xi32>
    %broadcast_in_dim3A_2507 = vector.broadcast %jit3A_2505 : i32 to vector<8x512xi32>
    %select_n3A_2508 = arith.select %gt3A_2503, %broadcast_in_dim3A_2506, %broadcast_in_dim3A_2507 : vector<8x512xi1>, vector<8x512xi32>
    %jit3A_2509 = arith.constant 0 : i32
    %broadcast_in_dim3A_2510 = vector.broadcast %jit3A_2509 : i32 to vector<8x512xi32>
    %select_n3A_2511 = arith.select %gt3A_2498, %select_n3A_2508, %broadcast_in_dim3A_2510 : vector<8x512xi1>, vector<8x512xi32>
    %add3A_2512 = arith.addi %add3A_2468, %select_n3A_2511 : vector<8x512xi32>
    %slice3A_2513 = vector.extract_strided_slice %reshape3A {offsets = [114, 0, 0], sizes = [1, 8, 512], strides = [1, 1, 1]} : vector<128x8x512xf32> to vector<1x8x512xf32>
    %squeeze3A_2514 = vector.shape_cast %slice3A_2513 : vector<1x8x512xf32> to vector<8x512xf32>
    %slice3A_2515 = vector.extract_strided_slice %reshape3A_9 {offsets = [114, 0, 0], sizes = [1, 8, 512], strides = [1, 1, 1]} : vector<128x8x512xf32> to vector<1x8x512xf32>
    %squeeze3A_2516 = vector.shape_cast %slice3A_2515 : vector<1x8x512xf32> to vector<8x512xf32>
    %min3A_2517 = arith.minimumf %squeeze3A_2516, %squeeze3A_2514 : vector<8x512xf32>
    %gt3A_2518 = arith.constant 0.000000e+00 : f32
    %gt3A_2519 = vector.broadcast %gt3A_2518 : f32 to vector<8x512xf32>
    %gt3A_2520 = arith.cmpf ogt, %min3A_2517, %gt3A_2519 : vector<8x512xf32>
    %sub3A_2521 = arith.subf %squeeze3A_2516, %squeeze3A_2514 : vector<8x512xf32>
    %abs3A_2522 = math.absf %sub3A_2521 : vector<8x512xf32>
    %gt3A_2523 = arith.constant 3.000000e+00 : f32
    %gt3A_2524 = vector.broadcast %gt3A_2523 : f32 to vector<8x512xf32>
    %gt3A_2525 = arith.cmpf ogt, %abs3A_2522, %gt3A_2524 : vector<8x512xf32>
    %jit3A_2526 = arith.constant 65537 : i32
    %jit3A_2527 = arith.constant 1 : i32
    %broadcast_in_dim3A_2528 = vector.broadcast %jit3A_2526 : i32 to vector<8x512xi32>
    %broadcast_in_dim3A_2529 = vector.broadcast %jit3A_2527 : i32 to vector<8x512xi32>
    %select_n3A_2530 = arith.select %gt3A_2525, %broadcast_in_dim3A_2528, %broadcast_in_dim3A_2529 : vector<8x512xi1>, vector<8x512xi32>
    %jit3A_2531 = arith.constant 0 : i32
    %broadcast_in_dim3A_2532 = vector.broadcast %jit3A_2531 : i32 to vector<8x512xi32>
    %select_n3A_2533 = arith.select %gt3A_2520, %select_n3A_2530, %broadcast_in_dim3A_2532 : vector<8x512xi1>, vector<8x512xi32>
    %add3A_2534 = arith.addi %add3A_2490, %select_n3A_2533 : vector<8x512xi32>
    %slice3A_2535 = vector.extract_strided_slice %reshape3A {offsets = [115, 0, 0], sizes = [1, 8, 512], strides = [1, 1, 1]} : vector<128x8x512xf32> to vector<1x8x512xf32>
    %squeeze3A_2536 = vector.shape_cast %slice3A_2535 : vector<1x8x512xf32> to vector<8x512xf32>
    %slice3A_2537 = vector.extract_strided_slice %reshape3A_9 {offsets = [115, 0, 0], sizes = [1, 8, 512], strides = [1, 1, 1]} : vector<128x8x512xf32> to vector<1x8x512xf32>
    %squeeze3A_2538 = vector.shape_cast %slice3A_2537 : vector<1x8x512xf32> to vector<8x512xf32>
    %min3A_2539 = arith.minimumf %squeeze3A_2538, %squeeze3A_2536 : vector<8x512xf32>
    %gt3A_2540 = arith.constant 0.000000e+00 : f32
    %gt3A_2541 = vector.broadcast %gt3A_2540 : f32 to vector<8x512xf32>
    %gt3A_2542 = arith.cmpf ogt, %min3A_2539, %gt3A_2541 : vector<8x512xf32>
    %sub3A_2543 = arith.subf %squeeze3A_2538, %squeeze3A_2536 : vector<8x512xf32>
    %abs3A_2544 = math.absf %sub3A_2543 : vector<8x512xf32>
    %gt3A_2545 = arith.constant 3.000000e+00 : f32
    %gt3A_2546 = vector.broadcast %gt3A_2545 : f32 to vector<8x512xf32>
    %gt3A_2547 = arith.cmpf ogt, %abs3A_2544, %gt3A_2546 : vector<8x512xf32>
    %jit3A_2548 = arith.constant 65537 : i32
    %jit3A_2549 = arith.constant 1 : i32
    %broadcast_in_dim3A_2550 = vector.broadcast %jit3A_2548 : i32 to vector<8x512xi32>
    %broadcast_in_dim3A_2551 = vector.broadcast %jit3A_2549 : i32 to vector<8x512xi32>
    %select_n3A_2552 = arith.select %gt3A_2547, %broadcast_in_dim3A_2550, %broadcast_in_dim3A_2551 : vector<8x512xi1>, vector<8x512xi32>
    %jit3A_2553 = arith.constant 0 : i32
    %broadcast_in_dim3A_2554 = vector.broadcast %jit3A_2553 : i32 to vector<8x512xi32>
    %select_n3A_2555 = arith.select %gt3A_2542, %select_n3A_2552, %broadcast_in_dim3A_2554 : vector<8x512xi1>, vector<8x512xi32>
    %add3A_2556 = arith.addi %add3A_2512, %select_n3A_2555 : vector<8x512xi32>
    %slice3A_2557 = vector.extract_strided_slice %reshape3A {offsets = [116, 0, 0], sizes = [1, 8, 512], strides = [1, 1, 1]} : vector<128x8x512xf32> to vector<1x8x512xf32>
    %squeeze3A_2558 = vector.shape_cast %slice3A_2557 : vector<1x8x512xf32> to vector<8x512xf32>
    %slice3A_2559 = vector.extract_strided_slice %reshape3A_9 {offsets = [116, 0, 0], sizes = [1, 8, 512], strides = [1, 1, 1]} : vector<128x8x512xf32> to vector<1x8x512xf32>
    %squeeze3A_2560 = vector.shape_cast %slice3A_2559 : vector<1x8x512xf32> to vector<8x512xf32>
    %min3A_2561 = arith.minimumf %squeeze3A_2560, %squeeze3A_2558 : vector<8x512xf32>
    %gt3A_2562 = arith.constant 0.000000e+00 : f32
    %gt3A_2563 = vector.broadcast %gt3A_2562 : f32 to vector<8x512xf32>
    %gt3A_2564 = arith.cmpf ogt, %min3A_2561, %gt3A_2563 : vector<8x512xf32>
    %sub3A_2565 = arith.subf %squeeze3A_2560, %squeeze3A_2558 : vector<8x512xf32>
    %abs3A_2566 = math.absf %sub3A_2565 : vector<8x512xf32>
    %gt3A_2567 = arith.constant 3.000000e+00 : f32
    %gt3A_2568 = vector.broadcast %gt3A_2567 : f32 to vector<8x512xf32>
    %gt3A_2569 = arith.cmpf ogt, %abs3A_2566, %gt3A_2568 : vector<8x512xf32>
    %jit3A_2570 = arith.constant 65537 : i32
    %jit3A_2571 = arith.constant 1 : i32
    %broadcast_in_dim3A_2572 = vector.broadcast %jit3A_2570 : i32 to vector<8x512xi32>
    %broadcast_in_dim3A_2573 = vector.broadcast %jit3A_2571 : i32 to vector<8x512xi32>
    %select_n3A_2574 = arith.select %gt3A_2569, %broadcast_in_dim3A_2572, %broadcast_in_dim3A_2573 : vector<8x512xi1>, vector<8x512xi32>
    %jit3A_2575 = arith.constant 0 : i32
    %broadcast_in_dim3A_2576 = vector.broadcast %jit3A_2575 : i32 to vector<8x512xi32>
    %select_n3A_2577 = arith.select %gt3A_2564, %select_n3A_2574, %broadcast_in_dim3A_2576 : vector<8x512xi1>, vector<8x512xi32>
    %add3A_2578 = arith.addi %add3A_2534, %select_n3A_2577 : vector<8x512xi32>
    %slice3A_2579 = vector.extract_strided_slice %reshape3A {offsets = [117, 0, 0], sizes = [1, 8, 512], strides = [1, 1, 1]} : vector<128x8x512xf32> to vector<1x8x512xf32>
    %squeeze3A_2580 = vector.shape_cast %slice3A_2579 : vector<1x8x512xf32> to vector<8x512xf32>
    %slice3A_2581 = vector.extract_strided_slice %reshape3A_9 {offsets = [117, 0, 0], sizes = [1, 8, 512], strides = [1, 1, 1]} : vector<128x8x512xf32> to vector<1x8x512xf32>
    %squeeze3A_2582 = vector.shape_cast %slice3A_2581 : vector<1x8x512xf32> to vector<8x512xf32>
    %min3A_2583 = arith.minimumf %squeeze3A_2582, %squeeze3A_2580 : vector<8x512xf32>
    %gt3A_2584 = arith.constant 0.000000e+00 : f32
    %gt3A_2585 = vector.broadcast %gt3A_2584 : f32 to vector<8x512xf32>
    %gt3A_2586 = arith.cmpf ogt, %min3A_2583, %gt3A_2585 : vector<8x512xf32>
    %sub3A_2587 = arith.subf %squeeze3A_2582, %squeeze3A_2580 : vector<8x512xf32>
    %abs3A_2588 = math.absf %sub3A_2587 : vector<8x512xf32>
    %gt3A_2589 = arith.constant 3.000000e+00 : f32
    %gt3A_2590 = vector.broadcast %gt3A_2589 : f32 to vector<8x512xf32>
    %gt3A_2591 = arith.cmpf ogt, %abs3A_2588, %gt3A_2590 : vector<8x512xf32>
    %jit3A_2592 = arith.constant 65537 : i32
    %jit3A_2593 = arith.constant 1 : i32
    %broadcast_in_dim3A_2594 = vector.broadcast %jit3A_2592 : i32 to vector<8x512xi32>
    %broadcast_in_dim3A_2595 = vector.broadcast %jit3A_2593 : i32 to vector<8x512xi32>
    %select_n3A_2596 = arith.select %gt3A_2591, %broadcast_in_dim3A_2594, %broadcast_in_dim3A_2595 : vector<8x512xi1>, vector<8x512xi32>
    %jit3A_2597 = arith.constant 0 : i32
    %broadcast_in_dim3A_2598 = vector.broadcast %jit3A_2597 : i32 to vector<8x512xi32>
    %select_n3A_2599 = arith.select %gt3A_2586, %select_n3A_2596, %broadcast_in_dim3A_2598 : vector<8x512xi1>, vector<8x512xi32>
    %add3A_2600 = arith.addi %add3A_2556, %select_n3A_2599 : vector<8x512xi32>
    %slice3A_2601 = vector.extract_strided_slice %reshape3A {offsets = [118, 0, 0], sizes = [1, 8, 512], strides = [1, 1, 1]} : vector<128x8x512xf32> to vector<1x8x512xf32>
    %squeeze3A_2602 = vector.shape_cast %slice3A_2601 : vector<1x8x512xf32> to vector<8x512xf32>
    %slice3A_2603 = vector.extract_strided_slice %reshape3A_9 {offsets = [118, 0, 0], sizes = [1, 8, 512], strides = [1, 1, 1]} : vector<128x8x512xf32> to vector<1x8x512xf32>
    %squeeze3A_2604 = vector.shape_cast %slice3A_2603 : vector<1x8x512xf32> to vector<8x512xf32>
    %min3A_2605 = arith.minimumf %squeeze3A_2604, %squeeze3A_2602 : vector<8x512xf32>
    %gt3A_2606 = arith.constant 0.000000e+00 : f32
    %gt3A_2607 = vector.broadcast %gt3A_2606 : f32 to vector<8x512xf32>
    %gt3A_2608 = arith.cmpf ogt, %min3A_2605, %gt3A_2607 : vector<8x512xf32>
    %sub3A_2609 = arith.subf %squeeze3A_2604, %squeeze3A_2602 : vector<8x512xf32>
    %abs3A_2610 = math.absf %sub3A_2609 : vector<8x512xf32>
    %gt3A_2611 = arith.constant 3.000000e+00 : f32
    %gt3A_2612 = vector.broadcast %gt3A_2611 : f32 to vector<8x512xf32>
    %gt3A_2613 = arith.cmpf ogt, %abs3A_2610, %gt3A_2612 : vector<8x512xf32>
    %jit3A_2614 = arith.constant 65537 : i32
    %jit3A_2615 = arith.constant 1 : i32
    %broadcast_in_dim3A_2616 = vector.broadcast %jit3A_2614 : i32 to vector<8x512xi32>
    %broadcast_in_dim3A_2617 = vector.broadcast %jit3A_2615 : i32 to vector<8x512xi32>
    %select_n3A_2618 = arith.select %gt3A_2613, %broadcast_in_dim3A_2616, %broadcast_in_dim3A_2617 : vector<8x512xi1>, vector<8x512xi32>
    %jit3A_2619 = arith.constant 0 : i32
    %broadcast_in_dim3A_2620 = vector.broadcast %jit3A_2619 : i32 to vector<8x512xi32>
    %select_n3A_2621 = arith.select %gt3A_2608, %select_n3A_2618, %broadcast_in_dim3A_2620 : vector<8x512xi1>, vector<8x512xi32>
    %add3A_2622 = arith.addi %add3A_2578, %select_n3A_2621 : vector<8x512xi32>
    %slice3A_2623 = vector.extract_strided_slice %reshape3A {offsets = [119, 0, 0], sizes = [1, 8, 512], strides = [1, 1, 1]} : vector<128x8x512xf32> to vector<1x8x512xf32>
    %squeeze3A_2624 = vector.shape_cast %slice3A_2623 : vector<1x8x512xf32> to vector<8x512xf32>
    %slice3A_2625 = vector.extract_strided_slice %reshape3A_9 {offsets = [119, 0, 0], sizes = [1, 8, 512], strides = [1, 1, 1]} : vector<128x8x512xf32> to vector<1x8x512xf32>
    %squeeze3A_2626 = vector.shape_cast %slice3A_2625 : vector<1x8x512xf32> to vector<8x512xf32>
    %min3A_2627 = arith.minimumf %squeeze3A_2626, %squeeze3A_2624 : vector<8x512xf32>
    %gt3A_2628 = arith.constant 0.000000e+00 : f32
    %gt3A_2629 = vector.broadcast %gt3A_2628 : f32 to vector<8x512xf32>
    %gt3A_2630 = arith.cmpf ogt, %min3A_2627, %gt3A_2629 : vector<8x512xf32>
    %sub3A_2631 = arith.subf %squeeze3A_2626, %squeeze3A_2624 : vector<8x512xf32>
    %abs3A_2632 = math.absf %sub3A_2631 : vector<8x512xf32>
    %gt3A_2633 = arith.constant 3.000000e+00 : f32
    %gt3A_2634 = vector.broadcast %gt3A_2633 : f32 to vector<8x512xf32>
    %gt3A_2635 = arith.cmpf ogt, %abs3A_2632, %gt3A_2634 : vector<8x512xf32>
    %jit3A_2636 = arith.constant 65537 : i32
    %jit3A_2637 = arith.constant 1 : i32
    %broadcast_in_dim3A_2638 = vector.broadcast %jit3A_2636 : i32 to vector<8x512xi32>
    %broadcast_in_dim3A_2639 = vector.broadcast %jit3A_2637 : i32 to vector<8x512xi32>
    %select_n3A_2640 = arith.select %gt3A_2635, %broadcast_in_dim3A_2638, %broadcast_in_dim3A_2639 : vector<8x512xi1>, vector<8x512xi32>
    %jit3A_2641 = arith.constant 0 : i32
    %broadcast_in_dim3A_2642 = vector.broadcast %jit3A_2641 : i32 to vector<8x512xi32>
    %select_n3A_2643 = arith.select %gt3A_2630, %select_n3A_2640, %broadcast_in_dim3A_2642 : vector<8x512xi1>, vector<8x512xi32>
    %add3A_2644 = arith.addi %add3A_2600, %select_n3A_2643 : vector<8x512xi32>
    %slice3A_2645 = vector.extract_strided_slice %reshape3A {offsets = [120, 0, 0], sizes = [1, 8, 512], strides = [1, 1, 1]} : vector<128x8x512xf32> to vector<1x8x512xf32>
    %squeeze3A_2646 = vector.shape_cast %slice3A_2645 : vector<1x8x512xf32> to vector<8x512xf32>
    %slice3A_2647 = vector.extract_strided_slice %reshape3A_9 {offsets = [120, 0, 0], sizes = [1, 8, 512], strides = [1, 1, 1]} : vector<128x8x512xf32> to vector<1x8x512xf32>
    %squeeze3A_2648 = vector.shape_cast %slice3A_2647 : vector<1x8x512xf32> to vector<8x512xf32>
    %min3A_2649 = arith.minimumf %squeeze3A_2648, %squeeze3A_2646 : vector<8x512xf32>
    %gt3A_2650 = arith.constant 0.000000e+00 : f32
    %gt3A_2651 = vector.broadcast %gt3A_2650 : f32 to vector<8x512xf32>
    %gt3A_2652 = arith.cmpf ogt, %min3A_2649, %gt3A_2651 : vector<8x512xf32>
    %sub3A_2653 = arith.subf %squeeze3A_2648, %squeeze3A_2646 : vector<8x512xf32>
    %abs3A_2654 = math.absf %sub3A_2653 : vector<8x512xf32>
    %gt3A_2655 = arith.constant 3.000000e+00 : f32
    %gt3A_2656 = vector.broadcast %gt3A_2655 : f32 to vector<8x512xf32>
    %gt3A_2657 = arith.cmpf ogt, %abs3A_2654, %gt3A_2656 : vector<8x512xf32>
    %jit3A_2658 = arith.constant 65537 : i32
    %jit3A_2659 = arith.constant 1 : i32
    %broadcast_in_dim3A_2660 = vector.broadcast %jit3A_2658 : i32 to vector<8x512xi32>
    %broadcast_in_dim3A_2661 = vector.broadcast %jit3A_2659 : i32 to vector<8x512xi32>
    %select_n3A_2662 = arith.select %gt3A_2657, %broadcast_in_dim3A_2660, %broadcast_in_dim3A_2661 : vector<8x512xi1>, vector<8x512xi32>
    %jit3A_2663 = arith.constant 0 : i32
    %broadcast_in_dim3A_2664 = vector.broadcast %jit3A_2663 : i32 to vector<8x512xi32>
    %select_n3A_2665 = arith.select %gt3A_2652, %select_n3A_2662, %broadcast_in_dim3A_2664 : vector<8x512xi1>, vector<8x512xi32>
    %add3A_2666 = arith.addi %add3A_2622, %select_n3A_2665 : vector<8x512xi32>
    %slice3A_2667 = vector.extract_strided_slice %reshape3A {offsets = [121, 0, 0], sizes = [1, 8, 512], strides = [1, 1, 1]} : vector<128x8x512xf32> to vector<1x8x512xf32>
    %squeeze3A_2668 = vector.shape_cast %slice3A_2667 : vector<1x8x512xf32> to vector<8x512xf32>
    %slice3A_2669 = vector.extract_strided_slice %reshape3A_9 {offsets = [121, 0, 0], sizes = [1, 8, 512], strides = [1, 1, 1]} : vector<128x8x512xf32> to vector<1x8x512xf32>
    %squeeze3A_2670 = vector.shape_cast %slice3A_2669 : vector<1x8x512xf32> to vector<8x512xf32>
    %min3A_2671 = arith.minimumf %squeeze3A_2670, %squeeze3A_2668 : vector<8x512xf32>
    %gt3A_2672 = arith.constant 0.000000e+00 : f32
    %gt3A_2673 = vector.broadcast %gt3A_2672 : f32 to vector<8x512xf32>
    %gt3A_2674 = arith.cmpf ogt, %min3A_2671, %gt3A_2673 : vector<8x512xf32>
    %sub3A_2675 = arith.subf %squeeze3A_2670, %squeeze3A_2668 : vector<8x512xf32>
    %abs3A_2676 = math.absf %sub3A_2675 : vector<8x512xf32>
    %gt3A_2677 = arith.constant 3.000000e+00 : f32
    %gt3A_2678 = vector.broadcast %gt3A_2677 : f32 to vector<8x512xf32>
    %gt3A_2679 = arith.cmpf ogt, %abs3A_2676, %gt3A_2678 : vector<8x512xf32>
    %jit3A_2680 = arith.constant 65537 : i32
    %jit3A_2681 = arith.constant 1 : i32
    %broadcast_in_dim3A_2682 = vector.broadcast %jit3A_2680 : i32 to vector<8x512xi32>
    %broadcast_in_dim3A_2683 = vector.broadcast %jit3A_2681 : i32 to vector<8x512xi32>
    %select_n3A_2684 = arith.select %gt3A_2679, %broadcast_in_dim3A_2682, %broadcast_in_dim3A_2683 : vector<8x512xi1>, vector<8x512xi32>
    %jit3A_2685 = arith.constant 0 : i32
    %broadcast_in_dim3A_2686 = vector.broadcast %jit3A_2685 : i32 to vector<8x512xi32>
    %select_n3A_2687 = arith.select %gt3A_2674, %select_n3A_2684, %broadcast_in_dim3A_2686 : vector<8x512xi1>, vector<8x512xi32>
    %add3A_2688 = arith.addi %add3A_2644, %select_n3A_2687 : vector<8x512xi32>
    %slice3A_2689 = vector.extract_strided_slice %reshape3A {offsets = [122, 0, 0], sizes = [1, 8, 512], strides = [1, 1, 1]} : vector<128x8x512xf32> to vector<1x8x512xf32>
    %squeeze3A_2690 = vector.shape_cast %slice3A_2689 : vector<1x8x512xf32> to vector<8x512xf32>
    %slice3A_2691 = vector.extract_strided_slice %reshape3A_9 {offsets = [122, 0, 0], sizes = [1, 8, 512], strides = [1, 1, 1]} : vector<128x8x512xf32> to vector<1x8x512xf32>
    %squeeze3A_2692 = vector.shape_cast %slice3A_2691 : vector<1x8x512xf32> to vector<8x512xf32>
    %min3A_2693 = arith.minimumf %squeeze3A_2692, %squeeze3A_2690 : vector<8x512xf32>
    %gt3A_2694 = arith.constant 0.000000e+00 : f32
    %gt3A_2695 = vector.broadcast %gt3A_2694 : f32 to vector<8x512xf32>
    %gt3A_2696 = arith.cmpf ogt, %min3A_2693, %gt3A_2695 : vector<8x512xf32>
    %sub3A_2697 = arith.subf %squeeze3A_2692, %squeeze3A_2690 : vector<8x512xf32>
    %abs3A_2698 = math.absf %sub3A_2697 : vector<8x512xf32>
    %gt3A_2699 = arith.constant 3.000000e+00 : f32
    %gt3A_2700 = vector.broadcast %gt3A_2699 : f32 to vector<8x512xf32>
    %gt3A_2701 = arith.cmpf ogt, %abs3A_2698, %gt3A_2700 : vector<8x512xf32>
    %jit3A_2702 = arith.constant 65537 : i32
    %jit3A_2703 = arith.constant 1 : i32
    %broadcast_in_dim3A_2704 = vector.broadcast %jit3A_2702 : i32 to vector<8x512xi32>
    %broadcast_in_dim3A_2705 = vector.broadcast %jit3A_2703 : i32 to vector<8x512xi32>
    %select_n3A_2706 = arith.select %gt3A_2701, %broadcast_in_dim3A_2704, %broadcast_in_dim3A_2705 : vector<8x512xi1>, vector<8x512xi32>
    %jit3A_2707 = arith.constant 0 : i32
    %broadcast_in_dim3A_2708 = vector.broadcast %jit3A_2707 : i32 to vector<8x512xi32>
    %select_n3A_2709 = arith.select %gt3A_2696, %select_n3A_2706, %broadcast_in_dim3A_2708 : vector<8x512xi1>, vector<8x512xi32>
    %add3A_2710 = arith.addi %add3A_2666, %select_n3A_2709 : vector<8x512xi32>
    %slice3A_2711 = vector.extract_strided_slice %reshape3A {offsets = [123, 0, 0], sizes = [1, 8, 512], strides = [1, 1, 1]} : vector<128x8x512xf32> to vector<1x8x512xf32>
    %squeeze3A_2712 = vector.shape_cast %slice3A_2711 : vector<1x8x512xf32> to vector<8x512xf32>
    %slice3A_2713 = vector.extract_strided_slice %reshape3A_9 {offsets = [123, 0, 0], sizes = [1, 8, 512], strides = [1, 1, 1]} : vector<128x8x512xf32> to vector<1x8x512xf32>
    %squeeze3A_2714 = vector.shape_cast %slice3A_2713 : vector<1x8x512xf32> to vector<8x512xf32>
    %min3A_2715 = arith.minimumf %squeeze3A_2714, %squeeze3A_2712 : vector<8x512xf32>
    %gt3A_2716 = arith.constant 0.000000e+00 : f32
    %gt3A_2717 = vector.broadcast %gt3A_2716 : f32 to vector<8x512xf32>
    %gt3A_2718 = arith.cmpf ogt, %min3A_2715, %gt3A_2717 : vector<8x512xf32>
    %sub3A_2719 = arith.subf %squeeze3A_2714, %squeeze3A_2712 : vector<8x512xf32>
    %abs3A_2720 = math.absf %sub3A_2719 : vector<8x512xf32>
    %gt3A_2721 = arith.constant 3.000000e+00 : f32
    %gt3A_2722 = vector.broadcast %gt3A_2721 : f32 to vector<8x512xf32>
    %gt3A_2723 = arith.cmpf ogt, %abs3A_2720, %gt3A_2722 : vector<8x512xf32>
    %jit3A_2724 = arith.constant 65537 : i32
    %jit3A_2725 = arith.constant 1 : i32
    %broadcast_in_dim3A_2726 = vector.broadcast %jit3A_2724 : i32 to vector<8x512xi32>
    %broadcast_in_dim3A_2727 = vector.broadcast %jit3A_2725 : i32 to vector<8x512xi32>
    %select_n3A_2728 = arith.select %gt3A_2723, %broadcast_in_dim3A_2726, %broadcast_in_dim3A_2727 : vector<8x512xi1>, vector<8x512xi32>
    %jit3A_2729 = arith.constant 0 : i32
    %broadcast_in_dim3A_2730 = vector.broadcast %jit3A_2729 : i32 to vector<8x512xi32>
    %select_n3A_2731 = arith.select %gt3A_2718, %select_n3A_2728, %broadcast_in_dim3A_2730 : vector<8x512xi1>, vector<8x512xi32>
    %add3A_2732 = arith.addi %add3A_2688, %select_n3A_2731 : vector<8x512xi32>
    %slice3A_2733 = vector.extract_strided_slice %reshape3A {offsets = [124, 0, 0], sizes = [1, 8, 512], strides = [1, 1, 1]} : vector<128x8x512xf32> to vector<1x8x512xf32>
    %squeeze3A_2734 = vector.shape_cast %slice3A_2733 : vector<1x8x512xf32> to vector<8x512xf32>
    %slice3A_2735 = vector.extract_strided_slice %reshape3A_9 {offsets = [124, 0, 0], sizes = [1, 8, 512], strides = [1, 1, 1]} : vector<128x8x512xf32> to vector<1x8x512xf32>
    %squeeze3A_2736 = vector.shape_cast %slice3A_2735 : vector<1x8x512xf32> to vector<8x512xf32>
    %min3A_2737 = arith.minimumf %squeeze3A_2736, %squeeze3A_2734 : vector<8x512xf32>
    %gt3A_2738 = arith.constant 0.000000e+00 : f32
    %gt3A_2739 = vector.broadcast %gt3A_2738 : f32 to vector<8x512xf32>
    %gt3A_2740 = arith.cmpf ogt, %min3A_2737, %gt3A_2739 : vector<8x512xf32>
    %sub3A_2741 = arith.subf %squeeze3A_2736, %squeeze3A_2734 : vector<8x512xf32>
    %abs3A_2742 = math.absf %sub3A_2741 : vector<8x512xf32>
    %gt3A_2743 = arith.constant 3.000000e+00 : f32
    %gt3A_2744 = vector.broadcast %gt3A_2743 : f32 to vector<8x512xf32>
    %gt3A_2745 = arith.cmpf ogt, %abs3A_2742, %gt3A_2744 : vector<8x512xf32>
    %jit3A_2746 = arith.constant 65537 : i32
    %jit3A_2747 = arith.constant 1 : i32
    %broadcast_in_dim3A_2748 = vector.broadcast %jit3A_2746 : i32 to vector<8x512xi32>
    %broadcast_in_dim3A_2749 = vector.broadcast %jit3A_2747 : i32 to vector<8x512xi32>
    %select_n3A_2750 = arith.select %gt3A_2745, %broadcast_in_dim3A_2748, %broadcast_in_dim3A_2749 : vector<8x512xi1>, vector<8x512xi32>
    %jit3A_2751 = arith.constant 0 : i32
    %broadcast_in_dim3A_2752 = vector.broadcast %jit3A_2751 : i32 to vector<8x512xi32>
    %select_n3A_2753 = arith.select %gt3A_2740, %select_n3A_2750, %broadcast_in_dim3A_2752 : vector<8x512xi1>, vector<8x512xi32>
    %add3A_2754 = arith.addi %add3A_2710, %select_n3A_2753 : vector<8x512xi32>
    %slice3A_2755 = vector.extract_strided_slice %reshape3A {offsets = [125, 0, 0], sizes = [1, 8, 512], strides = [1, 1, 1]} : vector<128x8x512xf32> to vector<1x8x512xf32>
    %squeeze3A_2756 = vector.shape_cast %slice3A_2755 : vector<1x8x512xf32> to vector<8x512xf32>
    %slice3A_2757 = vector.extract_strided_slice %reshape3A_9 {offsets = [125, 0, 0], sizes = [1, 8, 512], strides = [1, 1, 1]} : vector<128x8x512xf32> to vector<1x8x512xf32>
    %squeeze3A_2758 = vector.shape_cast %slice3A_2757 : vector<1x8x512xf32> to vector<8x512xf32>
    %min3A_2759 = arith.minimumf %squeeze3A_2758, %squeeze3A_2756 : vector<8x512xf32>
    %gt3A_2760 = arith.constant 0.000000e+00 : f32
    %gt3A_2761 = vector.broadcast %gt3A_2760 : f32 to vector<8x512xf32>
    %gt3A_2762 = arith.cmpf ogt, %min3A_2759, %gt3A_2761 : vector<8x512xf32>
    %sub3A_2763 = arith.subf %squeeze3A_2758, %squeeze3A_2756 : vector<8x512xf32>
    %abs3A_2764 = math.absf %sub3A_2763 : vector<8x512xf32>
    %gt3A_2765 = arith.constant 3.000000e+00 : f32
    %gt3A_2766 = vector.broadcast %gt3A_2765 : f32 to vector<8x512xf32>
    %gt3A_2767 = arith.cmpf ogt, %abs3A_2764, %gt3A_2766 : vector<8x512xf32>
    %jit3A_2768 = arith.constant 65537 : i32
    %jit3A_2769 = arith.constant 1 : i32
    %broadcast_in_dim3A_2770 = vector.broadcast %jit3A_2768 : i32 to vector<8x512xi32>
    %broadcast_in_dim3A_2771 = vector.broadcast %jit3A_2769 : i32 to vector<8x512xi32>
    %select_n3A_2772 = arith.select %gt3A_2767, %broadcast_in_dim3A_2770, %broadcast_in_dim3A_2771 : vector<8x512xi1>, vector<8x512xi32>
    %jit3A_2773 = arith.constant 0 : i32
    %broadcast_in_dim3A_2774 = vector.broadcast %jit3A_2773 : i32 to vector<8x512xi32>
    %select_n3A_2775 = arith.select %gt3A_2762, %select_n3A_2772, %broadcast_in_dim3A_2774 : vector<8x512xi1>, vector<8x512xi32>
    %add3A_2776 = arith.addi %add3A_2732, %select_n3A_2775 : vector<8x512xi32>
    %slice3A_2777 = vector.extract_strided_slice %reshape3A {offsets = [126, 0, 0], sizes = [1, 8, 512], strides = [1, 1, 1]} : vector<128x8x512xf32> to vector<1x8x512xf32>
    %squeeze3A_2778 = vector.shape_cast %slice3A_2777 : vector<1x8x512xf32> to vector<8x512xf32>
    %slice3A_2779 = vector.extract_strided_slice %reshape3A_9 {offsets = [126, 0, 0], sizes = [1, 8, 512], strides = [1, 1, 1]} : vector<128x8x512xf32> to vector<1x8x512xf32>
    %squeeze3A_2780 = vector.shape_cast %slice3A_2779 : vector<1x8x512xf32> to vector<8x512xf32>
    %min3A_2781 = arith.minimumf %squeeze3A_2780, %squeeze3A_2778 : vector<8x512xf32>
    %gt3A_2782 = arith.constant 0.000000e+00 : f32
    %gt3A_2783 = vector.broadcast %gt3A_2782 : f32 to vector<8x512xf32>
    %gt3A_2784 = arith.cmpf ogt, %min3A_2781, %gt3A_2783 : vector<8x512xf32>
    %sub3A_2785 = arith.subf %squeeze3A_2780, %squeeze3A_2778 : vector<8x512xf32>
    %abs3A_2786 = math.absf %sub3A_2785 : vector<8x512xf32>
    %gt3A_2787 = arith.constant 3.000000e+00 : f32
    %gt3A_2788 = vector.broadcast %gt3A_2787 : f32 to vector<8x512xf32>
    %gt3A_2789 = arith.cmpf ogt, %abs3A_2786, %gt3A_2788 : vector<8x512xf32>
    %jit3A_2790 = arith.constant 65537 : i32
    %jit3A_2791 = arith.constant 1 : i32
    %broadcast_in_dim3A_2792 = vector.broadcast %jit3A_2790 : i32 to vector<8x512xi32>
    %broadcast_in_dim3A_2793 = vector.broadcast %jit3A_2791 : i32 to vector<8x512xi32>
    %select_n3A_2794 = arith.select %gt3A_2789, %broadcast_in_dim3A_2792, %broadcast_in_dim3A_2793 : vector<8x512xi1>, vector<8x512xi32>
    %jit3A_2795 = arith.constant 0 : i32
    %broadcast_in_dim3A_2796 = vector.broadcast %jit3A_2795 : i32 to vector<8x512xi32>
    %select_n3A_2797 = arith.select %gt3A_2784, %select_n3A_2794, %broadcast_in_dim3A_2796 : vector<8x512xi1>, vector<8x512xi32>
    %add3A_2798 = arith.addi %add3A_2754, %select_n3A_2797 : vector<8x512xi32>
    %slice3A_2799 = vector.extract_strided_slice %reshape3A {offsets = [127, 0, 0], sizes = [1, 8, 512], strides = [1, 1, 1]} : vector<128x8x512xf32> to vector<1x8x512xf32>
    %squeeze3A_2800 = vector.shape_cast %slice3A_2799 : vector<1x8x512xf32> to vector<8x512xf32>
    %slice3A_2801 = vector.extract_strided_slice %reshape3A_9 {offsets = [127, 0, 0], sizes = [1, 8, 512], strides = [1, 1, 1]} : vector<128x8x512xf32> to vector<1x8x512xf32>
    %squeeze3A_2802 = vector.shape_cast %slice3A_2801 : vector<1x8x512xf32> to vector<8x512xf32>
    %min3A_2803 = arith.minimumf %squeeze3A_2802, %squeeze3A_2800 : vector<8x512xf32>
    %gt3A_2804 = arith.constant 0.000000e+00 : f32
    %gt3A_2805 = vector.broadcast %gt3A_2804 : f32 to vector<8x512xf32>
    %gt3A_2806 = arith.cmpf ogt, %min3A_2803, %gt3A_2805 : vector<8x512xf32>
    %sub3A_2807 = arith.subf %squeeze3A_2802, %squeeze3A_2800 : vector<8x512xf32>
    %abs3A_2808 = math.absf %sub3A_2807 : vector<8x512xf32>
    %gt3A_2809 = arith.constant 3.000000e+00 : f32
    %gt3A_2810 = vector.broadcast %gt3A_2809 : f32 to vector<8x512xf32>
    %gt3A_2811 = arith.cmpf ogt, %abs3A_2808, %gt3A_2810 : vector<8x512xf32>
    %jit3A_2812 = arith.constant 65537 : i32
    %jit3A_2813 = arith.constant 1 : i32
    %broadcast_in_dim3A_2814 = vector.broadcast %jit3A_2812 : i32 to vector<8x512xi32>
    %broadcast_in_dim3A_2815 = vector.broadcast %jit3A_2813 : i32 to vector<8x512xi32>
    %select_n3A_2816 = arith.select %gt3A_2811, %broadcast_in_dim3A_2814, %broadcast_in_dim3A_2815 : vector<8x512xi1>, vector<8x512xi32>
    %jit3A_2817 = arith.constant 0 : i32
    %broadcast_in_dim3A_2818 = vector.broadcast %jit3A_2817 : i32 to vector<8x512xi32>
    %select_n3A_2819 = arith.select %gt3A_2806, %select_n3A_2816, %broadcast_in_dim3A_2818 : vector<8x512xi1>, vector<8x512xi32>
    %add3A_2820 = arith.addi %add3A_2776, %select_n3A_2819 : vector<8x512xi32>
    %add3A_2821 = arith.addi %add3A_2798, %add3A_2820 : vector<8x512xi32>
    %swap3A = arith.constant 0 : index
    %swap3A_2822 = arith.constant 0 : index
    %swap3A_2823 = vector.load %arg4[%swap3A, %swap3A_2822] : memref<8x512xi32, #tpu.memory_space<vmem>>, vector<8x512xi32>
    tpu.vector_store %arg4[%swap3A, %swap3A_2822], %add3A_2821 {strides = array<i32>} : memref<8x512xi32, #tpu.memory_space<vmem>>, vector<8x512xi32>,
    %eq3A_2824 = arith.constant 10 : i32
    %eq3A_2825 = arith.cmpi eq, %arg0, %eq3A_2824 : i32
    %convert_element_type3A_2826 = arith.extui %eq3A_2825 : i1 to i32
    %cond3A_2827 = arith.constant 0 : i32
    %cond3A_2828 = arith.cmpi ne, %convert_element_type3A_2826, %cond3A_2827 : i32
    scf.if %cond3A_2828 {
      %get3A_2829 = arith.constant 0 : index
      %get3A_2830 = arith.constant 0 : index
      %get3A_2831 = vector.load %arg4[%get3A_2829, %get3A_2830] : memref<8x512xi32, #tpu.memory_space<vmem>>, vector<8x512xi32>
      %and3A = arith.constant 65535 : i32
      %and3A_2832 = vector.broadcast %and3A : i32 to vector<8x512xi32>
      %and3A_2833 = arith.andi %get3A_2831, %and3A_2832 : vector<8x512xi32>
      %convert_element_type3A_2834 = arith.sitofp %and3A_2833 : vector<8x512xi32> to vector<8x512xf32>
      %reduce_sum3A = vector.shape_cast %convert_element_type3A_2834 : vector<8x512xf32> to vector<1x8x512xf32>
      %reduce_sum3A_2835 = arith.constant dense<0.000000e+00> : vector<1xf32>
      %reduce_sum3A_2836 = vector.multi_reduction <add>, %reduce_sum3A, %reduce_sum3A_2835 [1, 2] : vector<1x8x512xf32> to vector<1xf32>
      %reduce_sum3A_2837 = vector.shape_cast %reduce_sum3A_2836 : vector<1xf32> to vector<1x1x1xf32>
      %reduce_sum3A_2838 = vector.extract %reduce_sum3A_2837[0, 0, 0] : f32 from vector<1x1x1xf32>
      %swap3A_2839 = arith.constant 0 : index
      %swap3A_2840 = arith.constant 0 : index
      %swap3A_2841 = memref.load %arg3[%swap3A_2839, %swap3A_2840] : memref<1x2xf32, #tpu.memory_space<smem>>
      memref.store %reduce_sum3A_2838, %arg3[%swap3A_2839, %swap3A_2840] : memref<1x2xf32, #tpu.memory_space<smem>>
      %shift_right_arithmetic3A = arith.constant 16 : i32
      %shift_right_arithmetic3A_2842 = vector.broadcast %shift_right_arithmetic3A : i32 to vector<8x512xi32>
      %shift_right_arithmetic3A_2843 = arith.shrsi %get3A_2831, %shift_right_arithmetic3A_2842 : vector<8x512xi32>
      %convert_element_type3A_2844 = arith.sitofp %shift_right_arithmetic3A_2843 : vector<8x512xi32> to vector<8x512xf32>
      %reduce_sum3A_2845 = vector.shape_cast %convert_element_type3A_2844 : vector<8x512xf32> to vector<1x8x512xf32>
      %reduce_sum3A_2846 = arith.constant dense<0.000000e+00> : vector<1xf32>
      %reduce_sum3A_2847 = vector.multi_reduction <add>, %reduce_sum3A_2845, %reduce_sum3A_2846 [1, 2] : vector<1x8x512xf32> to vector<1xf32>
      %reduce_sum3A_2848 = vector.shape_cast %reduce_sum3A_2847 : vector<1xf32> to vector<1x1x1xf32>
      %reduce_sum3A_2849 = vector.extract %reduce_sum3A_2848[0, 0, 0] : f32 from vector<1x1x1xf32>
      %swap3A_2850 = arith.constant 0 : index
      %swap3A_2851 = arith.constant 1 : index
      %swap3A_2852 = memref.load %arg3[%swap3A_2850, %swap3A_2851] : memref<1x2xf32, #tpu.memory_space<smem>>
      memref.store %reduce_sum3A_2849, %arg3[%swap3A_2850, %swap3A_2851] : memref<1x2xf32, #tpu.memory_space<smem>>
    } else {
    }
    return
  }
  func.func @transform_0(%arg0: i32) -> (i32, i32, i32) {
    %add3A = arith.constant 5 : i32
    %add3A_0 = arith.addi %add3A, %arg0 : i32
    %c0_i32 = arith.constant 0 : i32
    %c0_i32_1 = arith.constant 0 : i32
    %c0_i32_2 = arith.constant 0 : i32
    return %add3A_0, %c0_i32, %c0_i32_1 : i32, i32, i32
  }
  func.func @transform_1(%arg0: i32) -> (i32, i32, i32) {
    %add3A = arith.constant 5 : i32
    %add3A_0 = arith.addi %add3A, %arg0 : i32
    %c0_i32 = arith.constant 0 : i32
    %c0_i32_1 = arith.constant 0 : i32
    %c0_i32_2 = arith.constant 0 : i32
    return %add3A_0, %c0_i32, %c0_i32_1 : i32, i32, i32
  }
  func.func @transform_2(%arg0: i32) -> (i32, i32) {
    %c0_i32 = arith.constant 0 : i32
    %c0_i32_0 = arith.constant 0 : i32
    %c0_i32_1 = arith.constant 0 : i32
    return %c0_i32, %c0_i32_0 : i32, i32
  }
}

</mosaic_0001>

<sc_bundles>
// kernel: kernel.5.cloned.1.call-start
scs
__scs_entry_jumppad:
0x0: {  	(pc) =	sbr.rel $0x88, $3  }
0x1: {  	(tag) =	ssettag $0x0;
	lr =	simm.s32 $0x1  }
0x2: {  	[smem:$0x3F9F] =	sst lr;
	_ =	strace $0xD0000000  }
0x3: {  	_ = 	snop  }
0x4: {  	_ = 	snop  }
0x5: {  	_ = 	snop  }
0x6: {  	_ = 	snop  }
0x7: {  	_ = 	snop  }
__scs_overlays_trampoline_lowered:
0x8: {  	[smem:$0x3FAE] =	sst s0  }
0x9: {  	[smem:$0x3FAF] =	sst s1  }
0xa: {  	[smem:$0x3FB0] =	sst s2  }
0xb: {  	[smem:$0x3FB1] =	sst s3  }
0xc: {  	[smem:$0x3FB2] =	sst s4  }
0xd: {  	[smem:$0x3FB3] =	sst s5  }
0xe: {  	[smem:$0x3FB4] =	sst s6  }
0xf: {  	[smem:$0x3FB5] =	sst s7  }
0x10: {  	[smem:$0x3FB6] =	sst s8  }
0x11: {  	[smem:$0x3FB7] =	sst s9;
	s0 =	simm.s32 @!p0 $0x0  }
0x12: {  	s1 =	sld [smem:$0x3F9D];
	s0 =	simm.s32 @p0 $0x1  }
0x13: {  	[smem:$0x3FB8] =	sst s0;
	s0 =	simm.s32 @!p1 $0x0  }
0x14: {  	s2 =	sld [smem:$0x3F9C];
	s0 =	simm.s32 @p1 $0x1  }
0x15: {  	[smem:$0x3FB9] =	sst s0;
	s0 =	simm.s32 @!p2 $0x0  }
0x16: {  	s3 =	sld [smem:$0x3FDB];
	s0 =	simm.s32 @p2 $0x1  }
0x17: {  	s4 =	simm.s32 $0x1BF5;
	[smem:$0x3FBB] =	sst s0  }
0x18: {  	s0 =	sld [smem:$0x3F9E];
	_ =	swait.ge [sflag:s4], $0x0  }
0x19: {  	s7 =	sld [smem:$0x3F9F]  }
0x1a: {  	s8 =	sadd.s32 $0xFFFFE003, lr  }
0x1b: {  	s9 =	sadd.s32 $0xFFFFFEF7, lr;
	s5 =	simm.s32 $0xFFFFFFFF;
	p2 =	slt.u32 s8, $0xFFFFF086  }
0x1c: {  	p1 =	slt.u32 s9, $0xF7A;
	s5 =	simm.s32 @!p2 $0x0  }
0x1d: {  	s5 =	simm.s32 @p1 $0x1;
	p0 =	seq.s32 s7, s2  }
0x1e: {  	s7 =	smul.u32 @!p0 $0xF7A, s2;
	p2 =	seq.s32 @!p0 s5, $0x0  }
0x1f: {  	s9 =	smul.u32 $0xF7A, s1;
	s8 =	simm.s32 @!p0 $0x1BF5;
	p2 =	por !p2, p0  }
0x20: {  	[sflag:s8] =	ssyncset.s32 @!p0 $0xFFFFF086;
	s6 =	sadd.s32 @!p0 s3, s7;
	s7 =	simm.s32 @!p0 $0x108  }
0x21: {  	s3 =	sadd.s32 s3, s9;
	s6 =	sadd.s32 @!p0 $0x88, s6;
	s7 =	simm.s32 @p2 $0x1082  }
0x22: {  	[simem:s7], [sflag:s8] =	dma.local @!p0 [hbm:s6], $0xF7A  }
0x23: {  	s9 =	sor.u32 $0xD0000000, s2;
	s6 =	simm.s32 $0x108;
	_ =	swait.ge @!p0 [sflag:s8], $0x0  }
0x24: {  	s3 =	sadd.s32 $0x88, s3;
	s6 =	simm.s32 @!p1 $0x1082;
	[sflag:s4] =	ssyncset.s32 $0xFFFFF086  }
0x25: {  	[simem:s6], [sflag:s4] =	dma.local [hbm:s3], $0xF7A  }
0x26: {  	[smem:$0x3F9F] =	sst s1;
	(tag) =	ssettag s2;
	_ =	strace s9  }
0x27: {  	s1 =	sld [smem:$0x3FAF]  }
0x28: {  	s2 =	sld [smem:$0x3FB0]  }
0x29: {  	s4 =	sld [smem:$0x3FB2]  }
0x2a: {  	p0 =	seq.s32 s5, $0x0;
	s5 =	sld [smem:$0x3FB3]  }
0x2b: {  	s6 =	sld [smem:$0x3FB4]  }
0x2c: {  	s7 =	sld [smem:$0x3FB5]  }
0x2d: {  	s3 =	simm.s32 $0x108;
	s8 =	sld [smem:$0x3FB6]  }
0x2e: {  	s3 =	simm.s32 @!p0 $0x1082;
	s9 =	sld [smem:$0x3FB7]  }
0x2f: {  	lr =	sadd.s32 s0, s3;
	s0 =	sld [smem:$0x3FAE]  }
0x30: {  	s3 =	sld [smem:$0x3FB1]  }
0x31: {  	[smem:$0x3FBA] =	sst s10  }
0x32: {  	s10 =	sld [smem:$0x3FB8];
	_ =	sdelay $0x3  }
0x33: {  	p0 =	seq.s32 s10, $0x1;
	s10 =	sld [smem:$0x3FBA];
	_ =	sdelay $0x3  }
0x34: {  	[smem:$0x3FBA] =	sst s10  }
0x35: {  	s10 =	sld [smem:$0x3FB9];
	_ =	sdelay $0x3  }
0x36: {  	p1 =	seq.s32 s10, $0x1;
	s10 =	sld [smem:$0x3FBA];
	_ =	sdelay $0x3  }
0x37: {  	[smem:$0x3FBA] =	sst s10  }
0x38: {  	s10 =	sld [smem:$0x3FBB]  }
0x39: {  	_ = 	snop;
	(pc) =	sbr.ind lr, $3  }
0x3a: {  	_ = 	snop  }
0x3b: {  	_ = 	snop  }
0x3c: {  	p2 =	seq.s32 s10, $0x1;
	s10 =	sld [smem:$0x3FBA]  }
0x3d: {  	_ =	shalt  }
0x3e: {  	_ =	shalt  }
0x3f: {  	_ =	shalt  }
0x40: {  	_ =	shalt  }
0x41: {  	_ =	shalt  }
0x42: {  	_ =	shalt  }
0x43: {  	_ =	shalt  }
0x44: {  	_ =	shalt  }
0x45: {  	_ =	shalt  }
0x46: {  	_ =	shalt  }
0x47: {  	_ =	shalt  }
0x48: {  	_ =	shalt  }
0x49: {  	_ =	shalt  }
0x4a: {  	_ =	shalt  }
0x4b: {  	_ =	shalt  }
0x4c: {  	_ =	shalt  }
0x4d: {  	_ =	shalt  }
0x4e: {  	_ =	shalt  }
0x4f: {  	_ =	shalt  }
0x50: {  	_ =	shalt  }
0x51: {  	_ =	shalt  }
0x52: {  	_ =	shalt  }
0x53: {  	_ =	shalt  }
0x54: {  	_ =	shalt  }
0x55: {  	_ =	shalt  }
0x56: {  	_ =	shalt  }
0x57: {  	_ =	shalt  }
0x58: {  	_ =	shalt  }
0x59: {  	_ =	shalt  }
0x5a: {  	_ =	shalt  }
0x5b: {  	_ =	shalt  }
0x5c: {  	_ =	shalt  }
0x5d: {  	_ =	shalt  }
0x5e: {  	_ =	shalt  }
0x5f: {  	_ =	shalt  }
0x60: {  	_ =	shalt  }
0x61: {  	_ =	shalt  }
0x62: {  	_ =	shalt  }
0x63: {  	_ =	shalt  }
0x64: {  	_ =	shalt  }
0x65: {  	_ =	shalt  }
0x66: {  	_ =	shalt  }
0x67: {  	_ =	shalt  }
0x68: {  	_ =	shalt  }
0x69: {  	_ =	shalt  }
0x6a: {  	_ =	shalt  }
0x6b: {  	_ =	shalt  }
0x6c: {  	_ =	shalt  }
0x6d: {  	_ =	shalt  }
0x6e: {  	_ =	shalt  }
0x6f: {  	_ =	shalt  }
0x70: {  	_ =	shalt  }
0x71: {  	_ =	shalt  }
0x72: {  	_ =	shalt  }
0x73: {  	_ =	shalt  }
0x74: {  	_ =	shalt  }
0x75: {  	_ =	shalt  }
0x76: {  	_ =	shalt  }
0x77: {  	_ =	shalt  }
0x78: {  	_ =	shalt  }
0x79: {  	_ =	shalt  }
0x7a: {  	_ =	shalt  }
0x7b: {  	_ =	shalt  }
0x7c: {  	_ =	shalt  }
0x7d: {  	_ =	shalt  }
0x7e: {  	_ =	shalt  }
0x7f: {  	_ =	shalt  }
0x80: {  	_ =	shalt  }
0x81: {  	_ =	shalt  }
0x82: {  	_ =	shalt  }
0x83: {  	_ =	shalt  }
0x84: {  	_ =	shalt  }
0x85: {  	_ =	shalt  }
0x86: {  	_ =	shalt  }
0x87: {  	_ =	shalt  }
.Lfunc_end0:
.L_simem_size_0:
called_computation_lowered:
.L_overlay_start_0:
0x88: {  	s2 =	sld [smem:$0x3FD9]  }
0x89: {  	s3 =	sld [smem:$0x3FFE];
	_ =	sdelay $0x1  }
0x8a: {  	s1 =	srdreg.scid  }
0x8b: {  	s0 =	sand.u32 $0x1, s1  }
0x8c: {  	s17 =	sshll.u32 s0, $0xA;
	s2 =	sadd.s32 s3, s2  }
0x8d: {  	s2 =	sadd.s32 s2, s17  }
0x8e: {  	[smem:$0x3FC6] =	sst s2  }
0x8f: {  	_ = 	snop  }
0x90: {  	s2 =	sld [smem:$0x3FC9]  }
0x91: {  	s18 =	sld [smem:$0x3FC8];
	(tm) =	ssettm $0x1  }
0x92: {  	s4 =	sld [smem:$0x3FFB];
	_ =	sdelay $0x3  }
0x93: {  	_ =	strace s4  }
0x94: {  	s4 =	sld [smem:$0x3FFC];
	_ =	sdelay $0x3  }
0x95: {  	_ =	strace s4  }
0x96: {  	s4 =	sld [smem:$0x3FFD];
	_ =	sdelay $0x3  }
0x97: {  	_ =	strace s4  }
0x98: {  	_ =	strace $0x8FFFFFFF  }
0x99: {  	s19 =	sld [smem:$0x3FDB];
	_ =	sdelay $0x1  }
0x9a: {  	s5 =	simm.s32 $_scs_section_size  }
0x9b: {  	s6 =	simm.s32 $_size__tile_overlayer_lowered;
	s7 =	simm.s32 $_tile_overlayer_lowered  }
0x9c: {  	s22 =	simm.s32 $0x1BFF;
	s21 =	sshll.u32 s7, $0x1;
	s4 =	sadd.s32 s5, s19  }
0x9d: {  	s8 =	simm.s32 $0x0;
	s20 =	sshll.u32 s6, $0x1;
	s6 =	sadd.s32 s21, s4  }
0x9e: {  	[timem:s8], [sflag:s22] =	dma.local [hbm:s6], s20  }
0x9f: {  	_ =	swait.ge [sflag:s22], s20  }
0xa0: {  	s5 =	ssub.s32 $0x0, s20;
	[sflag:s22] =	ssyncset.done $0x0  }
0xa1: {  	[sflag:s22] =	ssyncadd.s32 s5;
	_ =	sdelay $0x1  }
0xa2: {  	s23 =	simm.s32 $0x1B8B  }
0xa3: {  	_ =	swait.ge [sflag:s23], $0x1  }
0xa4: {  	[sflag:s23] =	ssyncset.done $0x0  }
0xa5: {  	s25 =	simm.s32 $0x1B8E;
	s24 =	sld [smem:$0x3FFE];
	[sflag:s23] =	ssyncadd.s32 $0xFFFFFFFF  }
0xa6: {  	s26 =	simm.s32 $execute0_lowered;
	[smem:$0x3FD2] =	sst s25  }
0xa7: {  	s6 =	sshll.u32 s26, $0x1;
	_ =	strace $0x80000046;
	[dreg:$0x1] =	wrdreg $0xFFFFFFFF  }
0xa8: {  	s28 =	simm.s32 $_size_execute0_lowered;
	s4 =	sadd.s32 s4, s6;
	[dreg:$0x0] =	wrdreg $0x0  }
0xa9: {  	s6 =	sshll.u32 s28, $0x1;
	[dreg:$0x2] =	wrdreg s4  }
0xaa: {  	[dreg:$0x3] =	wrdreg s6  }
0xab: {  	[dreg:$0x4] =	wrdreg $0xC0  }
0xac: {  	_ =	task [dreg:s8], $0x5FFFF  }
0xad: {  	[dreg:$0x1] =	wrdreg $0xFFFFFFFF  }
0xae: {  	[dreg:$0x0] =	wrdreg $0x60  }
0xaf: {  	[dreg:$0x2] =	wrdreg s2  }
0xb0: {  	[dreg:$0x3] =	wrdreg s18  }
0xb1: {  	[dreg:$0x4] =	wrdreg s24  }
0xb2: {  	[dreg:$0x5] =	wrdreg $0x9  }
0xb3: {  	_ =	task.clear_ibuf [dreg:s8], $0x6FFFF;
	_ =	strace $0x90000046  }
0xb4: {  	s29 =	simm.s32 $0x9;
	_ =	strace $0x80000048  }
0xb5: {  	_ =	swait.ge [sflag:s29], $0x1  }
0xb6: {  	[sflag:s29] =	ssyncadd.s32 $0xFFFFFFFF  }
0xb7: {  	_ =	strace $0x90000048  }
0xb8: {  	_ =	sfence  }
0xb9: {  	s30 =	sld [smem:$0x0];
	_ =	sdelay $0x2  }
0xba: {  	s31 =	sshll.u32 s1, $0xD;
	s1 =	sshrl.u32 s1, $0x2  }
0xbb: {  	s3 =	sand.u32 $0x4000, s31;
	s1 =	sadd.s32 s1, s30  }
0xbc: {  	s0 =	sor.u32 s3, s0;
	s1 =	sshll.u32 s1, $0x11  }
0xbd: {  	s0 =	sor.u32 s1, s0  }
0xbe: {  	s0 =	sadd.s32 $0x8F2B, s0  }
0xbf: {  	[sflag:s0] =	ssyncadd.remote.s32 $0x1  }
0xc0: {  	_ =	sfence.sel $0xFFFF  }
0xc1: {  	[dreg:$0x0] =	wrdreg $0xFFFFFFFF;
	(pc) =	sbr.abs _section_cstart, $3  }
0xc2: {  	[dreg:$0x1] =	wrdreg $0xFFFFFFFF  }
0xc3: {  	_ =	task.clear_ibuf [dreg:s8], $0x2FFFF;
	_ =	strace $0x9FFFFFFF  }
0xc4: {  	(tm) =	ssettm $0x7FFFFFFF  }
0xc5: {  	_ =	shalt  }
tec
execute0_lowered:
.L_overlay_start_1:
0x0: {  	(tag) =	ssettag $0x1  }
0x1: {  	s11 =	rddreg [dreg:$0x0]  }
0x2: {  	s12 =	rddreg [dreg:$0x1]  }
0x3: {  	s3 =	rddreg [dreg:$0x2]  }
0x4: {  	s0 =	rddreg [dreg:$0x3]  }
0x5: {  	s4 =	srdreg.scid;
	s1 =	stileid.u32;
	s2 =	simm.s32 $0x0  }
0x6: {  	s17 =	simm.s32 $0xC000;
	s18 =	simm.s32 $0x1;
	s19 =	simm.s32 $0x3  }
0x7: {  	s20 =	simm.s32 $0x2;
	s21 =	simm.s32 $0x4;
	s22 =	simm.s32 $0x10000  }
0x8: {  	s23 =	simm.s32 $0x5;
	s4 =	sand.u32 $0x1, s4;
	s5 =	sshll.u32 s1, $0x1  }
0x9: {  	s24 =	simm.s32 $0x0;
	[smem:$0x7FF] =	sst s2;
	s5 =	sor.u32 s4, s5  }
0xa: {  	_ =	strace $0x80000047;
	s4 =	ssub.s32 $0x2, s4;
	s6 =	smul.u32 $0x14000, s5  }
0xb: {  	s7 =	sshll.u32 s5, $0x4;
	s5 =	smul.u32 $0x2800, s5;
	s31 =	sshrl.u32 s4, $0x1  }
0xc: {  	s13 =	sadd.s32 s7, s3;
	s14 =	ssub.s32 s4, s31;
	s10 =	sshrl.u32 s6, $0x3  }
0xd: {  	s3 =	sadd.s32 s11, s5;
	s4 =	sadd.s32 s12, s5;
	s13 =	sadd.s32 $0x600, s13  }
0xe: {  	s14 =	smax.u32 s14, $0x1;
	s6 =	sadd.s32 $0x800, s10;
	s8 =	sadd.s32 $0x1000, s10  }
0xf: {  	s15 =	sadd.s32 $0x1800, s10;
	s16 =	sadd.s32 $0x2000, s10;
	s5 =	sadd.s32 s11, s6  }
0x10: {  	s6 =	sadd.s32 s12, s6;
	s7 =	sadd.s32 s11, s8;
	s8 =	sadd.s32 s12, s8  }
0x11: {  	s9 =	sadd.s32 s11, s15;
	s10 =	sadd.s32 s12, s15;
	s11 =	sadd.s32 s11, s16  }
0x12: {  	v0 =	vimm.s32 $0x1;
	s12 =	sadd.s32 s12, s16;
	s15 =	simm.s32 $0x8000;
	s16 =	simm.s32 $0x4000  }
.LBB2_1:
0x13: {  	[tilespmem:s2], [sflag:$0x1] =	stream.linear.gather [hbm4b:s3+s2], $0x4000, $0x38;
	[tilespmem:$0x10080] =	vst v63  }
0x14: {  	_ = 	snop  }
0x15: {  	[tilespmem:s15], [sflag:$0x3] =	stream.linear.gather [hbm4b:s4+s2], $0x4000, $0x38;
	[tilespmem:$0x10080] =	vst v63  }
0x16: {  	_ = 	snop  }
0x17: {  	[tilespmem:s16], [sflag:$0x2] =	stream.linear.gather [hbm4b:s5+s2], $0x4000, $0x38;
	[tilespmem:$0x10080] =	vst v63  }
0x18: {  	_ = 	snop  }
0x19: {  	[tilespmem:s17], [sflag:$0x4] =	stream.linear.gather [hbm4b:s6+s2], $0x4000, $0x38;
	[tilespmem:$0x10080] =	vst v63  }
0x1a: {  	_ =	swait.ge [sflag:s18], $0x4000  }
0x1b: {  	[sflag:s18] =	ssyncset.done $0x0  }
0x1c: {  	[sflag:s18] =	ssyncadd.s32 $0xFFFFC000  }
0x1d: {  	_ =	swait.ge [sflag:s19], $0x4000  }
0x1e: {  	s25 =	simm.s32 $0x0;
	[sflag:s19] =	ssyncset.done $0x0  }
0x1f: {  	v1 =	vimm.s32 $0x0;
	s26 =	simm.s32 $0x0;
	s28 =	simm.s32 $0x0;
	[sflag:s19] =	ssyncadd.s32 $0xFFFFC000  }
.LBB2_2:
0x20: {  	s29 =	sshll.u32 s26, $0x2;
	s30 =	sand.u32 $0x7, s25  }
0x21: {  	s29 =	sand.u32 $0xFFFFC000, s29;
	s30 =	sshll.u32 s30, $0x9  }
0x22: {  	s29 =	sor.u32 s30, s29  }
0x23: {  	s29 =	sshrl.u32 s29, $0x2  }
0x24: {  	s31 =	sor.u32 $0x40, s29  }
0x25: {  	s29 =	sadd.s32 $0x8040, s29;
	v4 =	vld [tilespmem:s31+$0x30]  }
0x26: {  	v5 =	vld [tilespmem:s29+$0x30]  }
0x27: {  	v2 =	vld [tilespmem:s31+$0x20]  }
0x28: {  	v6 =	vld [tilespmem:s29+$0x20]  }
0x29: {  	v7 =	vld [tilespmem:s31+$0x10]  }
0x2a: {  	v9 =	vld [tilespmem:s29+$0x10]  }
0x2b: {  	v8 =	vld [tilespmem:s31+$0x0]  }
0x2c: {  	v11 =	vld [tilespmem:s29+$0x0]  }
0x2d: {  	v14 =	vld [tilespmem:s31+$0xFFFFFFF0]  }
0x2e: {  	v15 =	vld [tilespmem:s29+$0xFFFFFFF0]  }
0x2f: {  	v16 =	vld [tilespmem:s31+$0xFFFFFFE0]  }
0x30: {  	v17 =	vld [tilespmem:s29+$0xFFFFFFE0]  }
0x31: {  	v18 =	vld [tilespmem:s31+$0xFFFFFFD0]  }
0x32: {  	v19 =	vld [tilespmem:s29+$0xFFFFFFD0]  }
0x33: {  	v20 =	vld [tilespmem:s31+$0xFFFFFFC0]  }
0x34: {  	v21 =	vld [tilespmem:s29+$0xFFFFFFC0];
	v22 =	vmin.f32 v5, v4  }
0x35: {  	v3 =	vmin.f32 v11, v8;
	v23 =	vmin.f32 v9, v7;
	v24 =	vmin.f32 v6, v2  }
0x36: {  	v10 =	vmin.f32 v15, v14;
	v2 =	vsub.f32 v6, v2;
	v6 =	vsub.f32 v5, v4  }
0x37: {  	v13 =	vmin.f32 v17, v16;
	v8 =	vsub.f32 v11, v8;
	v9 =	vsub.f32 v9, v7  }
0x38: {  	v12 =	vmin.f32 v19, v18;
	v4 =	vsub.f32 v17, v16;
	v5 =	vsub.f32 v15, v14  }
0x39: {  	v14 =	vmin.f32 v21, v20;
	v7 =	vsub.f32 v21, v20;
	v11 =	vsub.f32 v19, v18  }
0x3a: {  	s30 =	simm.s32 $0x0;
	s31 =	sadd.s32 $0x400, s31;
	vm2 =	vgt.f32 v23, $0.0e+00;
	vm1 =	vgt.f32 v24, $0.0e+00;
	vm0 =	vgt.f32 v22, $0.0e+00  }
.LBB2_3:
0x3b: {  	v15 =	vld [tilespmem:s31+$0x30];
	vm5 =	vgt.f32 v13, $0.0e+00;
	vm4 =	vgt.f32 v10, $0.0e+00;
	vm3 =	vgt.f32 v3, $0.0e+00;
	s29 =	sadd.s32 $0x400, s29  }
0x3c: {  	vm9 =	vgt.f32 v14, $0.0e+00;
	vm8 =	vgt.f32 v12, $0.0e+00;
	v3 =	vand.u32 $0x7FFFFFFF, v6;
	v13 =	vld [tilespmem:s29+$0x30]  }
0x3d: {  	v8 =	vand.u32 $0x7FFFFFFF, v8;
	v9 =	vand.u32 $0x7FFFFFFF, v9;
	v2 =	vand.u32 $0x7FFFFFFF, v2;
	v6 =	vld [tilespmem:s31+$0x20]  }
0x3e: {  	v10 =	vand.u32 $0x7FFFFFFF, v11;
	v4 =	vand.u32 $0x7FFFFFFF, v4;
	v5 =	vand.u32 $0x7FFFFFFF, v5;
	v12 =	vld [tilespmem:s29+$0x20]  }
0x3f: {  	v7 =	vand.u32 $0x7FFFFFFF, v7;
	vm7 =	vgt.f32 v2, $3.000000000e+00;
	vm6 =	vgt.f32 v3, $3.000000000e+00;
	v11 =	vld [tilespmem:s31+$0x10]  }
0x40: {  	vm10 =	vgt.f32 v7, $3.000000000e+00;
	vm11 =	vgt.f32 v8, $3.000000000e+00;
	vm12 =	vgt.f32 v9, $3.000000000e+00;
	v14 =	vld [tilespmem:s29+$0x10]  }
0x41: {  	vm13 =	vgt.f32 v5, $3.000000000e+00;
	v2 =	vsel vm10, $0x10001, v0;
	vm10 =	vgt.f32 v10, $3.000000000e+00;
	v7 =	vld [tilespmem:s31+$0x0]  }
0x42: {  	v2 =	vnsel vm9, $0x0, v2;
	v3 =	vsel vm10, $0x10001, v0;
	vm9 =	vgt.f32 v4, $3.000000000e+00;
	v5 =	vld [tilespmem:s29+$0x0]  }
0x43: {  	v3 =	vnsel vm8, $0x0, v3;
	v4 =	vsel vm9, $0x10001, v0;
	v1 =	vadd.s32 v1, v2;
	v16 =	vld [tilespmem:s31+$0xFFFFFFF0]  }
0x44: {  	v2 =	vnsel vm5, $0x0, v4;
	v4 =	vsel vm13, $0x10001, v0;
	v1 =	vadd.s32 v3, v1;
	v17 =	vld [tilespmem:s29+$0xFFFFFFF0]  }
0x45: {  	v3 =	vnsel vm4, $0x0, v4;
	v4 =	vsel vm11, $0x10001, v0;
	v1 =	vadd.s32 v2, v1;
	v18 =	vld [tilespmem:s31+$0xFFFFFFE0]  }
0x46: {  	v2 =	vnsel vm3, $0x0, v4;
	v4 =	vsel vm12, $0x10001, v0;
	v1 =	vadd.s32 v3, v1;
	v19 =	vld [tilespmem:s29+$0xFFFFFFE0]  }
0x47: {  	v3 =	vnsel vm2, $0x0, v4;
	v4 =	vsel vm7, $0x10001, v0;
	v1 =	vadd.s32 v2, v1;
	v20 =	vld [tilespmem:s31+$0xFFFFFFD0]  }
0x48: {  	v2 =	vnsel vm1, $0x0, v4;
	v4 =	vsel vm6, $0x10001, v0;
	v1 =	vadd.s32 v3, v1;
	v21 =	vld [tilespmem:s29+$0xFFFFFFD0]  }
0x49: {  	v3 =	vnsel vm0, $0x0, v4;
	v1 =	vadd.s32 v2, v1;
	v22 =	vld [tilespmem:s31+$0xFFFFFFC0]  }
0x4a: {  	s30 =	sadd.s32 $0x80, s30;
	v24 =	vmin.f32 v13, v15;
	v1 =	vadd.s32 v3, v1;
	v23 =	vld [tilespmem:s29+$0xFFFFFFC0]  }
0x4b: {  	p0 =	slt.u32 s30, $0x180;
	v26 =	vmin.f32 v12, v6;
	v25 =	vmin.f32 v14, v11;
	v3 =	vmin.f32 v5, v7  }
.Ltmp0:
0x4c: {  	v2 =	vsub.f32 v12, v6;
	v6 =	vsub.f32 v13, v15;
	v10 =	vmin.f32 v17, v16;
	(pc) =	sbr.rel @p0 .LBB2_3-.Ltmp0, $4  }
0x4d: {  	v9 =	vsub.f32 v14, v11;
	v8 =	vsub.f32 v5, v7;
	v13 =	vmin.f32 v19, v18  }
0x4e: {  	v5 =	vsub.f32 v17, v16;
	v4 =	vsub.f32 v19, v18;
	v12 =	vmin.f32 v21, v20  }
0x4f: {  	v11 =	vsub.f32 v21, v20;
	v14 =	vmin.f32 v23, v22;
	v7 =	vsub.f32 v23, v22  }
0x50: {  	vm1 =	vgt.f32 v26, $0.0e+00;
	vm0 =	vgt.f32 v24, $0.0e+00;
	vm2 =	vgt.f32 v25, $0.0e+00;
	s31 =	sadd.s32 $0x400, s31  }
0x51: {  	vm3 =	vgt.f32 v13, $0.0e+00;
	vm4 =	vgt.f32 v10, $0.0e+00;
	vm5 =	vgt.f32 v3, $0.0e+00  }
0x52: {  	vm6 =	vgt.f32 v14, $0.0e+00;
	vm7 =	vgt.f32 v12, $0.0e+00;
	v3 =	vand.u32 $0x7FFFFFFF, v6  }
0x53: {  	v56 =	vand.u32 $0x7FFFFFFF, v8;
	v57 =	vand.u32 $0x7FFFFFFF, v9;
	v2 =	vand.u32 $0x7FFFFFFF, v2  }
0x54: {  	v58 =	vand.u32 $0x7FFFFFFF, v11;
	v4 =	vand.u32 $0x7FFFFFFF, v4;
	v5 =	vand.u32 $0x7FFFFFFF, v5  }
0x55: {  	v7 =	vand.u32 $0x7FFFFFFF, v7;
	vm8 =	vgt.f32 v2, $3.000000000e+00;
	vm9 =	vgt.f32 v3, $3.000000000e+00  }
0x56: {  	vm10 =	vgt.f32 v7, $3.000000000e+00;
	vm11 =	vgt.f32 v56, $3.000000000e+00;
	vm12 =	vgt.f32 v57, $3.000000000e+00  }
0x57: {  	vm13 =	vgt.f32 v5, $3.000000000e+00;
	v2 =	vsel vm10, $0x10001, v0;
	vm10 =	vgt.f32 v58, $3.000000000e+00  }
0x58: {  	vm15 =	vgt.f32 v4, $3.000000000e+00;
	v2 =	vnsel vm6, $0x0, v2;
	v3 =	vsel vm10, $0x10001, v0  }
0x59: {  	v4 =	vsel vm15, $0x10001, v0;
	v3 =	vnsel vm7, $0x0, v3;
	v1 =	vadd.s32 v1, v2  }
0x5a: {  	s28 =	sadd.s32 $0x1, s28;
	v59 =	vsel vm13, $0x10001, v0;
	v2 =	vnsel vm3, $0x0, v4;
	v1 =	vadd.s32 v3, v1  }
0x5b: {  	p0 =	sne.s32 s28, $0x20;
	v60 =	vsel vm11, $0x10001, v0;
	v3 =	vnsel vm4, $0x0, v59;
	v1 =	vadd.s32 v2, v1  }
.Ltmp1:
0x5c: {  	v61 =	vsel vm12, $0x10001, v0;
	v2 =	vnsel vm5, $0x0, v60;
	v1 =	vadd.s32 v3, v1;
	(pc) =	sbr.rel @p0 .LBB2_2-.Ltmp1, $4  }
0x5d: {  	v62 =	vsel vm8, $0x10001, v0;
	v3 =	vnsel vm2, $0x0, v61;
	v1 =	vadd.s32 v2, v1  }
0x5e: {  	v63 =	vsel vm9, $0x10001, v0;
	v2 =	vnsel vm1, $0x0, v62;
	v1 =	vadd.s32 v3, v1  }
0x5f: {  	v3 =	vnsel vm0, $0x0, v63;
	v1 =	vadd.s32 v2, v1  }
0x60: {  	s26 =	sadd.s32 $0x200, s26;
	s25 =	sadd.s32 $0x1, s25;
	v1 =	vadd.s32 v3, v1  }
0x61: {  	s25 =	simm.s32 $0x0  }
0x62: {  	[tilespmem:s25], [sflag:$0x1] =	stream.linear.gather [hbm4b:s7+s25], $0x4000, $0x38;
	[tilespmem:$0x10080] =	vst v63  }
0x63: {  	_ = 	snop  }
0x64: {  	[tilespmem:s15], [sflag:$0x3] =	stream.linear.gather [hbm4b:s8+s25], $0x4000, $0x38;
	[tilespmem:$0x10080] =	vst v63  }
0x65: {  	_ =	swait.ge [sflag:s20], $0x4000  }
0x66: {  	[sflag:s20] =	ssyncset.done $0x0  }
0x67: {  	[sflag:s20] =	ssyncadd.s32 $0xFFFFC000  }
0x68: {  	_ =	swait.ge [sflag:s21], $0x4000  }
0x69: {  	[sflag:s21] =	ssyncset.done $0x0  }
0x6a: {  	s26 =	simm.s32 $0x0;
	s28 =	simm.s32 $0x0;
	[sflag:s21] =	ssyncadd.s32 $0xFFFFC000  }
.LBB2_6:
0x6b: {  	s29 =	sshll.u32 s26, $0x2;
	s30 =	sand.u32 $0x7, s25  }
0x6c: {  	s29 =	sand.u32 $0xFFFFC000, s29;
	s30 =	sshll.u32 s30, $0x9  }
0x6d: {  	s29 =	sor.u32 s30, s29  }
0x6e: {  	s29 =	sshrl.u32 s29, $0x2  }
0x6f: {  	s31 =	sadd.s32 $0x4040, s29  }
0x70: {  	s29 =	sadd.s32 $0xC040, s29;
	v4 =	vld [tilespmem:s31+$0x30]  }
0x71: {  	v5 =	vld [tilespmem:s29+$0x30]  }
0x72: {  	v2 =	vld [tilespmem:s31+$0x20]  }
0x73: {  	v6 =	vld [tilespmem:s29+$0x20]  }
0x74: {  	v7 =	vld [tilespmem:s31+$0x10]  }
0x75: {  	v9 =	vld [tilespmem:s29+$0x10]  }
0x76: {  	v8 =	vld [tilespmem:s31+$0x0]  }
0x77: {  	v11 =	vld [tilespmem:s29+$0x0]  }
0x78: {  	v14 =	vld [tilespmem:s31+$0xFFFFFFF0]  }
0x79: {  	v15 =	vld [tilespmem:s29+$0xFFFFFFF0]  }
0x7a: {  	v16 =	vld [tilespmem:s31+$0xFFFFFFE0]  }
0x7b: {  	v17 =	vld [tilespmem:s29+$0xFFFFFFE0]  }
0x7c: {  	v18 =	vld [tilespmem:s31+$0xFFFFFFD0]  }
0x7d: {  	v19 =	vld [tilespmem:s29+$0xFFFFFFD0]  }
0x7e: {  	v20 =	vld [tilespmem:s31+$0xFFFFFFC0]  }
0x7f: {  	v21 =	vld [tilespmem:s29+$0xFFFFFFC0];
	v22 =	vmin.f32 v5, v4  }
0x80: {  	v3 =	vmin.f32 v11, v8;
	v23 =	vmin.f32 v9, v7;
	v24 =	vmin.f32 v6, v2  }
0x81: {  	v10 =	vmin.f32 v15, v14;
	v2 =	vsub.f32 v6, v2;
	v6 =	vsub.f32 v5, v4  }
0x82: {  	v13 =	vmin.f32 v17, v16;
	v8 =	vsub.f32 v11, v8;
	v9 =	vsub.f32 v9, v7  }
0x83: {  	v12 =	vmin.f32 v19, v18;
	v4 =	vsub.f32 v17, v16;
	v5 =	vsub.f32 v15, v14  }
0x84: {  	v14 =	vmin.f32 v21, v20;
	v7 =	vsub.f32 v21, v20;
	v11 =	vsub.f32 v19, v18  }
0x85: {  	s30 =	simm.s32 $0x0;
	s31 =	sadd.s32 $0x400, s31;
	vm2 =	vgt.f32 v23, $0.0e+00;
	vm1 =	vgt.f32 v24, $0.0e+00;
	vm0 =	vgt.f32 v22, $0.0e+00  }
.LBB2_7:
0x86: {  	v15 =	vld [tilespmem:s31+$0x30];
	vm5 =	vgt.f32 v13, $0.0e+00;
	vm4 =	vgt.f32 v10, $0.0e+00;
	vm3 =	vgt.f32 v3, $0.0e+00;
	s29 =	sadd.s32 $0x400, s29  }
0x87: {  	vm9 =	vgt.f32 v14, $0.0e+00;
	vm8 =	vgt.f32 v12, $0.0e+00;
	v3 =	vand.u32 $0x7FFFFFFF, v6;
	v13 =	vld [tilespmem:s29+$0x30]  }
0x88: {  	v8 =	vand.u32 $0x7FFFFFFF, v8;
	v9 =	vand.u32 $0x7FFFFFFF, v9;
	v2 =	vand.u32 $0x7FFFFFFF, v2;
	v6 =	vld [tilespmem:s31+$0x20]  }
0x89: {  	v10 =	vand.u32 $0x7FFFFFFF, v11;
	v4 =	vand.u32 $0x7FFFFFFF, v4;
	v5 =	vand.u32 $0x7FFFFFFF, v5;
	v12 =	vld [tilespmem:s29+$0x20]  }
0x8a: {  	v7 =	vand.u32 $0x7FFFFFFF, v7;
	vm7 =	vgt.f32 v2, $3.000000000e+00;
	vm6 =	vgt.f32 v3, $3.000000000e+00;
	v11 =	vld [tilespmem:s31+$0x10]  }
0x8b: {  	vm10 =	vgt.f32 v7, $3.000000000e+00;
	vm11 =	vgt.f32 v8, $3.000000000e+00;
	vm12 =	vgt.f32 v9, $3.000000000e+00;
	v14 =	vld [tilespmem:s29+$0x10]  }
0x8c: {  	vm13 =	vgt.f32 v5, $3.000000000e+00;
	v2 =	vsel vm10, $0x10001, v0;
	vm10 =	vgt.f32 v10, $3.000000000e+00;
	v7 =	vld [tilespmem:s31+$0x0]  }
0x8d: {  	v2 =	vnsel vm9, $0x0, v2;
	v3 =	vsel vm10, $0x10001, v0;
	vm9 =	vgt.f32 v4, $3.000000000e+00;
	v5 =	vld [tilespmem:s29+$0x0]  }
0x8e: {  	v3 =	vnsel vm8, $0x0, v3;
	v4 =	vsel vm9, $0x10001, v0;
	v1 =	vadd.s32 v1, v2;
	v16 =	vld [tilespmem:s31+$0xFFFFFFF0]  }
0x8f: {  	v2 =	vnsel vm5, $0x0, v4;
	v4 =	vsel vm13, $0x10001, v0;
	v1 =	vadd.s32 v3, v1;
	v17 =	vld [tilespmem:s29+$0xFFFFFFF0]  }
0x90: {  	v3 =	vnsel vm4, $0x0, v4;
	v4 =	vsel vm11, $0x10001, v0;
	v1 =	vadd.s32 v2, v1;
	v18 =	vld [tilespmem:s31+$0xFFFFFFE0]  }
0x91: {  	v2 =	vnsel vm3, $0x0, v4;
	v4 =	vsel vm12, $0x10001, v0;
	v1 =	vadd.s32 v3, v1;
	v19 =	vld [tilespmem:s29+$0xFFFFFFE0]  }
0x92: {  	v3 =	vnsel vm2, $0x0, v4;
	v4 =	vsel vm7, $0x10001, v0;
	v1 =	vadd.s32 v2, v1;
	v20 =	vld [tilespmem:s31+$0xFFFFFFD0]  }
0x93: {  	v2 =	vnsel vm1, $0x0, v4;
	v4 =	vsel vm6, $0x10001, v0;
	v1 =	vadd.s32 v3, v1;
	v21 =	vld [tilespmem:s29+$0xFFFFFFD0]  }
0x94: {  	v3 =	vnsel vm0, $0x0, v4;
	v1 =	vadd.s32 v2, v1;
	v22 =	vld [tilespmem:s31+$0xFFFFFFC0]  }
0x95: {  	s30 =	sadd.s32 $0x80, s30;
	v24 =	vmin.f32 v13, v15;
	v1 =	vadd.s32 v3, v1;
	v23 =	vld [tilespmem:s29+$0xFFFFFFC0]  }
0x96: {  	p0 =	slt.u32 s30, $0x180;
	v26 =	vmin.f32 v12, v6;
	v25 =	vmin.f32 v14, v11;
	v3 =	vmin.f32 v5, v7  }
.Ltmp2:
0x97: {  	v2 =	vsub.f32 v12, v6;
	v6 =	vsub.f32 v13, v15;
	v10 =	vmin.f32 v17, v16;
	(pc) =	sbr.rel @p0 .LBB2_7-.Ltmp2, $4  }
0x98: {  	v9 =	vsub.f32 v14, v11;
	v8 =	vsub.f32 v5, v7;
	v13 =	vmin.f32 v19, v18  }
0x99: {  	v5 =	vsub.f32 v17, v16;
	v4 =	vsub.f32 v19, v18;
	v12 =	vmin.f32 v21, v20  }
0x9a: {  	v11 =	vsub.f32 v21, v20;
	v14 =	vmin.f32 v23, v22;
	v7 =	vsub.f32 v23, v22  }
0x9b: {  	vm1 =	vgt.f32 v26, $0.0e+00;
	vm0 =	vgt.f32 v24, $0.0e+00;
	vm2 =	vgt.f32 v25, $0.0e+00;
	s31 =	sadd.s32 $0x400, s31  }
0x9c: {  	vm3 =	vgt.f32 v13, $0.0e+00;
	vm4 =	vgt.f32 v10, $0.0e+00;
	vm5 =	vgt.f32 v3, $0.0e+00  }
0x9d: {  	vm6 =	vgt.f32 v14, $0.0e+00;
	vm7 =	vgt.f32 v12, $0.0e+00;
	v3 =	vand.u32 $0x7FFFFFFF, v6  }
0x9e: {  	v56 =	vand.u32 $0x7FFFFFFF, v8;
	v57 =	vand.u32 $0x7FFFFFFF, v9;
	v2 =	vand.u32 $0x7FFFFFFF, v2  }
0x9f: {  	v58 =	vand.u32 $0x7FFFFFFF, v11;
	v4 =	vand.u32 $0x7FFFFFFF, v4;
	v5 =	vand.u32 $0x7FFFFFFF, v5  }
0xa0: {  	v7 =	vand.u32 $0x7FFFFFFF, v7;
	vm8 =	vgt.f32 v2, $3.000000000e+00;
	vm9 =	vgt.f32 v3, $3.000000000e+00  }
0xa1: {  	vm10 =	vgt.f32 v7, $3.000000000e+00;
	vm11 =	vgt.f32 v56, $3.000000000e+00;
	vm12 =	vgt.f32 v57, $3.000000000e+00  }
0xa2: {  	vm13 =	vgt.f32 v5, $3.000000000e+00;
	v2 =	vsel vm10, $0x10001, v0;
	vm10 =	vgt.f32 v58, $3.000000000e+00  }
0xa3: {  	vm15 =	vgt.f32 v4, $3.000000000e+00;
	v2 =	vnsel vm6, $0x0, v2;
	v3 =	vsel vm10, $0x10001, v0  }
0xa4: {  	v4 =	vsel vm15, $0x10001, v0;
	v3 =	vnsel vm7, $0x0, v3;
	v1 =	vadd.s32 v1, v2  }
0xa5: {  	s28 =	sadd.s32 $0x1, s28;
	v59 =	vsel vm13, $0x10001, v0;
	v2 =	vnsel vm3, $0x0, v4;
	v1 =	vadd.s32 v3, v1  }
0xa6: {  	p0 =	sne.s32 s28, $0x20;
	v60 =	vsel vm11, $0x10001, v0;
	v3 =	vnsel vm4, $0x0, v59;
	v1 =	vadd.s32 v2, v1  }
.Ltmp3:
0xa7: {  	v61 =	vsel vm12, $0x10001, v0;
	v2 =	vnsel vm5, $0x0, v60;
	v1 =	vadd.s32 v3, v1;
	(pc) =	sbr.rel @p0 .LBB2_6-.Ltmp3, $4  }
0xa8: {  	v62 =	vsel vm8, $0x10001, v0;
	v3 =	vnsel vm2, $0x0, v61;
	v1 =	vadd.s32 v2, v1  }
0xa9: {  	v63 =	vsel vm9, $0x10001, v0;
	v2 =	vnsel vm1, $0x0, v62;
	v1 =	vadd.s32 v3, v1  }
0xaa: {  	v3 =	vnsel vm0, $0x0, v63;
	v1 =	vadd.s32 v2, v1  }
0xab: {  	s26 =	sadd.s32 $0x200, s26;
	s25 =	sadd.s32 $0x1, s25;
	v1 =	vadd.s32 v3, v1  }
0xac: {  	s25 =	simm.s32 $0x0  }
0xad: {  	[tilespmem:s16], [sflag:$0x2] =	stream.linear.gather [hbm4b:s9+s25], $0x4000, $0x38;
	[tilespmem:$0x10080] =	vst v63  }
0xae: {  	_ = 	snop  }
0xaf: {  	[tilespmem:s17], [sflag:$0x4] =	stream.linear.gather [hbm4b:s10+s25], $0x4000, $0x38;
	[tilespmem:$0x10080] =	vst v63  }
0xb0: {  	_ =	swait.ge [sflag:s18], $0x4000  }
0xb1: {  	[sflag:s18] =	ssyncset.done $0x0  }
0xb2: {  	[sflag:s18] =	ssyncadd.s32 $0xFFFFC000  }
0xb3: {  	_ =	swait.ge [sflag:s19], $0x4000  }
0xb4: {  	[sflag:s19] =	ssyncset.done $0x0  }
0xb5: {  	s26 =	simm.s32 $0x0;
	s28 =	simm.s32 $0x0;
	[sflag:s19] =	ssyncadd.s32 $0xFFFFC000  }
.LBB2_10:
0xb6: {  	s29 =	sshll.u32 s26, $0x2;
	s30 =	sand.u32 $0x7, s25  }
0xb7: {  	s29 =	sand.u32 $0xFFFFC000, s29;
	s30 =	sshll.u32 s30, $0x9  }
0xb8: {  	s29 =	sor.u32 s30, s29  }
0xb9: {  	s29 =	sshrl.u32 s29, $0x2  }
0xba: {  	s31 =	sor.u32 $0x40, s29  }
0xbb: {  	s29 =	sadd.s32 $0x8040, s29;
	v4 =	vld [tilespmem:s31+$0x30]  }
0xbc: {  	v5 =	vld [tilespmem:s29+$0x30]  }
0xbd: {  	v2 =	vld [tilespmem:s31+$0x20]  }
0xbe: {  	v6 =	vld [tilespmem:s29+$0x20]  }
0xbf: {  	v7 =	vld [tilespmem:s31+$0x10]  }
0xc0: {  	v9 =	vld [tilespmem:s29+$0x10]  }
0xc1: {  	v8 =	vld [tilespmem:s31+$0x0]  }
0xc2: {  	v11 =	vld [tilespmem:s29+$0x0]  }
0xc3: {  	v14 =	vld [tilespmem:s31+$0xFFFFFFF0]  }
0xc4: {  	v15 =	vld [tilespmem:s29+$0xFFFFFFF0]  }
0xc5: {  	v16 =	vld [tilespmem:s31+$0xFFFFFFE0]  }
0xc6: {  	v17 =	vld [tilespmem:s29+$0xFFFFFFE0]  }
0xc7: {  	v18 =	vld [tilespmem:s31+$0xFFFFFFD0]  }
0xc8: {  	v19 =	vld [tilespmem:s29+$0xFFFFFFD0]  }
0xc9: {  	v20 =	vld [tilespmem:s31+$0xFFFFFFC0]  }
0xca: {  	v21 =	vld [tilespmem:s29+$0xFFFFFFC0];
	v22 =	vmin.f32 v5, v4  }
0xcb: {  	v3 =	vmin.f32 v11, v8;
	v23 =	vmin.f32 v9, v7;
	v24 =	vmin.f32 v6, v2  }
0xcc: {  	v10 =	vmin.f32 v15, v14;
	v2 =	vsub.f32 v6, v2;
	v6 =	vsub.f32 v5, v4  }
0xcd: {  	v13 =	vmin.f32 v17, v16;
	v8 =	vsub.f32 v11, v8;
	v9 =	vsub.f32 v9, v7  }
0xce: {  	v12 =	vmin.f32 v19, v18;
	v4 =	vsub.f32 v17, v16;
	v5 =	vsub.f32 v15, v14  }
0xcf: {  	v14 =	vmin.f32 v21, v20;
	v7 =	vsub.f32 v21, v20;
	v11 =	vsub.f32 v19, v18  }
0xd0: {  	s30 =	simm.s32 $0x0;
	s31 =	sadd.s32 $0x400, s31;
	vm2 =	vgt.f32 v23, $0.0e+00;
	vm1 =	vgt.f32 v24, $0.0e+00;
	vm0 =	vgt.f32 v22, $0.0e+00  }
.LBB2_11:
0xd1: {  	v15 =	vld [tilespmem:s31+$0x30];
	vm5 =	vgt.f32 v13, $0.0e+00;
	vm4 =	vgt.f32 v10, $0.0e+00;
	vm3 =	vgt.f32 v3, $0.0e+00;
	s29 =	sadd.s32 $0x400, s29  }
0xd2: {  	vm9 =	vgt.f32 v14, $0.0e+00;
	vm8 =	vgt.f32 v12, $0.0e+00;
	v3 =	vand.u32 $0x7FFFFFFF, v6;
	v13 =	vld [tilespmem:s29+$0x30]  }
0xd3: {  	v8 =	vand.u32 $0x7FFFFFFF, v8;
	v9 =	vand.u32 $0x7FFFFFFF, v9;
	v2 =	vand.u32 $0x7FFFFFFF, v2;
	v6 =	vld [tilespmem:s31+$0x20]  }
0xd4: {  	v10 =	vand.u32 $0x7FFFFFFF, v11;
	v4 =	vand.u32 $0x7FFFFFFF, v4;
	v5 =	vand.u32 $0x7FFFFFFF, v5;
	v12 =	vld [tilespmem:s29+$0x20]  }
0xd5: {  	v7 =	vand.u32 $0x7FFFFFFF, v7;
	vm7 =	vgt.f32 v2, $3.000000000e+00;
	vm6 =	vgt.f32 v3, $3.000000000e+00;
	v11 =	vld [tilespmem:s31+$0x10]  }
0xd6: {  	vm10 =	vgt.f32 v7, $3.000000000e+00;
	vm11 =	vgt.f32 v8, $3.000000000e+00;
	vm12 =	vgt.f32 v9, $3.000000000e+00;
	v14 =	vld [tilespmem:s29+$0x10]  }
0xd7: {  	vm13 =	vgt.f32 v5, $3.000000000e+00;
	v2 =	vsel vm10, $0x10001, v0;
	vm10 =	vgt.f32 v10, $3.000000000e+00;
	v7 =	vld [tilespmem:s31+$0x0]  }
0xd8: {  	v2 =	vnsel vm9, $0x0, v2;
	v3 =	vsel vm10, $0x10001, v0;
	vm9 =	vgt.f32 v4, $3.000000000e+00;
	v5 =	vld [tilespmem:s29+$0x0]  }
0xd9: {  	v3 =	vnsel vm8, $0x0, v3;
	v4 =	vsel vm9, $0x10001, v0;
	v1 =	vadd.s32 v1, v2;
	v16 =	vld [tilespmem:s31+$0xFFFFFFF0]  }
0xda: {  	v2 =	vnsel vm5, $0x0, v4;
	v4 =	vsel vm13, $0x10001, v0;
	v1 =	vadd.s32 v3, v1;
	v17 =	vld [tilespmem:s29+$0xFFFFFFF0]  }
0xdb: {  	v3 =	vnsel vm4, $0x0, v4;
	v4 =	vsel vm11, $0x10001, v0;
	v1 =	vadd.s32 v2, v1;
	v18 =	vld [tilespmem:s31+$0xFFFFFFE0]  }
0xdc: {  	v2 =	vnsel vm3, $0x0, v4;
	v4 =	vsel vm12, $0x10001, v0;
	v1 =	vadd.s32 v3, v1;
	v19 =	vld [tilespmem:s29+$0xFFFFFFE0]  }
0xdd: {  	v3 =	vnsel vm2, $0x0, v4;
	v4 =	vsel vm7, $0x10001, v0;
	v1 =	vadd.s32 v2, v1;
	v20 =	vld [tilespmem:s31+$0xFFFFFFD0]  }
0xde: {  	v2 =	vnsel vm1, $0x0, v4;
	v4 =	vsel vm6, $0x10001, v0;
	v1 =	vadd.s32 v3, v1;
	v21 =	vld [tilespmem:s29+$0xFFFFFFD0]  }
0xdf: {  	v3 =	vnsel vm0, $0x0, v4;
	v1 =	vadd.s32 v2, v1;
	v22 =	vld [tilespmem:s31+$0xFFFFFFC0]  }
0xe0: {  	s30 =	sadd.s32 $0x80, s30;
	v24 =	vmin.f32 v13, v15;
	v1 =	vadd.s32 v3, v1;
	v23 =	vld [tilespmem:s29+$0xFFFFFFC0]  }
0xe1: {  	p0 =	slt.u32 s30, $0x180;
	v26 =	vmin.f32 v12, v6;
	v25 =	vmin.f32 v14, v11;
	v3 =	vmin.f32 v5, v7  }
.Ltmp4:
0xe2: {  	v2 =	vsub.f32 v12, v6;
	v6 =	vsub.f32 v13, v15;
	v10 =	vmin.f32 v17, v16;
	(pc) =	sbr.rel @p0 .LBB2_11-.Ltmp4, $4  }
0xe3: {  	v9 =	vsub.f32 v14, v11;
	v8 =	vsub.f32 v5, v7;
	v13 =	vmin.f32 v19, v18  }
0xe4: {  	v5 =	vsub.f32 v17, v16;
	v4 =	vsub.f32 v19, v18;
	v12 =	vmin.f32 v21, v20  }
0xe5: {  	v11 =	vsub.f32 v21, v20;
	v14 =	vmin.f32 v23, v22;
	v7 =	vsub.f32 v23, v22  }
0xe6: {  	vm1 =	vgt.f32 v26, $0.0e+00;
	vm0 =	vgt.f32 v24, $0.0e+00;
	vm2 =	vgt.f32 v25, $0.0e+00;
	s31 =	sadd.s32 $0x400, s31  }
0xe7: {  	vm3 =	vgt.f32 v13, $0.0e+00;
	vm4 =	vgt.f32 v10, $0.0e+00;
	vm5 =	vgt.f32 v3, $0.0e+00  }
0xe8: {  	vm6 =	vgt.f32 v14, $0.0e+00;
	vm7 =	vgt.f32 v12, $0.0e+00;
	v3 =	vand.u32 $0x7FFFFFFF, v6  }
0xe9: {  	v56 =	vand.u32 $0x7FFFFFFF, v8;
	v57 =	vand.u32 $0x7FFFFFFF, v9;
	v2 =	vand.u32 $0x7FFFFFFF, v2  }
0xea: {  	v58 =	vand.u32 $0x7FFFFFFF, v11;
	v4 =	vand.u32 $0x7FFFFFFF, v4;
	v5 =	vand.u32 $0x7FFFFFFF, v5  }
0xeb: {  	v7 =	vand.u32 $0x7FFFFFFF, v7;
	vm8 =	vgt.f32 v2, $3.000000000e+00;
	vm9 =	vgt.f32 v3, $3.000000000e+00  }
0xec: {  	vm10 =	vgt.f32 v7, $3.000000000e+00;
	vm11 =	vgt.f32 v56, $3.000000000e+00;
	vm12 =	vgt.f32 v57, $3.000000000e+00  }
0xed: {  	vm13 =	vgt.f32 v5, $3.000000000e+00;
	v2 =	vsel vm10, $0x10001, v0;
	vm10 =	vgt.f32 v58, $3.000000000e+00  }
0xee: {  	vm15 =	vgt.f32 v4, $3.000000000e+00;
	v2 =	vnsel vm6, $0x0, v2;
	v3 =	vsel vm10, $0x10001, v0  }
0xef: {  	v4 =	vsel vm15, $0x10001, v0;
	v3 =	vnsel vm7, $0x0, v3;
	v1 =	vadd.s32 v1, v2  }
0xf0: {  	s28 =	sadd.s32 $0x1, s28;
	v59 =	vsel vm13, $0x10001, v0;
	v2 =	vnsel vm3, $0x0, v4;
	v1 =	vadd.s32 v3, v1  }
0xf1: {  	p0 =	sne.s32 s28, $0x20;
	v60 =	vsel vm11, $0x10001, v0;
	v3 =	vnsel vm4, $0x0, v59;
	v1 =	vadd.s32 v2, v1  }
.Ltmp5:
0xf2: {  	v61 =	vsel vm12, $0x10001, v0;
	v2 =	vnsel vm5, $0x0, v60;
	v1 =	vadd.s32 v3, v1;
	(pc) =	sbr.rel @p0 .LBB2_10-.Ltmp5, $4  }
0xf3: {  	v62 =	vsel vm8, $0x10001, v0;
	v3 =	vnsel vm2, $0x0, v61;
	v1 =	vadd.s32 v2, v1  }
0xf4: {  	v63 =	vsel vm9, $0x10001, v0;
	v2 =	vnsel vm1, $0x0, v62;
	v1 =	vadd.s32 v3, v1  }
0xf5: {  	v3 =	vnsel vm0, $0x0, v63;
	v1 =	vadd.s32 v2, v1  }
0xf6: {  	s26 =	sadd.s32 $0x200, s26;
	s25 =	sadd.s32 $0x1, s25;
	v1 =	vadd.s32 v3, v1  }
0xf7: {  	s25 =	simm.s32 $0x0  }
0xf8: {  	[tilespmem:s25], [sflag:$0x1] =	stream.linear.gather [hbm4b:s11+s25], $0x4000, $0x38;
	[tilespmem:$0x10080] =	vst v63  }
0xf9: {  	_ = 	snop  }
0xfa: {  	[tilespmem:s15], [sflag:$0x3] =	stream.linear.gather [hbm4b:s12+s25], $0x4000, $0x38;
	[tilespmem:$0x10080] =	vst v63  }
0xfb: {  	_ =	swait.ge [sflag:s20], $0x4000  }
0xfc: {  	[sflag:s20] =	ssyncset.done $0x0  }
0xfd: {  	[sflag:s20] =	ssyncadd.s32 $0xFFFFC000  }
0xfe: {  	_ =	swait.ge [sflag:s21], $0x4000  }
0xff: {  	[sflag:s21] =	ssyncset.done $0x0  }
0x100: {  	s26 =	simm.s32 $0x0;
	s28 =	simm.s32 $0x0;
	[sflag:s21] =	ssyncadd.s32 $0xFFFFC000  }
.LBB2_14:
0x101: {  	s29 =	sshll.u32 s26, $0x2;
	s30 =	sand.u32 $0x7, s25  }
0x102: {  	s29 =	sand.u32 $0xFFFFC000, s29;
	s30 =	sshll.u32 s30, $0x9  }
0x103: {  	s29 =	sor.u32 s30, s29  }
0x104: {  	s29 =	sshrl.u32 s29, $0x2  }
0x105: {  	s31 =	sadd.s32 $0x4040, s29  }
0x106: {  	s29 =	sadd.s32 $0xC040, s29;
	v4 =	vld [tilespmem:s31+$0x30]  }
0x107: {  	v5 =	vld [tilespmem:s29+$0x30]  }
0x108: {  	v2 =	vld [tilespmem:s31+$0x20]  }
0x109: {  	v6 =	vld [tilespmem:s29+$0x20]  }
0x10a: {  	v7 =	vld [tilespmem:s31+$0x10]  }
0x10b: {  	v9 =	vld [tilespmem:s29+$0x10]  }
0x10c: {  	v8 =	vld [tilespmem:s31+$0x0]  }
0x10d: {  	v11 =	vld [tilespmem:s29+$0x0]  }
0x10e: {  	v14 =	vld [tilespmem:s31+$0xFFFFFFF0]  }
0x10f: {  	v15 =	vld [tilespmem:s29+$0xFFFFFFF0]  }
0x110: {  	v16 =	vld [tilespmem:s31+$0xFFFFFFE0]  }
0x111: {  	v17 =	vld [tilespmem:s29+$0xFFFFFFE0]  }
0x112: {  	v18 =	vld [tilespmem:s31+$0xFFFFFFD0]  }
0x113: {  	v19 =	vld [tilespmem:s29+$0xFFFFFFD0]  }
0x114: {  	v20 =	vld [tilespmem:s31+$0xFFFFFFC0]  }
0x115: {  	v21 =	vld [tilespmem:s29+$0xFFFFFFC0];
	v22 =	vmin.f32 v5, v4  }
0x116: {  	v3 =	vmin.f32 v11, v8;
	v23 =	vmin.f32 v9, v7;
	v24 =	vmin.f32 v6, v2  }
0x117: {  	v10 =	vmin.f32 v15, v14;
	v2 =	vsub.f32 v6, v2;
	v6 =	vsub.f32 v5, v4  }
0x118: {  	v13 =	vmin.f32 v17, v16;
	v8 =	vsub.f32 v11, v8;
	v9 =	vsub.f32 v9, v7  }
0x119: {  	v12 =	vmin.f32 v19, v18;
	v4 =	vsub.f32 v17, v16;
	v5 =	vsub.f32 v15, v14  }
0x11a: {  	v14 =	vmin.f32 v21, v20;
	v7 =	vsub.f32 v21, v20;
	v11 =	vsub.f32 v19, v18  }
0x11b: {  	s30 =	simm.s32 $0x0;
	s31 =	sadd.s32 $0x400, s31;
	vm2 =	vgt.f32 v23, $0.0e+00;
	vm1 =	vgt.f32 v24, $0.0e+00;
	vm0 =	vgt.f32 v22, $0.0e+00  }
.LBB2_15:
0x11c: {  	v15 =	vld [tilespmem:s31+$0x30];
	vm5 =	vgt.f32 v13, $0.0e+00;
	vm4 =	vgt.f32 v10, $0.0e+00;
	vm3 =	vgt.f32 v3, $0.0e+00;
	s29 =	sadd.s32 $0x400, s29  }
0x11d: {  	vm9 =	vgt.f32 v14, $0.0e+00;
	vm8 =	vgt.f32 v12, $0.0e+00;
	v3 =	vand.u32 $0x7FFFFFFF, v6;
	v13 =	vld [tilespmem:s29+$0x30]  }
0x11e: {  	v8 =	vand.u32 $0x7FFFFFFF, v8;
	v9 =	vand.u32 $0x7FFFFFFF, v9;
	v2 =	vand.u32 $0x7FFFFFFF, v2;
	v6 =	vld [tilespmem:s31+$0x20]  }
0x11f: {  	v10 =	vand.u32 $0x7FFFFFFF, v11;
	v4 =	vand.u32 $0x7FFFFFFF, v4;
	v5 =	vand.u32 $0x7FFFFFFF, v5;
	v12 =	vld [tilespmem:s29+$0x20]  }
0x120: {  	v7 =	vand.u32 $0x7FFFFFFF, v7;
	vm7 =	vgt.f32 v2, $3.000000000e+00;
	vm6 =	vgt.f32 v3, $3.000000000e+00;
	v11 =	vld [tilespmem:s31+$0x10]  }
0x121: {  	vm10 =	vgt.f32 v7, $3.000000000e+00;
	vm11 =	vgt.f32 v8, $3.000000000e+00;
	vm12 =	vgt.f32 v9, $3.000000000e+00;
	v14 =	vld [tilespmem:s29+$0x10]  }
0x122: {  	vm13 =	vgt.f32 v5, $3.000000000e+00;
	v2 =	vsel vm10, $0x10001, v0;
	vm10 =	vgt.f32 v10, $3.000000000e+00;
	v7 =	vld [tilespmem:s31+$0x0]  }
0x123: {  	v2 =	vnsel vm9, $0x0, v2;
	v3 =	vsel vm10, $0x10001, v0;
	vm9 =	vgt.f32 v4, $3.000000000e+00;
	v5 =	vld [tilespmem:s29+$0x0]  }
0x124: {  	v3 =	vnsel vm8, $0x0, v3;
	v4 =	vsel vm9, $0x10001, v0;
	v1 =	vadd.s32 v1, v2;
	v16 =	vld [tilespmem:s31+$0xFFFFFFF0]  }
0x125: {  	v2 =	vnsel vm5, $0x0, v4;
	v4 =	vsel vm13, $0x10001, v0;
	v1 =	vadd.s32 v3, v1;
	v17 =	vld [tilespmem:s29+$0xFFFFFFF0]  }
0x126: {  	v3 =	vnsel vm4, $0x0, v4;
	v4 =	vsel vm11, $0x10001, v0;
	v1 =	vadd.s32 v2, v1;
	v18 =	vld [tilespmem:s31+$0xFFFFFFE0]  }
0x127: {  	v2 =	vnsel vm3, $0x0, v4;
	v4 =	vsel vm12, $0x10001, v0;
	v1 =	vadd.s32 v3, v1;
	v19 =	vld [tilespmem:s29+$0xFFFFFFE0]  }
0x128: {  	v3 =	vnsel vm2, $0x0, v4;
	v4 =	vsel vm7, $0x10001, v0;
	v1 =	vadd.s32 v2, v1;
	v20 =	vld [tilespmem:s31+$0xFFFFFFD0]  }
0x129: {  	v2 =	vnsel vm1, $0x0, v4;
	v4 =	vsel vm6, $0x10001, v0;
	v1 =	vadd.s32 v3, v1;
	v21 =	vld [tilespmem:s29+$0xFFFFFFD0]  }
0x12a: {  	v3 =	vnsel vm0, $0x0, v4;
	v1 =	vadd.s32 v2, v1;
	v22 =	vld [tilespmem:s31+$0xFFFFFFC0]  }
0x12b: {  	s30 =	sadd.s32 $0x80, s30;
	v24 =	vmin.f32 v13, v15;
	v1 =	vadd.s32 v3, v1;
	v23 =	vld [tilespmem:s29+$0xFFFFFFC0]  }
0x12c: {  	p0 =	slt.u32 s30, $0x180;
	v26 =	vmin.f32 v12, v6;
	v25 =	vmin.f32 v14, v11;
	v3 =	vmin.f32 v5, v7  }
.Ltmp6:
0x12d: {  	v2 =	vsub.f32 v12, v6;
	v6 =	vsub.f32 v13, v15;
	v10 =	vmin.f32 v17, v16;
	(pc) =	sbr.rel @p0 .LBB2_15-.Ltmp6, $4  }
0x12e: {  	v9 =	vsub.f32 v14, v11;
	v8 =	vsub.f32 v5, v7;
	v13 =	vmin.f32 v19, v18  }
0x12f: {  	v5 =	vsub.f32 v17, v16;
	v4 =	vsub.f32 v19, v18;
	v12 =	vmin.f32 v21, v20  }
0x130: {  	v11 =	vsub.f32 v21, v20;
	v14 =	vmin.f32 v23, v22;
	v7 =	vsub.f32 v23, v22  }
0x131: {  	vm1 =	vgt.f32 v26, $0.0e+00;
	vm0 =	vgt.f32 v24, $0.0e+00;
	vm2 =	vgt.f32 v25, $0.0e+00;
	s31 =	sadd.s32 $0x400, s31  }
0x132: {  	vm3 =	vgt.f32 v13, $0.0e+00;
	vm4 =	vgt.f32 v10, $0.0e+00;
	vm5 =	vgt.f32 v3, $0.0e+00  }
0x133: {  	vm6 =	vgt.f32 v14, $0.0e+00;
	vm7 =	vgt.f32 v12, $0.0e+00;
	v3 =	vand.u32 $0x7FFFFFFF, v6  }
0x134: {  	v56 =	vand.u32 $0x7FFFFFFF, v8;
	v57 =	vand.u32 $0x7FFFFFFF, v9;
	v2 =	vand.u32 $0x7FFFFFFF, v2  }
0x135: {  	v58 =	vand.u32 $0x7FFFFFFF, v11;
	v4 =	vand.u32 $0x7FFFFFFF, v4;
	v5 =	vand.u32 $0x7FFFFFFF, v5  }
0x136: {  	v7 =	vand.u32 $0x7FFFFFFF, v7;
	vm8 =	vgt.f32 v2, $3.000000000e+00;
	vm9 =	vgt.f32 v3, $3.000000000e+00  }
0x137: {  	vm10 =	vgt.f32 v7, $3.000000000e+00;
	vm11 =	vgt.f32 v56, $3.000000000e+00;
	vm12 =	vgt.f32 v57, $3.000000000e+00  }
0x138: {  	vm13 =	vgt.f32 v5, $3.000000000e+00;
	v2 =	vsel vm10, $0x10001, v0;
	vm10 =	vgt.f32 v58, $3.000000000e+00  }
0x139: {  	vm15 =	vgt.f32 v4, $3.000000000e+00;
	v2 =	vnsel vm6, $0x0, v2;
	v3 =	vsel vm10, $0x10001, v0  }
0x13a: {  	v4 =	vsel vm15, $0x10001, v0;
	v3 =	vnsel vm7, $0x0, v3;
	v1 =	vadd.s32 v1, v2  }
0x13b: {  	s28 =	sadd.s32 $0x1, s28;
	v59 =	vsel vm13, $0x10001, v0;
	v2 =	vnsel vm3, $0x0, v4;
	v1 =	vadd.s32 v3, v1  }
0x13c: {  	p0 =	sne.s32 s28, $0x20;
	v60 =	vsel vm11, $0x10001, v0;
	v3 =	vnsel vm4, $0x0, v59;
	v1 =	vadd.s32 v2, v1  }
.Ltmp7:
0x13d: {  	v61 =	vsel vm12, $0x10001, v0;
	v2 =	vnsel vm5, $0x0, v60;
	v1 =	vadd.s32 v3, v1;
	(pc) =	sbr.rel @p0 .LBB2_14-.Ltmp7, $4  }
0x13e: {  	v62 =	vsel vm8, $0x10001, v0;
	v3 =	vnsel vm2, $0x0, v61;
	v1 =	vadd.s32 v2, v1  }
0x13f: {  	v63 =	vsel vm9, $0x10001, v0;
	v2 =	vnsel vm1, $0x0, v62;
	v1 =	vadd.s32 v3, v1  }
0x140: {  	v3 =	vnsel vm0, $0x0, v63;
	v1 =	vadd.s32 v2, v1  }
0x141: {  	s26 =	sadd.s32 $0x200, s26;
	s25 =	sadd.s32 $0x1, s25;
	v1 =	vadd.s32 v3, v1  }
0x142: {  	_ =	swait.ge [sflag:s18], $0x4000  }
0x143: {  	[sflag:s18] =	ssyncset.done $0x0  }
0x144: {  	[sflag:s18] =	ssyncadd.s32 $0xFFFFC000  }
0x145: {  	_ =	swait.ge [sflag:s19], $0x4000  }
0x146: {  	s25 =	simm.s32 $0x0;
	[sflag:s19] =	ssyncset.done $0x0  }
0x147: {  	s26 =	simm.s32 $0x0;
	s28 =	simm.s32 $0x0;
	[sflag:s19] =	ssyncadd.s32 $0xFFFFC000  }
.LBB2_18:
0x148: {  	s29 =	sshll.u32 s26, $0x2;
	s30 =	sand.u32 $0x7, s25  }
0x149: {  	s29 =	sand.u32 $0xFFFFC000, s29;
	s30 =	sshll.u32 s30, $0x9  }
0x14a: {  	s29 =	sor.u32 s30, s29  }
0x14b: {  	s29 =	sshrl.u32 s29, $0x2  }
0x14c: {  	s31 =	sor.u32 $0x40, s29  }
0x14d: {  	s29 =	sadd.s32 $0x8040, s29;
	v4 =	vld [tilespmem:s31+$0x30]  }
0x14e: {  	v5 =	vld [tilespmem:s29+$0x30]  }
0x14f: {  	v2 =	vld [tilespmem:s31+$0x20]  }
0x150: {  	v6 =	vld [tilespmem:s29+$0x20]  }
0x151: {  	v7 =	vld [tilespmem:s31+$0x10]  }
0x152: {  	v9 =	vld [tilespmem:s29+$0x10]  }
0x153: {  	v8 =	vld [tilespmem:s31+$0x0]  }
0x154: {  	v11 =	vld [tilespmem:s29+$0x0]  }
0x155: {  	v14 =	vld [tilespmem:s31+$0xFFFFFFF0]  }
0x156: {  	v15 =	vld [tilespmem:s29+$0xFFFFFFF0]  }
0x157: {  	v16 =	vld [tilespmem:s31+$0xFFFFFFE0]  }
0x158: {  	v17 =	vld [tilespmem:s29+$0xFFFFFFE0]  }
0x159: {  	v18 =	vld [tilespmem:s31+$0xFFFFFFD0]  }
0x15a: {  	v19 =	vld [tilespmem:s29+$0xFFFFFFD0]  }
0x15b: {  	v20 =	vld [tilespmem:s31+$0xFFFFFFC0]  }
0x15c: {  	v21 =	vld [tilespmem:s29+$0xFFFFFFC0];
	v22 =	vmin.f32 v5, v4  }
0x15d: {  	v3 =	vmin.f32 v11, v8;
	v23 =	vmin.f32 v9, v7;
	v24 =	vmin.f32 v6, v2  }
0x15e: {  	v10 =	vmin.f32 v15, v14;
	v2 =	vsub.f32 v6, v2;
	v6 =	vsub.f32 v5, v4  }
0x15f: {  	v13 =	vmin.f32 v17, v16;
	v8 =	vsub.f32 v11, v8;
	v9 =	vsub.f32 v9, v7  }
0x160: {  	v12 =	vmin.f32 v19, v18;
	v4 =	vsub.f32 v17, v16;
	v5 =	vsub.f32 v15, v14  }
0x161: {  	v14 =	vmin.f32 v21, v20;
	v7 =	vsub.f32 v21, v20;
	v11 =	vsub.f32 v19, v18  }
0x162: {  	s30 =	simm.s32 $0x0;
	s31 =	sadd.s32 $0x400, s31;
	vm2 =	vgt.f32 v23, $0.0e+00;
	vm1 =	vgt.f32 v24, $0.0e+00;
	vm0 =	vgt.f32 v22, $0.0e+00  }
.LBB2_19:
0x163: {  	v15 =	vld [tilespmem:s31+$0x30];
	vm5 =	vgt.f32 v13, $0.0e+00;
	vm4 =	vgt.f32 v10, $0.0e+00;
	vm3 =	vgt.f32 v3, $0.0e+00;
	s29 =	sadd.s32 $0x400, s29  }
0x164: {  	vm9 =	vgt.f32 v14, $0.0e+00;
	vm8 =	vgt.f32 v12, $0.0e+00;
	v3 =	vand.u32 $0x7FFFFFFF, v6;
	v13 =	vld [tilespmem:s29+$0x30]  }
0x165: {  	v8 =	vand.u32 $0x7FFFFFFF, v8;
	v9 =	vand.u32 $0x7FFFFFFF, v9;
	v2 =	vand.u32 $0x7FFFFFFF, v2;
	v6 =	vld [tilespmem:s31+$0x20]  }
0x166: {  	v10 =	vand.u32 $0x7FFFFFFF, v11;
	v4 =	vand.u32 $0x7FFFFFFF, v4;
	v5 =	vand.u32 $0x7FFFFFFF, v5;
	v12 =	vld [tilespmem:s29+$0x20]  }
0x167: {  	v7 =	vand.u32 $0x7FFFFFFF, v7;
	vm7 =	vgt.f32 v2, $3.000000000e+00;
	vm6 =	vgt.f32 v3, $3.000000000e+00;
	v11 =	vld [tilespmem:s31+$0x10]  }
0x168: {  	vm10 =	vgt.f32 v7, $3.000000000e+00;
	vm11 =	vgt.f32 v8, $3.000000000e+00;
	vm12 =	vgt.f32 v9, $3.000000000e+00;
	v14 =	vld [tilespmem:s29+$0x10]  }
0x169: {  	vm13 =	vgt.f32 v5, $3.000000000e+00;
	v2 =	vsel vm10, $0x10001, v0;
	vm10 =	vgt.f32 v10, $3.000000000e+00;
	v7 =	vld [tilespmem:s31+$0x0]  }
0x16a: {  	v2 =	vnsel vm9, $0x0, v2;
	v3 =	vsel vm10, $0x10001, v0;
	vm9 =	vgt.f32 v4, $3.000000000e+00;
	v5 =	vld [tilespmem:s29+$0x0]  }
0x16b: {  	v3 =	vnsel vm8, $0x0, v3;
	v4 =	vsel vm9, $0x10001, v0;
	v1 =	vadd.s32 v1, v2;
	v16 =	vld [tilespmem:s31+$0xFFFFFFF0]  }
0x16c: {  	v2 =	vnsel vm5, $0x0, v4;
	v4 =	vsel vm13, $0x10001, v0;
	v1 =	vadd.s32 v3, v1;
	v17 =	vld [tilespmem:s29+$0xFFFFFFF0]  }
0x16d: {  	v3 =	vnsel vm4, $0x0, v4;
	v4 =	vsel vm11, $0x10001, v0;
	v1 =	vadd.s32 v2, v1;
	v18 =	vld [tilespmem:s31+$0xFFFFFFE0]  }
0x16e: {  	v2 =	vnsel vm3, $0x0, v4;
	v4 =	vsel vm12, $0x10001, v0;
	v1 =	vadd.s32 v3, v1;
	v19 =	vld [tilespmem:s29+$0xFFFFFFE0]  }
0x16f: {  	v3 =	vnsel vm2, $0x0, v4;
	v4 =	vsel vm7, $0x10001, v0;
	v1 =	vadd.s32 v2, v1;
	v20 =	vld [tilespmem:s31+$0xFFFFFFD0]  }
0x170: {  	v2 =	vnsel vm1, $0x0, v4;
	v4 =	vsel vm6, $0x10001, v0;
	v1 =	vadd.s32 v3, v1;
	v21 =	vld [tilespmem:s29+$0xFFFFFFD0]  }
0x171: {  	v3 =	vnsel vm0, $0x0, v4;
	v1 =	vadd.s32 v2, v1;
	v22 =	vld [tilespmem:s31+$0xFFFFFFC0]  }
0x172: {  	s30 =	sadd.s32 $0x80, s30;
	v24 =	vmin.f32 v13, v15;
	v1 =	vadd.s32 v3, v1;
	v23 =	vld [tilespmem:s29+$0xFFFFFFC0]  }
0x173: {  	p0 =	slt.u32 s30, $0x180;
	v26 =	vmin.f32 v12, v6;
	v25 =	vmin.f32 v14, v11;
	v3 =	vmin.f32 v5, v7  }
.Ltmp8:
0x174: {  	v2 =	vsub.f32 v12, v6;
	v6 =	vsub.f32 v13, v15;
	v10 =	vmin.f32 v17, v16;
	(pc) =	sbr.rel @p0 .LBB2_19-.Ltmp8, $4  }
0x175: {  	v9 =	vsub.f32 v14, v11;
	v8 =	vsub.f32 v5, v7;
	v13 =	vmin.f32 v19, v18  }
0x176: {  	v5 =	vsub.f32 v17, v16;
	v4 =	vsub.f32 v19, v18;
	v12 =	vmin.f32 v21, v20  }
0x177: {  	v11 =	vsub.f32 v21, v20;
	v14 =	vmin.f32 v23, v22;
	v7 =	vsub.f32 v23, v22  }
0x178: {  	vm1 =	vgt.f32 v26, $0.0e+00;
	vm0 =	vgt.f32 v24, $0.0e+00;
	vm2 =	vgt.f32 v25, $0.0e+00;
	s31 =	sadd.s32 $0x400, s31  }
0x179: {  	vm3 =	vgt.f32 v13, $0.0e+00;
	vm4 =	vgt.f32 v10, $0.0e+00;
	vm5 =	vgt.f32 v3, $0.0e+00  }
0x17a: {  	vm6 =	vgt.f32 v14, $0.0e+00;
	vm7 =	vgt.f32 v12, $0.0e+00;
	v3 =	vand.u32 $0x7FFFFFFF, v6  }
0x17b: {  	v56 =	vand.u32 $0x7FFFFFFF, v8;
	v57 =	vand.u32 $0x7FFFFFFF, v9;
	v2 =	vand.u32 $0x7FFFFFFF, v2  }
0x17c: {  	v58 =	vand.u32 $0x7FFFFFFF, v11;
	v4 =	vand.u32 $0x7FFFFFFF, v4;
	v5 =	vand.u32 $0x7FFFFFFF, v5  }
0x17d: {  	v7 =	vand.u32 $0x7FFFFFFF, v7;
	vm8 =	vgt.f32 v2, $3.000000000e+00;
	vm9 =	vgt.f32 v3, $3.000000000e+00  }
0x17e: {  	vm10 =	vgt.f32 v7, $3.000000000e+00;
	vm11 =	vgt.f32 v56, $3.000000000e+00;
	vm12 =	vgt.f32 v57, $3.000000000e+00  }
0x17f: {  	vm13 =	vgt.f32 v5, $3.000000000e+00;
	v2 =	vsel vm10, $0x10001, v0;
	vm10 =	vgt.f32 v58, $3.000000000e+00  }
0x180: {  	vm15 =	vgt.f32 v4, $3.000000000e+00;
	v2 =	vnsel vm6, $0x0, v2;
	v3 =	vsel vm10, $0x10001, v0  }
0x181: {  	v4 =	vsel vm15, $0x10001, v0;
	v3 =	vnsel vm7, $0x0, v3;
	v1 =	vadd.s32 v1, v2  }
0x182: {  	s28 =	sadd.s32 $0x1, s28;
	v59 =	vsel vm13, $0x10001, v0;
	v2 =	vnsel vm3, $0x0, v4;
	v1 =	vadd.s32 v3, v1  }
0x183: {  	p0 =	sne.s32 s28, $0x20;
	v60 =	vsel vm11, $0x10001, v0;
	v3 =	vnsel vm4, $0x0, v59;
	v1 =	vadd.s32 v2, v1  }
.Ltmp9:
0x184: {  	v61 =	vsel vm12, $0x10001, v0;
	v2 =	vnsel vm5, $0x0, v60;
	v1 =	vadd.s32 v3, v1;
	(pc) =	sbr.rel @p0 .LBB2_18-.Ltmp9, $4  }
0x185: {  	v62 =	vsel vm8, $0x10001, v0;
	v3 =	vnsel vm2, $0x0, v61;
	v1 =	vadd.s32 v2, v1  }
0x186: {  	v63 =	vsel vm9, $0x10001, v0;
	v2 =	vnsel vm1, $0x0, v62;
	v1 =	vadd.s32 v3, v1  }
0x187: {  	v3 =	vnsel vm0, $0x0, v63;
	v1 =	vadd.s32 v2, v1  }
0x188: {  	s26 =	sadd.s32 $0x200, s26;
	s25 =	sadd.s32 $0x1, s25;
	v1 =	vadd.s32 v3, v1  }
0x189: {  	s24 =	sadd.s32 $0x1, s24  }
0x18a: {  	p0 =	sne.s32 s24, s14  }
.Ltmp10:
0x18b: {  	[tilespmem:$0x10000] =	vst v1;
	(pc) =	sbr.rel @p0 .LBB2_1-.Ltmp10, $4  }
0x18c: {  	[hbm4b:s13+s2] =	stream.linear.scatter [tilespmem:s22], [sflag:$0x5], $0x80, $0x38;
	[tilespmem:$0x10080] =	vst v63  }
0x18d: {  	_ =	swait.ge [sflag:s23], $0x80  }
0x18e: {  	[sflag:s23] =	ssyncset.done $0x0  }
0x18f: {  	[sflag:s23] =	ssyncadd.s32 $0xFFFFFF80  }
0x190: {  	_ =	sfence.sel $0x180000  }
0x191: {  	[bflag:$0x0] =	sbarrier.arrive $0xFFFF  }
0x192: {  	p0 =	sne.s32 s1, $0x0;
	_ =	strace $0x90000047  }
0x193: {  	s0 =	sadd.s32 @!p0 $0x100000, s0;
	[bflag:$0x2] =	sbarrier.arrive $0xFFFF  }
0x194: {  	[sflag:s0] =	ssyncadd.tile.s32 @!p0 $0x1;
	_ =	shalt  }
.Lfunc_end2:
_tile_overlayer_lowered:
.L_overlay_start_2:
0x195: {  	(tag) =	ssettag $0x2  }
0x196: {  	s0 =	rddreg [dreg:$0x0];
	s2 =	stileid.u32  }
0x197: {  	s1 =	rddreg [dreg:$0x1];
	p0 =	sne.s32 s2, $0x0  }
0x198: {  	s3 =	rddreg [dreg:$0x2];
	[bflag:$0x3] =	sbarrier.arrive $0xFFFF;
	s2 =	simm.s32 @!p0 $0x1C05  }
0x199: {  	[timem:s3], [sflag:s2] =	dma.local @!p0 [hbm:s0], s1  }
0x19a: {  	s0 =	simm.s32 @!p0 $0x5  }
0x19b: {  	_ =	swait.ge @!p0 [sflag:s0], s1  }
0x19c: {  	s1 =	ssub.s32 @!p0 $0x0, s1;
	[sflag:s0] =	ssyncset.done @!p0 $0x0  }
0x19d: {  	[sflag:s0] =	ssyncadd.s32 @!p0 s1  }
0x19e: {  	[bflag:$0x3] =	sbarrier.arrive $0xFFFF  }
0x19f: {  	_ =	shalt  }

</sc_bundles>
